<compile_context>
chip_gen: v7x
topology: tpu7x:2x2x1
jax: 0.10.2.dev20260603
libtpu: 0.0.44.dev20260713+nightly
codegen_flags: <defaults>
</compile_context>

<pallas_src>
import functools

import numpy as np
import jax
import jax.numpy as jnp
from jax import lax
from jax.experimental import pallas as pl
from jax.experimental.pallas import tpu as pltpu
from jax.experimental.pallas import tpu_sc as plsc

_B, _N, _DIM, _CIN, _K, _NC = 4, 2048, 3, 9, 16, 13
_SQ = float(np.sqrt(np.float32(1.0 + 1e-5)))
_RB = 256
_NBLK = _N // _RB
_TOT = _B * _N
_NWORK = 32
_NEDGE = _B * _K * _N
_HI = lax.Precision.HIGHEST
_BF = jnp.bfloat16


def _topk_rows(score, k, stride, boff):
    colid = lax.broadcasted_iota(jnp.int32, score.shape, 1)
    neg = jnp.float32(-jnp.inf)
    rows = []
    for t in range(k):
        it = jnp.argmax(score, axis=1).astype(jnp.int32)
        if t % stride == 0:
            rows.append(it[None, :] + boff)
        score = jnp.where(colid == it[:, None], neg, score)
    return jnp.concatenate(rows, axis=0)


def _score_block(rows, full):
    nt = (((1,), (1,)), ((), ()))
    g = lax.dot_general(rows.astype(_BF), full.astype(_BF), nt,
                        preferred_element_type=jnp.float32)
    x2r = jnp.sum(rows * rows, axis=1, keepdims=True)
    ones = jnp.ones((1, full.shape[1]), jnp.float32)
    x2c = lax.dot_general(ones, full * full, nt, precision=_HI,
                          preferred_element_type=jnp.float32)
    return 2.0 * g - x2r - x2c


def _mmb(x, w):
    return lax.dot_general(x.astype(_BF), w.astype(_BF),
                           (((1,), (0,)), ((), ())),
                           preferred_element_type=jnp.float32)


def _knn_call(x, csel, k, stride):
    cx = x.shape[2]

    def body(x_ref, idx_ref):
        b, i = pl.program_id(0), pl.program_id(1)
        off = pl.multiple_of(i * _RB, _RB)
        f = x_ref[0]
        rows = x_ref[0, pl.ds(off, _RB)]
        if csel != cx:
            f = f[:, :csel]
            rows = rows[:, :csel]
        score = _score_block(rows, f)
        idx_ref[0] = _topk_rows(score, k, stride, b * _N)

    ko = k // stride
    return pl.pallas_call(
        body,
        grid=(_B, _NBLK),
        in_specs=[pl.BlockSpec((1, _N, cx), lambda b, i: (b, 0, 0))],
        out_specs=[pl.BlockSpec((1, ko, _RB), lambda b, i: (b, 0, i))],
        out_shape=[jax.ShapeDtypeStruct((_B, ko, _N), jnp.int32)],
    )(x)[0]


def _gather_rows(table, idxflat):
    rpw = _NEDGE // _NWORK
    mesh = plsc.VectorSubcoreMesh(core_axis_name="c", subcore_axis_name="s")

    @functools.partial(
        pl.kernel, mesh=mesh,
        out_type=jax.ShapeDtypeStruct((_NEDGE, 128), jnp.float32),
        scratch_types=[
            pltpu.VMEM((128,), jnp.int32),
            pltpu.VMEM((128, 128), jnp.float32),
            pltpu.VMEM((128,), jnp.int32),
            pltpu.VMEM((128, 128), jnp.float32),
            pltpu.SemaphoreType.DMA,
            pltpu.SemaphoreType.DMA,
        ],
    )
    def k(tab_hbm, idx_hbm, out_hbm, i0, r0, i1, r1, s0, s1):
        wid = lax.axis_index("c") * 16 + lax.axis_index("s")
        base = wid * rpw
        nround = rpw // 128

        def start(g, iv, rv, sem):
            pltpu.sync_copy(idx_hbm.at[pl.ds(base + g * 128, 128)], iv)
            pltpu.async_copy(tab_hbm.at[iv], rv, sem)

        def fin(g, iv, rv, sem):
            pltpu.make_async_copy(tab_hbm.at[iv], rv, sem).wait()
            pltpu.sync_copy(rv, out_hbm.at[pl.ds(base + g * 128, 128)])

        start(0, i0, r0, s0)

        def pair_body(h, carry):
            g = h * 2
            start(g + 1, i1, r1, s1)
            fin(g, i0, r0, s0)

            @pl.when(g + 2 < nround)
            def _():
                start(g + 2, i0, r0, s0)

            fin(g + 1, i1, r1, s1)
            return carry

        lax.fori_loop(0, nround // 2, pair_body, 0)

    return k(table, idxflat)


def _edge_call(x, gath, w2c, bb, gg, bt, cx, out_w, pass_through):
    cxl = x.shape[2]
    g4 = gath.reshape(_B, _K, _N, 128)

    def body(x_ref, g_ref, w_ref, bb_ref, gg_ref, bt_ref, o_ref):
        xi = x_ref[0]
        xb = xi.astype(_BF)
        wb = w_ref[...].astype(_BF)
        m = None
        for kk in range(_K):
            xj = g_ref[0, kk][:, :cxl]
            e = (xj - xi).astype(_BF)
            z = lax.dot_general(jnp.concatenate([xb, e], axis=1), wb,
                                (((1,), (0,)), ((), ())),
                                preferred_element_type=jnp.float32)
            z = gg_ref[...] * ((z + bb_ref[...]) / _SQ) + bt_ref[...]
            m = z if m is None else jnp.maximum(m, z)
        d = jnp.maximum(m, 0.0)
        if pass_through:
            o_ref[0, :, :64] = xi[:, :64]
            o_ref[0, :, 64:128] = d
        else:
            o_ref[0, :, :64] = d

    wspec = lambda s: pl.BlockSpec(s, lambda b, i: (0, 0))
    return pl.pallas_call(
        body,
        grid=(_B, _NBLK),
        in_specs=[
            pl.BlockSpec((1, _RB, cxl), lambda b, i: (b, i, 0)),
            pl.BlockSpec((1, _K, _RB, 128), lambda b, i: (b, 0, i, 0)),
            wspec((2 * cxl, 64)), wspec((1, 64)), wspec((1, 64)),
            wspec((1, 64)),
        ],
        out_specs=[pl.BlockSpec((1, _RB, out_w), lambda b, i: (b, i, 0))],
        out_shape=[jax.ShapeDtypeStruct((_B, _N, out_w), jnp.float32)],
    )(x, g4, w2c, bb, gg, bt)[0]


def _tail_body(f1_ref, d1_ref, wfu_ref, bfu_ref, gfu_ref, btfu_ref,
               wp0t_ref, wp0b_ref, bp0_ref, gp0_ref, btp0_ref,
               wp1_ref, bp1_ref, gp1_ref, btp1_ref,
               wp2_ref, bp2_ref, o_ref):
    f1 = f1_ref[0]
    d1 = d1_ref[0][:, :64]
    feats = jnp.concatenate([f1[:, :64], f1, f1, d1], axis=1)
    gm = jnp.zeros((1, 1024), jnp.float32)
    for blk in range(_NBLK):
        fr = feats[blk * _RB:(blk + 1) * _RB]
        z = _mmb(fr, wfu_ref[...]) + bfu_ref[...]
        z = gfu_ref[...] * (z / _SQ) + btfu_ref[...]
        fu = jnp.maximum(z, 0.0)
        gm = jnp.maximum(gm, jnp.max(fu, axis=0, keepdims=True))
    r = _mmb(gm, wp0t_ref[...])
    for blk in range(_NBLK):
        fr = feats[blk * _RB:(blk + 1) * _RB]
        z = _mmb(fr, wp0b_ref[...]) + r + bp0_ref[...]
        z = gp0_ref[...] * (z / _SQ) + btp0_ref[...]
        h0 = jnp.maximum(z, 0.0)
        z = _mmb(h0, wp1_ref[...]) + bp1_ref[...]
        z = gp1_ref[...] * (z / _SQ) + btp1_ref[...]
        h1 = jnp.maximum(z, 0.0)
        o_ref[0, pl.ds(blk * _RB, _RB)] = _mmb(h1, wp2_ref[...]) + bp2_ref[...]


def _tail_call(f1, d1, wfu, bfu, gfu, btfu, wp0t, wp0b, bp0, gp0, btp0,
               wp1, bp1, gp1, btp1, wp2, bp2):
    full = lambda c: pl.BlockSpec((1, _N, c), lambda b: (b, 0, 0))
    wspec = lambda s: pl.BlockSpec(s, lambda b: (0, 0))
    return pl.pallas_call(
        _tail_body,
        grid=(_B,),
        in_specs=[full(128), full(128),
                  wspec((384, 1024)), wspec((1, 1024)), wspec((1, 1024)),
                  wspec((1, 1024)),
                  wspec((1024, 512)), wspec((384, 512)), wspec((1, 512)),
                  wspec((1, 512)), wspec((1, 512)),
                  wspec((512, 256)), wspec((1, 256)), wspec((1, 256)),
                  wspec((1, 256)),
                  wspec((256, 128)), wspec((1, 128))],
        out_specs=[full(128)],
        out_shape=[jax.ShapeDtypeStruct((_B, _N, 128), jnp.float32)],
    )(f1, d1, wfu, bfu, gfu, btfu, wp0t, wp0b, bp0, gp0, btp0,
      wp1, bp1, gp1, btp1, wp2, bp2)[0]


def kernel(inputs, W_head, b_head, g_head, bt_head, W_b0, b_b0, g_b0, bt_b0,
           W_b1, b_b1, g_b1, bt_b1, W_fu, b_fu, g_fu, bt_fu,
           W_p0, b_p0, g_p0, bt_p0, W_p1, b_p1, g_p1, bt_p1, W_p2, b_p2):
    f32 = jnp.float32
    x0 = jnp.transpose(inputs[..., 0], (0, 2, 1)).astype(f32)
    x0p = jnp.pad(x0, ((0, 0), (0, 0), (0, 16 - _CIN)))
    posp = jnp.pad(x0[:, :, :_DIM], ((0, 0), (0, 0), (0, 16 - _DIM)))
    x0w = jnp.pad(x0, ((0, 0), (0, 0), (0, 128 - _CIN)))

    whead = jnp.zeros((32, 64), f32)
    whead = whead.at[0:_CIN].set(W_head[0:_CIN])
    whead = whead.at[16:16 + _CIN].set(W_head[_CIN:])
    r1 = lambda v: v[None, :]

    idx0 = _knn_call(posp, 16, _K, 1)
    g0 = _gather_rows(x0w.reshape(_TOT, 128), idx0.reshape(-1))
    f0w = _edge_call(x0p, g0, whead, r1(b_head), r1(g_head), r1(bt_head),
                     _CIN, 128, False)

    idx1 = _knn_call(f0w, 64, _K, 1)
    g1 = _gather_rows(f0w.reshape(_TOT, 128), idx1.reshape(-1))
    f0c = f0w[:, :, :64]
    f1w = _edge_call(f0c, g1, W_b0, r1(b_b0), r1(g_b0), r1(bt_b0),
                     64, 128, True)

    idx2 = _knn_call(f1w, 128, 2 * _K, 2)
    g2 = _gather_rows(f1w.reshape(_TOT, 128), idx2.reshape(-1))
    d1w = _edge_call(f1w, g2, W_b1, r1(b_b1), r1(g_b1), r1(bt_b1),
                     128, 128, False)

    wp0t, wp0b = W_p0[:1024], W_p0[1024:]
    wp2 = jnp.pad(W_p2, ((0, 0), (0, 128 - _NC)))
    bp2 = jnp.pad(b_p2, ((0, 128 - _NC)))[None, :]
    o = _tail_call(f1w, d1w, W_fu, r1(b_fu), r1(g_fu), r1(bt_fu),
                   wp0t, wp0b, r1(b_p0), r1(g_p0), r1(bt_p0),
                   W_p1, r1(b_p1), r1(g_p1), r1(bt_p1), wp2, bp2)
    return jnp.transpose(o[:, :, :_NC], (0, 2, 1))

# --- scband reference (transcript-rebuilt; emitter-appended) ---
"""Pipeline reference for scband-dense-deep-gcn-27616639713516 (READ-ONLY COPY).

The authoritative reference and input builder live on the scoring server;
editing this copy changes nothing except your own understanding.
"""

import jax, jax.numpy as jnp
import numpy as np

B, N, DIM, CIN, K, NC = 4, 2048, 3, 9, 16, 13
EPS = 1e-5

def _knn(pos, k):
    # pos: (B, N, d); returns (B, N, k) indices of k nearest neighbors (incl. self)
    x2 = jnp.sum(pos * pos, axis=-1, keepdims=True)
    dist = x2 - 2.0 * jnp.einsum('bnd,bmd->bnm', pos, pos) + jnp.swapaxes(x2, 1, 2)
    _, idx = jax.lax.top_k(-dist, k)
    return idx

def _gather(xs, idx):
    # xs: (B, C, N), idx: (B, N, k) -> (B, C, N, k)
    return jax.vmap(lambda xb, ib: xb[:, ib])(xs, idx)

def _bconv(h, W, b, g, bt, act=True):
    # 1x1 Conv2d + BatchNorm2d (eval mode: running_mean=0, running_var=1) + ReLU
    h = jnp.einsum('bcnk,cd->bdnk', h, W) + b[None, :, None, None]
    h = g[None, :, None, None] * (h / jnp.sqrt(1.0 + EPS)) + bt[None, :, None, None]
    return jax.nn.relu(h) if act else h

def _edge_conv(x, idx, W, b, g, bt):
    # x: (B, C, N, 1); EdgeConv: max_j MLP([x_i, x_j - x_i])
    xs = x[..., 0]
    x_j = _gather(xs, idx)
    x_i = jnp.broadcast_to(xs[..., None], x_j.shape)
    h = _bconv(jnp.concatenate([x_i, x_j - x_i], axis=1), W, b, g, bt)
    return jnp.max(h, axis=-1, keepdims=True)

def setup_inputs(seed: int = 0):
    key = jax.random.key(seed)
    ks = jax.random.split(key, 20)
    def wp(k, i, o):
        return jax.random.normal(k, (i, o), jnp.float32) / np.sqrt(i)
    inp = {"inputs": jax.random.normal(ks[0], (B, CIN, N, 1), jnp.float32)}
    specs = [("head", 2 * CIN, 64), ("b0", 2 * 64, 64), ("b1", 2 * 128, 64),
             ("fu", 384, 1024), ("p0", 1408, 512), ("p1", 512, 256)]
    for j, (nm, ci, co) in enumerate(specs):
        inp["W_" + nm] = wp(ks[1 + j], ci, co)
        inp["b_" + nm] = jnp.zeros((co,), jnp.float32)
        inp["g_" + nm] = jnp.ones((co,), jnp.float32)
        inp["bt_" + nm] = jnp.zeros((co,), jnp.float32)
    inp["W_p2"] = wp(ks[19], 256, NC)
    inp["b_p2"] = jnp.zeros((NC,), jnp.float32)
    return inp

def reference(inputs, W_head, b_head, g_head, bt_head, W_b0, b_b0, g_b0, bt_b0,
              W_b1, b_b1, g_b1, bt_b1, W_fu, b_fu, g_fu, bt_fu,
              W_p0, b_p0, g_p0, bt_p0, W_p1, b_p1, g_p1, bt_p1, W_p2, b_p2):
    # head: kNN graph on spatial coords (first DIM channels)
    pos = jnp.transpose(inputs[:, :DIM, :, 0], (0, 2, 1))
    f0 = _edge_conv(inputs, _knn(pos, K), W_head, b_head, g_head, bt_head)
    # dense dyn block 0 (dilation 1): kNN on full features
    xf = jnp.transpose(f0[..., 0], (0, 2, 1))
    d0 = _edge_conv(f0, _knn(xf, K), W_b0, b_b0, g_b0, bt_b0)
    f1 = jnp.concatenate([f0, d0], axis=1)
    # dense dyn block 1 (dilation 2): kNN with k*2 then every 2nd neighbor
    xf = jnp.transpose(f1[..., 0], (0, 2, 1))
    d1 = _edge_conv(f1, _knn(xf, K * 2)[:, :, ::2], W_b1, b_b1, g_b1, bt_b1)
    f2 = jnp.concatenate([f1, d1], axis=1)
    feats = jnp.concatenate([f0, f1, f2], axis=1)  # (B, 384, N, 1)
    fusion = _bconv(feats, W_fu, b_fu, g_fu, bt_fu)
    fusion = jnp.max(fusion, axis=2, keepdims=True)  # global max pool over points
    fusion = jnp.broadcast_to(fusion, (fusion.shape[0], fusion.shape[1], feats.shape[2], 1))
    h = jnp.concatenate([fusion, feats], axis=1)  # (B, 1408, N, 1)
    h = _bconv(h, W_p0, b_p0, g_p0, bt_p0)
    h = _bconv(h, W_p1, b_p1, g_p1, bt_p1)
    # dropout p=0.5 in eval mode: identity
    h = jnp.einsum('bcnk,cd->bdnk', h, W_p2) + b_p2[None, :, None, None]
    return h[..., 0]  # (B, NC, N)

if __name__ == "__main__":
    import jax
    _d = setup_inputs()
    print(jax.jit(kernel)(*tuple(_d.values())))

</pallas_src>

<mosaic_0001>
#map = affine_map<(d0, d1) -> (0, 0)>
#map1 = affine_map<(d0, d1) -> (0)>
module attributes {stable_mosaic.version = 14 : i64} {
  func.func @k(%arg0: i32, %arg1: i32, %arg2: memref<8192x128xf32, #tpu.memory_space<hbm>>, %arg3: memref<131072xi32, #tpu.memory_space<hbm>>, %arg4: memref<131072x128xf32, #tpu.memory_space<hbm>>, %arg5: memref<128xi32, #tpu.memory_space<vmem>>, %arg6: memref<128x128xf32, #tpu.memory_space<vmem>>, %arg7: memref<128xi32, #tpu.memory_space<vmem>>, %arg8: memref<128x128xf32, #tpu.memory_space<vmem>>, %arg9: memref<!tpu.dma_semaphore, #tpu.memory_space<semaphore_mem>>, %arg10: memref<!tpu.dma_semaphore, #tpu.memory_space<semaphore_mem>>) attributes {dimension_semantics = [#tpu.dimension_semantics<core_parallel>, #tpu.dimension_semantics<subcore_parallel>], iteration_bounds = array<i64: 2, 16>, scalar_prefetch = 0 : i64, scratch_operands = 6 : i64, tpu.core_type = #tpu.core_type<sc_vector_subcore>, window_params = [{transform_indices = #map}, {transform_indices = #map1}, {transform_indices = #map}]} {
    %mul3A = arith.constant 16 : i32
    %mul3A_0 = arith.muli %arg0, %mul3A : i32
    %add3A = arith.addi %mul3A_0, %arg1 : i32
    %mul3A_1 = arith.constant 4096 : i32
    %mul3A_2 = arith.muli %add3A, %mul3A_1 : i32
    %add3A_3 = arith.constant 0 : i32
    %add3A_4 = arith.addi %mul3A_2, %add3A_3 : i32
    "tpu.region"() ({
      %run_scoped3A = tpu.sem_alloc : memref<!tpu.dma_semaphore, #tpu.memory_space<semaphore_mem>>
      %dma_start3A_12 = tpu.memref_slice %arg3[%add3A_4] : memref<131072xi32, #tpu.memory_space<hbm>> -> memref<128xi32, #tpu.memory_space<hbm>>
      %dma_start3A_13 = tpu.memref_slice %arg3[%add3A_4] : memref<131072xi32, #tpu.memory_space<hbm>> -> memref<128xi32, #tpu.memory_space<hbm>>
      tpu.enqueue_dma source(%dma_start3A_13 : memref<128xi32, #tpu.memory_space<hbm>>) target(%arg5 : memref<128xi32, #tpu.memory_space<vmem>>) target_semaphore(%run_scoped3A : memref<!tpu.dma_semaphore, #tpu.memory_space<semaphore_mem>>)
      %dma_wait3A = tpu.memref_slice %arg3[%add3A_4] : memref<131072xi32, #tpu.memory_space<hbm>> -> memref<128xi32, #tpu.memory_space<hbm>>
      %dma_wait3A_14 = tpu.memref_slice %arg3[%add3A_4] : memref<131072xi32, #tpu.memory_space<hbm>> -> memref<128xi32, #tpu.memory_space<hbm>>
      tpu.wait_dma2 semaphore(%run_scoped3A : memref<!tpu.dma_semaphore, #tpu.memory_space<semaphore_mem>>) src(%dma_wait3A_14 : memref<128xi32, #tpu.memory_space<hbm>>) dst(%arg5 : memref<128xi32, #tpu.memory_space<vmem>>)
      tpu.yield
    }) : () -> ()
    %dma_start3A = arith.constant 0 : i32
    %dma_start3A_5 = arith.constant 0 : i32
    %dma_start3A_6 = tpu.memref_slice %arg2[%dma_start3A, %dma_start3A_5] : memref<8192x128xf32, #tpu.memory_space<hbm>> -> memref<8192x128xf32, #tpu.memory_space<hbm>>
    tpu.enqueue_indirect_dma source(%dma_start3A_6 : memref<8192x128xf32, #tpu.memory_space<hbm>>) target(%arg6 : memref<128x128xf32, #tpu.memory_space<vmem>>) offsets(%arg5 : memref<128xi32, #tpu.memory_space<vmem>>) semaphore(%arg9 : memref<!tpu.dma_semaphore, #tpu.memory_space<semaphore_mem>>)
    %scan3A = arith.constant 0 : i32
    %scan3A_7 = arith.constant 0 : i32
    %scan3A_8 = arith.constant 16 : i32
    %scan3A_9 = arith.addi %scan3A_7, %scan3A_8 : i32
    %scan3A_10 = arith.constant 1 : i32
    scf.for %scan3A_12 = %scan3A_7 to %scan3A_9 step %scan3A_10  : i32 {
      %mul3A_13 = arith.constant 2 : i32
      %mul3A_14 = arith.muli %scan3A_12, %mul3A_13 : i32
      %add3A_15 = arith.constant 1 : i32
      %add3A_16 = arith.addi %mul3A_14, %add3A_15 : i32
      %mul3A_17 = arith.constant 128 : i32
      %mul3A_18 = arith.muli %add3A_16, %mul3A_17 : i32
      %add3A_19 = arith.addi %mul3A_2, %mul3A_18 : i32
      "tpu.region"() ({
        %run_scoped3A = tpu.sem_alloc : memref<!tpu.dma_semaphore, #tpu.memory_space<semaphore_mem>>
        %dma_start3A_40 = tpu.memref_slice %arg3[%add3A_19] : memref<131072xi32, #tpu.memory_space<hbm>> -> memref<128xi32, #tpu.memory_space<hbm>>
        %dma_start3A_41 = tpu.memref_slice %arg3[%add3A_19] : memref<131072xi32, #tpu.memory_space<hbm>> -> memref<128xi32, #tpu.memory_space<hbm>>
        tpu.enqueue_dma source(%dma_start3A_41 : memref<128xi32, #tpu.memory_space<hbm>>) target(%arg7 : memref<128xi32, #tpu.memory_space<vmem>>) target_semaphore(%run_scoped3A : memref<!tpu.dma_semaphore, #tpu.memory_space<semaphore_mem>>)
        %dma_wait3A_42 = tpu.memref_slice %arg3[%add3A_19] : memref<131072xi32, #tpu.memory_space<hbm>> -> memref<128xi32, #tpu.memory_space<hbm>>
        %dma_wait3A_43 = tpu.memref_slice %arg3[%add3A_19] : memref<131072xi32, #tpu.memory_space<hbm>> -> memref<128xi32, #tpu.memory_space<hbm>>
        tpu.wait_dma2 semaphore(%run_scoped3A : memref<!tpu.dma_semaphore, #tpu.memory_space<semaphore_mem>>) src(%dma_wait3A_43 : memref<128xi32, #tpu.memory_space<hbm>>) dst(%arg7 : memref<128xi32, #tpu.memory_space<vmem>>)
        tpu.yield
      }) : () -> ()
      %dma_start3A_20 = arith.constant 0 : i32
      %dma_start3A_21 = arith.constant 0 : i32
      %dma_start3A_22 = tpu.memref_slice %arg2[%dma_start3A_20, %dma_start3A_21] : memref<8192x128xf32, #tpu.memory_space<hbm>> -> memref<8192x128xf32, #tpu.memory_space<hbm>>
      tpu.enqueue_indirect_dma source(%dma_start3A_22 : memref<8192x128xf32, #tpu.memory_space<hbm>>) target(%arg8 : memref<128x128xf32, #tpu.memory_space<vmem>>) offsets(%arg7 : memref<128xi32, #tpu.memory_space<vmem>>) semaphore(%arg10 : memref<!tpu.dma_semaphore, #tpu.memory_space<semaphore_mem>>)
      %dma_wait3A = arith.constant 0 : i32
      %dma_wait3A_23 = arith.constant 0 : i32
      %dma_wait3A_24 = tpu.memref_slice %arg2[%dma_wait3A, %dma_wait3A_23] : memref<8192x128xf32, #tpu.memory_space<hbm>> -> memref<8192x128xf32, #tpu.memory_space<hbm>>
      tpu.wait_indirect_dma semaphore(%arg9 : memref<!tpu.dma_semaphore, #tpu.memory_space<semaphore_mem>>) src(%dma_wait3A_24 : memref<8192x128xf32, #tpu.memory_space<hbm>>) dst(%arg6 : memref<128x128xf32, #tpu.memory_space<vmem>>)
      %mul3A_25 = arith.constant 128 : i32
      %mul3A_26 = arith.muli %mul3A_14, %mul3A_25 : i32
      %add3A_27 = arith.addi %mul3A_2, %mul3A_26 : i32
      "tpu.region"() ({
        %run_scoped3A = tpu.sem_alloc : memref<!tpu.dma_semaphore, #tpu.memory_space<semaphore_mem>>
        %dma_start3A_40 = arith.constant 0 : i32
        %dma_start3A_41 = tpu.memref_slice %arg4[%add3A_27, %dma_start3A_40] : memref<131072x128xf32, #tpu.memory_space<hbm>> -> memref<128x128xf32, #tpu.memory_space<hbm>>
        %dma_start3A_42 = arith.constant 0 : i32
        %dma_start3A_43 = tpu.memref_slice %arg4[%add3A_27, %dma_start3A_42] : memref<131072x128xf32, #tpu.memory_space<hbm>> -> memref<128x128xf32, #tpu.memory_space<hbm>>
        tpu.enqueue_dma source(%arg6 : memref<128x128xf32, #tpu.memory_space<vmem>>) target(%dma_start3A_43 : memref<128x128xf32, #tpu.memory_space<hbm>>) target_semaphore(%run_scoped3A : memref<!tpu.dma_semaphore, #tpu.memory_space<semaphore_mem>>)
        %dma_wait3A_44 = arith.constant 0 : i32
        %dma_wait3A_45 = tpu.memref_slice %arg4[%add3A_27, %dma_wait3A_44] : memref<131072x128xf32, #tpu.memory_space<hbm>> -> memref<128x128xf32, #tpu.memory_space<hbm>>
        %dma_wait3A_46 = arith.constant 0 : i32
        %dma_wait3A_47 = tpu.memref_slice %arg4[%add3A_27, %dma_wait3A_46] : memref<131072x128xf32, #tpu.memory_space<hbm>> -> memref<128x128xf32, #tpu.memory_space<hbm>>
        tpu.wait_dma2 semaphore(%run_scoped3A : memref<!tpu.dma_semaphore, #tpu.memory_space<semaphore_mem>>) src(%arg6 : memref<128x128xf32, #tpu.memory_space<vmem>>) dst(%dma_wait3A_47 : memref<128x128xf32, #tpu.memory_space<hbm>>)
        tpu.yield
      }) : () -> ()
      %add3A_28 = arith.constant 2 : i32
      %add3A_29 = arith.addi %mul3A_14, %add3A_28 : i32
      %lt3A = arith.constant 32 : i32
      %lt3A_30 = arith.cmpi slt, %add3A_29, %lt3A : i32
      %convert_element_type3A = arith.extui %lt3A_30 : i1 to i32
      %cond3A = arith.constant 0 : i32
      %cond3A_31 = arith.cmpi ne, %convert_element_type3A, %cond3A : i32
      scf.if %cond3A_31 {
        %add3A_40 = arith.constant 2 : i32
        %add3A_41 = arith.addi %mul3A_14, %add3A_40 : i32
        %mul3A_42 = arith.constant 128 : i32
        %mul3A_43 = arith.muli %add3A_41, %mul3A_42 : i32
        %add3A_44 = arith.addi %mul3A_2, %mul3A_43 : i32
        "tpu.region"() ({
          %run_scoped3A = tpu.sem_alloc : memref<!tpu.dma_semaphore, #tpu.memory_space<semaphore_mem>>
          %dma_start3A_48 = tpu.memref_slice %arg3[%add3A_44] : memref<131072xi32, #tpu.memory_space<hbm>> -> memref<128xi32, #tpu.memory_space<hbm>>
          %dma_start3A_49 = tpu.memref_slice %arg3[%add3A_44] : memref<131072xi32, #tpu.memory_space<hbm>> -> memref<128xi32, #tpu.memory_space<hbm>>
          tpu.enqueue_dma source(%dma_start3A_49 : memref<128xi32, #tpu.memory_space<hbm>>) target(%arg5 : memref<128xi32, #tpu.memory_space<vmem>>) target_semaphore(%run_scoped3A : memref<!tpu.dma_semaphore, #tpu.memory_space<semaphore_mem>>)
          %dma_wait3A_50 = tpu.memref_slice %arg3[%add3A_44] : memref<131072xi32, #tpu.memory_space<hbm>> -> memref<128xi32, #tpu.memory_space<hbm>>
          %dma_wait3A_51 = tpu.memref_slice %arg3[%add3A_44] : memref<131072xi32, #tpu.memory_space<hbm>> -> memref<128xi32, #tpu.memory_space<hbm>>
          tpu.wait_dma2 semaphore(%run_scoped3A : memref<!tpu.dma_semaphore, #tpu.memory_space<semaphore_mem>>) src(%dma_wait3A_51 : memref<128xi32, #tpu.memory_space<hbm>>) dst(%arg5 : memref<128xi32, #tpu.memory_space<vmem>>)
          tpu.yield
        }) : () -> ()
        %dma_start3A_45 = arith.constant 0 : i32
        %dma_start3A_46 = arith.constant 0 : i32
        %dma_start3A_47 = tpu.memref_slice %arg2[%dma_start3A_45, %dma_start3A_46] : memref<8192x128xf32, #tpu.memory_space<hbm>> -> memref<8192x128xf32, #tpu.memory_space<hbm>>
        tpu.enqueue_indirect_dma source(%dma_start3A_47 : memref<8192x128xf32, #tpu.memory_space<hbm>>) target(%arg6 : memref<128x128xf32, #tpu.memory_space<vmem>>) offsets(%arg5 : memref<128xi32, #tpu.memory_space<vmem>>) semaphore(%arg9 : memref<!tpu.dma_semaphore, #tpu.memory_space<semaphore_mem>>)
      } else {
      }
      %add3A_32 = arith.constant 1 : i32
      %add3A_33 = arith.addi %mul3A_14, %add3A_32 : i32
      %dma_wait3A_34 = arith.constant 0 : i32
      %dma_wait3A_35 = arith.constant 0 : i32
      %dma_wait3A_36 = tpu.memref_slice %arg2[%dma_wait3A_34, %dma_wait3A_35] : memref<8192x128xf32, #tpu.memory_space<hbm>> -> memref<8192x128xf32, #tpu.memory_space<hbm>>
      tpu.wait_indirect_dma semaphore(%arg10 : memref<!tpu.dma_semaphore, #tpu.memory_space<semaphore_mem>>) src(%dma_wait3A_36 : memref<8192x128xf32, #tpu.memory_space<hbm>>) dst(%arg8 : memref<128x128xf32, #tpu.memory_space<vmem>>)
      %mul3A_37 = arith.constant 128 : i32
      %mul3A_38 = arith.muli %add3A_33, %mul3A_37 : i32
      %add3A_39 = arith.addi %mul3A_2, %mul3A_38 : i32
      "tpu.region"() ({
        %run_scoped3A = tpu.sem_alloc : memref<!tpu.dma_semaphore, #tpu.memory_space<semaphore_mem>>
        %dma_start3A_40 = arith.constant 0 : i32
        %dma_start3A_41 = tpu.memref_slice %arg4[%add3A_39, %dma_start3A_40] : memref<131072x128xf32, #tpu.memory_space<hbm>> -> memref<128x128xf32, #tpu.memory_space<hbm>>
        %dma_start3A_42 = arith.constant 0 : i32
        %dma_start3A_43 = tpu.memref_slice %arg4[%add3A_39, %dma_start3A_42] : memref<131072x128xf32, #tpu.memory_space<hbm>> -> memref<128x128xf32, #tpu.memory_space<hbm>>
        tpu.enqueue_dma source(%arg8 : memref<128x128xf32, #tpu.memory_space<vmem>>) target(%dma_start3A_43 : memref<128x128xf32, #tpu.memory_space<hbm>>) target_semaphore(%run_scoped3A : memref<!tpu.dma_semaphore, #tpu.memory_space<semaphore_mem>>)
        %dma_wait3A_44 = arith.constant 0 : i32
        %dma_wait3A_45 = tpu.memref_slice %arg4[%add3A_39, %dma_wait3A_44] : memref<131072x128xf32, #tpu.memory_space<hbm>> -> memref<128x128xf32, #tpu.memory_space<hbm>>
        %dma_wait3A_46 = arith.constant 0 : i32
        %dma_wait3A_47 = tpu.memref_slice %arg4[%add3A_39, %dma_wait3A_46] : memref<131072x128xf32, #tpu.memory_space<hbm>> -> memref<128x128xf32, #tpu.memory_space<hbm>>
        tpu.wait_dma2 semaphore(%run_scoped3A : memref<!tpu.dma_semaphore, #tpu.memory_space<semaphore_mem>>) src(%arg8 : memref<128x128xf32, #tpu.memory_space<vmem>>) dst(%dma_wait3A_47 : memref<128x128xf32, #tpu.memory_space<hbm>>)
        tpu.yield
      }) : () -> ()
    }
    %scan3A_11 = arith.constant 16 : i32
    return
  }
}

#map = affine_map<(d0, d1) -> (0, 0)>
#map1 = affine_map<(d0, d1) -> (0)>
module attributes {stable_mosaic.version = 14 : i64} {
  func.func @k(%arg0: i32, %arg1: i32, %arg2: memref<8192x128xf32, #tpu.memory_space<hbm>>, %arg3: memref<131072xi32, #tpu.memory_space<hbm>>, %arg4: memref<131072x128xf32, #tpu.memory_space<hbm>>, %arg5: memref<128xi32, #tpu.memory_space<vmem>>, %arg6: memref<128x128xf32, #tpu.memory_space<vmem>>, %arg7: memref<128xi32, #tpu.memory_space<vmem>>, %arg8: memref<128x128xf32, #tpu.memory_space<vmem>>, %arg9: memref<!tpu.dma_semaphore, #tpu.memory_space<semaphore_mem>>, %arg10: memref<!tpu.dma_semaphore, #tpu.memory_space<semaphore_mem>>) attributes {dimension_semantics = [#tpu.dimension_semantics<core_parallel>, #tpu.dimension_semantics<subcore_parallel>], iteration_bounds = array<i64: 2, 16>, scalar_prefetch = 0 : i64, scratch_operands = 6 : i64, tpu.core_type = #tpu.core_type<sc_vector_subcore>, window_params = [{transform_indices = #map}, {transform_indices = #map1}, {transform_indices = #map}]} {
    %mul3A = arith.constant 16 : i32
    %mul3A_0 = arith.muli %arg0, %mul3A : i32
    %add3A = arith.addi %mul3A_0, %arg1 : i32
    %mul3A_1 = arith.constant 4096 : i32
    %mul3A_2 = arith.muli %add3A, %mul3A_1 : i32
    %add3A_3 = arith.constant 0 : i32
    %add3A_4 = arith.addi %mul3A_2, %add3A_3 : i32
    "tpu.region"() ({
      %run_scoped3A = tpu.sem_alloc : memref<!tpu.dma_semaphore, #tpu.memory_space<semaphore_mem>>
      %dma_start3A_12 = tpu.memref_slice %arg3[%add3A_4] : memref<131072xi32, #tpu.memory_space<hbm>> -> memref<128xi32, #tpu.memory_space<hbm>>
      %dma_start3A_13 = tpu.memref_slice %arg3[%add3A_4] : memref<131072xi32, #tpu.memory_space<hbm>> -> memref<128xi32, #tpu.memory_space<hbm>>
      tpu.enqueue_dma source(%dma_start3A_13 : memref<128xi32, #tpu.memory_space<hbm>>) target(%arg5 : memref<128xi32, #tpu.memory_space<vmem>>) target_semaphore(%run_scoped3A : memref<!tpu.dma_semaphore, #tpu.memory_space<semaphore_mem>>)
      %dma_wait3A = tpu.memref_slice %arg3[%add3A_4] : memref<131072xi32, #tpu.memory_space<hbm>> -> memref<128xi32, #tpu.memory_space<hbm>>
      %dma_wait3A_14 = tpu.memref_slice %arg3[%add3A_4] : memref<131072xi32, #tpu.memory_space<hbm>> -> memref<128xi32, #tpu.memory_space<hbm>>
      tpu.wait_dma2 semaphore(%run_scoped3A : memref<!tpu.dma_semaphore, #tpu.memory_space<semaphore_mem>>) src(%dma_wait3A_14 : memref<128xi32, #tpu.memory_space<hbm>>) dst(%arg5 : memref<128xi32, #tpu.memory_space<vmem>>)
      tpu.yield
    }) : () -> ()
    %dma_start3A = arith.constant 0 : i32
    %dma_start3A_5 = arith.constant 0 : i32
    %dma_start3A_6 = tpu.memref_slice %arg2[%dma_start3A, %dma_start3A_5] : memref<8192x128xf32, #tpu.memory_space<hbm>> -> memref<8192x128xf32, #tpu.memory_space<hbm>>
    tpu.enqueue_indirect_dma source(%dma_start3A_6 : memref<8192x128xf32, #tpu.memory_space<hbm>>) target(%arg6 : memref<128x128xf32, #tpu.memory_space<vmem>>) offsets(%arg5 : memref<128xi32, #tpu.memory_space<vmem>>) semaphore(%arg9 : memref<!tpu.dma_semaphore, #tpu.memory_space<semaphore_mem>>)
    %scan3A = arith.constant 0 : i32
    %scan3A_7 = arith.constant 0 : i32
    %scan3A_8 = arith.constant 16 : i32
    %scan3A_9 = arith.addi %scan3A_7, %scan3A_8 : i32
    %scan3A_10 = arith.constant 1 : i32
    scf.for %scan3A_12 = %scan3A_7 to %scan3A_9 step %scan3A_10  : i32 {
      %mul3A_13 = arith.constant 2 : i32
      %mul3A_14 = arith.muli %scan3A_12, %mul3A_13 : i32
      %add3A_15 = arith.constant 1 : i32
      %add3A_16 = arith.addi %mul3A_14, %add3A_15 : i32
      %mul3A_17 = arith.constant 128 : i32
      %mul3A_18 = arith.muli %add3A_16, %mul3A_17 : i32
      %add3A_19 = arith.addi %mul3A_2, %mul3A_18 : i32
      "tpu.region"() ({
        %run_scoped3A = tpu.sem_alloc : memref<!tpu.dma_semaphore, #tpu.memory_space<semaphore_mem>>
        %dma_start3A_40 = tpu.memref_slice %arg3[%add3A_19] : memref<131072xi32, #tpu.memory_space<hbm>> -> memref<128xi32, #tpu.memory_space<hbm>>
        %dma_start3A_41 = tpu.memref_slice %arg3[%add3A_19] : memref<131072xi32, #tpu.memory_space<hbm>> -> memref<128xi32, #tpu.memory_space<hbm>>
        tpu.enqueue_dma source(%dma_start3A_41 : memref<128xi32, #tpu.memory_space<hbm>>) target(%arg7 : memref<128xi32, #tpu.memory_space<vmem>>) target_semaphore(%run_scoped3A : memref<!tpu.dma_semaphore, #tpu.memory_space<semaphore_mem>>)
        %dma_wait3A_42 = tpu.memref_slice %arg3[%add3A_19] : memref<131072xi32, #tpu.memory_space<hbm>> -> memref<128xi32, #tpu.memory_space<hbm>>
        %dma_wait3A_43 = tpu.memref_slice %arg3[%add3A_19] : memref<131072xi32, #tpu.memory_space<hbm>> -> memref<128xi32, #tpu.memory_space<hbm>>
        tpu.wait_dma2 semaphore(%run_scoped3A : memref<!tpu.dma_semaphore, #tpu.memory_space<semaphore_mem>>) src(%dma_wait3A_43 : memref<128xi32, #tpu.memory_space<hbm>>) dst(%arg7 : memref<128xi32, #tpu.memory_space<vmem>>)
        tpu.yield
      }) : () -> ()
      %dma_start3A_20 = arith.constant 0 : i32
      %dma_start3A_21 = arith.constant 0 : i32
      %dma_start3A_22 = tpu.memref_slice %arg2[%dma_start3A_20, %dma_start3A_21] : memref<8192x128xf32, #tpu.memory_space<hbm>> -> memref<8192x128xf32, #tpu.memory_space<hbm>>
      tpu.enqueue_indirect_dma source(%dma_start3A_22 : memref<8192x128xf32, #tpu.memory_space<hbm>>) target(%arg8 : memref<128x128xf32, #tpu.memory_space<vmem>>) offsets(%arg7 : memref<128xi32, #tpu.memory_space<vmem>>) semaphore(%arg10 : memref<!tpu.dma_semaphore, #tpu.memory_space<semaphore_mem>>)
      %dma_wait3A = arith.constant 0 : i32
      %dma_wait3A_23 = arith.constant 0 : i32
      %dma_wait3A_24 = tpu.memref_slice %arg2[%dma_wait3A, %dma_wait3A_23] : memref<8192x128xf32, #tpu.memory_space<hbm>> -> memref<8192x128xf32, #tpu.memory_space<hbm>>
      tpu.wait_indirect_dma semaphore(%arg9 : memref<!tpu.dma_semaphore, #tpu.memory_space<semaphore_mem>>) src(%dma_wait3A_24 : memref<8192x128xf32, #tpu.memory_space<hbm>>) dst(%arg6 : memref<128x128xf32, #tpu.memory_space<vmem>>)
      %mul3A_25 = arith.constant 128 : i32
      %mul3A_26 = arith.muli %mul3A_14, %mul3A_25 : i32
      %add3A_27 = arith.addi %mul3A_2, %mul3A_26 : i32
      "tpu.region"() ({
        %run_scoped3A = tpu.sem_alloc : memref<!tpu.dma_semaphore, #tpu.memory_space<semaphore_mem>>
        %dma_start3A_40 = arith.constant 0 : i32
        %dma_start3A_41 = tpu.memref_slice %arg4[%add3A_27, %dma_start3A_40] : memref<131072x128xf32, #tpu.memory_space<hbm>> -> memref<128x128xf32, #tpu.memory_space<hbm>>
        %dma_start3A_42 = arith.constant 0 : i32
        %dma_start3A_43 = tpu.memref_slice %arg4[%add3A_27, %dma_start3A_42] : memref<131072x128xf32, #tpu.memory_space<hbm>> -> memref<128x128xf32, #tpu.memory_space<hbm>>
        tpu.enqueue_dma source(%arg6 : memref<128x128xf32, #tpu.memory_space<vmem>>) target(%dma_start3A_43 : memref<128x128xf32, #tpu.memory_space<hbm>>) target_semaphore(%run_scoped3A : memref<!tpu.dma_semaphore, #tpu.memory_space<semaphore_mem>>)
        %dma_wait3A_44 = arith.constant 0 : i32
        %dma_wait3A_45 = tpu.memref_slice %arg4[%add3A_27, %dma_wait3A_44] : memref<131072x128xf32, #tpu.memory_space<hbm>> -> memref<128x128xf32, #tpu.memory_space<hbm>>
        %dma_wait3A_46 = arith.constant 0 : i32
        %dma_wait3A_47 = tpu.memref_slice %arg4[%add3A_27, %dma_wait3A_46] : memref<131072x128xf32, #tpu.memory_space<hbm>> -> memref<128x128xf32, #tpu.memory_space<hbm>>
        tpu.wait_dma2 semaphore(%run_scoped3A : memref<!tpu.dma_semaphore, #tpu.memory_space<semaphore_mem>>) src(%arg6 : memref<128x128xf32, #tpu.memory_space<vmem>>) dst(%dma_wait3A_47 : memref<128x128xf32, #tpu.memory_space<hbm>>)
        tpu.yield
      }) : () -> ()
      %add3A_28 = arith.constant 2 : i32
      %add3A_29 = arith.addi %mul3A_14, %add3A_28 : i32
      %lt3A = arith.constant 32 : i32
      %lt3A_30 = arith.cmpi slt, %add3A_29, %lt3A : i32
      %convert_element_type3A = arith.extui %lt3A_30 : i1 to i32
      %cond3A = arith.constant 0 : i32
      %cond3A_31 = arith.cmpi ne, %convert_element_type3A, %cond3A : i32
      scf.if %cond3A_31 {
        %add3A_40 = arith.constant 2 : i32
        %add3A_41 = arith.addi %mul3A_14, %add3A_40 : i32
        %mul3A_42 = arith.constant 128 : i32
        %mul3A_43 = arith.muli %add3A_41, %mul3A_42 : i32
        %add3A_44 = arith.addi %mul3A_2, %mul3A_43 : i32
        "tpu.region"() ({
          %run_scoped3A = tpu.sem_alloc : memref<!tpu.dma_semaphore, #tpu.memory_space<semaphore_mem>>
          %dma_start3A_48 = tpu.memref_slice %arg3[%add3A_44] : memref<131072xi32, #tpu.memory_space<hbm>> -> memref<128xi32, #tpu.memory_space<hbm>>
          %dma_start3A_49 = tpu.memref_slice %arg3[%add3A_44] : memref<131072xi32, #tpu.memory_space<hbm>> -> memref<128xi32, #tpu.memory_space<hbm>>
          tpu.enqueue_dma source(%dma_start3A_49 : memref<128xi32, #tpu.memory_space<hbm>>) target(%arg5 : memref<128xi32, #tpu.memory_space<vmem>>) target_semaphore(%run_scoped3A : memref<!tpu.dma_semaphore, #tpu.memory_space<semaphore_mem>>)
          %dma_wait3A_50 = tpu.memref_slice %arg3[%add3A_44] : memref<131072xi32, #tpu.memory_space<hbm>> -> memref<128xi32, #tpu.memory_space<hbm>>
          %dma_wait3A_51 = tpu.memref_slice %arg3[%add3A_44] : memref<131072xi32, #tpu.memory_space<hbm>> -> memref<128xi32, #tpu.memory_space<hbm>>
          tpu.wait_dma2 semaphore(%run_scoped3A : memref<!tpu.dma_semaphore, #tpu.memory_space<semaphore_mem>>) src(%dma_wait3A_51 : memref<128xi32, #tpu.memory_space<hbm>>) dst(%arg5 : memref<128xi32, #tpu.memory_space<vmem>>)
          tpu.yield
        }) : () -> ()
        %dma_start3A_45 = arith.constant 0 : i32
        %dma_start3A_46 = arith.constant 0 : i32
        %dma_start3A_47 = tpu.memref_slice %arg2[%dma_start3A_45, %dma_start3A_46] : memref<8192x128xf32, #tpu.memory_space<hbm>> -> memref<8192x128xf32, #tpu.memory_space<hbm>>
        tpu.enqueue_indirect_dma source(%dma_start3A_47 : memref<8192x128xf32, #tpu.memory_space<hbm>>) target(%arg6 : memref<128x128xf32, #tpu.memory_space<vmem>>) offsets(%arg5 : memref<128xi32, #tpu.memory_space<vmem>>) semaphore(%arg9 : memref<!tpu.dma_semaphore, #tpu.memory_space<semaphore_mem>>)
      } else {
      }
      %add3A_32 = arith.constant 1 : i32
      %add3A_33 = arith.addi %mul3A_14, %add3A_32 : i32
      %dma_wait3A_34 = arith.constant 0 : i32
      %dma_wait3A_35 = arith.constant 0 : i32
      %dma_wait3A_36 = tpu.memref_slice %arg2[%dma_wait3A_34, %dma_wait3A_35] : memref<8192x128xf32, #tpu.memory_space<hbm>> -> memref<8192x128xf32, #tpu.memory_space<hbm>>
      tpu.wait_indirect_dma semaphore(%arg10 : memref<!tpu.dma_semaphore, #tpu.memory_space<semaphore_mem>>) src(%dma_wait3A_36 : memref<8192x128xf32, #tpu.memory_space<hbm>>) dst(%arg8 : memref<128x128xf32, #tpu.memory_space<vmem>>)
      %mul3A_37 = arith.constant 128 : i32
      %mul3A_38 = arith.muli %add3A_33, %mul3A_37 : i32
      %add3A_39 = arith.addi %mul3A_2, %mul3A_38 : i32
      "tpu.region"() ({
        %run_scoped3A = tpu.sem_alloc : memref<!tpu.dma_semaphore, #tpu.memory_space<semaphore_mem>>
        %dma_start3A_40 = arith.constant 0 : i32
        %dma_start3A_41 = tpu.memref_slice %arg4[%add3A_39, %dma_start3A_40] : memref<131072x128xf32, #tpu.memory_space<hbm>> -> memref<128x128xf32, #tpu.memory_space<hbm>>
        %dma_start3A_42 = arith.constant 0 : i32
        %dma_start3A_43 = tpu.memref_slice %arg4[%add3A_39, %dma_start3A_42] : memref<131072x128xf32, #tpu.memory_space<hbm>> -> memref<128x128xf32, #tpu.memory_space<hbm>>
        tpu.enqueue_dma source(%arg8 : memref<128x128xf32, #tpu.memory_space<vmem>>) target(%dma_start3A_43 : memref<128x128xf32, #tpu.memory_space<hbm>>) target_semaphore(%run_scoped3A : memref<!tpu.dma_semaphore, #tpu.memory_space<semaphore_mem>>)
        %dma_wait3A_44 = arith.constant 0 : i32
        %dma_wait3A_45 = tpu.memref_slice %arg4[%add3A_39, %dma_wait3A_44] : memref<131072x128xf32, #tpu.memory_space<hbm>> -> memref<128x128xf32, #tpu.memory_space<hbm>>
        %dma_wait3A_46 = arith.constant 0 : i32
        %dma_wait3A_47 = tpu.memref_slice %arg4[%add3A_39, %dma_wait3A_46] : memref<131072x128xf32, #tpu.memory_space<hbm>> -> memref<128x128xf32, #tpu.memory_space<hbm>>
        tpu.wait_dma2 semaphore(%run_scoped3A : memref<!tpu.dma_semaphore, #tpu.memory_space<semaphore_mem>>) src(%arg8 : memref<128x128xf32, #tpu.memory_space<vmem>>) dst(%dma_wait3A_47 : memref<128x128xf32, #tpu.memory_space<hbm>>)
        tpu.yield
      }) : () -> ()
    }
    %scan3A_11 = arith.constant 16 : i32
    return
  }
}

#map = affine_map<(d0, d1) -> (0, 0)>
#map1 = affine_map<(d0, d1) -> (0)>
module attributes {stable_mosaic.version = 14 : i64} {
  func.func @k(%arg0: i32, %arg1: i32, %arg2: memref<8192x128xf32, #tpu.memory_space<hbm>>, %arg3: memref<131072xi32, #tpu.memory_space<hbm>>, %arg4: memref<131072x128xf32, #tpu.memory_space<hbm>>, %arg5: memref<128xi32, #tpu.memory_space<vmem>>, %arg6: memref<128x128xf32, #tpu.memory_space<vmem>>, %arg7: memref<128xi32, #tpu.memory_space<vmem>>, %arg8: memref<128x128xf32, #tpu.memory_space<vmem>>, %arg9: memref<!tpu.dma_semaphore, #tpu.memory_space<semaphore_mem>>, %arg10: memref<!tpu.dma_semaphore, #tpu.memory_space<semaphore_mem>>) attributes {dimension_semantics = [#tpu.dimension_semantics<core_parallel>, #tpu.dimension_semantics<subcore_parallel>], iteration_bounds = array<i64: 2, 16>, scalar_prefetch = 0 : i64, scratch_operands = 6 : i64, tpu.core_type = #tpu.core_type<sc_vector_subcore>, window_params = [{transform_indices = #map}, {transform_indices = #map1}, {transform_indices = #map}]} {
    %mul3A = arith.constant 16 : i32
    %mul3A_0 = arith.muli %arg0, %mul3A : i32
    %add3A = arith.addi %mul3A_0, %arg1 : i32
    %mul3A_1 = arith.constant 4096 : i32
    %mul3A_2 = arith.muli %add3A, %mul3A_1 : i32
    %add3A_3 = arith.constant 0 : i32
    %add3A_4 = arith.addi %mul3A_2, %add3A_3 : i32
    "tpu.region"() ({
      %run_scoped3A = tpu.sem_alloc : memref<!tpu.dma_semaphore, #tpu.memory_space<semaphore_mem>>
      %dma_start3A_12 = tpu.memref_slice %arg3[%add3A_4] : memref<131072xi32, #tpu.memory_space<hbm>> -> memref<128xi32, #tpu.memory_space<hbm>>
      %dma_start3A_13 = tpu.memref_slice %arg3[%add3A_4] : memref<131072xi32, #tpu.memory_space<hbm>> -> memref<128xi32, #tpu.memory_space<hbm>>
      tpu.enqueue_dma source(%dma_start3A_13 : memref<128xi32, #tpu.memory_space<hbm>>) target(%arg5 : memref<128xi32, #tpu.memory_space<vmem>>) target_semaphore(%run_scoped3A : memref<!tpu.dma_semaphore, #tpu.memory_space<semaphore_mem>>)
      %dma_wait3A = tpu.memref_slice %arg3[%add3A_4] : memref<131072xi32, #tpu.memory_space<hbm>> -> memref<128xi32, #tpu.memory_space<hbm>>
      %dma_wait3A_14 = tpu.memref_slice %arg3[%add3A_4] : memref<131072xi32, #tpu.memory_space<hbm>> -> memref<128xi32, #tpu.memory_space<hbm>>
      tpu.wait_dma2 semaphore(%run_scoped3A : memref<!tpu.dma_semaphore, #tpu.memory_space<semaphore_mem>>) src(%dma_wait3A_14 : memref<128xi32, #tpu.memory_space<hbm>>) dst(%arg5 : memref<128xi32, #tpu.memory_space<vmem>>)
      tpu.yield
    }) : () -> ()
    %dma_start3A = arith.constant 0 : i32
    %dma_start3A_5 = arith.constant 0 : i32
    %dma_start3A_6 = tpu.memref_slice %arg2[%dma_start3A, %dma_start3A_5] : memref<8192x128xf32, #tpu.memory_space<hbm>> -> memref<8192x128xf32, #tpu.memory_space<hbm>>
    tpu.enqueue_indirect_dma source(%dma_start3A_6 : memref<8192x128xf32, #tpu.memory_space<hbm>>) target(%arg6 : memref<128x128xf32, #tpu.memory_space<vmem>>) offsets(%arg5 : memref<128xi32, #tpu.memory_space<vmem>>) semaphore(%arg9 : memref<!tpu.dma_semaphore, #tpu.memory_space<semaphore_mem>>)
    %scan3A = arith.constant 0 : i32
    %scan3A_7 = arith.constant 0 : i32
    %scan3A_8 = arith.constant 16 : i32
    %scan3A_9 = arith.addi %scan3A_7, %scan3A_8 : i32
    %scan3A_10 = arith.constant 1 : i32
    scf.for %scan3A_12 = %scan3A_7 to %scan3A_9 step %scan3A_10  : i32 {
      %mul3A_13 = arith.constant 2 : i32
      %mul3A_14 = arith.muli %scan3A_12, %mul3A_13 : i32
      %add3A_15 = arith.constant 1 : i32
      %add3A_16 = arith.addi %mul3A_14, %add3A_15 : i32
      %mul3A_17 = arith.constant 128 : i32
      %mul3A_18 = arith.muli %add3A_16, %mul3A_17 : i32
      %add3A_19 = arith.addi %mul3A_2, %mul3A_18 : i32
      "tpu.region"() ({
        %run_scoped3A = tpu.sem_alloc : memref<!tpu.dma_semaphore, #tpu.memory_space<semaphore_mem>>
        %dma_start3A_40 = tpu.memref_slice %arg3[%add3A_19] : memref<131072xi32, #tpu.memory_space<hbm>> -> memref<128xi32, #tpu.memory_space<hbm>>
        %dma_start3A_41 = tpu.memref_slice %arg3[%add3A_19] : memref<131072xi32, #tpu.memory_space<hbm>> -> memref<128xi32, #tpu.memory_space<hbm>>
        tpu.enqueue_dma source(%dma_start3A_41 : memref<128xi32, #tpu.memory_space<hbm>>) target(%arg7 : memref<128xi32, #tpu.memory_space<vmem>>) target_semaphore(%run_scoped3A : memref<!tpu.dma_semaphore, #tpu.memory_space<semaphore_mem>>)
        %dma_wait3A_42 = tpu.memref_slice %arg3[%add3A_19] : memref<131072xi32, #tpu.memory_space<hbm>> -> memref<128xi32, #tpu.memory_space<hbm>>
        %dma_wait3A_43 = tpu.memref_slice %arg3[%add3A_19] : memref<131072xi32, #tpu.memory_space<hbm>> -> memref<128xi32, #tpu.memory_space<hbm>>
        tpu.wait_dma2 semaphore(%run_scoped3A : memref<!tpu.dma_semaphore, #tpu.memory_space<semaphore_mem>>) src(%dma_wait3A_43 : memref<128xi32, #tpu.memory_space<hbm>>) dst(%arg7 : memref<128xi32, #tpu.memory_space<vmem>>)
        tpu.yield
      }) : () -> ()
      %dma_start3A_20 = arith.constant 0 : i32
      %dma_start3A_21 = arith.constant 0 : i32
      %dma_start3A_22 = tpu.memref_slice %arg2[%dma_start3A_20, %dma_start3A_21] : memref<8192x128xf32, #tpu.memory_space<hbm>> -> memref<8192x128xf32, #tpu.memory_space<hbm>>
      tpu.enqueue_indirect_dma source(%dma_start3A_22 : memref<8192x128xf32, #tpu.memory_space<hbm>>) target(%arg8 : memref<128x128xf32, #tpu.memory_space<vmem>>) offsets(%arg7 : memref<128xi32, #tpu.memory_space<vmem>>) semaphore(%arg10 : memref<!tpu.dma_semaphore, #tpu.memory_space<semaphore_mem>>)
      %dma_wait3A = arith.constant 0 : i32
      %dma_wait3A_23 = arith.constant 0 : i32
      %dma_wait3A_24 = tpu.memref_slice %arg2[%dma_wait3A, %dma_wait3A_23] : memref<8192x128xf32, #tpu.memory_space<hbm>> -> memref<8192x128xf32, #tpu.memory_space<hbm>>
      tpu.wait_indirect_dma semaphore(%arg9 : memref<!tpu.dma_semaphore, #tpu.memory_space<semaphore_mem>>) src(%dma_wait3A_24 : memref<8192x128xf32, #tpu.memory_space<hbm>>) dst(%arg6 : memref<128x128xf32, #tpu.memory_space<vmem>>)
      %mul3A_25 = arith.constant 128 : i32
      %mul3A_26 = arith.muli %mul3A_14, %mul3A_25 : i32
      %add3A_27 = arith.addi %mul3A_2, %mul3A_26 : i32
      "tpu.region"() ({
        %run_scoped3A = tpu.sem_alloc : memref<!tpu.dma_semaphore, #tpu.memory_space<semaphore_mem>>
        %dma_start3A_40 = arith.constant 0 : i32
        %dma_start3A_41 = tpu.memref_slice %arg4[%add3A_27, %dma_start3A_40] : memref<131072x128xf32, #tpu.memory_space<hbm>> -> memref<128x128xf32, #tpu.memory_space<hbm>>
        %dma_start3A_42 = arith.constant 0 : i32
        %dma_start3A_43 = tpu.memref_slice %arg4[%add3A_27, %dma_start3A_42] : memref<131072x128xf32, #tpu.memory_space<hbm>> -> memref<128x128xf32, #tpu.memory_space<hbm>>
        tpu.enqueue_dma source(%arg6 : memref<128x128xf32, #tpu.memory_space<vmem>>) target(%dma_start3A_43 : memref<128x128xf32, #tpu.memory_space<hbm>>) target_semaphore(%run_scoped3A : memref<!tpu.dma_semaphore, #tpu.memory_space<semaphore_mem>>)
        %dma_wait3A_44 = arith.constant 0 : i32
        %dma_wait3A_45 = tpu.memref_slice %arg4[%add3A_27, %dma_wait3A_44] : memref<131072x128xf32, #tpu.memory_space<hbm>> -> memref<128x128xf32, #tpu.memory_space<hbm>>
        %dma_wait3A_46 = arith.constant 0 : i32
        %dma_wait3A_47 = tpu.memref_slice %arg4[%add3A_27, %dma_wait3A_46] : memref<131072x128xf32, #tpu.memory_space<hbm>> -> memref<128x128xf32, #tpu.memory_space<hbm>>
        tpu.wait_dma2 semaphore(%run_scoped3A : memref<!tpu.dma_semaphore, #tpu.memory_space<semaphore_mem>>) src(%arg6 : memref<128x128xf32, #tpu.memory_space<vmem>>) dst(%dma_wait3A_47 : memref<128x128xf32, #tpu.memory_space<hbm>>)
        tpu.yield
      }) : () -> ()
      %add3A_28 = arith.constant 2 : i32
      %add3A_29 = arith.addi %mul3A_14, %add3A_28 : i32
      %lt3A = arith.constant 32 : i32
      %lt3A_30 = arith.cmpi slt, %add3A_29, %lt3A : i32
      %convert_element_type3A = arith.extui %lt3A_30 : i1 to i32
      %cond3A = arith.constant 0 : i32
      %cond3A_31 = arith.cmpi ne, %convert_element_type3A, %cond3A : i32
      scf.if %cond3A_31 {
        %add3A_40 = arith.constant 2 : i32
        %add3A_41 = arith.addi %mul3A_14, %add3A_40 : i32
        %mul3A_42 = arith.constant 128 : i32
        %mul3A_43 = arith.muli %add3A_41, %mul3A_42 : i32
        %add3A_44 = arith.addi %mul3A_2, %mul3A_43 : i32
        "tpu.region"() ({
          %run_scoped3A = tpu.sem_alloc : memref<!tpu.dma_semaphore, #tpu.memory_space<semaphore_mem>>
          %dma_start3A_48 = tpu.memref_slice %arg3[%add3A_44] : memref<131072xi32, #tpu.memory_space<hbm>> -> memref<128xi32, #tpu.memory_space<hbm>>
          %dma_start3A_49 = tpu.memref_slice %arg3[%add3A_44] : memref<131072xi32, #tpu.memory_space<hbm>> -> memref<128xi32, #tpu.memory_space<hbm>>
          tpu.enqueue_dma source(%dma_start3A_49 : memref<128xi32, #tpu.memory_space<hbm>>) target(%arg5 : memref<128xi32, #tpu.memory_space<vmem>>) target_semaphore(%run_scoped3A : memref<!tpu.dma_semaphore, #tpu.memory_space<semaphore_mem>>)
          %dma_wait3A_50 = tpu.memref_slice %arg3[%add3A_44] : memref<131072xi32, #tpu.memory_space<hbm>> -> memref<128xi32, #tpu.memory_space<hbm>>
          %dma_wait3A_51 = tpu.memref_slice %arg3[%add3A_44] : memref<131072xi32, #tpu.memory_space<hbm>> -> memref<128xi32, #tpu.memory_space<hbm>>
          tpu.wait_dma2 semaphore(%run_scoped3A : memref<!tpu.dma_semaphore, #tpu.memory_space<semaphore_mem>>) src(%dma_wait3A_51 : memref<128xi32, #tpu.memory_space<hbm>>) dst(%arg5 : memref<128xi32, #tpu.memory_space<vmem>>)
          tpu.yield
        }) : () -> ()
        %dma_start3A_45 = arith.constant 0 : i32
        %dma_start3A_46 = arith.constant 0 : i32
        %dma_start3A_47 = tpu.memref_slice %arg2[%dma_start3A_45, %dma_start3A_46] : memref<8192x128xf32, #tpu.memory_space<hbm>> -> memref<8192x128xf32, #tpu.memory_space<hbm>>
        tpu.enqueue_indirect_dma source(%dma_start3A_47 : memref<8192x128xf32, #tpu.memory_space<hbm>>) target(%arg6 : memref<128x128xf32, #tpu.memory_space<vmem>>) offsets(%arg5 : memref<128xi32, #tpu.memory_space<vmem>>) semaphore(%arg9 : memref<!tpu.dma_semaphore, #tpu.memory_space<semaphore_mem>>)
      } else {
      }
      %add3A_32 = arith.constant 1 : i32
      %add3A_33 = arith.addi %mul3A_14, %add3A_32 : i32
      %dma_wait3A_34 = arith.constant 0 : i32
      %dma_wait3A_35 = arith.constant 0 : i32
      %dma_wait3A_36 = tpu.memref_slice %arg2[%dma_wait3A_34, %dma_wait3A_35] : memref<8192x128xf32, #tpu.memory_space<hbm>> -> memref<8192x128xf32, #tpu.memory_space<hbm>>
      tpu.wait_indirect_dma semaphore(%arg10 : memref<!tpu.dma_semaphore, #tpu.memory_space<semaphore_mem>>) src(%dma_wait3A_36 : memref<8192x128xf32, #tpu.memory_space<hbm>>) dst(%arg8 : memref<128x128xf32, #tpu.memory_space<vmem>>)
      %mul3A_37 = arith.constant 128 : i32
      %mul3A_38 = arith.muli %add3A_33, %mul3A_37 : i32
      %add3A_39 = arith.addi %mul3A_2, %mul3A_38 : i32
      "tpu.region"() ({
        %run_scoped3A = tpu.sem_alloc : memref<!tpu.dma_semaphore, #tpu.memory_space<semaphore_mem>>
        %dma_start3A_40 = arith.constant 0 : i32
        %dma_start3A_41 = tpu.memref_slice %arg4[%add3A_39, %dma_start3A_40] : memref<131072x128xf32, #tpu.memory_space<hbm>> -> memref<128x128xf32, #tpu.memory_space<hbm>>
        %dma_start3A_42 = arith.constant 0 : i32
        %dma_start3A_43 = tpu.memref_slice %arg4[%add3A_39, %dma_start3A_42] : memref<131072x128xf32, #tpu.memory_space<hbm>> -> memref<128x128xf32, #tpu.memory_space<hbm>>
        tpu.enqueue_dma source(%arg8 : memref<128x128xf32, #tpu.memory_space<vmem>>) target(%dma_start3A_43 : memref<128x128xf32, #tpu.memory_space<hbm>>) target_semaphore(%run_scoped3A : memref<!tpu.dma_semaphore, #tpu.memory_space<semaphore_mem>>)
        %dma_wait3A_44 = arith.constant 0 : i32
        %dma_wait3A_45 = tpu.memref_slice %arg4[%add3A_39, %dma_wait3A_44] : memref<131072x128xf32, #tpu.memory_space<hbm>> -> memref<128x128xf32, #tpu.memory_space<hbm>>
        %dma_wait3A_46 = arith.constant 0 : i32
        %dma_wait3A_47 = tpu.memref_slice %arg4[%add3A_39, %dma_wait3A_46] : memref<131072x128xf32, #tpu.memory_space<hbm>> -> memref<128x128xf32, #tpu.memory_space<hbm>>
        tpu.wait_dma2 semaphore(%run_scoped3A : memref<!tpu.dma_semaphore, #tpu.memory_space<semaphore_mem>>) src(%arg8 : memref<128x128xf32, #tpu.memory_space<vmem>>) dst(%dma_wait3A_47 : memref<128x128xf32, #tpu.memory_space<hbm>>)
        tpu.yield
      }) : () -> ()
    }
    %scan3A_11 = arith.constant 16 : i32
    return
  }
}

module attributes {stable_mosaic.version = 14 : i64} {
  func.func @body(%arg0: i32, %arg1: i32, %arg2: memref<1x2048x16xf32, #tpu.memory_space<vmem>>, %arg3: memref<1x16x256xi32, #tpu.memory_space<vmem>>) attributes {dimension_semantics = [#tpu.dimension_semantics<arbitrary>, #tpu.dimension_semantics<arbitrary>], iteration_bounds = array<i64: 4, 8>, scalar_prefetch = 0 : i64, scratch_operands = 0 : i64, tpu.core_type = #tpu.core_type<tc>, window_params = [{transform_indices = @transform_0, window_bounds = array<i64: 1, 2048, 16>}, {transform_indices = @transform_1, window_bounds = array<i64: 1, 16, 256>}]} {
    %mul3A = arith.constant 256 : i32
    %mul3A_0 = arith.muli %arg1, %mul3A : i32
    %multiple_of3A = tpu.assume_multiple %mul3A_0, 256 : i32
    %get3A = arith.constant 0 : index
    %get3A_1 = arith.constant 0 : index
    %get3A_2 = arith.constant 0 : index
    %get3A_3 = vector.load %arg2[%get3A, %get3A_1, %get3A_2] : memref<1x2048x16xf32, #tpu.memory_space<vmem>>, vector<1x2048x16xf32>
    %get3A_4 = vector.shape_cast %get3A_3 : vector<1x2048x16xf32> to vector<2048x16xf32>
    %get3A_5 = arith.constant 0 : index
    %get3A_6 = arith.index_cast %multiple_of3A : i32 to index
    %get3A_7 = arith.constant 0 : index
    %get3A_8 = vector.load %arg2[%get3A_5, %get3A_6, %get3A_7] : memref<1x2048x16xf32, #tpu.memory_space<vmem>>, vector<1x256x16xf32>
    %get3A_9 = vector.shape_cast %get3A_8 : vector<1x256x16xf32> to vector<256x16xf32>
    %convert_element_type3A = arith.truncf %get3A_9 : vector<256x16xf32> to vector<256x16xbf16>
    %convert_element_type3A_10 = arith.truncf %get3A_4 : vector<2048x16xf32> to vector<2048x16xbf16>
    %dot_general3A = arith.constant dense<0.000000e+00> : vector<256x2048xf32>
    %dot_general3A_11 = tpu.matmul %convert_element_type3A, %convert_element_type3A_10, %dot_general3A {dimension_numbers = #tpu.dot_dimension_numbers<[1], [1], [0], [0], [0, 0, 1, 0], [], []>, transpose_lhs_hint = false} : vector<256x16xbf16>, vector<2048x16xbf16>, vector<256x2048xf32> -> vector<256x2048xf32>
    %mul3A_12 = arith.mulf %get3A_9, %get3A_9 : vector<256x16xf32>
    %reduce_sum3A = arith.constant dense<0.000000e+00> : vector<256xf32>
    %reduce_sum3A_13 = vector.multi_reduction <add>, %mul3A_12, %reduce_sum3A [1] : vector<256x16xf32> to vector<256xf32>
    %broadcast_in_dim3A = vector.shape_cast %reduce_sum3A_13 : vector<256xf32> to vector<256x1xf32>
    %broadcast_in_dim3A_14 = arith.constant 1.000000e+00 : f32
    %broadcast_in_dim3A_15 = vector.broadcast %broadcast_in_dim3A_14 : f32 to vector<1x16xf32>
    %mul3A_16 = arith.mulf %get3A_4, %get3A_4 : vector<2048x16xf32>
    %dot_general3A_17 = arith.constant dense<0.000000e+00> : vector<1x2048xf32>
    %dot_general3A_18 = tpu.matmul %broadcast_in_dim3A_15, %mul3A_16, %dot_general3A_17 {dimension_numbers = #tpu.dot_dimension_numbers<[1], [1], [0], [0], [0, 0, 1, 0], [], []>, precision = #tpu.contract_precision<fp32>, transpose_lhs_hint = false} : vector<1x16xf32>, vector<2048x16xf32>, vector<1x2048xf32> -> vector<1x2048xf32>
    %mul3A_19 = arith.constant 2.000000e+00 : f32
    %mul3A_20 = vector.broadcast %mul3A_19 : f32 to vector<256x2048xf32>
    %mul3A_21 = arith.mulf %mul3A_20, %dot_general3A_11 : vector<256x2048xf32>
    %sub3A = vector.broadcast %broadcast_in_dim3A : vector<256x1xf32> to vector<256x2048xf32>
    %sub3A_22 = arith.subf %mul3A_21, %sub3A : vector<256x2048xf32>
    %sub3A_23 = vector.broadcast %dot_general3A_18 : vector<1x2048xf32> to vector<256x2048xf32>
    %sub3A_24 = arith.subf %sub3A_22, %sub3A_23 : vector<256x2048xf32>
    %mul3A_25 = arith.constant 2048 : i32
    %mul3A_26 = arith.muli %arg0, %mul3A_25 : i32
    %iota3A = tpu.iota {dimensions = array<i32: 1>} : vector<256x2048xi32>
    %argmax3A = tpu.reduce_index %sub3A_24 {axis = 1 : i32, kind = #tpu.reduction_kind<arg_max>} : vector<256x2048xf32> -> vector<256xi32>
    %broadcast_in_dim3A_27 = vector.shape_cast %argmax3A : vector<256xi32> to vector<1x256xi32>
    %add3A = vector.broadcast %mul3A_26 : i32 to vector<1x256xi32>
    %add3A_28 = arith.addi %broadcast_in_dim3A_27, %add3A : vector<1x256xi32>
    %broadcast_in_dim3A_29 = vector.shape_cast %argmax3A : vector<256xi32> to vector<256x1xi32>
    %eq3A = vector.broadcast %broadcast_in_dim3A_29 : vector<256x1xi32> to vector<256x2048xi32>
    %eq3A_30 = arith.cmpi eq, %iota3A, %eq3A : vector<256x2048xi32>
    %jit3A = arith.constant 0xFF800000 : f32
    %broadcast_in_dim3A_31 = vector.broadcast %jit3A : f32 to vector<256x2048xf32>
    %select_n3A = arith.select %eq3A_30, %broadcast_in_dim3A_31, %sub3A_24 : vector<256x2048xi1>, vector<256x2048xf32>
    %argmax3A_32 = tpu.reduce_index %select_n3A {axis = 1 : i32, kind = #tpu.reduction_kind<arg_max>} : vector<256x2048xf32> -> vector<256xi32>
    %broadcast_in_dim3A_33 = vector.shape_cast %argmax3A_32 : vector<256xi32> to vector<1x256xi32>
    %add3A_34 = vector.broadcast %mul3A_26 : i32 to vector<1x256xi32>
    %add3A_35 = arith.addi %broadcast_in_dim3A_33, %add3A_34 : vector<1x256xi32>
    %broadcast_in_dim3A_36 = vector.shape_cast %argmax3A_32 : vector<256xi32> to vector<256x1xi32>
    %eq3A_37 = vector.broadcast %broadcast_in_dim3A_36 : vector<256x1xi32> to vector<256x2048xi32>
    %eq3A_38 = arith.cmpi eq, %iota3A, %eq3A_37 : vector<256x2048xi32>
    %jit3A_39 = arith.constant 0xFF800000 : f32
    %broadcast_in_dim3A_40 = vector.broadcast %jit3A_39 : f32 to vector<256x2048xf32>
    %select_n3A_41 = arith.select %eq3A_38, %broadcast_in_dim3A_40, %select_n3A : vector<256x2048xi1>, vector<256x2048xf32>
    %argmax3A_42 = tpu.reduce_index %select_n3A_41 {axis = 1 : i32, kind = #tpu.reduction_kind<arg_max>} : vector<256x2048xf32> -> vector<256xi32>
    %broadcast_in_dim3A_43 = vector.shape_cast %argmax3A_42 : vector<256xi32> to vector<1x256xi32>
    %add3A_44 = vector.broadcast %mul3A_26 : i32 to vector<1x256xi32>
    %add3A_45 = arith.addi %broadcast_in_dim3A_43, %add3A_44 : vector<1x256xi32>
    %broadcast_in_dim3A_46 = vector.shape_cast %argmax3A_42 : vector<256xi32> to vector<256x1xi32>
    %eq3A_47 = vector.broadcast %broadcast_in_dim3A_46 : vector<256x1xi32> to vector<256x2048xi32>
    %eq3A_48 = arith.cmpi eq, %iota3A, %eq3A_47 : vector<256x2048xi32>
    %jit3A_49 = arith.constant 0xFF800000 : f32
    %broadcast_in_dim3A_50 = vector.broadcast %jit3A_49 : f32 to vector<256x2048xf32>
    %select_n3A_51 = arith.select %eq3A_48, %broadcast_in_dim3A_50, %select_n3A_41 : vector<256x2048xi1>, vector<256x2048xf32>
    %argmax3A_52 = tpu.reduce_index %select_n3A_51 {axis = 1 : i32, kind = #tpu.reduction_kind<arg_max>} : vector<256x2048xf32> -> vector<256xi32>
    %broadcast_in_dim3A_53 = vector.shape_cast %argmax3A_52 : vector<256xi32> to vector<1x256xi32>
    %add3A_54 = vector.broadcast %mul3A_26 : i32 to vector<1x256xi32>
    %add3A_55 = arith.addi %broadcast_in_dim3A_53, %add3A_54 : vector<1x256xi32>
    %broadcast_in_dim3A_56 = vector.shape_cast %argmax3A_52 : vector<256xi32> to vector<256x1xi32>
    %eq3A_57 = vector.broadcast %broadcast_in_dim3A_56 : vector<256x1xi32> to vector<256x2048xi32>
    %eq3A_58 = arith.cmpi eq, %iota3A, %eq3A_57 : vector<256x2048xi32>
    %jit3A_59 = arith.constant 0xFF800000 : f32
    %broadcast_in_dim3A_60 = vector.broadcast %jit3A_59 : f32 to vector<256x2048xf32>
    %select_n3A_61 = arith.select %eq3A_58, %broadcast_in_dim3A_60, %select_n3A_51 : vector<256x2048xi1>, vector<256x2048xf32>
    %argmax3A_62 = tpu.reduce_index %select_n3A_61 {axis = 1 : i32, kind = #tpu.reduction_kind<arg_max>} : vector<256x2048xf32> -> vector<256xi32>
    %broadcast_in_dim3A_63 = vector.shape_cast %argmax3A_62 : vector<256xi32> to vector<1x256xi32>
    %add3A_64 = vector.broadcast %mul3A_26 : i32 to vector<1x256xi32>
    %add3A_65 = arith.addi %broadcast_in_dim3A_63, %add3A_64 : vector<1x256xi32>
    %broadcast_in_dim3A_66 = vector.shape_cast %argmax3A_62 : vector<256xi32> to vector<256x1xi32>
    %eq3A_67 = vector.broadcast %broadcast_in_dim3A_66 : vector<256x1xi32> to vector<256x2048xi32>
    %eq3A_68 = arith.cmpi eq, %iota3A, %eq3A_67 : vector<256x2048xi32>
    %jit3A_69 = arith.constant 0xFF800000 : f32
    %broadcast_in_dim3A_70 = vector.broadcast %jit3A_69 : f32 to vector<256x2048xf32>
    %select_n3A_71 = arith.select %eq3A_68, %broadcast_in_dim3A_70, %select_n3A_61 : vector<256x2048xi1>, vector<256x2048xf32>
    %argmax3A_72 = tpu.reduce_index %select_n3A_71 {axis = 1 : i32, kind = #tpu.reduction_kind<arg_max>} : vector<256x2048xf32> -> vector<256xi32>
    %broadcast_in_dim3A_73 = vector.shape_cast %argmax3A_72 : vector<256xi32> to vector<1x256xi32>
    %add3A_74 = vector.broadcast %mul3A_26 : i32 to vector<1x256xi32>
    %add3A_75 = arith.addi %broadcast_in_dim3A_73, %add3A_74 : vector<1x256xi32>
    %broadcast_in_dim3A_76 = vector.shape_cast %argmax3A_72 : vector<256xi32> to vector<256x1xi32>
    %eq3A_77 = vector.broadcast %broadcast_in_dim3A_76 : vector<256x1xi32> to vector<256x2048xi32>
    %eq3A_78 = arith.cmpi eq, %iota3A, %eq3A_77 : vector<256x2048xi32>
    %jit3A_79 = arith.constant 0xFF800000 : f32
    %broadcast_in_dim3A_80 = vector.broadcast %jit3A_79 : f32 to vector<256x2048xf32>
    %select_n3A_81 = arith.select %eq3A_78, %broadcast_in_dim3A_80, %select_n3A_71 : vector<256x2048xi1>, vector<256x2048xf32>
    %argmax3A_82 = tpu.reduce_index %select_n3A_81 {axis = 1 : i32, kind = #tpu.reduction_kind<arg_max>} : vector<256x2048xf32> -> vector<256xi32>
    %broadcast_in_dim3A_83 = vector.shape_cast %argmax3A_82 : vector<256xi32> to vector<1x256xi32>
    %add3A_84 = vector.broadcast %mul3A_26 : i32 to vector<1x256xi32>
    %add3A_85 = arith.addi %broadcast_in_dim3A_83, %add3A_84 : vector<1x256xi32>
    %broadcast_in_dim3A_86 = vector.shape_cast %argmax3A_82 : vector<256xi32> to vector<256x1xi32>
    %eq3A_87 = vector.broadcast %broadcast_in_dim3A_86 : vector<256x1xi32> to vector<256x2048xi32>
    %eq3A_88 = arith.cmpi eq, %iota3A, %eq3A_87 : vector<256x2048xi32>
    %jit3A_89 = arith.constant 0xFF800000 : f32
    %broadcast_in_dim3A_90 = vector.broadcast %jit3A_89 : f32 to vector<256x2048xf32>
    %select_n3A_91 = arith.select %eq3A_88, %broadcast_in_dim3A_90, %select_n3A_81 : vector<256x2048xi1>, vector<256x2048xf32>
    %argmax3A_92 = tpu.reduce_index %select_n3A_91 {axis = 1 : i32, kind = #tpu.reduction_kind<arg_max>} : vector<256x2048xf32> -> vector<256xi32>
    %broadcast_in_dim3A_93 = vector.shape_cast %argmax3A_92 : vector<256xi32> to vector<1x256xi32>
    %add3A_94 = vector.broadcast %mul3A_26 : i32 to vector<1x256xi32>
    %add3A_95 = arith.addi %broadcast_in_dim3A_93, %add3A_94 : vector<1x256xi32>
    %broadcast_in_dim3A_96 = vector.shape_cast %argmax3A_92 : vector<256xi32> to vector<256x1xi32>
    %eq3A_97 = vector.broadcast %broadcast_in_dim3A_96 : vector<256x1xi32> to vector<256x2048xi32>
    %eq3A_98 = arith.cmpi eq, %iota3A, %eq3A_97 : vector<256x2048xi32>
    %jit3A_99 = arith.constant 0xFF800000 : f32
    %broadcast_in_dim3A_100 = vector.broadcast %jit3A_99 : f32 to vector<256x2048xf32>
    %select_n3A_101 = arith.select %eq3A_98, %broadcast_in_dim3A_100, %select_n3A_91 : vector<256x2048xi1>, vector<256x2048xf32>
    %argmax3A_102 = tpu.reduce_index %select_n3A_101 {axis = 1 : i32, kind = #tpu.reduction_kind<arg_max>} : vector<256x2048xf32> -> vector<256xi32>
    %broadcast_in_dim3A_103 = vector.shape_cast %argmax3A_102 : vector<256xi32> to vector<1x256xi32>
    %add3A_104 = vector.broadcast %mul3A_26 : i32 to vector<1x256xi32>
    %add3A_105 = arith.addi %broadcast_in_dim3A_103, %add3A_104 : vector<1x256xi32>
    %broadcast_in_dim3A_106 = vector.shape_cast %argmax3A_102 : vector<256xi32> to vector<256x1xi32>
    %eq3A_107 = vector.broadcast %broadcast_in_dim3A_106 : vector<256x1xi32> to vector<256x2048xi32>
    %eq3A_108 = arith.cmpi eq, %iota3A, %eq3A_107 : vector<256x2048xi32>
    %jit3A_109 = arith.constant 0xFF800000 : f32
    %broadcast_in_dim3A_110 = vector.broadcast %jit3A_109 : f32 to vector<256x2048xf32>
    %select_n3A_111 = arith.select %eq3A_108, %broadcast_in_dim3A_110, %select_n3A_101 : vector<256x2048xi1>, vector<256x2048xf32>
    %argmax3A_112 = tpu.reduce_index %select_n3A_111 {axis = 1 : i32, kind = #tpu.reduction_kind<arg_max>} : vector<256x2048xf32> -> vector<256xi32>
    %broadcast_in_dim3A_113 = vector.shape_cast %argmax3A_112 : vector<256xi32> to vector<1x256xi32>
    %add3A_114 = vector.broadcast %mul3A_26 : i32 to vector<1x256xi32>
    %add3A_115 = arith.addi %broadcast_in_dim3A_113, %add3A_114 : vector<1x256xi32>
    %broadcast_in_dim3A_116 = vector.shape_cast %argmax3A_112 : vector<256xi32> to vector<256x1xi32>
    %eq3A_117 = vector.broadcast %broadcast_in_dim3A_116 : vector<256x1xi32> to vector<256x2048xi32>
    %eq3A_118 = arith.cmpi eq, %iota3A, %eq3A_117 : vector<256x2048xi32>
    %jit3A_119 = arith.constant 0xFF800000 : f32
    %broadcast_in_dim3A_120 = vector.broadcast %jit3A_119 : f32 to vector<256x2048xf32>
    %select_n3A_121 = arith.select %eq3A_118, %broadcast_in_dim3A_120, %select_n3A_111 : vector<256x2048xi1>, vector<256x2048xf32>
    %argmax3A_122 = tpu.reduce_index %select_n3A_121 {axis = 1 : i32, kind = #tpu.reduction_kind<arg_max>} : vector<256x2048xf32> -> vector<256xi32>
    %broadcast_in_dim3A_123 = vector.shape_cast %argmax3A_122 : vector<256xi32> to vector<1x256xi32>
    %add3A_124 = vector.broadcast %mul3A_26 : i32 to vector<1x256xi32>
    %add3A_125 = arith.addi %broadcast_in_dim3A_123, %add3A_124 : vector<1x256xi32>
    %broadcast_in_dim3A_126 = vector.shape_cast %argmax3A_122 : vector<256xi32> to vector<256x1xi32>
    %eq3A_127 = vector.broadcast %broadcast_in_dim3A_126 : vector<256x1xi32> to vector<256x2048xi32>
    %eq3A_128 = arith.cmpi eq, %iota3A, %eq3A_127 : vector<256x2048xi32>
    %jit3A_129 = arith.constant 0xFF800000 : f32
    %broadcast_in_dim3A_130 = vector.broadcast %jit3A_129 : f32 to vector<256x2048xf32>
    %select_n3A_131 = arith.select %eq3A_128, %broadcast_in_dim3A_130, %select_n3A_121 : vector<256x2048xi1>, vector<256x2048xf32>
    %argmax3A_132 = tpu.reduce_index %select_n3A_131 {axis = 1 : i32, kind = #tpu.reduction_kind<arg_max>} : vector<256x2048xf32> -> vector<256xi32>
    %broadcast_in_dim3A_133 = vector.shape_cast %argmax3A_132 : vector<256xi32> to vector<1x256xi32>
    %add3A_134 = vector.broadcast %mul3A_26 : i32 to vector<1x256xi32>
    %add3A_135 = arith.addi %broadcast_in_dim3A_133, %add3A_134 : vector<1x256xi32>
    %broadcast_in_dim3A_136 = vector.shape_cast %argmax3A_132 : vector<256xi32> to vector<256x1xi32>
    %eq3A_137 = vector.broadcast %broadcast_in_dim3A_136 : vector<256x1xi32> to vector<256x2048xi32>
    %eq3A_138 = arith.cmpi eq, %iota3A, %eq3A_137 : vector<256x2048xi32>
    %jit3A_139 = arith.constant 0xFF800000 : f32
    %broadcast_in_dim3A_140 = vector.broadcast %jit3A_139 : f32 to vector<256x2048xf32>
    %select_n3A_141 = arith.select %eq3A_138, %broadcast_in_dim3A_140, %select_n3A_131 : vector<256x2048xi1>, vector<256x2048xf32>
    %argmax3A_142 = tpu.reduce_index %select_n3A_141 {axis = 1 : i32, kind = #tpu.reduction_kind<arg_max>} : vector<256x2048xf32> -> vector<256xi32>
    %broadcast_in_dim3A_143 = vector.shape_cast %argmax3A_142 : vector<256xi32> to vector<1x256xi32>
    %add3A_144 = vector.broadcast %mul3A_26 : i32 to vector<1x256xi32>
    %add3A_145 = arith.addi %broadcast_in_dim3A_143, %add3A_144 : vector<1x256xi32>
    %broadcast_in_dim3A_146 = vector.shape_cast %argmax3A_142 : vector<256xi32> to vector<256x1xi32>
    %eq3A_147 = vector.broadcast %broadcast_in_dim3A_146 : vector<256x1xi32> to vector<256x2048xi32>
    %eq3A_148 = arith.cmpi eq, %iota3A, %eq3A_147 : vector<256x2048xi32>
    %jit3A_149 = arith.constant 0xFF800000 : f32
    %broadcast_in_dim3A_150 = vector.broadcast %jit3A_149 : f32 to vector<256x2048xf32>
    %select_n3A_151 = arith.select %eq3A_148, %broadcast_in_dim3A_150, %select_n3A_141 : vector<256x2048xi1>, vector<256x2048xf32>
    %argmax3A_152 = tpu.reduce_index %select_n3A_151 {axis = 1 : i32, kind = #tpu.reduction_kind<arg_max>} : vector<256x2048xf32> -> vector<256xi32>
    %broadcast_in_dim3A_153 = vector.shape_cast %argmax3A_152 : vector<256xi32> to vector<1x256xi32>
    %add3A_154 = vector.broadcast %mul3A_26 : i32 to vector<1x256xi32>
    %add3A_155 = arith.addi %broadcast_in_dim3A_153, %add3A_154 : vector<1x256xi32>
    %broadcast_in_dim3A_156 = vector.shape_cast %argmax3A_152 : vector<256xi32> to vector<256x1xi32>
    %eq3A_157 = vector.broadcast %broadcast_in_dim3A_156 : vector<256x1xi32> to vector<256x2048xi32>
    %eq3A_158 = arith.cmpi eq, %iota3A, %eq3A_157 : vector<256x2048xi32>
    %jit3A_159 = arith.constant 0xFF800000 : f32
    %broadcast_in_dim3A_160 = vector.broadcast %jit3A_159 : f32 to vector<256x2048xf32>
    %select_n3A_161 = arith.select %eq3A_158, %broadcast_in_dim3A_160, %select_n3A_151 : vector<256x2048xi1>, vector<256x2048xf32>
    %argmax3A_162 = tpu.reduce_index %select_n3A_161 {axis = 1 : i32, kind = #tpu.reduction_kind<arg_max>} : vector<256x2048xf32> -> vector<256xi32>
    %broadcast_in_dim3A_163 = vector.shape_cast %argmax3A_162 : vector<256xi32> to vector<1x256xi32>
    %add3A_164 = vector.broadcast %mul3A_26 : i32 to vector<1x256xi32>
    %add3A_165 = arith.addi %broadcast_in_dim3A_163, %add3A_164 : vector<1x256xi32>
    %broadcast_in_dim3A_166 = vector.shape_cast %argmax3A_162 : vector<256xi32> to vector<256x1xi32>
    %eq3A_167 = vector.broadcast %broadcast_in_dim3A_166 : vector<256x1xi32> to vector<256x2048xi32>
    %eq3A_168 = arith.cmpi eq, %iota3A, %eq3A_167 : vector<256x2048xi32>
    %jit3A_169 = arith.constant 0xFF800000 : f32
    %broadcast_in_dim3A_170 = vector.broadcast %jit3A_169 : f32 to vector<256x2048xf32>
    %select_n3A_171 = arith.select %eq3A_168, %broadcast_in_dim3A_170, %select_n3A_161 : vector<256x2048xi1>, vector<256x2048xf32>
    %argmax3A_172 = tpu.reduce_index %select_n3A_171 {axis = 1 : i32, kind = #tpu.reduction_kind<arg_max>} : vector<256x2048xf32> -> vector<256xi32>
    %broadcast_in_dim3A_173 = vector.shape_cast %argmax3A_172 : vector<256xi32> to vector<1x256xi32>
    %add3A_174 = vector.broadcast %mul3A_26 : i32 to vector<1x256xi32>
    %add3A_175 = arith.addi %broadcast_in_dim3A_173, %add3A_174 : vector<1x256xi32>
    %concatenate3A = tpu.concatenate %add3A_28, %add3A_35, %add3A_45, %add3A_55, %add3A_65, %add3A_75, %add3A_85, %add3A_95, %add3A_105, %add3A_115, %add3A_125, %add3A_135, %add3A_145, %add3A_155, %add3A_165, %add3A_175 in 0 : vector<1x256xi32>, vector<1x256xi32>, vector<1x256xi32>, vector<1x256xi32>, vector<1x256xi32>, vector<1x256xi32>, vector<1x256xi32>, vector<1x256xi32>, vector<1x256xi32>, vector<1x256xi32>, vector<1x256xi32>, vector<1x256xi32>, vector<1x256xi32>, vector<1x256xi32>, vector<1x256xi32>, vector<1x256xi32> -> vector<16x256xi32>
    %swap3A = arith.constant 0 : index
    %swap3A_176 = arith.constant 0 : index
    %swap3A_177 = arith.constant 0 : index
    %swap3A_178 = vector.load %arg3[%swap3A, %swap3A_176, %swap3A_177] : memref<1x16x256xi32, #tpu.memory_space<vmem>>, vector<1x16x256xi32>
    %swap3A_179 = vector.shape_cast %swap3A_178 : vector<1x16x256xi32> to vector<16x256xi32>
    %swap3A_180 = vector.shape_cast %concatenate3A : vector<16x256xi32> to vector<1x16x256xi32>
    tpu.vector_store %arg3[%swap3A, %swap3A_176, %swap3A_177], %swap3A_180 {strides = array<i32>} : memref<1x16x256xi32, #tpu.memory_space<vmem>>, vector<1x16x256xi32>,
    return
  }
  func.func @transform_0(%arg0: i32, %arg1: i32) -> (i32, i32, i32) {
    %c0_i32 = arith.constant 0 : i32
    %c0_i32_0 = arith.constant 0 : i32
    %c0_i32_1 = arith.constant 0 : i32
    return %arg0, %c0_i32, %c0_i32_0 : i32, i32, i32
  }
  func.func @transform_1(%arg0: i32, %arg1: i32) -> (i32, i32, i32) {
    %c0_i32 = arith.constant 0 : i32
    %c0_i32_0 = arith.constant 0 : i32
    return %arg0, %c0_i32, %arg1 : i32, i32, i32
  }
}

module attributes {stable_mosaic.version = 14 : i64} {
  func.func @body(%arg0: i32, %arg1: i32, %arg2: memref<1x256x16xf32, #tpu.memory_space<vmem>>, %arg3: memref<1x16x256x128xf32, #tpu.memory_space<vmem>>, %arg4: memref<32x64xf32, #tpu.memory_space<vmem>>, %arg5: memref<1x64xf32, #tpu.memory_space<vmem>>, %arg6: memref<1x64xf32, #tpu.memory_space<vmem>>, %arg7: memref<1x64xf32, #tpu.memory_space<vmem>>, %arg8: memref<1x256x128xf32, #tpu.memory_space<vmem>>) attributes {dimension_semantics = [#tpu.dimension_semantics<arbitrary>, #tpu.dimension_semantics<arbitrary>], iteration_bounds = array<i64: 4, 8>, scalar_prefetch = 0 : i64, scratch_operands = 0 : i64, tpu.core_type = #tpu.core_type<tc>, window_params = [{transform_indices = @transform_0, window_bounds = array<i64: 1, 256, 16>}, {transform_indices = @transform_1, window_bounds = array<i64: 1, 16, 256, 128>}, {pipeline_mode = #tpu.pipeline_mode<synchronous>, transform_indices = @transform_2, window_bounds = array<i64: 32, 64>}, {pipeline_mode = #tpu.pipeline_mode<synchronous>, transform_indices = @transform_3, window_bounds = array<i64: 1, 64>}, {pipeline_mode = #tpu.pipeline_mode<synchronous>, transform_indices = @transform_4, window_bounds = array<i64: 1, 64>}, {pipeline_mode = #tpu.pipeline_mode<synchronous>, transform_indices = @transform_5, window_bounds = array<i64: 1, 64>}, {transform_indices = @transform_6, window_bounds = array<i64: 1, 256, 128>}]} {
    %get3A = arith.constant 0 : index
    %get3A_0 = arith.constant 0 : index
    %get3A_1 = arith.constant 0 : index
    %get3A_2 = vector.load %arg2[%get3A, %get3A_0, %get3A_1] : memref<1x256x16xf32, #tpu.memory_space<vmem>>, vector<1x256x16xf32>
    %get3A_3 = vector.shape_cast %get3A_2 : vector<1x256x16xf32> to vector<256x16xf32>
    %convert_element_type3A = arith.truncf %get3A_3 : vector<256x16xf32> to vector<256x16xbf16>
    %get3A_4 = arith.constant 0 : index
    %get3A_5 = arith.constant 0 : index
    %get3A_6 = vector.load %arg4[%get3A_4, %get3A_5] : memref<32x64xf32, #tpu.memory_space<vmem>>, vector<32x64xf32>
    %convert_element_type3A_7 = arith.truncf %get3A_6 : vector<32x64xf32> to vector<32x64xbf16>
    %get3A_8 = arith.constant 0 : index
    %get3A_9 = arith.constant 0 : index
    %get3A_10 = arith.constant 0 : index
    %get3A_11 = arith.constant 0 : index
    %get3A_12 = vector.load %arg3[%get3A_8, %get3A_9, %get3A_10, %get3A_11] : memref<1x16x256x128xf32, #tpu.memory_space<vmem>>, vector<1x1x256x128xf32>
    %get3A_13 = vector.shape_cast %get3A_12 : vector<1x1x256x128xf32> to vector<256x128xf32>
    %slice3A = vector.extract_strided_slice %get3A_13 {offsets = [0, 0], sizes = [256, 16], strides = [1, 1]} : vector<256x128xf32> to vector<256x16xf32>
    %sub3A = arith.subf %slice3A, %get3A_3 : vector<256x16xf32>
    %convert_element_type3A_14 = arith.truncf %sub3A : vector<256x16xf32> to vector<256x16xbf16>
    %concatenate3A = tpu.concatenate %convert_element_type3A, %convert_element_type3A_14 in 1 : vector<256x16xbf16>, vector<256x16xbf16> -> vector<256x32xbf16>
    %dot_general3A = arith.constant dense<0.000000e+00> : vector<256x64xf32>
    %dot_general3A_15 = tpu.matmul %concatenate3A, %convert_element_type3A_7, %dot_general3A {dimension_numbers = #tpu.dot_dimension_numbers<[1], [0], [0], [1], [0, 0, 1, 1], [], []>, transpose_lhs_hint = false} : vector<256x32xbf16>, vector<32x64xbf16>, vector<256x64xf32> -> vector<256x64xf32>
    %get3A_16 = arith.constant 0 : index
    %get3A_17 = arith.constant 0 : index
    %get3A_18 = vector.load %arg6[%get3A_16, %get3A_17] : memref<1x64xf32, #tpu.memory_space<vmem>>, vector<1x64xf32>
    %get3A_19 = arith.constant 0 : index
    %get3A_20 = arith.constant 0 : index
    %get3A_21 = vector.load %arg5[%get3A_19, %get3A_20] : memref<1x64xf32, #tpu.memory_space<vmem>>, vector<1x64xf32>
    %add3A = vector.broadcast %get3A_21 : vector<1x64xf32> to vector<256x64xf32>
    %add3A_22 = arith.addf %dot_general3A_15, %add3A : vector<256x64xf32>
    %div3A = arith.constant 1.00000501 : f32
    %div3A_23 = vector.broadcast %div3A : f32 to vector<256x64xf32>
    %div3A_24 = arith.divf %add3A_22, %div3A_23 : vector<256x64xf32>
    %mul3A = vector.broadcast %get3A_18 : vector<1x64xf32> to vector<256x64xf32>
    %mul3A_25 = arith.mulf %mul3A, %div3A_24 : vector<256x64xf32>
    %get3A_26 = arith.constant 0 : index
    %get3A_27 = arith.constant 0 : index
    %get3A_28 = vector.load %arg7[%get3A_26, %get3A_27] : memref<1x64xf32, #tpu.memory_space<vmem>>, vector<1x64xf32>
    %add3A_29 = vector.broadcast %get3A_28 : vector<1x64xf32> to vector<256x64xf32>
    %add3A_30 = arith.addf %mul3A_25, %add3A_29 : vector<256x64xf32>
    %get3A_31 = arith.constant 0 : index
    %get3A_32 = arith.constant 1 : index
    %get3A_33 = arith.constant 0 : index
    %get3A_34 = arith.constant 0 : index
    %get3A_35 = vector.load %arg3[%get3A_31, %get3A_32, %get3A_33, %get3A_34] : memref<1x16x256x128xf32, #tpu.memory_space<vmem>>, vector<1x1x256x128xf32>
    %get3A_36 = vector.shape_cast %get3A_35 : vector<1x1x256x128xf32> to vector<256x128xf32>
    %slice3A_37 = vector.extract_strided_slice %get3A_36 {offsets = [0, 0], sizes = [256, 16], strides = [1, 1]} : vector<256x128xf32> to vector<256x16xf32>
    %sub3A_38 = arith.subf %slice3A_37, %get3A_3 : vector<256x16xf32>
    %convert_element_type3A_39 = arith.truncf %sub3A_38 : vector<256x16xf32> to vector<256x16xbf16>
    %concatenate3A_40 = tpu.concatenate %convert_element_type3A, %convert_element_type3A_39 in 1 : vector<256x16xbf16>, vector<256x16xbf16> -> vector<256x32xbf16>
    %dot_general3A_41 = arith.constant dense<0.000000e+00> : vector<256x64xf32>
    %dot_general3A_42 = tpu.matmul %concatenate3A_40, %convert_element_type3A_7, %dot_general3A_41 {dimension_numbers = #tpu.dot_dimension_numbers<[1], [0], [0], [1], [0, 0, 1, 1], [], []>, transpose_lhs_hint = false} : vector<256x32xbf16>, vector<32x64xbf16>, vector<256x64xf32> -> vector<256x64xf32>
    %get3A_43 = arith.constant 0 : index
    %get3A_44 = arith.constant 0 : index
    %get3A_45 = vector.load %arg6[%get3A_43, %get3A_44] : memref<1x64xf32, #tpu.memory_space<vmem>>, vector<1x64xf32>
    %get3A_46 = arith.constant 0 : index
    %get3A_47 = arith.constant 0 : index
    %get3A_48 = vector.load %arg5[%get3A_46, %get3A_47] : memref<1x64xf32, #tpu.memory_space<vmem>>, vector<1x64xf32>
    %add3A_49 = vector.broadcast %get3A_48 : vector<1x64xf32> to vector<256x64xf32>
    %add3A_50 = arith.addf %dot_general3A_42, %add3A_49 : vector<256x64xf32>
    %div3A_51 = arith.constant 1.00000501 : f32
    %div3A_52 = vector.broadcast %div3A_51 : f32 to vector<256x64xf32>
    %div3A_53 = arith.divf %add3A_50, %div3A_52 : vector<256x64xf32>
    %mul3A_54 = vector.broadcast %get3A_45 : vector<1x64xf32> to vector<256x64xf32>
    %mul3A_55 = arith.mulf %mul3A_54, %div3A_53 : vector<256x64xf32>
    %get3A_56 = arith.constant 0 : index
    %get3A_57 = arith.constant 0 : index
    %get3A_58 = vector.load %arg7[%get3A_56, %get3A_57] : memref<1x64xf32, #tpu.memory_space<vmem>>, vector<1x64xf32>
    %add3A_59 = vector.broadcast %get3A_58 : vector<1x64xf32> to vector<256x64xf32>
    %add3A_60 = arith.addf %mul3A_55, %add3A_59 : vector<256x64xf32>
    %max3A = arith.maximumf %add3A_30, %add3A_60 : vector<256x64xf32>
    %get3A_61 = arith.constant 0 : index
    %get3A_62 = arith.constant 2 : index
    %get3A_63 = arith.constant 0 : index
    %get3A_64 = arith.constant 0 : index
    %get3A_65 = vector.load %arg3[%get3A_61, %get3A_62, %get3A_63, %get3A_64] : memref<1x16x256x128xf32, #tpu.memory_space<vmem>>, vector<1x1x256x128xf32>
    %get3A_66 = vector.shape_cast %get3A_65 : vector<1x1x256x128xf32> to vector<256x128xf32>
    %slice3A_67 = vector.extract_strided_slice %get3A_66 {offsets = [0, 0], sizes = [256, 16], strides = [1, 1]} : vector<256x128xf32> to vector<256x16xf32>
    %sub3A_68 = arith.subf %slice3A_67, %get3A_3 : vector<256x16xf32>
    %convert_element_type3A_69 = arith.truncf %sub3A_68 : vector<256x16xf32> to vector<256x16xbf16>
    %concatenate3A_70 = tpu.concatenate %convert_element_type3A, %convert_element_type3A_69 in 1 : vector<256x16xbf16>, vector<256x16xbf16> -> vector<256x32xbf16>
    %dot_general3A_71 = arith.constant dense<0.000000e+00> : vector<256x64xf32>
    %dot_general3A_72 = tpu.matmul %concatenate3A_70, %convert_element_type3A_7, %dot_general3A_71 {dimension_numbers = #tpu.dot_dimension_numbers<[1], [0], [0], [1], [0, 0, 1, 1], [], []>, transpose_lhs_hint = false} : vector<256x32xbf16>, vector<32x64xbf16>, vector<256x64xf32> -> vector<256x64xf32>
    %get3A_73 = arith.constant 0 : index
    %get3A_74 = arith.constant 0 : index
    %get3A_75 = vector.load %arg6[%get3A_73, %get3A_74] : memref<1x64xf32, #tpu.memory_space<vmem>>, vector<1x64xf32>
    %get3A_76 = arith.constant 0 : index
    %get3A_77 = arith.constant 0 : index
    %get3A_78 = vector.load %arg5[%get3A_76, %get3A_77] : memref<1x64xf32, #tpu.memory_space<vmem>>, vector<1x64xf32>
    %add3A_79 = vector.broadcast %get3A_78 : vector<1x64xf32> to vector<256x64xf32>
    %add3A_80 = arith.addf %dot_general3A_72, %add3A_79 : vector<256x64xf32>
    %div3A_81 = arith.constant 1.00000501 : f32
    %div3A_82 = vector.broadcast %div3A_81 : f32 to vector<256x64xf32>
    %div3A_83 = arith.divf %add3A_80, %div3A_82 : vector<256x64xf32>
    %mul3A_84 = vector.broadcast %get3A_75 : vector<1x64xf32> to vector<256x64xf32>
    %mul3A_85 = arith.mulf %mul3A_84, %div3A_83 : vector<256x64xf32>
    %get3A_86 = arith.constant 0 : index
    %get3A_87 = arith.constant 0 : index
    %get3A_88 = vector.load %arg7[%get3A_86, %get3A_87] : memref<1x64xf32, #tpu.memory_space<vmem>>, vector<1x64xf32>
    %add3A_89 = vector.broadcast %get3A_88 : vector<1x64xf32> to vector<256x64xf32>
    %add3A_90 = arith.addf %mul3A_85, %add3A_89 : vector<256x64xf32>
    %max3A_91 = arith.maximumf %max3A, %add3A_90 : vector<256x64xf32>
    %get3A_92 = arith.constant 0 : index
    %get3A_93 = arith.constant 3 : index
    %get3A_94 = arith.constant 0 : index
    %get3A_95 = arith.constant 0 : index
    %get3A_96 = vector.load %arg3[%get3A_92, %get3A_93, %get3A_94, %get3A_95] : memref<1x16x256x128xf32, #tpu.memory_space<vmem>>, vector<1x1x256x128xf32>
    %get3A_97 = vector.shape_cast %get3A_96 : vector<1x1x256x128xf32> to vector<256x128xf32>
    %slice3A_98 = vector.extract_strided_slice %get3A_97 {offsets = [0, 0], sizes = [256, 16], strides = [1, 1]} : vector<256x128xf32> to vector<256x16xf32>
    %sub3A_99 = arith.subf %slice3A_98, %get3A_3 : vector<256x16xf32>
    %convert_element_type3A_100 = arith.truncf %sub3A_99 : vector<256x16xf32> to vector<256x16xbf16>
    %concatenate3A_101 = tpu.concatenate %convert_element_type3A, %convert_element_type3A_100 in 1 : vector<256x16xbf16>, vector<256x16xbf16> -> vector<256x32xbf16>
    %dot_general3A_102 = arith.constant dense<0.000000e+00> : vector<256x64xf32>
    %dot_general3A_103 = tpu.matmul %concatenate3A_101, %convert_element_type3A_7, %dot_general3A_102 {dimension_numbers = #tpu.dot_dimension_numbers<[1], [0], [0], [1], [0, 0, 1, 1], [], []>, transpose_lhs_hint = false} : vector<256x32xbf16>, vector<32x64xbf16>, vector<256x64xf32> -> vector<256x64xf32>
    %get3A_104 = arith.constant 0 : index
    %get3A_105 = arith.constant 0 : index
    %get3A_106 = vector.load %arg6[%get3A_104, %get3A_105] : memref<1x64xf32, #tpu.memory_space<vmem>>, vector<1x64xf32>
    %get3A_107 = arith.constant 0 : index
    %get3A_108 = arith.constant 0 : index
    %get3A_109 = vector.load %arg5[%get3A_107, %get3A_108] : memref<1x64xf32, #tpu.memory_space<vmem>>, vector<1x64xf32>
    %add3A_110 = vector.broadcast %get3A_109 : vector<1x64xf32> to vector<256x64xf32>
    %add3A_111 = arith.addf %dot_general3A_103, %add3A_110 : vector<256x64xf32>
    %div3A_112 = arith.constant 1.00000501 : f32
    %div3A_113 = vector.broadcast %div3A_112 : f32 to vector<256x64xf32>
    %div3A_114 = arith.divf %add3A_111, %div3A_113 : vector<256x64xf32>
    %mul3A_115 = vector.broadcast %get3A_106 : vector<1x64xf32> to vector<256x64xf32>
    %mul3A_116 = arith.mulf %mul3A_115, %div3A_114 : vector<256x64xf32>
    %get3A_117 = arith.constant 0 : index
    %get3A_118 = arith.constant 0 : index
    %get3A_119 = vector.load %arg7[%get3A_117, %get3A_118] : memref<1x64xf32, #tpu.memory_space<vmem>>, vector<1x64xf32>
    %add3A_120 = vector.broadcast %get3A_119 : vector<1x64xf32> to vector<256x64xf32>
    %add3A_121 = arith.addf %mul3A_116, %add3A_120 : vector<256x64xf32>
    %max3A_122 = arith.maximumf %max3A_91, %add3A_121 : vector<256x64xf32>
    %get3A_123 = arith.constant 0 : index
    %get3A_124 = arith.constant 4 : index
    %get3A_125 = arith.constant 0 : index
    %get3A_126 = arith.constant 0 : index
    %get3A_127 = vector.load %arg3[%get3A_123, %get3A_124, %get3A_125, %get3A_126] : memref<1x16x256x128xf32, #tpu.memory_space<vmem>>, vector<1x1x256x128xf32>
    %get3A_128 = vector.shape_cast %get3A_127 : vector<1x1x256x128xf32> to vector<256x128xf32>
    %slice3A_129 = vector.extract_strided_slice %get3A_128 {offsets = [0, 0], sizes = [256, 16], strides = [1, 1]} : vector<256x128xf32> to vector<256x16xf32>
    %sub3A_130 = arith.subf %slice3A_129, %get3A_3 : vector<256x16xf32>
    %convert_element_type3A_131 = arith.truncf %sub3A_130 : vector<256x16xf32> to vector<256x16xbf16>
    %concatenate3A_132 = tpu.concatenate %convert_element_type3A, %convert_element_type3A_131 in 1 : vector<256x16xbf16>, vector<256x16xbf16> -> vector<256x32xbf16>
    %dot_general3A_133 = arith.constant dense<0.000000e+00> : vector<256x64xf32>
    %dot_general3A_134 = tpu.matmul %concatenate3A_132, %convert_element_type3A_7, %dot_general3A_133 {dimension_numbers = #tpu.dot_dimension_numbers<[1], [0], [0], [1], [0, 0, 1, 1], [], []>, transpose_lhs_hint = false} : vector<256x32xbf16>, vector<32x64xbf16>, vector<256x64xf32> -> vector<256x64xf32>
    %get3A_135 = arith.constant 0 : index
    %get3A_136 = arith.constant 0 : index
    %get3A_137 = vector.load %arg6[%get3A_135, %get3A_136] : memref<1x64xf32, #tpu.memory_space<vmem>>, vector<1x64xf32>
    %get3A_138 = arith.constant 0 : index
    %get3A_139 = arith.constant 0 : index
    %get3A_140 = vector.load %arg5[%get3A_138, %get3A_139] : memref<1x64xf32, #tpu.memory_space<vmem>>, vector<1x64xf32>
    %add3A_141 = vector.broadcast %get3A_140 : vector<1x64xf32> to vector<256x64xf32>
    %add3A_142 = arith.addf %dot_general3A_134, %add3A_141 : vector<256x64xf32>
    %div3A_143 = arith.constant 1.00000501 : f32
    %div3A_144 = vector.broadcast %div3A_143 : f32 to vector<256x64xf32>
    %div3A_145 = arith.divf %add3A_142, %div3A_144 : vector<256x64xf32>
    %mul3A_146 = vector.broadcast %get3A_137 : vector<1x64xf32> to vector<256x64xf32>
    %mul3A_147 = arith.mulf %mul3A_146, %div3A_145 : vector<256x64xf32>
    %get3A_148 = arith.constant 0 : index
    %get3A_149 = arith.constant 0 : index
    %get3A_150 = vector.load %arg7[%get3A_148, %get3A_149] : memref<1x64xf32, #tpu.memory_space<vmem>>, vector<1x64xf32>
    %add3A_151 = vector.broadcast %get3A_150 : vector<1x64xf32> to vector<256x64xf32>
    %add3A_152 = arith.addf %mul3A_147, %add3A_151 : vector<256x64xf32>
    %max3A_153 = arith.maximumf %max3A_122, %add3A_152 : vector<256x64xf32>
    %get3A_154 = arith.constant 0 : index
    %get3A_155 = arith.constant 5 : index
    %get3A_156 = arith.constant 0 : index
    %get3A_157 = arith.constant 0 : index
    %get3A_158 = vector.load %arg3[%get3A_154, %get3A_155, %get3A_156, %get3A_157] : memref<1x16x256x128xf32, #tpu.memory_space<vmem>>, vector<1x1x256x128xf32>
    %get3A_159 = vector.shape_cast %get3A_158 : vector<1x1x256x128xf32> to vector<256x128xf32>
    %slice3A_160 = vector.extract_strided_slice %get3A_159 {offsets = [0, 0], sizes = [256, 16], strides = [1, 1]} : vector<256x128xf32> to vector<256x16xf32>
    %sub3A_161 = arith.subf %slice3A_160, %get3A_3 : vector<256x16xf32>
    %convert_element_type3A_162 = arith.truncf %sub3A_161 : vector<256x16xf32> to vector<256x16xbf16>
    %concatenate3A_163 = tpu.concatenate %convert_element_type3A, %convert_element_type3A_162 in 1 : vector<256x16xbf16>, vector<256x16xbf16> -> vector<256x32xbf16>
    %dot_general3A_164 = arith.constant dense<0.000000e+00> : vector<256x64xf32>
    %dot_general3A_165 = tpu.matmul %concatenate3A_163, %convert_element_type3A_7, %dot_general3A_164 {dimension_numbers = #tpu.dot_dimension_numbers<[1], [0], [0], [1], [0, 0, 1, 1], [], []>, transpose_lhs_hint = false} : vector<256x32xbf16>, vector<32x64xbf16>, vector<256x64xf32> -> vector<256x64xf32>
    %get3A_166 = arith.constant 0 : index
    %get3A_167 = arith.constant 0 : index
    %get3A_168 = vector.load %arg6[%get3A_166, %get3A_167] : memref<1x64xf32, #tpu.memory_space<vmem>>, vector<1x64xf32>
    %get3A_169 = arith.constant 0 : index
    %get3A_170 = arith.constant 0 : index
    %get3A_171 = vector.load %arg5[%get3A_169, %get3A_170] : memref<1x64xf32, #tpu.memory_space<vmem>>, vector<1x64xf32>
    %add3A_172 = vector.broadcast %get3A_171 : vector<1x64xf32> to vector<256x64xf32>
    %add3A_173 = arith.addf %dot_general3A_165, %add3A_172 : vector<256x64xf32>
    %div3A_174 = arith.constant 1.00000501 : f32
    %div3A_175 = vector.broadcast %div3A_174 : f32 to vector<256x64xf32>
    %div3A_176 = arith.divf %add3A_173, %div3A_175 : vector<256x64xf32>
    %mul3A_177 = vector.broadcast %get3A_168 : vector<1x64xf32> to vector<256x64xf32>
    %mul3A_178 = arith.mulf %mul3A_177, %div3A_176 : vector<256x64xf32>
    %get3A_179 = arith.constant 0 : index
    %get3A_180 = arith.constant 0 : index
    %get3A_181 = vector.load %arg7[%get3A_179, %get3A_180] : memref<1x64xf32, #tpu.memory_space<vmem>>, vector<1x64xf32>
    %add3A_182 = vector.broadcast %get3A_181 : vector<1x64xf32> to vector<256x64xf32>
    %add3A_183 = arith.addf %mul3A_178, %add3A_182 : vector<256x64xf32>
    %max3A_184 = arith.maximumf %max3A_153, %add3A_183 : vector<256x64xf32>
    %get3A_185 = arith.constant 0 : index
    %get3A_186 = arith.constant 6 : index
    %get3A_187 = arith.constant 0 : index
    %get3A_188 = arith.constant 0 : index
    %get3A_189 = vector.load %arg3[%get3A_185, %get3A_186, %get3A_187, %get3A_188] : memref<1x16x256x128xf32, #tpu.memory_space<vmem>>, vector<1x1x256x128xf32>
    %get3A_190 = vector.shape_cast %get3A_189 : vector<1x1x256x128xf32> to vector<256x128xf32>
    %slice3A_191 = vector.extract_strided_slice %get3A_190 {offsets = [0, 0], sizes = [256, 16], strides = [1, 1]} : vector<256x128xf32> to vector<256x16xf32>
    %sub3A_192 = arith.subf %slice3A_191, %get3A_3 : vector<256x16xf32>
    %convert_element_type3A_193 = arith.truncf %sub3A_192 : vector<256x16xf32> to vector<256x16xbf16>
    %concatenate3A_194 = tpu.concatenate %convert_element_type3A, %convert_element_type3A_193 in 1 : vector<256x16xbf16>, vector<256x16xbf16> -> vector<256x32xbf16>
    %dot_general3A_195 = arith.constant dense<0.000000e+00> : vector<256x64xf32>
    %dot_general3A_196 = tpu.matmul %concatenate3A_194, %convert_element_type3A_7, %dot_general3A_195 {dimension_numbers = #tpu.dot_dimension_numbers<[1], [0], [0], [1], [0, 0, 1, 1], [], []>, transpose_lhs_hint = false} : vector<256x32xbf16>, vector<32x64xbf16>, vector<256x64xf32> -> vector<256x64xf32>
    %get3A_197 = arith.constant 0 : index
    %get3A_198 = arith.constant 0 : index
    %get3A_199 = vector.load %arg6[%get3A_197, %get3A_198] : memref<1x64xf32, #tpu.memory_space<vmem>>, vector<1x64xf32>
    %get3A_200 = arith.constant 0 : index
    %get3A_201 = arith.constant 0 : index
    %get3A_202 = vector.load %arg5[%get3A_200, %get3A_201] : memref<1x64xf32, #tpu.memory_space<vmem>>, vector<1x64xf32>
    %add3A_203 = vector.broadcast %get3A_202 : vector<1x64xf32> to vector<256x64xf32>
    %add3A_204 = arith.addf %dot_general3A_196, %add3A_203 : vector<256x64xf32>
    %div3A_205 = arith.constant 1.00000501 : f32
    %div3A_206 = vector.broadcast %div3A_205 : f32 to vector<256x64xf32>
    %div3A_207 = arith.divf %add3A_204, %div3A_206 : vector<256x64xf32>
    %mul3A_208 = vector.broadcast %get3A_199 : vector<1x64xf32> to vector<256x64xf32>
    %mul3A_209 = arith.mulf %mul3A_208, %div3A_207 : vector<256x64xf32>
    %get3A_210 = arith.constant 0 : index
    %get3A_211 = arith.constant 0 : index
    %get3A_212 = vector.load %arg7[%get3A_210, %get3A_211] : memref<1x64xf32, #tpu.memory_space<vmem>>, vector<1x64xf32>
    %add3A_213 = vector.broadcast %get3A_212 : vector<1x64xf32> to vector<256x64xf32>
    %add3A_214 = arith.addf %mul3A_209, %add3A_213 : vector<256x64xf32>
    %max3A_215 = arith.maximumf %max3A_184, %add3A_214 : vector<256x64xf32>
    %get3A_216 = arith.constant 0 : index
    %get3A_217 = arith.constant 7 : index
    %get3A_218 = arith.constant 0 : index
    %get3A_219 = arith.constant 0 : index
    %get3A_220 = vector.load %arg3[%get3A_216, %get3A_217, %get3A_218, %get3A_219] : memref<1x16x256x128xf32, #tpu.memory_space<vmem>>, vector<1x1x256x128xf32>
    %get3A_221 = vector.shape_cast %get3A_220 : vector<1x1x256x128xf32> to vector<256x128xf32>
    %slice3A_222 = vector.extract_strided_slice %get3A_221 {offsets = [0, 0], sizes = [256, 16], strides = [1, 1]} : vector<256x128xf32> to vector<256x16xf32>
    %sub3A_223 = arith.subf %slice3A_222, %get3A_3 : vector<256x16xf32>
    %convert_element_type3A_224 = arith.truncf %sub3A_223 : vector<256x16xf32> to vector<256x16xbf16>
    %concatenate3A_225 = tpu.concatenate %convert_element_type3A, %convert_element_type3A_224 in 1 : vector<256x16xbf16>, vector<256x16xbf16> -> vector<256x32xbf16>
    %dot_general3A_226 = arith.constant dense<0.000000e+00> : vector<256x64xf32>
    %dot_general3A_227 = tpu.matmul %concatenate3A_225, %convert_element_type3A_7, %dot_general3A_226 {dimension_numbers = #tpu.dot_dimension_numbers<[1], [0], [0], [1], [0, 0, 1, 1], [], []>, transpose_lhs_hint = false} : vector<256x32xbf16>, vector<32x64xbf16>, vector<256x64xf32> -> vector<256x64xf32>
    %get3A_228 = arith.constant 0 : index
    %get3A_229 = arith.constant 0 : index
    %get3A_230 = vector.load %arg6[%get3A_228, %get3A_229] : memref<1x64xf32, #tpu.memory_space<vmem>>, vector<1x64xf32>
    %get3A_231 = arith.constant 0 : index
    %get3A_232 = arith.constant 0 : index
    %get3A_233 = vector.load %arg5[%get3A_231, %get3A_232] : memref<1x64xf32, #tpu.memory_space<vmem>>, vector<1x64xf32>
    %add3A_234 = vector.broadcast %get3A_233 : vector<1x64xf32> to vector<256x64xf32>
    %add3A_235 = arith.addf %dot_general3A_227, %add3A_234 : vector<256x64xf32>
    %div3A_236 = arith.constant 1.00000501 : f32
    %div3A_237 = vector.broadcast %div3A_236 : f32 to vector<256x64xf32>
    %div3A_238 = arith.divf %add3A_235, %div3A_237 : vector<256x64xf32>
    %mul3A_239 = vector.broadcast %get3A_230 : vector<1x64xf32> to vector<256x64xf32>
    %mul3A_240 = arith.mulf %mul3A_239, %div3A_238 : vector<256x64xf32>
    %get3A_241 = arith.constant 0 : index
    %get3A_242 = arith.constant 0 : index
    %get3A_243 = vector.load %arg7[%get3A_241, %get3A_242] : memref<1x64xf32, #tpu.memory_space<vmem>>, vector<1x64xf32>
    %add3A_244 = vector.broadcast %get3A_243 : vector<1x64xf32> to vector<256x64xf32>
    %add3A_245 = arith.addf %mul3A_240, %add3A_244 : vector<256x64xf32>
    %max3A_246 = arith.maximumf %max3A_215, %add3A_245 : vector<256x64xf32>
    %get3A_247 = arith.constant 0 : index
    %get3A_248 = arith.constant 8 : index
    %get3A_249 = arith.constant 0 : index
    %get3A_250 = arith.constant 0 : index
    %get3A_251 = vector.load %arg3[%get3A_247, %get3A_248, %get3A_249, %get3A_250] : memref<1x16x256x128xf32, #tpu.memory_space<vmem>>, vector<1x1x256x128xf32>
    %get3A_252 = vector.shape_cast %get3A_251 : vector<1x1x256x128xf32> to vector<256x128xf32>
    %slice3A_253 = vector.extract_strided_slice %get3A_252 {offsets = [0, 0], sizes = [256, 16], strides = [1, 1]} : vector<256x128xf32> to vector<256x16xf32>
    %sub3A_254 = arith.subf %slice3A_253, %get3A_3 : vector<256x16xf32>
    %convert_element_type3A_255 = arith.truncf %sub3A_254 : vector<256x16xf32> to vector<256x16xbf16>
    %concatenate3A_256 = tpu.concatenate %convert_element_type3A, %convert_element_type3A_255 in 1 : vector<256x16xbf16>, vector<256x16xbf16> -> vector<256x32xbf16>
    %dot_general3A_257 = arith.constant dense<0.000000e+00> : vector<256x64xf32>
    %dot_general3A_258 = tpu.matmul %concatenate3A_256, %convert_element_type3A_7, %dot_general3A_257 {dimension_numbers = #tpu.dot_dimension_numbers<[1], [0], [0], [1], [0, 0, 1, 1], [], []>, transpose_lhs_hint = false} : vector<256x32xbf16>, vector<32x64xbf16>, vector<256x64xf32> -> vector<256x64xf32>
    %get3A_259 = arith.constant 0 : index
    %get3A_260 = arith.constant 0 : index
    %get3A_261 = vector.load %arg6[%get3A_259, %get3A_260] : memref<1x64xf32, #tpu.memory_space<vmem>>, vector<1x64xf32>
    %get3A_262 = arith.constant 0 : index
    %get3A_263 = arith.constant 0 : index
    %get3A_264 = vector.load %arg5[%get3A_262, %get3A_263] : memref<1x64xf32, #tpu.memory_space<vmem>>, vector<1x64xf32>
    %add3A_265 = vector.broadcast %get3A_264 : vector<1x64xf32> to vector<256x64xf32>
    %add3A_266 = arith.addf %dot_general3A_258, %add3A_265 : vector<256x64xf32>
    %div3A_267 = arith.constant 1.00000501 : f32
    %div3A_268 = vector.broadcast %div3A_267 : f32 to vector<256x64xf32>
    %div3A_269 = arith.divf %add3A_266, %div3A_268 : vector<256x64xf32>
    %mul3A_270 = vector.broadcast %get3A_261 : vector<1x64xf32> to vector<256x64xf32>
    %mul3A_271 = arith.mulf %mul3A_270, %div3A_269 : vector<256x64xf32>
    %get3A_272 = arith.constant 0 : index
    %get3A_273 = arith.constant 0 : index
    %get3A_274 = vector.load %arg7[%get3A_272, %get3A_273] : memref<1x64xf32, #tpu.memory_space<vmem>>, vector<1x64xf32>
    %add3A_275 = vector.broadcast %get3A_274 : vector<1x64xf32> to vector<256x64xf32>
    %add3A_276 = arith.addf %mul3A_271, %add3A_275 : vector<256x64xf32>
    %max3A_277 = arith.maximumf %max3A_246, %add3A_276 : vector<256x64xf32>
    %get3A_278 = arith.constant 0 : index
    %get3A_279 = arith.constant 9 : index
    %get3A_280 = arith.constant 0 : index
    %get3A_281 = arith.constant 0 : index
    %get3A_282 = vector.load %arg3[%get3A_278, %get3A_279, %get3A_280, %get3A_281] : memref<1x16x256x128xf32, #tpu.memory_space<vmem>>, vector<1x1x256x128xf32>
    %get3A_283 = vector.shape_cast %get3A_282 : vector<1x1x256x128xf32> to vector<256x128xf32>
    %slice3A_284 = vector.extract_strided_slice %get3A_283 {offsets = [0, 0], sizes = [256, 16], strides = [1, 1]} : vector<256x128xf32> to vector<256x16xf32>
    %sub3A_285 = arith.subf %slice3A_284, %get3A_3 : vector<256x16xf32>
    %convert_element_type3A_286 = arith.truncf %sub3A_285 : vector<256x16xf32> to vector<256x16xbf16>
    %concatenate3A_287 = tpu.concatenate %convert_element_type3A, %convert_element_type3A_286 in 1 : vector<256x16xbf16>, vector<256x16xbf16> -> vector<256x32xbf16>
    %dot_general3A_288 = arith.constant dense<0.000000e+00> : vector<256x64xf32>
    %dot_general3A_289 = tpu.matmul %concatenate3A_287, %convert_element_type3A_7, %dot_general3A_288 {dimension_numbers = #tpu.dot_dimension_numbers<[1], [0], [0], [1], [0, 0, 1, 1], [], []>, transpose_lhs_hint = false} : vector<256x32xbf16>, vector<32x64xbf16>, vector<256x64xf32> -> vector<256x64xf32>
    %get3A_290 = arith.constant 0 : index
    %get3A_291 = arith.constant 0 : index
    %get3A_292 = vector.load %arg6[%get3A_290, %get3A_291] : memref<1x64xf32, #tpu.memory_space<vmem>>, vector<1x64xf32>
    %get3A_293 = arith.constant 0 : index
    %get3A_294 = arith.constant 0 : index
    %get3A_295 = vector.load %arg5[%get3A_293, %get3A_294] : memref<1x64xf32, #tpu.memory_space<vmem>>, vector<1x64xf32>
    %add3A_296 = vector.broadcast %get3A_295 : vector<1x64xf32> to vector<256x64xf32>
    %add3A_297 = arith.addf %dot_general3A_289, %add3A_296 : vector<256x64xf32>
    %div3A_298 = arith.constant 1.00000501 : f32
    %div3A_299 = vector.broadcast %div3A_298 : f32 to vector<256x64xf32>
    %div3A_300 = arith.divf %add3A_297, %div3A_299 : vector<256x64xf32>
    %mul3A_301 = vector.broadcast %get3A_292 : vector<1x64xf32> to vector<256x64xf32>
    %mul3A_302 = arith.mulf %mul3A_301, %div3A_300 : vector<256x64xf32>
    %get3A_303 = arith.constant 0 : index
    %get3A_304 = arith.constant 0 : index
    %get3A_305 = vector.load %arg7[%get3A_303, %get3A_304] : memref<1x64xf32, #tpu.memory_space<vmem>>, vector<1x64xf32>
    %add3A_306 = vector.broadcast %get3A_305 : vector<1x64xf32> to vector<256x64xf32>
    %add3A_307 = arith.addf %mul3A_302, %add3A_306 : vector<256x64xf32>
    %max3A_308 = arith.maximumf %max3A_277, %add3A_307 : vector<256x64xf32>
    %get3A_309 = arith.constant 0 : index
    %get3A_310 = arith.constant 10 : index
    %get3A_311 = arith.constant 0 : index
    %get3A_312 = arith.constant 0 : index
    %get3A_313 = vector.load %arg3[%get3A_309, %get3A_310, %get3A_311, %get3A_312] : memref<1x16x256x128xf32, #tpu.memory_space<vmem>>, vector<1x1x256x128xf32>
    %get3A_314 = vector.shape_cast %get3A_313 : vector<1x1x256x128xf32> to vector<256x128xf32>
    %slice3A_315 = vector.extract_strided_slice %get3A_314 {offsets = [0, 0], sizes = [256, 16], strides = [1, 1]} : vector<256x128xf32> to vector<256x16xf32>
    %sub3A_316 = arith.subf %slice3A_315, %get3A_3 : vector<256x16xf32>
    %convert_element_type3A_317 = arith.truncf %sub3A_316 : vector<256x16xf32> to vector<256x16xbf16>
    %concatenate3A_318 = tpu.concatenate %convert_element_type3A, %convert_element_type3A_317 in 1 : vector<256x16xbf16>, vector<256x16xbf16> -> vector<256x32xbf16>
    %dot_general3A_319 = arith.constant dense<0.000000e+00> : vector<256x64xf32>
    %dot_general3A_320 = tpu.matmul %concatenate3A_318, %convert_element_type3A_7, %dot_general3A_319 {dimension_numbers = #tpu.dot_dimension_numbers<[1], [0], [0], [1], [0, 0, 1, 1], [], []>, transpose_lhs_hint = false} : vector<256x32xbf16>, vector<32x64xbf16>, vector<256x64xf32> -> vector<256x64xf32>
    %get3A_321 = arith.constant 0 : index
    %get3A_322 = arith.constant 0 : index
    %get3A_323 = vector.load %arg6[%get3A_321, %get3A_322] : memref<1x64xf32, #tpu.memory_space<vmem>>, vector<1x64xf32>
    %get3A_324 = arith.constant 0 : index
    %get3A_325 = arith.constant 0 : index
    %get3A_326 = vector.load %arg5[%get3A_324, %get3A_325] : memref<1x64xf32, #tpu.memory_space<vmem>>, vector<1x64xf32>
    %add3A_327 = vector.broadcast %get3A_326 : vector<1x64xf32> to vector<256x64xf32>
    %add3A_328 = arith.addf %dot_general3A_320, %add3A_327 : vector<256x64xf32>
    %div3A_329 = arith.constant 1.00000501 : f32
    %div3A_330 = vector.broadcast %div3A_329 : f32 to vector<256x64xf32>
    %div3A_331 = arith.divf %add3A_328, %div3A_330 : vector<256x64xf32>
    %mul3A_332 = vector.broadcast %get3A_323 : vector<1x64xf32> to vector<256x64xf32>
    %mul3A_333 = arith.mulf %mul3A_332, %div3A_331 : vector<256x64xf32>
    %get3A_334 = arith.constant 0 : index
    %get3A_335 = arith.constant 0 : index
    %get3A_336 = vector.load %arg7[%get3A_334, %get3A_335] : memref<1x64xf32, #tpu.memory_space<vmem>>, vector<1x64xf32>
    %add3A_337 = vector.broadcast %get3A_336 : vector<1x64xf32> to vector<256x64xf32>
    %add3A_338 = arith.addf %mul3A_333, %add3A_337 : vector<256x64xf32>
    %max3A_339 = arith.maximumf %max3A_308, %add3A_338 : vector<256x64xf32>
    %get3A_340 = arith.constant 0 : index
    %get3A_341 = arith.constant 11 : index
    %get3A_342 = arith.constant 0 : index
    %get3A_343 = arith.constant 0 : index
    %get3A_344 = vector.load %arg3[%get3A_340, %get3A_341, %get3A_342, %get3A_343] : memref<1x16x256x128xf32, #tpu.memory_space<vmem>>, vector<1x1x256x128xf32>
    %get3A_345 = vector.shape_cast %get3A_344 : vector<1x1x256x128xf32> to vector<256x128xf32>
    %slice3A_346 = vector.extract_strided_slice %get3A_345 {offsets = [0, 0], sizes = [256, 16], strides = [1, 1]} : vector<256x128xf32> to vector<256x16xf32>
    %sub3A_347 = arith.subf %slice3A_346, %get3A_3 : vector<256x16xf32>
    %convert_element_type3A_348 = arith.truncf %sub3A_347 : vector<256x16xf32> to vector<256x16xbf16>
    %concatenate3A_349 = tpu.concatenate %convert_element_type3A, %convert_element_type3A_348 in 1 : vector<256x16xbf16>, vector<256x16xbf16> -> vector<256x32xbf16>
    %dot_general3A_350 = arith.constant dense<0.000000e+00> : vector<256x64xf32>
    %dot_general3A_351 = tpu.matmul %concatenate3A_349, %convert_element_type3A_7, %dot_general3A_350 {dimension_numbers = #tpu.dot_dimension_numbers<[1], [0], [0], [1], [0, 0, 1, 1], [], []>, transpose_lhs_hint = false} : vector<256x32xbf16>, vector<32x64xbf16>, vector<256x64xf32> -> vector<256x64xf32>
    %get3A_352 = arith.constant 0 : index
    %get3A_353 = arith.constant 0 : index
    %get3A_354 = vector.load %arg6[%get3A_352, %get3A_353] : memref<1x64xf32, #tpu.memory_space<vmem>>, vector<1x64xf32>
    %get3A_355 = arith.constant 0 : index
    %get3A_356 = arith.constant 0 : index
    %get3A_357 = vector.load %arg5[%get3A_355, %get3A_356] : memref<1x64xf32, #tpu.memory_space<vmem>>, vector<1x64xf32>
    %add3A_358 = vector.broadcast %get3A_357 : vector<1x64xf32> to vector<256x64xf32>
    %add3A_359 = arith.addf %dot_general3A_351, %add3A_358 : vector<256x64xf32>
    %div3A_360 = arith.constant 1.00000501 : f32
    %div3A_361 = vector.broadcast %div3A_360 : f32 to vector<256x64xf32>
    %div3A_362 = arith.divf %add3A_359, %div3A_361 : vector<256x64xf32>
    %mul3A_363 = vector.broadcast %get3A_354 : vector<1x64xf32> to vector<256x64xf32>
    %mul3A_364 = arith.mulf %mul3A_363, %div3A_362 : vector<256x64xf32>
    %get3A_365 = arith.constant 0 : index
    %get3A_366 = arith.constant 0 : index
    %get3A_367 = vector.load %arg7[%get3A_365, %get3A_366] : memref<1x64xf32, #tpu.memory_space<vmem>>, vector<1x64xf32>
    %add3A_368 = vector.broadcast %get3A_367 : vector<1x64xf32> to vector<256x64xf32>
    %add3A_369 = arith.addf %mul3A_364, %add3A_368 : vector<256x64xf32>
    %max3A_370 = arith.maximumf %max3A_339, %add3A_369 : vector<256x64xf32>
    %get3A_371 = arith.constant 0 : index
    %get3A_372 = arith.constant 12 : index
    %get3A_373 = arith.constant 0 : index
    %get3A_374 = arith.constant 0 : index
    %get3A_375 = vector.load %arg3[%get3A_371, %get3A_372, %get3A_373, %get3A_374] : memref<1x16x256x128xf32, #tpu.memory_space<vmem>>, vector<1x1x256x128xf32>
    %get3A_376 = vector.shape_cast %get3A_375 : vector<1x1x256x128xf32> to vector<256x128xf32>
    %slice3A_377 = vector.extract_strided_slice %get3A_376 {offsets = [0, 0], sizes = [256, 16], strides = [1, 1]} : vector<256x128xf32> to vector<256x16xf32>
    %sub3A_378 = arith.subf %slice3A_377, %get3A_3 : vector<256x16xf32>
    %convert_element_type3A_379 = arith.truncf %sub3A_378 : vector<256x16xf32> to vector<256x16xbf16>
    %concatenate3A_380 = tpu.concatenate %convert_element_type3A, %convert_element_type3A_379 in 1 : vector<256x16xbf16>, vector<256x16xbf16> -> vector<256x32xbf16>
    %dot_general3A_381 = arith.constant dense<0.000000e+00> : vector<256x64xf32>
    %dot_general3A_382 = tpu.matmul %concatenate3A_380, %convert_element_type3A_7, %dot_general3A_381 {dimension_numbers = #tpu.dot_dimension_numbers<[1], [0], [0], [1], [0, 0, 1, 1], [], []>, transpose_lhs_hint = false} : vector<256x32xbf16>, vector<32x64xbf16>, vector<256x64xf32> -> vector<256x64xf32>
    %get3A_383 = arith.constant 0 : index
    %get3A_384 = arith.constant 0 : index
    %get3A_385 = vector.load %arg6[%get3A_383, %get3A_384] : memref<1x64xf32, #tpu.memory_space<vmem>>, vector<1x64xf32>
    %get3A_386 = arith.constant 0 : index
    %get3A_387 = arith.constant 0 : index
    %get3A_388 = vector.load %arg5[%get3A_386, %get3A_387] : memref<1x64xf32, #tpu.memory_space<vmem>>, vector<1x64xf32>
    %add3A_389 = vector.broadcast %get3A_388 : vector<1x64xf32> to vector<256x64xf32>
    %add3A_390 = arith.addf %dot_general3A_382, %add3A_389 : vector<256x64xf32>
    %div3A_391 = arith.constant 1.00000501 : f32
    %div3A_392 = vector.broadcast %div3A_391 : f32 to vector<256x64xf32>
    %div3A_393 = arith.divf %add3A_390, %div3A_392 : vector<256x64xf32>
    %mul3A_394 = vector.broadcast %get3A_385 : vector<1x64xf32> to vector<256x64xf32>
    %mul3A_395 = arith.mulf %mul3A_394, %div3A_393 : vector<256x64xf32>
    %get3A_396 = arith.constant 0 : index
    %get3A_397 = arith.constant 0 : index
    %get3A_398 = vector.load %arg7[%get3A_396, %get3A_397] : memref<1x64xf32, #tpu.memory_space<vmem>>, vector<1x64xf32>
    %add3A_399 = vector.broadcast %get3A_398 : vector<1x64xf32> to vector<256x64xf32>
    %add3A_400 = arith.addf %mul3A_395, %add3A_399 : vector<256x64xf32>
    %max3A_401 = arith.maximumf %max3A_370, %add3A_400 : vector<256x64xf32>
    %get3A_402 = arith.constant 0 : index
    %get3A_403 = arith.constant 13 : index
    %get3A_404 = arith.constant 0 : index
    %get3A_405 = arith.constant 0 : index
    %get3A_406 = vector.load %arg3[%get3A_402, %get3A_403, %get3A_404, %get3A_405] : memref<1x16x256x128xf32, #tpu.memory_space<vmem>>, vector<1x1x256x128xf32>
    %get3A_407 = vector.shape_cast %get3A_406 : vector<1x1x256x128xf32> to vector<256x128xf32>
    %slice3A_408 = vector.extract_strided_slice %get3A_407 {offsets = [0, 0], sizes = [256, 16], strides = [1, 1]} : vector<256x128xf32> to vector<256x16xf32>
    %sub3A_409 = arith.subf %slice3A_408, %get3A_3 : vector<256x16xf32>
    %convert_element_type3A_410 = arith.truncf %sub3A_409 : vector<256x16xf32> to vector<256x16xbf16>
    %concatenate3A_411 = tpu.concatenate %convert_element_type3A, %convert_element_type3A_410 in 1 : vector<256x16xbf16>, vector<256x16xbf16> -> vector<256x32xbf16>
    %dot_general3A_412 = arith.constant dense<0.000000e+00> : vector<256x64xf32>
    %dot_general3A_413 = tpu.matmul %concatenate3A_411, %convert_element_type3A_7, %dot_general3A_412 {dimension_numbers = #tpu.dot_dimension_numbers<[1], [0], [0], [1], [0, 0, 1, 1], [], []>, transpose_lhs_hint = false} : vector<256x32xbf16>, vector<32x64xbf16>, vector<256x64xf32> -> vector<256x64xf32>
    %get3A_414 = arith.constant 0 : index
    %get3A_415 = arith.constant 0 : index
    %get3A_416 = vector.load %arg6[%get3A_414, %get3A_415] : memref<1x64xf32, #tpu.memory_space<vmem>>, vector<1x64xf32>
    %get3A_417 = arith.constant 0 : index
    %get3A_418 = arith.constant 0 : index
    %get3A_419 = vector.load %arg5[%get3A_417, %get3A_418] : memref<1x64xf32, #tpu.memory_space<vmem>>, vector<1x64xf32>
    %add3A_420 = vector.broadcast %get3A_419 : vector<1x64xf32> to vector<256x64xf32>
    %add3A_421 = arith.addf %dot_general3A_413, %add3A_420 : vector<256x64xf32>
    %div3A_422 = arith.constant 1.00000501 : f32
    %div3A_423 = vector.broadcast %div3A_422 : f32 to vector<256x64xf32>
    %div3A_424 = arith.divf %add3A_421, %div3A_423 : vector<256x64xf32>
    %mul3A_425 = vector.broadcast %get3A_416 : vector<1x64xf32> to vector<256x64xf32>
    %mul3A_426 = arith.mulf %mul3A_425, %div3A_424 : vector<256x64xf32>
    %get3A_427 = arith.constant 0 : index
    %get3A_428 = arith.constant 0 : index
    %get3A_429 = vector.load %arg7[%get3A_427, %get3A_428] : memref<1x64xf32, #tpu.memory_space<vmem>>, vector<1x64xf32>
    %add3A_430 = vector.broadcast %get3A_429 : vector<1x64xf32> to vector<256x64xf32>
    %add3A_431 = arith.addf %mul3A_426, %add3A_430 : vector<256x64xf32>
    %max3A_432 = arith.maximumf %max3A_401, %add3A_431 : vector<256x64xf32>
    %get3A_433 = arith.constant 0 : index
    %get3A_434 = arith.constant 14 : index
    %get3A_435 = arith.constant 0 : index
    %get3A_436 = arith.constant 0 : index
    %get3A_437 = vector.load %arg3[%get3A_433, %get3A_434, %get3A_435, %get3A_436] : memref<1x16x256x128xf32, #tpu.memory_space<vmem>>, vector<1x1x256x128xf32>
    %get3A_438 = vector.shape_cast %get3A_437 : vector<1x1x256x128xf32> to vector<256x128xf32>
    %slice3A_439 = vector.extract_strided_slice %get3A_438 {offsets = [0, 0], sizes = [256, 16], strides = [1, 1]} : vector<256x128xf32> to vector<256x16xf32>
    %sub3A_440 = arith.subf %slice3A_439, %get3A_3 : vector<256x16xf32>
    %convert_element_type3A_441 = arith.truncf %sub3A_440 : vector<256x16xf32> to vector<256x16xbf16>
    %concatenate3A_442 = tpu.concatenate %convert_element_type3A, %convert_element_type3A_441 in 1 : vector<256x16xbf16>, vector<256x16xbf16> -> vector<256x32xbf16>
    %dot_general3A_443 = arith.constant dense<0.000000e+00> : vector<256x64xf32>
    %dot_general3A_444 = tpu.matmul %concatenate3A_442, %convert_element_type3A_7, %dot_general3A_443 {dimension_numbers = #tpu.dot_dimension_numbers<[1], [0], [0], [1], [0, 0, 1, 1], [], []>, transpose_lhs_hint = false} : vector<256x32xbf16>, vector<32x64xbf16>, vector<256x64xf32> -> vector<256x64xf32>
    %get3A_445 = arith.constant 0 : index
    %get3A_446 = arith.constant 0 : index
    %get3A_447 = vector.load %arg6[%get3A_445, %get3A_446] : memref<1x64xf32, #tpu.memory_space<vmem>>, vector<1x64xf32>
    %get3A_448 = arith.constant 0 : index
    %get3A_449 = arith.constant 0 : index
    %get3A_450 = vector.load %arg5[%get3A_448, %get3A_449] : memref<1x64xf32, #tpu.memory_space<vmem>>, vector<1x64xf32>
    %add3A_451 = vector.broadcast %get3A_450 : vector<1x64xf32> to vector<256x64xf32>
    %add3A_452 = arith.addf %dot_general3A_444, %add3A_451 : vector<256x64xf32>
    %div3A_453 = arith.constant 1.00000501 : f32
    %div3A_454 = vector.broadcast %div3A_453 : f32 to vector<256x64xf32>
    %div3A_455 = arith.divf %add3A_452, %div3A_454 : vector<256x64xf32>
    %mul3A_456 = vector.broadcast %get3A_447 : vector<1x64xf32> to vector<256x64xf32>
    %mul3A_457 = arith.mulf %mul3A_456, %div3A_455 : vector<256x64xf32>
    %get3A_458 = arith.constant 0 : index
    %get3A_459 = arith.constant 0 : index
    %get3A_460 = vector.load %arg7[%get3A_458, %get3A_459] : memref<1x64xf32, #tpu.memory_space<vmem>>, vector<1x64xf32>
    %add3A_461 = vector.broadcast %get3A_460 : vector<1x64xf32> to vector<256x64xf32>
    %add3A_462 = arith.addf %mul3A_457, %add3A_461 : vector<256x64xf32>
    %max3A_463 = arith.maximumf %max3A_432, %add3A_462 : vector<256x64xf32>
    %get3A_464 = arith.constant 0 : index
    %get3A_465 = arith.constant 15 : index
    %get3A_466 = arith.constant 0 : index
    %get3A_467 = arith.constant 0 : index
    %get3A_468 = vector.load %arg3[%get3A_464, %get3A_465, %get3A_466, %get3A_467] : memref<1x16x256x128xf32, #tpu.memory_space<vmem>>, vector<1x1x256x128xf32>
    %get3A_469 = vector.shape_cast %get3A_468 : vector<1x1x256x128xf32> to vector<256x128xf32>
    %slice3A_470 = vector.extract_strided_slice %get3A_469 {offsets = [0, 0], sizes = [256, 16], strides = [1, 1]} : vector<256x128xf32> to vector<256x16xf32>
    %sub3A_471 = arith.subf %slice3A_470, %get3A_3 : vector<256x16xf32>
    %convert_element_type3A_472 = arith.truncf %sub3A_471 : vector<256x16xf32> to vector<256x16xbf16>
    %concatenate3A_473 = tpu.concatenate %convert_element_type3A, %convert_element_type3A_472 in 1 : vector<256x16xbf16>, vector<256x16xbf16> -> vector<256x32xbf16>
    %dot_general3A_474 = arith.constant dense<0.000000e+00> : vector<256x64xf32>
    %dot_general3A_475 = tpu.matmul %concatenate3A_473, %convert_element_type3A_7, %dot_general3A_474 {dimension_numbers = #tpu.dot_dimension_numbers<[1], [0], [0], [1], [0, 0, 1, 1], [], []>, transpose_lhs_hint = false} : vector<256x32xbf16>, vector<32x64xbf16>, vector<256x64xf32> -> vector<256x64xf32>
    %get3A_476 = arith.constant 0 : index
    %get3A_477 = arith.constant 0 : index
    %get3A_478 = vector.load %arg6[%get3A_476, %get3A_477] : memref<1x64xf32, #tpu.memory_space<vmem>>, vector<1x64xf32>
    %get3A_479 = arith.constant 0 : index
    %get3A_480 = arith.constant 0 : index
    %get3A_481 = vector.load %arg5[%get3A_479, %get3A_480] : memref<1x64xf32, #tpu.memory_space<vmem>>, vector<1x64xf32>
    %add3A_482 = vector.broadcast %get3A_481 : vector<1x64xf32> to vector<256x64xf32>
    %add3A_483 = arith.addf %dot_general3A_475, %add3A_482 : vector<256x64xf32>
    %div3A_484 = arith.constant 1.00000501 : f32
    %div3A_485 = vector.broadcast %div3A_484 : f32 to vector<256x64xf32>
    %div3A_486 = arith.divf %add3A_483, %div3A_485 : vector<256x64xf32>
    %mul3A_487 = vector.broadcast %get3A_478 : vector<1x64xf32> to vector<256x64xf32>
    %mul3A_488 = arith.mulf %mul3A_487, %div3A_486 : vector<256x64xf32>
    %get3A_489 = arith.constant 0 : index
    %get3A_490 = arith.constant 0 : index
    %get3A_491 = vector.load %arg7[%get3A_489, %get3A_490] : memref<1x64xf32, #tpu.memory_space<vmem>>, vector<1x64xf32>
    %add3A_492 = vector.broadcast %get3A_491 : vector<1x64xf32> to vector<256x64xf32>
    %add3A_493 = arith.addf %mul3A_488, %add3A_492 : vector<256x64xf32>
    %max3A_494 = arith.maximumf %max3A_463, %add3A_493 : vector<256x64xf32>
    %max3A_495 = arith.constant 0.000000e+00 : f32
    %max3A_496 = vector.broadcast %max3A_495 : f32 to vector<256x64xf32>
    %max3A_497 = arith.maximumf %max3A_494, %max3A_496 : vector<256x64xf32>
    %swap3A = arith.constant 0 : index
    %swap3A_498 = arith.constant 0 : index
    %swap3A_499 = arith.constant 0 : index
    %swap3A_500 = vector.load %arg8[%swap3A, %swap3A_498, %swap3A_499] : memref<1x256x128xf32, #tpu.memory_space<vmem>>, vector<1x256x64xf32>
    %swap3A_501 = vector.shape_cast %swap3A_500 : vector<1x256x64xf32> to vector<256x64xf32>
    %swap3A_502 = vector.shape_cast %max3A_497 : vector<256x64xf32> to vector<1x256x64xf32>
    tpu.vector_store %arg8[%swap3A, %swap3A_498, %swap3A_499], %swap3A_502 {strides = array<i32>} : memref<1x256x128xf32, #tpu.memory_space<vmem>>, vector<1x256x64xf32>,
    return
  }
  func.func @transform_0(%arg0: i32, %arg1: i32) -> (i32, i32, i32) {
    %c0_i32 = arith.constant 0 : i32
    %c0_i32_0 = arith.constant 0 : i32
    return %arg0, %arg1, %c0_i32 : i32, i32, i32
  }
  func.func @transform_1(%arg0: i32, %arg1: i32) -> (i32, i32, i32, i32) {
    %c0_i32 = arith.constant 0 : i32
    %c0_i32_0 = arith.constant 0 : i32
    %c0_i32_1 = arith.constant 0 : i32
    return %arg0, %c0_i32, %arg1, %c0_i32_0 : i32, i32, i32, i32
  }
  func.func @transform_2(%arg0: i32, %arg1: i32) -> (i32, i32) {
    %c0_i32 = arith.constant 0 : i32
    %c0_i32_0 = arith.constant 0 : i32
    %c0_i32_1 = arith.constant 0 : i32
    return %c0_i32, %c0_i32_0 : i32, i32
  }
  func.func @transform_3(%arg0: i32, %arg1: i32) -> (i32, i32) {
    %c0_i32 = arith.constant 0 : i32
    %c0_i32_0 = arith.constant 0 : i32
    %c0_i32_1 = arith.constant 0 : i32
    return %c0_i32, %c0_i32_0 : i32, i32
  }
  func.func @transform_4(%arg0: i32, %arg1: i32) -> (i32, i32) {
    %c0_i32 = arith.constant 0 : i32
    %c0_i32_0 = arith.constant 0 : i32
    %c0_i32_1 = arith.constant 0 : i32
    return %c0_i32, %c0_i32_0 : i32, i32
  }
  func.func @transform_5(%arg0: i32, %arg1: i32) -> (i32, i32) {
    %c0_i32 = arith.constant 0 : i32
    %c0_i32_0 = arith.constant 0 : i32
    %c0_i32_1 = arith.constant 0 : i32
    return %c0_i32, %c0_i32_0 : i32, i32
  }
  func.func @transform_6(%arg0: i32, %arg1: i32) -> (i32, i32, i32) {
    %c0_i32 = arith.constant 0 : i32
    %c0_i32_0 = arith.constant 0 : i32
    return %arg0, %arg1, %c0_i32 : i32, i32, i32
  }
}

module attributes {stable_mosaic.version = 14 : i64} {
  func.func @body(%arg0: i32, %arg1: i32, %arg2: memref<1x2048x128xf32, #tpu.memory_space<vmem>>, %arg3: memref<1x16x256xi32, #tpu.memory_space<vmem>>) attributes {dimension_semantics = [#tpu.dimension_semantics<arbitrary>, #tpu.dimension_semantics<arbitrary>], iteration_bounds = array<i64: 4, 8>, scalar_prefetch = 0 : i64, scratch_operands = 0 : i64, tpu.core_type = #tpu.core_type<tc>, window_params = [{transform_indices = @transform_0, window_bounds = array<i64: 1, 2048, 128>}, {transform_indices = @transform_1, window_bounds = array<i64: 1, 16, 256>}]} {
    %mul3A = arith.constant 256 : i32
    %mul3A_0 = arith.muli %arg1, %mul3A : i32
    %multiple_of3A = tpu.assume_multiple %mul3A_0, 256 : i32
    %get3A = arith.constant 0 : index
    %get3A_1 = arith.constant 0 : index
    %get3A_2 = arith.constant 0 : index
    %get3A_3 = vector.load %arg2[%get3A, %get3A_1, %get3A_2] : memref<1x2048x128xf32, #tpu.memory_space<vmem>>, vector<1x2048x128xf32>
    %get3A_4 = vector.shape_cast %get3A_3 : vector<1x2048x128xf32> to vector<2048x128xf32>
    %get3A_5 = arith.constant 0 : index
    %get3A_6 = arith.index_cast %multiple_of3A : i32 to index
    %get3A_7 = arith.constant 0 : index
    %get3A_8 = vector.load %arg2[%get3A_5, %get3A_6, %get3A_7] : memref<1x2048x128xf32, #tpu.memory_space<vmem>>, vector<1x256x128xf32>
    %get3A_9 = vector.shape_cast %get3A_8 : vector<1x256x128xf32> to vector<256x128xf32>
    %slice3A = vector.extract_strided_slice %get3A_4 {offsets = [0, 0], sizes = [2048, 64], strides = [1, 1]} : vector<2048x128xf32> to vector<2048x64xf32>
    %slice3A_10 = vector.extract_strided_slice %get3A_9 {offsets = [0, 0], sizes = [256, 64], strides = [1, 1]} : vector<256x128xf32> to vector<256x64xf32>
    %convert_element_type3A = arith.truncf %slice3A_10 : vector<256x64xf32> to vector<256x64xbf16>
    %convert_element_type3A_11 = arith.truncf %slice3A : vector<2048x64xf32> to vector<2048x64xbf16>
    %dot_general3A = arith.constant dense<0.000000e+00> : vector<256x2048xf32>
    %dot_general3A_12 = tpu.matmul %convert_element_type3A, %convert_element_type3A_11, %dot_general3A {dimension_numbers = #tpu.dot_dimension_numbers<[1], [1], [0], [0], [0, 0, 1, 0], [], []>, transpose_lhs_hint = false} : vector<256x64xbf16>, vector<2048x64xbf16>, vector<256x2048xf32> -> vector<256x2048xf32>
    %mul3A_13 = arith.mulf %slice3A_10, %slice3A_10 : vector<256x64xf32>
    %reduce_sum3A = arith.constant dense<0.000000e+00> : vector<256xf32>
    %reduce_sum3A_14 = vector.multi_reduction <add>, %mul3A_13, %reduce_sum3A [1] : vector<256x64xf32> to vector<256xf32>
    %broadcast_in_dim3A = vector.shape_cast %reduce_sum3A_14 : vector<256xf32> to vector<256x1xf32>
    %broadcast_in_dim3A_15 = arith.constant 1.000000e+00 : f32
    %broadcast_in_dim3A_16 = vector.broadcast %broadcast_in_dim3A_15 : f32 to vector<1x64xf32>
    %mul3A_17 = arith.mulf %slice3A, %slice3A : vector<2048x64xf32>
    %dot_general3A_18 = arith.constant dense<0.000000e+00> : vector<1x2048xf32>
    %dot_general3A_19 = tpu.matmul %broadcast_in_dim3A_16, %mul3A_17, %dot_general3A_18 {dimension_numbers = #tpu.dot_dimension_numbers<[1], [1], [0], [0], [0, 0, 1, 0], [], []>, precision = #tpu.contract_precision<fp32>, transpose_lhs_hint = false} : vector<1x64xf32>, vector<2048x64xf32>, vector<1x2048xf32> -> vector<1x2048xf32>
    %mul3A_20 = arith.constant 2.000000e+00 : f32
    %mul3A_21 = vector.broadcast %mul3A_20 : f32 to vector<256x2048xf32>
    %mul3A_22 = arith.mulf %mul3A_21, %dot_general3A_12 : vector<256x2048xf32>
    %sub3A = vector.broadcast %broadcast_in_dim3A : vector<256x1xf32> to vector<256x2048xf32>
    %sub3A_23 = arith.subf %mul3A_22, %sub3A : vector<256x2048xf32>
    %sub3A_24 = vector.broadcast %dot_general3A_19 : vector<1x2048xf32> to vector<256x2048xf32>
    %sub3A_25 = arith.subf %sub3A_23, %sub3A_24 : vector<256x2048xf32>
    %mul3A_26 = arith.constant 2048 : i32
    %mul3A_27 = arith.muli %arg0, %mul3A_26 : i32
    %iota3A = tpu.iota {dimensions = array<i32: 1>} : vector<256x2048xi32>
    %argmax3A = tpu.reduce_index %sub3A_25 {axis = 1 : i32, kind = #tpu.reduction_kind<arg_max>} : vector<256x2048xf32> -> vector<256xi32>
    %broadcast_in_dim3A_28 = vector.shape_cast %argmax3A : vector<256xi32> to vector<1x256xi32>
    %add3A = vector.broadcast %mul3A_27 : i32 to vector<1x256xi32>
    %add3A_29 = arith.addi %broadcast_in_dim3A_28, %add3A : vector<1x256xi32>
    %broadcast_in_dim3A_30 = vector.shape_cast %argmax3A : vector<256xi32> to vector<256x1xi32>
    %eq3A = vector.broadcast %broadcast_in_dim3A_30 : vector<256x1xi32> to vector<256x2048xi32>
    %eq3A_31 = arith.cmpi eq, %iota3A, %eq3A : vector<256x2048xi32>
    %jit3A = arith.constant 0xFF800000 : f32
    %broadcast_in_dim3A_32 = vector.broadcast %jit3A : f32 to vector<256x2048xf32>
    %select_n3A = arith.select %eq3A_31, %broadcast_in_dim3A_32, %sub3A_25 : vector<256x2048xi1>, vector<256x2048xf32>
    %argmax3A_33 = tpu.reduce_index %select_n3A {axis = 1 : i32, kind = #tpu.reduction_kind<arg_max>} : vector<256x2048xf32> -> vector<256xi32>
    %broadcast_in_dim3A_34 = vector.shape_cast %argmax3A_33 : vector<256xi32> to vector<1x256xi32>
    %add3A_35 = vector.broadcast %mul3A_27 : i32 to vector<1x256xi32>
    %add3A_36 = arith.addi %broadcast_in_dim3A_34, %add3A_35 : vector<1x256xi32>
    %broadcast_in_dim3A_37 = vector.shape_cast %argmax3A_33 : vector<256xi32> to vector<256x1xi32>
    %eq3A_38 = vector.broadcast %broadcast_in_dim3A_37 : vector<256x1xi32> to vector<256x2048xi32>
    %eq3A_39 = arith.cmpi eq, %iota3A, %eq3A_38 : vector<256x2048xi32>
    %jit3A_40 = arith.constant 0xFF800000 : f32
    %broadcast_in_dim3A_41 = vector.broadcast %jit3A_40 : f32 to vector<256x2048xf32>
    %select_n3A_42 = arith.select %eq3A_39, %broadcast_in_dim3A_41, %select_n3A : vector<256x2048xi1>, vector<256x2048xf32>
    %argmax3A_43 = tpu.reduce_index %select_n3A_42 {axis = 1 : i32, kind = #tpu.reduction_kind<arg_max>} : vector<256x2048xf32> -> vector<256xi32>
    %broadcast_in_dim3A_44 = vector.shape_cast %argmax3A_43 : vector<256xi32> to vector<1x256xi32>
    %add3A_45 = vector.broadcast %mul3A_27 : i32 to vector<1x256xi32>
    %add3A_46 = arith.addi %broadcast_in_dim3A_44, %add3A_45 : vector<1x256xi32>
    %broadcast_in_dim3A_47 = vector.shape_cast %argmax3A_43 : vector<256xi32> to vector<256x1xi32>
    %eq3A_48 = vector.broadcast %broadcast_in_dim3A_47 : vector<256x1xi32> to vector<256x2048xi32>
    %eq3A_49 = arith.cmpi eq, %iota3A, %eq3A_48 : vector<256x2048xi32>
    %jit3A_50 = arith.constant 0xFF800000 : f32
    %broadcast_in_dim3A_51 = vector.broadcast %jit3A_50 : f32 to vector<256x2048xf32>
    %select_n3A_52 = arith.select %eq3A_49, %broadcast_in_dim3A_51, %select_n3A_42 : vector<256x2048xi1>, vector<256x2048xf32>
    %argmax3A_53 = tpu.reduce_index %select_n3A_52 {axis = 1 : i32, kind = #tpu.reduction_kind<arg_max>} : vector<256x2048xf32> -> vector<256xi32>
    %broadcast_in_dim3A_54 = vector.shape_cast %argmax3A_53 : vector<256xi32> to vector<1x256xi32>
    %add3A_55 = vector.broadcast %mul3A_27 : i32 to vector<1x256xi32>
    %add3A_56 = arith.addi %broadcast_in_dim3A_54, %add3A_55 : vector<1x256xi32>
    %broadcast_in_dim3A_57 = vector.shape_cast %argmax3A_53 : vector<256xi32> to vector<256x1xi32>
    %eq3A_58 = vector.broadcast %broadcast_in_dim3A_57 : vector<256x1xi32> to vector<256x2048xi32>
    %eq3A_59 = arith.cmpi eq, %iota3A, %eq3A_58 : vector<256x2048xi32>
    %jit3A_60 = arith.constant 0xFF800000 : f32
    %broadcast_in_dim3A_61 = vector.broadcast %jit3A_60 : f32 to vector<256x2048xf32>
    %select_n3A_62 = arith.select %eq3A_59, %broadcast_in_dim3A_61, %select_n3A_52 : vector<256x2048xi1>, vector<256x2048xf32>
    %argmax3A_63 = tpu.reduce_index %select_n3A_62 {axis = 1 : i32, kind = #tpu.reduction_kind<arg_max>} : vector<256x2048xf32> -> vector<256xi32>
    %broadcast_in_dim3A_64 = vector.shape_cast %argmax3A_63 : vector<256xi32> to vector<1x256xi32>
    %add3A_65 = vector.broadcast %mul3A_27 : i32 to vector<1x256xi32>
    %add3A_66 = arith.addi %broadcast_in_dim3A_64, %add3A_65 : vector<1x256xi32>
    %broadcast_in_dim3A_67 = vector.shape_cast %argmax3A_63 : vector<256xi32> to vector<256x1xi32>
    %eq3A_68 = vector.broadcast %broadcast_in_dim3A_67 : vector<256x1xi32> to vector<256x2048xi32>
    %eq3A_69 = arith.cmpi eq, %iota3A, %eq3A_68 : vector<256x2048xi32>
    %jit3A_70 = arith.constant 0xFF800000 : f32
    %broadcast_in_dim3A_71 = vector.broadcast %jit3A_70 : f32 to vector<256x2048xf32>
    %select_n3A_72 = arith.select %eq3A_69, %broadcast_in_dim3A_71, %select_n3A_62 : vector<256x2048xi1>, vector<256x2048xf32>
    %argmax3A_73 = tpu.reduce_index %select_n3A_72 {axis = 1 : i32, kind = #tpu.reduction_kind<arg_max>} : vector<256x2048xf32> -> vector<256xi32>
    %broadcast_in_dim3A_74 = vector.shape_cast %argmax3A_73 : vector<256xi32> to vector<1x256xi32>
    %add3A_75 = vector.broadcast %mul3A_27 : i32 to vector<1x256xi32>
    %add3A_76 = arith.addi %broadcast_in_dim3A_74, %add3A_75 : vector<1x256xi32>
    %broadcast_in_dim3A_77 = vector.shape_cast %argmax3A_73 : vector<256xi32> to vector<256x1xi32>
    %eq3A_78 = vector.broadcast %broadcast_in_dim3A_77 : vector<256x1xi32> to vector<256x2048xi32>
    %eq3A_79 = arith.cmpi eq, %iota3A, %eq3A_78 : vector<256x2048xi32>
    %jit3A_80 = arith.constant 0xFF800000 : f32
    %broadcast_in_dim3A_81 = vector.broadcast %jit3A_80 : f32 to vector<256x2048xf32>
    %select_n3A_82 = arith.select %eq3A_79, %broadcast_in_dim3A_81, %select_n3A_72 : vector<256x2048xi1>, vector<256x2048xf32>
    %argmax3A_83 = tpu.reduce_index %select_n3A_82 {axis = 1 : i32, kind = #tpu.reduction_kind<arg_max>} : vector<256x2048xf32> -> vector<256xi32>
    %broadcast_in_dim3A_84 = vector.shape_cast %argmax3A_83 : vector<256xi32> to vector<1x256xi32>
    %add3A_85 = vector.broadcast %mul3A_27 : i32 to vector<1x256xi32>
    %add3A_86 = arith.addi %broadcast_in_dim3A_84, %add3A_85 : vector<1x256xi32>
    %broadcast_in_dim3A_87 = vector.shape_cast %argmax3A_83 : vector<256xi32> to vector<256x1xi32>
    %eq3A_88 = vector.broadcast %broadcast_in_dim3A_87 : vector<256x1xi32> to vector<256x2048xi32>
    %eq3A_89 = arith.cmpi eq, %iota3A, %eq3A_88 : vector<256x2048xi32>
    %jit3A_90 = arith.constant 0xFF800000 : f32
    %broadcast_in_dim3A_91 = vector.broadcast %jit3A_90 : f32 to vector<256x2048xf32>
    %select_n3A_92 = arith.select %eq3A_89, %broadcast_in_dim3A_91, %select_n3A_82 : vector<256x2048xi1>, vector<256x2048xf32>
    %argmax3A_93 = tpu.reduce_index %select_n3A_92 {axis = 1 : i32, kind = #tpu.reduction_kind<arg_max>} : vector<256x2048xf32> -> vector<256xi32>
    %broadcast_in_dim3A_94 = vector.shape_cast %argmax3A_93 : vector<256xi32> to vector<1x256xi32>
    %add3A_95 = vector.broadcast %mul3A_27 : i32 to vector<1x256xi32>
    %add3A_96 = arith.addi %broadcast_in_dim3A_94, %add3A_95 : vector<1x256xi32>
    %broadcast_in_dim3A_97 = vector.shape_cast %argmax3A_93 : vector<256xi32> to vector<256x1xi32>
    %eq3A_98 = vector.broadcast %broadcast_in_dim3A_97 : vector<256x1xi32> to vector<256x2048xi32>
    %eq3A_99 = arith.cmpi eq, %iota3A, %eq3A_98 : vector<256x2048xi32>
    %jit3A_100 = arith.constant 0xFF800000 : f32
    %broadcast_in_dim3A_101 = vector.broadcast %jit3A_100 : f32 to vector<256x2048xf32>
    %select_n3A_102 = arith.select %eq3A_99, %broadcast_in_dim3A_101, %select_n3A_92 : vector<256x2048xi1>, vector<256x2048xf32>
    %argmax3A_103 = tpu.reduce_index %select_n3A_102 {axis = 1 : i32, kind = #tpu.reduction_kind<arg_max>} : vector<256x2048xf32> -> vector<256xi32>
    %broadcast_in_dim3A_104 = vector.shape_cast %argmax3A_103 : vector<256xi32> to vector<1x256xi32>
    %add3A_105 = vector.broadcast %mul3A_27 : i32 to vector<1x256xi32>
    %add3A_106 = arith.addi %broadcast_in_dim3A_104, %add3A_105 : vector<1x256xi32>
    %broadcast_in_dim3A_107 = vector.shape_cast %argmax3A_103 : vector<256xi32> to vector<256x1xi32>
    %eq3A_108 = vector.broadcast %broadcast_in_dim3A_107 : vector<256x1xi32> to vector<256x2048xi32>
    %eq3A_109 = arith.cmpi eq, %iota3A, %eq3A_108 : vector<256x2048xi32>
    %jit3A_110 = arith.constant 0xFF800000 : f32
    %broadcast_in_dim3A_111 = vector.broadcast %jit3A_110 : f32 to vector<256x2048xf32>
    %select_n3A_112 = arith.select %eq3A_109, %broadcast_in_dim3A_111, %select_n3A_102 : vector<256x2048xi1>, vector<256x2048xf32>
    %argmax3A_113 = tpu.reduce_index %select_n3A_112 {axis = 1 : i32, kind = #tpu.reduction_kind<arg_max>} : vector<256x2048xf32> -> vector<256xi32>
    %broadcast_in_dim3A_114 = vector.shape_cast %argmax3A_113 : vector<256xi32> to vector<1x256xi32>
    %add3A_115 = vector.broadcast %mul3A_27 : i32 to vector<1x256xi32>
    %add3A_116 = arith.addi %broadcast_in_dim3A_114, %add3A_115 : vector<1x256xi32>
    %broadcast_in_dim3A_117 = vector.shape_cast %argmax3A_113 : vector<256xi32> to vector<256x1xi32>
    %eq3A_118 = vector.broadcast %broadcast_in_dim3A_117 : vector<256x1xi32> to vector<256x2048xi32>
    %eq3A_119 = arith.cmpi eq, %iota3A, %eq3A_118 : vector<256x2048xi32>
    %jit3A_120 = arith.constant 0xFF800000 : f32
    %broadcast_in_dim3A_121 = vector.broadcast %jit3A_120 : f32 to vector<256x2048xf32>
    %select_n3A_122 = arith.select %eq3A_119, %broadcast_in_dim3A_121, %select_n3A_112 : vector<256x2048xi1>, vector<256x2048xf32>
    %argmax3A_123 = tpu.reduce_index %select_n3A_122 {axis = 1 : i32, kind = #tpu.reduction_kind<arg_max>} : vector<256x2048xf32> -> vector<256xi32>
    %broadcast_in_dim3A_124 = vector.shape_cast %argmax3A_123 : vector<256xi32> to vector<1x256xi32>
    %add3A_125 = vector.broadcast %mul3A_27 : i32 to vector<1x256xi32>
    %add3A_126 = arith.addi %broadcast_in_dim3A_124, %add3A_125 : vector<1x256xi32>
    %broadcast_in_dim3A_127 = vector.shape_cast %argmax3A_123 : vector<256xi32> to vector<256x1xi32>
    %eq3A_128 = vector.broadcast %broadcast_in_dim3A_127 : vector<256x1xi32> to vector<256x2048xi32>
    %eq3A_129 = arith.cmpi eq, %iota3A, %eq3A_128 : vector<256x2048xi32>
    %jit3A_130 = arith.constant 0xFF800000 : f32
    %broadcast_in_dim3A_131 = vector.broadcast %jit3A_130 : f32 to vector<256x2048xf32>
    %select_n3A_132 = arith.select %eq3A_129, %broadcast_in_dim3A_131, %select_n3A_122 : vector<256x2048xi1>, vector<256x2048xf32>
    %argmax3A_133 = tpu.reduce_index %select_n3A_132 {axis = 1 : i32, kind = #tpu.reduction_kind<arg_max>} : vector<256x2048xf32> -> vector<256xi32>
    %broadcast_in_dim3A_134 = vector.shape_cast %argmax3A_133 : vector<256xi32> to vector<1x256xi32>
    %add3A_135 = vector.broadcast %mul3A_27 : i32 to vector<1x256xi32>
    %add3A_136 = arith.addi %broadcast_in_dim3A_134, %add3A_135 : vector<1x256xi32>
    %broadcast_in_dim3A_137 = vector.shape_cast %argmax3A_133 : vector<256xi32> to vector<256x1xi32>
    %eq3A_138 = vector.broadcast %broadcast_in_dim3A_137 : vector<256x1xi32> to vector<256x2048xi32>
    %eq3A_139 = arith.cmpi eq, %iota3A, %eq3A_138 : vector<256x2048xi32>
    %jit3A_140 = arith.constant 0xFF800000 : f32
    %broadcast_in_dim3A_141 = vector.broadcast %jit3A_140 : f32 to vector<256x2048xf32>
    %select_n3A_142 = arith.select %eq3A_139, %broadcast_in_dim3A_141, %select_n3A_132 : vector<256x2048xi1>, vector<256x2048xf32>
    %argmax3A_143 = tpu.reduce_index %select_n3A_142 {axis = 1 : i32, kind = #tpu.reduction_kind<arg_max>} : vector<256x2048xf32> -> vector<256xi32>
    %broadcast_in_dim3A_144 = vector.shape_cast %argmax3A_143 : vector<256xi32> to vector<1x256xi32>
    %add3A_145 = vector.broadcast %mul3A_27 : i32 to vector<1x256xi32>
    %add3A_146 = arith.addi %broadcast_in_dim3A_144, %add3A_145 : vector<1x256xi32>
    %broadcast_in_dim3A_147 = vector.shape_cast %argmax3A_143 : vector<256xi32> to vector<256x1xi32>
    %eq3A_148 = vector.broadcast %broadcast_in_dim3A_147 : vector<256x1xi32> to vector<256x2048xi32>
    %eq3A_149 = arith.cmpi eq, %iota3A, %eq3A_148 : vector<256x2048xi32>
    %jit3A_150 = arith.constant 0xFF800000 : f32
    %broadcast_in_dim3A_151 = vector.broadcast %jit3A_150 : f32 to vector<256x2048xf32>
    %select_n3A_152 = arith.select %eq3A_149, %broadcast_in_dim3A_151, %select_n3A_142 : vector<256x2048xi1>, vector<256x2048xf32>
    %argmax3A_153 = tpu.reduce_index %select_n3A_152 {axis = 1 : i32, kind = #tpu.reduction_kind<arg_max>} : vector<256x2048xf32> -> vector<256xi32>
    %broadcast_in_dim3A_154 = vector.shape_cast %argmax3A_153 : vector<256xi32> to vector<1x256xi32>
    %add3A_155 = vector.broadcast %mul3A_27 : i32 to vector<1x256xi32>
    %add3A_156 = arith.addi %broadcast_in_dim3A_154, %add3A_155 : vector<1x256xi32>
    %broadcast_in_dim3A_157 = vector.shape_cast %argmax3A_153 : vector<256xi32> to vector<256x1xi32>
    %eq3A_158 = vector.broadcast %broadcast_in_dim3A_157 : vector<256x1xi32> to vector<256x2048xi32>
    %eq3A_159 = arith.cmpi eq, %iota3A, %eq3A_158 : vector<256x2048xi32>
    %jit3A_160 = arith.constant 0xFF800000 : f32
    %broadcast_in_dim3A_161 = vector.broadcast %jit3A_160 : f32 to vector<256x2048xf32>
    %select_n3A_162 = arith.select %eq3A_159, %broadcast_in_dim3A_161, %select_n3A_152 : vector<256x2048xi1>, vector<256x2048xf32>
    %argmax3A_163 = tpu.reduce_index %select_n3A_162 {axis = 1 : i32, kind = #tpu.reduction_kind<arg_max>} : vector<256x2048xf32> -> vector<256xi32>
    %broadcast_in_dim3A_164 = vector.shape_cast %argmax3A_163 : vector<256xi32> to vector<1x256xi32>
    %add3A_165 = vector.broadcast %mul3A_27 : i32 to vector<1x256xi32>
    %add3A_166 = arith.addi %broadcast_in_dim3A_164, %add3A_165 : vector<1x256xi32>
    %broadcast_in_dim3A_167 = vector.shape_cast %argmax3A_163 : vector<256xi32> to vector<256x1xi32>
    %eq3A_168 = vector.broadcast %broadcast_in_dim3A_167 : vector<256x1xi32> to vector<256x2048xi32>
    %eq3A_169 = arith.cmpi eq, %iota3A, %eq3A_168 : vector<256x2048xi32>
    %jit3A_170 = arith.constant 0xFF800000 : f32
    %broadcast_in_dim3A_171 = vector.broadcast %jit3A_170 : f32 to vector<256x2048xf32>
    %select_n3A_172 = arith.select %eq3A_169, %broadcast_in_dim3A_171, %select_n3A_162 : vector<256x2048xi1>, vector<256x2048xf32>
    %argmax3A_173 = tpu.reduce_index %select_n3A_172 {axis = 1 : i32, kind = #tpu.reduction_kind<arg_max>} : vector<256x2048xf32> -> vector<256xi32>
    %broadcast_in_dim3A_174 = vector.shape_cast %argmax3A_173 : vector<256xi32> to vector<1x256xi32>
    %add3A_175 = vector.broadcast %mul3A_27 : i32 to vector<1x256xi32>
    %add3A_176 = arith.addi %broadcast_in_dim3A_174, %add3A_175 : vector<1x256xi32>
    %concatenate3A = tpu.concatenate %add3A_29, %add3A_36, %add3A_46, %add3A_56, %add3A_66, %add3A_76, %add3A_86, %add3A_96, %add3A_106, %add3A_116, %add3A_126, %add3A_136, %add3A_146, %add3A_156, %add3A_166, %add3A_176 in 0 : vector<1x256xi32>, vector<1x256xi32>, vector<1x256xi32>, vector<1x256xi32>, vector<1x256xi32>, vector<1x256xi32>, vector<1x256xi32>, vector<1x256xi32>, vector<1x256xi32>, vector<1x256xi32>, vector<1x256xi32>, vector<1x256xi32>, vector<1x256xi32>, vector<1x256xi32>, vector<1x256xi32>, vector<1x256xi32> -> vector<16x256xi32>
    %swap3A = arith.constant 0 : index
    %swap3A_177 = arith.constant 0 : index
    %swap3A_178 = arith.constant 0 : index
    %swap3A_179 = vector.load %arg3[%swap3A, %swap3A_177, %swap3A_178] : memref<1x16x256xi32, #tpu.memory_space<vmem>>, vector<1x16x256xi32>
    %swap3A_180 = vector.shape_cast %swap3A_179 : vector<1x16x256xi32> to vector<16x256xi32>
    %swap3A_181 = vector.shape_cast %concatenate3A : vector<16x256xi32> to vector<1x16x256xi32>
    tpu.vector_store %arg3[%swap3A, %swap3A_177, %swap3A_178], %swap3A_181 {strides = array<i32>} : memref<1x16x256xi32, #tpu.memory_space<vmem>>, vector<1x16x256xi32>,
    return
  }
  func.func @transform_0(%arg0: i32, %arg1: i32) -> (i32, i32, i32) {
    %c0_i32 = arith.constant 0 : i32
    %c0_i32_0 = arith.constant 0 : i32
    %c0_i32_1 = arith.constant 0 : i32
    return %arg0, %c0_i32, %c0_i32_0 : i32, i32, i32
  }
  func.func @transform_1(%arg0: i32, %arg1: i32) -> (i32, i32, i32) {
    %c0_i32 = arith.constant 0 : i32
    %c0_i32_0 = arith.constant 0 : i32
    return %arg0, %c0_i32, %arg1 : i32, i32, i32
  }
}

module attributes {stable_mosaic.version = 14 : i64} {
  func.func @body(%arg0: i32, %arg1: i32, %arg2: memref<1x256x64xf32, #tpu.memory_space<vmem>>, %arg3: memref<1x16x256x128xf32, #tpu.memory_space<vmem>>, %arg4: memref<128x64xf32, #tpu.memory_space<vmem>>, %arg5: memref<1x64xf32, #tpu.memory_space<vmem>>, %arg6: memref<1x64xf32, #tpu.memory_space<vmem>>, %arg7: memref<1x64xf32, #tpu.memory_space<vmem>>, %arg8: memref<1x256x128xf32, #tpu.memory_space<vmem>>) attributes {dimension_semantics = [#tpu.dimension_semantics<arbitrary>, #tpu.dimension_semantics<arbitrary>], iteration_bounds = array<i64: 4, 8>, scalar_prefetch = 0 : i64, scratch_operands = 0 : i64, tpu.core_type = #tpu.core_type<tc>, window_params = [{transform_indices = @transform_0, window_bounds = array<i64: 1, 256, 64>}, {transform_indices = @transform_1, window_bounds = array<i64: 1, 16, 256, 128>}, {pipeline_mode = #tpu.pipeline_mode<synchronous>, transform_indices = @transform_2, window_bounds = array<i64: 128, 64>}, {pipeline_mode = #tpu.pipeline_mode<synchronous>, transform_indices = @transform_3, window_bounds = array<i64: 1, 64>}, {pipeline_mode = #tpu.pipeline_mode<synchronous>, transform_indices = @transform_4, window_bounds = array<i64: 1, 64>}, {pipeline_mode = #tpu.pipeline_mode<synchronous>, transform_indices = @transform_5, window_bounds = array<i64: 1, 64>}, {transform_indices = @transform_6, window_bounds = array<i64: 1, 256, 128>}]} {
    %get3A = arith.constant 0 : index
    %get3A_0 = arith.constant 0 : index
    %get3A_1 = arith.constant 0 : index
    %get3A_2 = vector.load %arg2[%get3A, %get3A_0, %get3A_1] : memref<1x256x64xf32, #tpu.memory_space<vmem>>, vector<1x256x64xf32>
    %get3A_3 = vector.shape_cast %get3A_2 : vector<1x256x64xf32> to vector<256x64xf32>
    %convert_element_type3A = arith.truncf %get3A_3 : vector<256x64xf32> to vector<256x64xbf16>
    %get3A_4 = arith.constant 0 : index
    %get3A_5 = arith.constant 0 : index
    %get3A_6 = vector.load %arg4[%get3A_4, %get3A_5] : memref<128x64xf32, #tpu.memory_space<vmem>>, vector<128x64xf32>
    %convert_element_type3A_7 = arith.truncf %get3A_6 : vector<128x64xf32> to vector<128x64xbf16>
    %get3A_8 = arith.constant 0 : index
    %get3A_9 = arith.constant 0 : index
    %get3A_10 = arith.constant 0 : index
    %get3A_11 = arith.constant 0 : index
    %get3A_12 = vector.load %arg3[%get3A_8, %get3A_9, %get3A_10, %get3A_11] : memref<1x16x256x128xf32, #tpu.memory_space<vmem>>, vector<1x1x256x128xf32>
    %get3A_13 = vector.shape_cast %get3A_12 : vector<1x1x256x128xf32> to vector<256x128xf32>
    %slice3A = vector.extract_strided_slice %get3A_13 {offsets = [0, 0], sizes = [256, 64], strides = [1, 1]} : vector<256x128xf32> to vector<256x64xf32>
    %sub3A = arith.subf %slice3A, %get3A_3 : vector<256x64xf32>
    %convert_element_type3A_14 = arith.truncf %sub3A : vector<256x64xf32> to vector<256x64xbf16>
    %concatenate3A = tpu.concatenate %convert_element_type3A, %convert_element_type3A_14 in 1 : vector<256x64xbf16>, vector<256x64xbf16> -> vector<256x128xbf16>
    %dot_general3A = arith.constant dense<0.000000e+00> : vector<256x64xf32>
    %dot_general3A_15 = tpu.matmul %concatenate3A, %convert_element_type3A_7, %dot_general3A {dimension_numbers = #tpu.dot_dimension_numbers<[1], [0], [0], [1], [0, 0, 1, 1], [], []>, transpose_lhs_hint = false} : vector<256x128xbf16>, vector<128x64xbf16>, vector<256x64xf32> -> vector<256x64xf32>
    %get3A_16 = arith.constant 0 : index
    %get3A_17 = arith.constant 0 : index
    %get3A_18 = vector.load %arg6[%get3A_16, %get3A_17] : memref<1x64xf32, #tpu.memory_space<vmem>>, vector<1x64xf32>
    %get3A_19 = arith.constant 0 : index
    %get3A_20 = arith.constant 0 : index
    %get3A_21 = vector.load %arg5[%get3A_19, %get3A_20] : memref<1x64xf32, #tpu.memory_space<vmem>>, vector<1x64xf32>
    %add3A = vector.broadcast %get3A_21 : vector<1x64xf32> to vector<256x64xf32>
    %add3A_22 = arith.addf %dot_general3A_15, %add3A : vector<256x64xf32>
    %div3A = arith.constant 1.00000501 : f32
    %div3A_23 = vector.broadcast %div3A : f32 to vector<256x64xf32>
    %div3A_24 = arith.divf %add3A_22, %div3A_23 : vector<256x64xf32>
    %mul3A = vector.broadcast %get3A_18 : vector<1x64xf32> to vector<256x64xf32>
    %mul3A_25 = arith.mulf %mul3A, %div3A_24 : vector<256x64xf32>
    %get3A_26 = arith.constant 0 : index
    %get3A_27 = arith.constant 0 : index
    %get3A_28 = vector.load %arg7[%get3A_26, %get3A_27] : memref<1x64xf32, #tpu.memory_space<vmem>>, vector<1x64xf32>
    %add3A_29 = vector.broadcast %get3A_28 : vector<1x64xf32> to vector<256x64xf32>
    %add3A_30 = arith.addf %mul3A_25, %add3A_29 : vector<256x64xf32>
    %get3A_31 = arith.constant 0 : index
    %get3A_32 = arith.constant 1 : index
    %get3A_33 = arith.constant 0 : index
    %get3A_34 = arith.constant 0 : index
    %get3A_35 = vector.load %arg3[%get3A_31, %get3A_32, %get3A_33, %get3A_34] : memref<1x16x256x128xf32, #tpu.memory_space<vmem>>, vector<1x1x256x128xf32>
    %get3A_36 = vector.shape_cast %get3A_35 : vector<1x1x256x128xf32> to vector<256x128xf32>
    %slice3A_37 = vector.extract_strided_slice %get3A_36 {offsets = [0, 0], sizes = [256, 64], strides = [1, 1]} : vector<256x128xf32> to vector<256x64xf32>
    %sub3A_38 = arith.subf %slice3A_37, %get3A_3 : vector<256x64xf32>
    %convert_element_type3A_39 = arith.truncf %sub3A_38 : vector<256x64xf32> to vector<256x64xbf16>
    %concatenate3A_40 = tpu.concatenate %convert_element_type3A, %convert_element_type3A_39 in 1 : vector<256x64xbf16>, vector<256x64xbf16> -> vector<256x128xbf16>
    %dot_general3A_41 = arith.constant dense<0.000000e+00> : vector<256x64xf32>
    %dot_general3A_42 = tpu.matmul %concatenate3A_40, %convert_element_type3A_7, %dot_general3A_41 {dimension_numbers = #tpu.dot_dimension_numbers<[1], [0], [0], [1], [0, 0, 1, 1], [], []>, transpose_lhs_hint = false} : vector<256x128xbf16>, vector<128x64xbf16>, vector<256x64xf32> -> vector<256x64xf32>
    %get3A_43 = arith.constant 0 : index
    %get3A_44 = arith.constant 0 : index
    %get3A_45 = vector.load %arg6[%get3A_43, %get3A_44] : memref<1x64xf32, #tpu.memory_space<vmem>>, vector<1x64xf32>
    %get3A_46 = arith.constant 0 : index
    %get3A_47 = arith.constant 0 : index
    %get3A_48 = vector.load %arg5[%get3A_46, %get3A_47] : memref<1x64xf32, #tpu.memory_space<vmem>>, vector<1x64xf32>
    %add3A_49 = vector.broadcast %get3A_48 : vector<1x64xf32> to vector<256x64xf32>
    %add3A_50 = arith.addf %dot_general3A_42, %add3A_49 : vector<256x64xf32>
    %div3A_51 = arith.constant 1.00000501 : f32
    %div3A_52 = vector.broadcast %div3A_51 : f32 to vector<256x64xf32>
    %div3A_53 = arith.divf %add3A_50, %div3A_52 : vector<256x64xf32>
    %mul3A_54 = vector.broadcast %get3A_45 : vector<1x64xf32> to vector<256x64xf32>
    %mul3A_55 = arith.mulf %mul3A_54, %div3A_53 : vector<256x64xf32>
    %get3A_56 = arith.constant 0 : index
    %get3A_57 = arith.constant 0 : index
    %get3A_58 = vector.load %arg7[%get3A_56, %get3A_57] : memref<1x64xf32, #tpu.memory_space<vmem>>, vector<1x64xf32>
    %add3A_59 = vector.broadcast %get3A_58 : vector<1x64xf32> to vector<256x64xf32>
    %add3A_60 = arith.addf %mul3A_55, %add3A_59 : vector<256x64xf32>
    %max3A = arith.maximumf %add3A_30, %add3A_60 : vector<256x64xf32>
    %get3A_61 = arith.constant 0 : index
    %get3A_62 = arith.constant 2 : index
    %get3A_63 = arith.constant 0 : index
    %get3A_64 = arith.constant 0 : index
    %get3A_65 = vector.load %arg3[%get3A_61, %get3A_62, %get3A_63, %get3A_64] : memref<1x16x256x128xf32, #tpu.memory_space<vmem>>, vector<1x1x256x128xf32>
    %get3A_66 = vector.shape_cast %get3A_65 : vector<1x1x256x128xf32> to vector<256x128xf32>
    %slice3A_67 = vector.extract_strided_slice %get3A_66 {offsets = [0, 0], sizes = [256, 64], strides = [1, 1]} : vector<256x128xf32> to vector<256x64xf32>
    %sub3A_68 = arith.subf %slice3A_67, %get3A_3 : vector<256x64xf32>
    %convert_element_type3A_69 = arith.truncf %sub3A_68 : vector<256x64xf32> to vector<256x64xbf16>
    %concatenate3A_70 = tpu.concatenate %convert_element_type3A, %convert_element_type3A_69 in 1 : vector<256x64xbf16>, vector<256x64xbf16> -> vector<256x128xbf16>
    %dot_general3A_71 = arith.constant dense<0.000000e+00> : vector<256x64xf32>
    %dot_general3A_72 = tpu.matmul %concatenate3A_70, %convert_element_type3A_7, %dot_general3A_71 {dimension_numbers = #tpu.dot_dimension_numbers<[1], [0], [0], [1], [0, 0, 1, 1], [], []>, transpose_lhs_hint = false} : vector<256x128xbf16>, vector<128x64xbf16>, vector<256x64xf32> -> vector<256x64xf32>
    %get3A_73 = arith.constant 0 : index
    %get3A_74 = arith.constant 0 : index
    %get3A_75 = vector.load %arg6[%get3A_73, %get3A_74] : memref<1x64xf32, #tpu.memory_space<vmem>>, vector<1x64xf32>
    %get3A_76 = arith.constant 0 : index
    %get3A_77 = arith.constant 0 : index
    %get3A_78 = vector.load %arg5[%get3A_76, %get3A_77] : memref<1x64xf32, #tpu.memory_space<vmem>>, vector<1x64xf32>
    %add3A_79 = vector.broadcast %get3A_78 : vector<1x64xf32> to vector<256x64xf32>
    %add3A_80 = arith.addf %dot_general3A_72, %add3A_79 : vector<256x64xf32>
    %div3A_81 = arith.constant 1.00000501 : f32
    %div3A_82 = vector.broadcast %div3A_81 : f32 to vector<256x64xf32>
    %div3A_83 = arith.divf %add3A_80, %div3A_82 : vector<256x64xf32>
    %mul3A_84 = vector.broadcast %get3A_75 : vector<1x64xf32> to vector<256x64xf32>
    %mul3A_85 = arith.mulf %mul3A_84, %div3A_83 : vector<256x64xf32>
    %get3A_86 = arith.constant 0 : index
    %get3A_87 = arith.constant 0 : index
    %get3A_88 = vector.load %arg7[%get3A_86, %get3A_87] : memref<1x64xf32, #tpu.memory_space<vmem>>, vector<1x64xf32>
    %add3A_89 = vector.broadcast %get3A_88 : vector<1x64xf32> to vector<256x64xf32>
    %add3A_90 = arith.addf %mul3A_85, %add3A_89 : vector<256x64xf32>
    %max3A_91 = arith.maximumf %max3A, %add3A_90 : vector<256x64xf32>
    %get3A_92 = arith.constant 0 : index
    %get3A_93 = arith.constant 3 : index
    %get3A_94 = arith.constant 0 : index
    %get3A_95 = arith.constant 0 : index
    %get3A_96 = vector.load %arg3[%get3A_92, %get3A_93, %get3A_94, %get3A_95] : memref<1x16x256x128xf32, #tpu.memory_space<vmem>>, vector<1x1x256x128xf32>
    %get3A_97 = vector.shape_cast %get3A_96 : vector<1x1x256x128xf32> to vector<256x128xf32>
    %slice3A_98 = vector.extract_strided_slice %get3A_97 {offsets = [0, 0], sizes = [256, 64], strides = [1, 1]} : vector<256x128xf32> to vector<256x64xf32>
    %sub3A_99 = arith.subf %slice3A_98, %get3A_3 : vector<256x64xf32>
    %convert_element_type3A_100 = arith.truncf %sub3A_99 : vector<256x64xf32> to vector<256x64xbf16>
    %concatenate3A_101 = tpu.concatenate %convert_element_type3A, %convert_element_type3A_100 in 1 : vector<256x64xbf16>, vector<256x64xbf16> -> vector<256x128xbf16>
    %dot_general3A_102 = arith.constant dense<0.000000e+00> : vector<256x64xf32>
    %dot_general3A_103 = tpu.matmul %concatenate3A_101, %convert_element_type3A_7, %dot_general3A_102 {dimension_numbers = #tpu.dot_dimension_numbers<[1], [0], [0], [1], [0, 0, 1, 1], [], []>, transpose_lhs_hint = false} : vector<256x128xbf16>, vector<128x64xbf16>, vector<256x64xf32> -> vector<256x64xf32>
    %get3A_104 = arith.constant 0 : index
    %get3A_105 = arith.constant 0 : index
    %get3A_106 = vector.load %arg6[%get3A_104, %get3A_105] : memref<1x64xf32, #tpu.memory_space<vmem>>, vector<1x64xf32>
    %get3A_107 = arith.constant 0 : index
    %get3A_108 = arith.constant 0 : index
    %get3A_109 = vector.load %arg5[%get3A_107, %get3A_108] : memref<1x64xf32, #tpu.memory_space<vmem>>, vector<1x64xf32>
    %add3A_110 = vector.broadcast %get3A_109 : vector<1x64xf32> to vector<256x64xf32>
    %add3A_111 = arith.addf %dot_general3A_103, %add3A_110 : vector<256x64xf32>
    %div3A_112 = arith.constant 1.00000501 : f32
    %div3A_113 = vector.broadcast %div3A_112 : f32 to vector<256x64xf32>
    %div3A_114 = arith.divf %add3A_111, %div3A_113 : vector<256x64xf32>
    %mul3A_115 = vector.broadcast %get3A_106 : vector<1x64xf32> to vector<256x64xf32>
    %mul3A_116 = arith.mulf %mul3A_115, %div3A_114 : vector<256x64xf32>
    %get3A_117 = arith.constant 0 : index
    %get3A_118 = arith.constant 0 : index
    %get3A_119 = vector.load %arg7[%get3A_117, %get3A_118] : memref<1x64xf32, #tpu.memory_space<vmem>>, vector<1x64xf32>
    %add3A_120 = vector.broadcast %get3A_119 : vector<1x64xf32> to vector<256x64xf32>
    %add3A_121 = arith.addf %mul3A_116, %add3A_120 : vector<256x64xf32>
    %max3A_122 = arith.maximumf %max3A_91, %add3A_121 : vector<256x64xf32>
    %get3A_123 = arith.constant 0 : index
    %get3A_124 = arith.constant 4 : index
    %get3A_125 = arith.constant 0 : index
    %get3A_126 = arith.constant 0 : index
    %get3A_127 = vector.load %arg3[%get3A_123, %get3A_124, %get3A_125, %get3A_126] : memref<1x16x256x128xf32, #tpu.memory_space<vmem>>, vector<1x1x256x128xf32>
    %get3A_128 = vector.shape_cast %get3A_127 : vector<1x1x256x128xf32> to vector<256x128xf32>
    %slice3A_129 = vector.extract_strided_slice %get3A_128 {offsets = [0, 0], sizes = [256, 64], strides = [1, 1]} : vector<256x128xf32> to vector<256x64xf32>
    %sub3A_130 = arith.subf %slice3A_129, %get3A_3 : vector<256x64xf32>
    %convert_element_type3A_131 = arith.truncf %sub3A_130 : vector<256x64xf32> to vector<256x64xbf16>
    %concatenate3A_132 = tpu.concatenate %convert_element_type3A, %convert_element_type3A_131 in 1 : vector<256x64xbf16>, vector<256x64xbf16> -> vector<256x128xbf16>
    %dot_general3A_133 = arith.constant dense<0.000000e+00> : vector<256x64xf32>
    %dot_general3A_134 = tpu.matmul %concatenate3A_132, %convert_element_type3A_7, %dot_general3A_133 {dimension_numbers = #tpu.dot_dimension_numbers<[1], [0], [0], [1], [0, 0, 1, 1], [], []>, transpose_lhs_hint = false} : vector<256x128xbf16>, vector<128x64xbf16>, vector<256x64xf32> -> vector<256x64xf32>
    %get3A_135 = arith.constant 0 : index
    %get3A_136 = arith.constant 0 : index
    %get3A_137 = vector.load %arg6[%get3A_135, %get3A_136] : memref<1x64xf32, #tpu.memory_space<vmem>>, vector<1x64xf32>
    %get3A_138 = arith.constant 0 : index
    %get3A_139 = arith.constant 0 : index
    %get3A_140 = vector.load %arg5[%get3A_138, %get3A_139] : memref<1x64xf32, #tpu.memory_space<vmem>>, vector<1x64xf32>
    %add3A_141 = vector.broadcast %get3A_140 : vector<1x64xf32> to vector<256x64xf32>
    %add3A_142 = arith.addf %dot_general3A_134, %add3A_141 : vector<256x64xf32>
    %div3A_143 = arith.constant 1.00000501 : f32
    %div3A_144 = vector.broadcast %div3A_143 : f32 to vector<256x64xf32>
    %div3A_145 = arith.divf %add3A_142, %div3A_144 : vector<256x64xf32>
    %mul3A_146 = vector.broadcast %get3A_137 : vector<1x64xf32> to vector<256x64xf32>
    %mul3A_147 = arith.mulf %mul3A_146, %div3A_145 : vector<256x64xf32>
    %get3A_148 = arith.constant 0 : index
    %get3A_149 = arith.constant 0 : index
    %get3A_150 = vector.load %arg7[%get3A_148, %get3A_149] : memref<1x64xf32, #tpu.memory_space<vmem>>, vector<1x64xf32>
    %add3A_151 = vector.broadcast %get3A_150 : vector<1x64xf32> to vector<256x64xf32>
    %add3A_152 = arith.addf %mul3A_147, %add3A_151 : vector<256x64xf32>
    %max3A_153 = arith.maximumf %max3A_122, %add3A_152 : vector<256x64xf32>
    %get3A_154 = arith.constant 0 : index
    %get3A_155 = arith.constant 5 : index
    %get3A_156 = arith.constant 0 : index
    %get3A_157 = arith.constant 0 : index
    %get3A_158 = vector.load %arg3[%get3A_154, %get3A_155, %get3A_156, %get3A_157] : memref<1x16x256x128xf32, #tpu.memory_space<vmem>>, vector<1x1x256x128xf32>
    %get3A_159 = vector.shape_cast %get3A_158 : vector<1x1x256x128xf32> to vector<256x128xf32>
    %slice3A_160 = vector.extract_strided_slice %get3A_159 {offsets = [0, 0], sizes = [256, 64], strides = [1, 1]} : vector<256x128xf32> to vector<256x64xf32>
    %sub3A_161 = arith.subf %slice3A_160, %get3A_3 : vector<256x64xf32>
    %convert_element_type3A_162 = arith.truncf %sub3A_161 : vector<256x64xf32> to vector<256x64xbf16>
    %concatenate3A_163 = tpu.concatenate %convert_element_type3A, %convert_element_type3A_162 in 1 : vector<256x64xbf16>, vector<256x64xbf16> -> vector<256x128xbf16>
    %dot_general3A_164 = arith.constant dense<0.000000e+00> : vector<256x64xf32>
    %dot_general3A_165 = tpu.matmul %concatenate3A_163, %convert_element_type3A_7, %dot_general3A_164 {dimension_numbers = #tpu.dot_dimension_numbers<[1], [0], [0], [1], [0, 0, 1, 1], [], []>, transpose_lhs_hint = false} : vector<256x128xbf16>, vector<128x64xbf16>, vector<256x64xf32> -> vector<256x64xf32>
    %get3A_166 = arith.constant 0 : index
    %get3A_167 = arith.constant 0 : index
    %get3A_168 = vector.load %arg6[%get3A_166, %get3A_167] : memref<1x64xf32, #tpu.memory_space<vmem>>, vector<1x64xf32>
    %get3A_169 = arith.constant 0 : index
    %get3A_170 = arith.constant 0 : index
    %get3A_171 = vector.load %arg5[%get3A_169, %get3A_170] : memref<1x64xf32, #tpu.memory_space<vmem>>, vector<1x64xf32>
    %add3A_172 = vector.broadcast %get3A_171 : vector<1x64xf32> to vector<256x64xf32>
    %add3A_173 = arith.addf %dot_general3A_165, %add3A_172 : vector<256x64xf32>
    %div3A_174 = arith.constant 1.00000501 : f32
    %div3A_175 = vector.broadcast %div3A_174 : f32 to vector<256x64xf32>
    %div3A_176 = arith.divf %add3A_173, %div3A_175 : vector<256x64xf32>
    %mul3A_177 = vector.broadcast %get3A_168 : vector<1x64xf32> to vector<256x64xf32>
    %mul3A_178 = arith.mulf %mul3A_177, %div3A_176 : vector<256x64xf32>
    %get3A_179 = arith.constant 0 : index
    %get3A_180 = arith.constant 0 : index
    %get3A_181 = vector.load %arg7[%get3A_179, %get3A_180] : memref<1x64xf32, #tpu.memory_space<vmem>>, vector<1x64xf32>
    %add3A_182 = vector.broadcast %get3A_181 : vector<1x64xf32> to vector<256x64xf32>
    %add3A_183 = arith.addf %mul3A_178, %add3A_182 : vector<256x64xf32>
    %max3A_184 = arith.maximumf %max3A_153, %add3A_183 : vector<256x64xf32>
    %get3A_185 = arith.constant 0 : index
    %get3A_186 = arith.constant 6 : index
    %get3A_187 = arith.constant 0 : index
    %get3A_188 = arith.constant 0 : index
    %get3A_189 = vector.load %arg3[%get3A_185, %get3A_186, %get3A_187, %get3A_188] : memref<1x16x256x128xf32, #tpu.memory_space<vmem>>, vector<1x1x256x128xf32>
    %get3A_190 = vector.shape_cast %get3A_189 : vector<1x1x256x128xf32> to vector<256x128xf32>
    %slice3A_191 = vector.extract_strided_slice %get3A_190 {offsets = [0, 0], sizes = [256, 64], strides = [1, 1]} : vector<256x128xf32> to vector<256x64xf32>
    %sub3A_192 = arith.subf %slice3A_191, %get3A_3 : vector<256x64xf32>
    %convert_element_type3A_193 = arith.truncf %sub3A_192 : vector<256x64xf32> to vector<256x64xbf16>
    %concatenate3A_194 = tpu.concatenate %convert_element_type3A, %convert_element_type3A_193 in 1 : vector<256x64xbf16>, vector<256x64xbf16> -> vector<256x128xbf16>
    %dot_general3A_195 = arith.constant dense<0.000000e+00> : vector<256x64xf32>
    %dot_general3A_196 = tpu.matmul %concatenate3A_194, %convert_element_type3A_7, %dot_general3A_195 {dimension_numbers = #tpu.dot_dimension_numbers<[1], [0], [0], [1], [0, 0, 1, 1], [], []>, transpose_lhs_hint = false} : vector<256x128xbf16>, vector<128x64xbf16>, vector<256x64xf32> -> vector<256x64xf32>
    %get3A_197 = arith.constant 0 : index
    %get3A_198 = arith.constant 0 : index
    %get3A_199 = vector.load %arg6[%get3A_197, %get3A_198] : memref<1x64xf32, #tpu.memory_space<vmem>>, vector<1x64xf32>
    %get3A_200 = arith.constant 0 : index
    %get3A_201 = arith.constant 0 : index
    %get3A_202 = vector.load %arg5[%get3A_200, %get3A_201] : memref<1x64xf32, #tpu.memory_space<vmem>>, vector<1x64xf32>
    %add3A_203 = vector.broadcast %get3A_202 : vector<1x64xf32> to vector<256x64xf32>
    %add3A_204 = arith.addf %dot_general3A_196, %add3A_203 : vector<256x64xf32>
    %div3A_205 = arith.constant 1.00000501 : f32
    %div3A_206 = vector.broadcast %div3A_205 : f32 to vector<256x64xf32>
    %div3A_207 = arith.divf %add3A_204, %div3A_206 : vector<256x64xf32>
    %mul3A_208 = vector.broadcast %get3A_199 : vector<1x64xf32> to vector<256x64xf32>
    %mul3A_209 = arith.mulf %mul3A_208, %div3A_207 : vector<256x64xf32>
    %get3A_210 = arith.constant 0 : index
    %get3A_211 = arith.constant 0 : index
    %get3A_212 = vector.load %arg7[%get3A_210, %get3A_211] : memref<1x64xf32, #tpu.memory_space<vmem>>, vector<1x64xf32>
    %add3A_213 = vector.broadcast %get3A_212 : vector<1x64xf32> to vector<256x64xf32>
    %add3A_214 = arith.addf %mul3A_209, %add3A_213 : vector<256x64xf32>
    %max3A_215 = arith.maximumf %max3A_184, %add3A_214 : vector<256x64xf32>
    %get3A_216 = arith.constant 0 : index
    %get3A_217 = arith.constant 7 : index
    %get3A_218 = arith.constant 0 : index
    %get3A_219 = arith.constant 0 : index
    %get3A_220 = vector.load %arg3[%get3A_216, %get3A_217, %get3A_218, %get3A_219] : memref<1x16x256x128xf32, #tpu.memory_space<vmem>>, vector<1x1x256x128xf32>
    %get3A_221 = vector.shape_cast %get3A_220 : vector<1x1x256x128xf32> to vector<256x128xf32>
    %slice3A_222 = vector.extract_strided_slice %get3A_221 {offsets = [0, 0], sizes = [256, 64], strides = [1, 1]} : vector<256x128xf32> to vector<256x64xf32>
    %sub3A_223 = arith.subf %slice3A_222, %get3A_3 : vector<256x64xf32>
    %convert_element_type3A_224 = arith.truncf %sub3A_223 : vector<256x64xf32> to vector<256x64xbf16>
    %concatenate3A_225 = tpu.concatenate %convert_element_type3A, %convert_element_type3A_224 in 1 : vector<256x64xbf16>, vector<256x64xbf16> -> vector<256x128xbf16>
    %dot_general3A_226 = arith.constant dense<0.000000e+00> : vector<256x64xf32>
    %dot_general3A_227 = tpu.matmul %concatenate3A_225, %convert_element_type3A_7, %dot_general3A_226 {dimension_numbers = #tpu.dot_dimension_numbers<[1], [0], [0], [1], [0, 0, 1, 1], [], []>, transpose_lhs_hint = false} : vector<256x128xbf16>, vector<128x64xbf16>, vector<256x64xf32> -> vector<256x64xf32>
    %get3A_228 = arith.constant 0 : index
    %get3A_229 = arith.constant 0 : index
    %get3A_230 = vector.load %arg6[%get3A_228, %get3A_229] : memref<1x64xf32, #tpu.memory_space<vmem>>, vector<1x64xf32>
    %get3A_231 = arith.constant 0 : index
    %get3A_232 = arith.constant 0 : index
    %get3A_233 = vector.load %arg5[%get3A_231, %get3A_232] : memref<1x64xf32, #tpu.memory_space<vmem>>, vector<1x64xf32>
    %add3A_234 = vector.broadcast %get3A_233 : vector<1x64xf32> to vector<256x64xf32>
    %add3A_235 = arith.addf %dot_general3A_227, %add3A_234 : vector<256x64xf32>
    %div3A_236 = arith.constant 1.00000501 : f32
    %div3A_237 = vector.broadcast %div3A_236 : f32 to vector<256x64xf32>
    %div3A_238 = arith.divf %add3A_235, %div3A_237 : vector<256x64xf32>
    %mul3A_239 = vector.broadcast %get3A_230 : vector<1x64xf32> to vector<256x64xf32>
    %mul3A_240 = arith.mulf %mul3A_239, %div3A_238 : vector<256x64xf32>
    %get3A_241 = arith.constant 0 : index
    %get3A_242 = arith.constant 0 : index
    %get3A_243 = vector.load %arg7[%get3A_241, %get3A_242] : memref<1x64xf32, #tpu.memory_space<vmem>>, vector<1x64xf32>
    %add3A_244 = vector.broadcast %get3A_243 : vector<1x64xf32> to vector<256x64xf32>
    %add3A_245 = arith.addf %mul3A_240, %add3A_244 : vector<256x64xf32>
    %max3A_246 = arith.maximumf %max3A_215, %add3A_245 : vector<256x64xf32>
    %get3A_247 = arith.constant 0 : index
    %get3A_248 = arith.constant 8 : index
    %get3A_249 = arith.constant 0 : index
    %get3A_250 = arith.constant 0 : index
    %get3A_251 = vector.load %arg3[%get3A_247, %get3A_248, %get3A_249, %get3A_250] : memref<1x16x256x128xf32, #tpu.memory_space<vmem>>, vector<1x1x256x128xf32>
    %get3A_252 = vector.shape_cast %get3A_251 : vector<1x1x256x128xf32> to vector<256x128xf32>
    %slice3A_253 = vector.extract_strided_slice %get3A_252 {offsets = [0, 0], sizes = [256, 64], strides = [1, 1]} : vector<256x128xf32> to vector<256x64xf32>
    %sub3A_254 = arith.subf %slice3A_253, %get3A_3 : vector<256x64xf32>
    %convert_element_type3A_255 = arith.truncf %sub3A_254 : vector<256x64xf32> to vector<256x64xbf16>
    %concatenate3A_256 = tpu.concatenate %convert_element_type3A, %convert_element_type3A_255 in 1 : vector<256x64xbf16>, vector<256x64xbf16> -> vector<256x128xbf16>
    %dot_general3A_257 = arith.constant dense<0.000000e+00> : vector<256x64xf32>
    %dot_general3A_258 = tpu.matmul %concatenate3A_256, %convert_element_type3A_7, %dot_general3A_257 {dimension_numbers = #tpu.dot_dimension_numbers<[1], [0], [0], [1], [0, 0, 1, 1], [], []>, transpose_lhs_hint = false} : vector<256x128xbf16>, vector<128x64xbf16>, vector<256x64xf32> -> vector<256x64xf32>
    %get3A_259 = arith.constant 0 : index
    %get3A_260 = arith.constant 0 : index
    %get3A_261 = vector.load %arg6[%get3A_259, %get3A_260] : memref<1x64xf32, #tpu.memory_space<vmem>>, vector<1x64xf32>
    %get3A_262 = arith.constant 0 : index
    %get3A_263 = arith.constant 0 : index
    %get3A_264 = vector.load %arg5[%get3A_262, %get3A_263] : memref<1x64xf32, #tpu.memory_space<vmem>>, vector<1x64xf32>
    %add3A_265 = vector.broadcast %get3A_264 : vector<1x64xf32> to vector<256x64xf32>
    %add3A_266 = arith.addf %dot_general3A_258, %add3A_265 : vector<256x64xf32>
    %div3A_267 = arith.constant 1.00000501 : f32
    %div3A_268 = vector.broadcast %div3A_267 : f32 to vector<256x64xf32>
    %div3A_269 = arith.divf %add3A_266, %div3A_268 : vector<256x64xf32>
    %mul3A_270 = vector.broadcast %get3A_261 : vector<1x64xf32> to vector<256x64xf32>
    %mul3A_271 = arith.mulf %mul3A_270, %div3A_269 : vector<256x64xf32>
    %get3A_272 = arith.constant 0 : index
    %get3A_273 = arith.constant 0 : index
    %get3A_274 = vector.load %arg7[%get3A_272, %get3A_273] : memref<1x64xf32, #tpu.memory_space<vmem>>, vector<1x64xf32>
    %add3A_275 = vector.broadcast %get3A_274 : vector<1x64xf32> to vector<256x64xf32>
    %add3A_276 = arith.addf %mul3A_271, %add3A_275 : vector<256x64xf32>
    %max3A_277 = arith.maximumf %max3A_246, %add3A_276 : vector<256x64xf32>
    %get3A_278 = arith.constant 0 : index
    %get3A_279 = arith.constant 9 : index
    %get3A_280 = arith.constant 0 : index
    %get3A_281 = arith.constant 0 : index
    %get3A_282 = vector.load %arg3[%get3A_278, %get3A_279, %get3A_280, %get3A_281] : memref<1x16x256x128xf32, #tpu.memory_space<vmem>>, vector<1x1x256x128xf32>
    %get3A_283 = vector.shape_cast %get3A_282 : vector<1x1x256x128xf32> to vector<256x128xf32>
    %slice3A_284 = vector.extract_strided_slice %get3A_283 {offsets = [0, 0], sizes = [256, 64], strides = [1, 1]} : vector<256x128xf32> to vector<256x64xf32>
    %sub3A_285 = arith.subf %slice3A_284, %get3A_3 : vector<256x64xf32>
    %convert_element_type3A_286 = arith.truncf %sub3A_285 : vector<256x64xf32> to vector<256x64xbf16>
    %concatenate3A_287 = tpu.concatenate %convert_element_type3A, %convert_element_type3A_286 in 1 : vector<256x64xbf16>, vector<256x64xbf16> -> vector<256x128xbf16>
    %dot_general3A_288 = arith.constant dense<0.000000e+00> : vector<256x64xf32>
    %dot_general3A_289 = tpu.matmul %concatenate3A_287, %convert_element_type3A_7, %dot_general3A_288 {dimension_numbers = #tpu.dot_dimension_numbers<[1], [0], [0], [1], [0, 0, 1, 1], [], []>, transpose_lhs_hint = false} : vector<256x128xbf16>, vector<128x64xbf16>, vector<256x64xf32> -> vector<256x64xf32>
    %get3A_290 = arith.constant 0 : index
    %get3A_291 = arith.constant 0 : index
    %get3A_292 = vector.load %arg6[%get3A_290, %get3A_291] : memref<1x64xf32, #tpu.memory_space<vmem>>, vector<1x64xf32>
    %get3A_293 = arith.constant 0 : index
    %get3A_294 = arith.constant 0 : index
    %get3A_295 = vector.load %arg5[%get3A_293, %get3A_294] : memref<1x64xf32, #tpu.memory_space<vmem>>, vector<1x64xf32>
    %add3A_296 = vector.broadcast %get3A_295 : vector<1x64xf32> to vector<256x64xf32>
    %add3A_297 = arith.addf %dot_general3A_289, %add3A_296 : vector<256x64xf32>
    %div3A_298 = arith.constant 1.00000501 : f32
    %div3A_299 = vector.broadcast %div3A_298 : f32 to vector<256x64xf32>
    %div3A_300 = arith.divf %add3A_297, %div3A_299 : vector<256x64xf32>
    %mul3A_301 = vector.broadcast %get3A_292 : vector<1x64xf32> to vector<256x64xf32>
    %mul3A_302 = arith.mulf %mul3A_301, %div3A_300 : vector<256x64xf32>
    %get3A_303 = arith.constant 0 : index
    %get3A_304 = arith.constant 0 : index
    %get3A_305 = vector.load %arg7[%get3A_303, %get3A_304] : memref<1x64xf32, #tpu.memory_space<vmem>>, vector<1x64xf32>
    %add3A_306 = vector.broadcast %get3A_305 : vector<1x64xf32> to vector<256x64xf32>
    %add3A_307 = arith.addf %mul3A_302, %add3A_306 : vector<256x64xf32>
    %max3A_308 = arith.maximumf %max3A_277, %add3A_307 : vector<256x64xf32>
    %get3A_309 = arith.constant 0 : index
    %get3A_310 = arith.constant 10 : index
    %get3A_311 = arith.constant 0 : index
    %get3A_312 = arith.constant 0 : index
    %get3A_313 = vector.load %arg3[%get3A_309, %get3A_310, %get3A_311, %get3A_312] : memref<1x16x256x128xf32, #tpu.memory_space<vmem>>, vector<1x1x256x128xf32>
    %get3A_314 = vector.shape_cast %get3A_313 : vector<1x1x256x128xf32> to vector<256x128xf32>
    %slice3A_315 = vector.extract_strided_slice %get3A_314 {offsets = [0, 0], sizes = [256, 64], strides = [1, 1]} : vector<256x128xf32> to vector<256x64xf32>
    %sub3A_316 = arith.subf %slice3A_315, %get3A_3 : vector<256x64xf32>
    %convert_element_type3A_317 = arith.truncf %sub3A_316 : vector<256x64xf32> to vector<256x64xbf16>
    %concatenate3A_318 = tpu.concatenate %convert_element_type3A, %convert_element_type3A_317 in 1 : vector<256x64xbf16>, vector<256x64xbf16> -> vector<256x128xbf16>
    %dot_general3A_319 = arith.constant dense<0.000000e+00> : vector<256x64xf32>
    %dot_general3A_320 = tpu.matmul %concatenate3A_318, %convert_element_type3A_7, %dot_general3A_319 {dimension_numbers = #tpu.dot_dimension_numbers<[1], [0], [0], [1], [0, 0, 1, 1], [], []>, transpose_lhs_hint = false} : vector<256x128xbf16>, vector<128x64xbf16>, vector<256x64xf32> -> vector<256x64xf32>
    %get3A_321 = arith.constant 0 : index
    %get3A_322 = arith.constant 0 : index
    %get3A_323 = vector.load %arg6[%get3A_321, %get3A_322] : memref<1x64xf32, #tpu.memory_space<vmem>>, vector<1x64xf32>
    %get3A_324 = arith.constant 0 : index
    %get3A_325 = arith.constant 0 : index
    %get3A_326 = vector.load %arg5[%get3A_324, %get3A_325] : memref<1x64xf32, #tpu.memory_space<vmem>>, vector<1x64xf32>
    %add3A_327 = vector.broadcast %get3A_326 : vector<1x64xf32> to vector<256x64xf32>
    %add3A_328 = arith.addf %dot_general3A_320, %add3A_327 : vector<256x64xf32>
    %div3A_329 = arith.constant 1.00000501 : f32
    %div3A_330 = vector.broadcast %div3A_329 : f32 to vector<256x64xf32>
    %div3A_331 = arith.divf %add3A_328, %div3A_330 : vector<256x64xf32>
    %mul3A_332 = vector.broadcast %get3A_323 : vector<1x64xf32> to vector<256x64xf32>
    %mul3A_333 = arith.mulf %mul3A_332, %div3A_331 : vector<256x64xf32>
    %get3A_334 = arith.constant 0 : index
    %get3A_335 = arith.constant 0 : index
    %get3A_336 = vector.load %arg7[%get3A_334, %get3A_335] : memref<1x64xf32, #tpu.memory_space<vmem>>, vector<1x64xf32>
    %add3A_337 = vector.broadcast %get3A_336 : vector<1x64xf32> to vector<256x64xf32>
    %add3A_338 = arith.addf %mul3A_333, %add3A_337 : vector<256x64xf32>
    %max3A_339 = arith.maximumf %max3A_308, %add3A_338 : vector<256x64xf32>
    %get3A_340 = arith.constant 0 : index
    %get3A_341 = arith.constant 11 : index
    %get3A_342 = arith.constant 0 : index
    %get3A_343 = arith.constant 0 : index
    %get3A_344 = vector.load %arg3[%get3A_340, %get3A_341, %get3A_342, %get3A_343] : memref<1x16x256x128xf32, #tpu.memory_space<vmem>>, vector<1x1x256x128xf32>
    %get3A_345 = vector.shape_cast %get3A_344 : vector<1x1x256x128xf32> to vector<256x128xf32>
    %slice3A_346 = vector.extract_strided_slice %get3A_345 {offsets = [0, 0], sizes = [256, 64], strides = [1, 1]} : vector<256x128xf32> to vector<256x64xf32>
    %sub3A_347 = arith.subf %slice3A_346, %get3A_3 : vector<256x64xf32>
    %convert_element_type3A_348 = arith.truncf %sub3A_347 : vector<256x64xf32> to vector<256x64xbf16>
    %concatenate3A_349 = tpu.concatenate %convert_element_type3A, %convert_element_type3A_348 in 1 : vector<256x64xbf16>, vector<256x64xbf16> -> vector<256x128xbf16>
    %dot_general3A_350 = arith.constant dense<0.000000e+00> : vector<256x64xf32>
    %dot_general3A_351 = tpu.matmul %concatenate3A_349, %convert_element_type3A_7, %dot_general3A_350 {dimension_numbers = #tpu.dot_dimension_numbers<[1], [0], [0], [1], [0, 0, 1, 1], [], []>, transpose_lhs_hint = false} : vector<256x128xbf16>, vector<128x64xbf16>, vector<256x64xf32> -> vector<256x64xf32>
    %get3A_352 = arith.constant 0 : index
    %get3A_353 = arith.constant 0 : index
    %get3A_354 = vector.load %arg6[%get3A_352, %get3A_353] : memref<1x64xf32, #tpu.memory_space<vmem>>, vector<1x64xf32>
    %get3A_355 = arith.constant 0 : index
    %get3A_356 = arith.constant 0 : index
    %get3A_357 = vector.load %arg5[%get3A_355, %get3A_356] : memref<1x64xf32, #tpu.memory_space<vmem>>, vector<1x64xf32>
    %add3A_358 = vector.broadcast %get3A_357 : vector<1x64xf32> to vector<256x64xf32>
    %add3A_359 = arith.addf %dot_general3A_351, %add3A_358 : vector<256x64xf32>
    %div3A_360 = arith.constant 1.00000501 : f32
    %div3A_361 = vector.broadcast %div3A_360 : f32 to vector<256x64xf32>
    %div3A_362 = arith.divf %add3A_359, %div3A_361 : vector<256x64xf32>
    %mul3A_363 = vector.broadcast %get3A_354 : vector<1x64xf32> to vector<256x64xf32>
    %mul3A_364 = arith.mulf %mul3A_363, %div3A_362 : vector<256x64xf32>
    %get3A_365 = arith.constant 0 : index
    %get3A_366 = arith.constant 0 : index
    %get3A_367 = vector.load %arg7[%get3A_365, %get3A_366] : memref<1x64xf32, #tpu.memory_space<vmem>>, vector<1x64xf32>
    %add3A_368 = vector.broadcast %get3A_367 : vector<1x64xf32> to vector<256x64xf32>
    %add3A_369 = arith.addf %mul3A_364, %add3A_368 : vector<256x64xf32>
    %max3A_370 = arith.maximumf %max3A_339, %add3A_369 : vector<256x64xf32>
    %get3A_371 = arith.constant 0 : index
    %get3A_372 = arith.constant 12 : index
    %get3A_373 = arith.constant 0 : index
    %get3A_374 = arith.constant 0 : index
    %get3A_375 = vector.load %arg3[%get3A_371, %get3A_372, %get3A_373, %get3A_374] : memref<1x16x256x128xf32, #tpu.memory_space<vmem>>, vector<1x1x256x128xf32>
    %get3A_376 = vector.shape_cast %get3A_375 : vector<1x1x256x128xf32> to vector<256x128xf32>
    %slice3A_377 = vector.extract_strided_slice %get3A_376 {offsets = [0, 0], sizes = [256, 64], strides = [1, 1]} : vector<256x128xf32> to vector<256x64xf32>
    %sub3A_378 = arith.subf %slice3A_377, %get3A_3 : vector<256x64xf32>
    %convert_element_type3A_379 = arith.truncf %sub3A_378 : vector<256x64xf32> to vector<256x64xbf16>
    %concatenate3A_380 = tpu.concatenate %convert_element_type3A, %convert_element_type3A_379 in 1 : vector<256x64xbf16>, vector<256x64xbf16> -> vector<256x128xbf16>
    %dot_general3A_381 = arith.constant dense<0.000000e+00> : vector<256x64xf32>
    %dot_general3A_382 = tpu.matmul %concatenate3A_380, %convert_element_type3A_7, %dot_general3A_381 {dimension_numbers = #tpu.dot_dimension_numbers<[1], [0], [0], [1], [0, 0, 1, 1], [], []>, transpose_lhs_hint = false} : vector<256x128xbf16>, vector<128x64xbf16>, vector<256x64xf32> -> vector<256x64xf32>
    %get3A_383 = arith.constant 0 : index
    %get3A_384 = arith.constant 0 : index
    %get3A_385 = vector.load %arg6[%get3A_383, %get3A_384] : memref<1x64xf32, #tpu.memory_space<vmem>>, vector<1x64xf32>
    %get3A_386 = arith.constant 0 : index
    %get3A_387 = arith.constant 0 : index
    %get3A_388 = vector.load %arg5[%get3A_386, %get3A_387] : memref<1x64xf32, #tpu.memory_space<vmem>>, vector<1x64xf32>
    %add3A_389 = vector.broadcast %get3A_388 : vector<1x64xf32> to vector<256x64xf32>
    %add3A_390 = arith.addf %dot_general3A_382, %add3A_389 : vector<256x64xf32>
    %div3A_391 = arith.constant 1.00000501 : f32
    %div3A_392 = vector.broadcast %div3A_391 : f32 to vector<256x64xf32>
    %div3A_393 = arith.divf %add3A_390, %div3A_392 : vector<256x64xf32>
    %mul3A_394 = vector.broadcast %get3A_385 : vector<1x64xf32> to vector<256x64xf32>
    %mul3A_395 = arith.mulf %mul3A_394, %div3A_393 : vector<256x64xf32>
    %get3A_396 = arith.constant 0 : index
    %get3A_397 = arith.constant 0 : index
    %get3A_398 = vector.load %arg7[%get3A_396, %get3A_397] : memref<1x64xf32, #tpu.memory_space<vmem>>, vector<1x64xf32>
    %add3A_399 = vector.broadcast %get3A_398 : vector<1x64xf32> to vector<256x64xf32>
    %add3A_400 = arith.addf %mul3A_395, %add3A_399 : vector<256x64xf32>
    %max3A_401 = arith.maximumf %max3A_370, %add3A_400 : vector<256x64xf32>
    %get3A_402 = arith.constant 0 : index
    %get3A_403 = arith.constant 13 : index
    %get3A_404 = arith.constant 0 : index
    %get3A_405 = arith.constant 0 : index
    %get3A_406 = vector.load %arg3[%get3A_402, %get3A_403, %get3A_404, %get3A_405] : memref<1x16x256x128xf32, #tpu.memory_space<vmem>>, vector<1x1x256x128xf32>
    %get3A_407 = vector.shape_cast %get3A_406 : vector<1x1x256x128xf32> to vector<256x128xf32>
    %slice3A_408 = vector.extract_strided_slice %get3A_407 {offsets = [0, 0], sizes = [256, 64], strides = [1, 1]} : vector<256x128xf32> to vector<256x64xf32>
    %sub3A_409 = arith.subf %slice3A_408, %get3A_3 : vector<256x64xf32>
    %convert_element_type3A_410 = arith.truncf %sub3A_409 : vector<256x64xf32> to vector<256x64xbf16>
    %concatenate3A_411 = tpu.concatenate %convert_element_type3A, %convert_element_type3A_410 in 1 : vector<256x64xbf16>, vector<256x64xbf16> -> vector<256x128xbf16>
    %dot_general3A_412 = arith.constant dense<0.000000e+00> : vector<256x64xf32>
    %dot_general3A_413 = tpu.matmul %concatenate3A_411, %convert_element_type3A_7, %dot_general3A_412 {dimension_numbers = #tpu.dot_dimension_numbers<[1], [0], [0], [1], [0, 0, 1, 1], [], []>, transpose_lhs_hint = false} : vector<256x128xbf16>, vector<128x64xbf16>, vector<256x64xf32> -> vector<256x64xf32>
    %get3A_414 = arith.constant 0 : index
    %get3A_415 = arith.constant 0 : index
    %get3A_416 = vector.load %arg6[%get3A_414, %get3A_415] : memref<1x64xf32, #tpu.memory_space<vmem>>, vector<1x64xf32>
    %get3A_417 = arith.constant 0 : index
    %get3A_418 = arith.constant 0 : index
    %get3A_419 = vector.load %arg5[%get3A_417, %get3A_418] : memref<1x64xf32, #tpu.memory_space<vmem>>, vector<1x64xf32>
    %add3A_420 = vector.broadcast %get3A_419 : vector<1x64xf32> to vector<256x64xf32>
    %add3A_421 = arith.addf %dot_general3A_413, %add3A_420 : vector<256x64xf32>
    %div3A_422 = arith.constant 1.00000501 : f32
    %div3A_423 = vector.broadcast %div3A_422 : f32 to vector<256x64xf32>
    %div3A_424 = arith.divf %add3A_421, %div3A_423 : vector<256x64xf32>
    %mul3A_425 = vector.broadcast %get3A_416 : vector<1x64xf32> to vector<256x64xf32>
    %mul3A_426 = arith.mulf %mul3A_425, %div3A_424 : vector<256x64xf32>
    %get3A_427 = arith.constant 0 : index
    %get3A_428 = arith.constant 0 : index
    %get3A_429 = vector.load %arg7[%get3A_427, %get3A_428] : memref<1x64xf32, #tpu.memory_space<vmem>>, vector<1x64xf32>
    %add3A_430 = vector.broadcast %get3A_429 : vector<1x64xf32> to vector<256x64xf32>
    %add3A_431 = arith.addf %mul3A_426, %add3A_430 : vector<256x64xf32>
    %max3A_432 = arith.maximumf %max3A_401, %add3A_431 : vector<256x64xf32>
    %get3A_433 = arith.constant 0 : index
    %get3A_434 = arith.constant 14 : index
    %get3A_435 = arith.constant 0 : index
    %get3A_436 = arith.constant 0 : index
    %get3A_437 = vector.load %arg3[%get3A_433, %get3A_434, %get3A_435, %get3A_436] : memref<1x16x256x128xf32, #tpu.memory_space<vmem>>, vector<1x1x256x128xf32>
    %get3A_438 = vector.shape_cast %get3A_437 : vector<1x1x256x128xf32> to vector<256x128xf32>
    %slice3A_439 = vector.extract_strided_slice %get3A_438 {offsets = [0, 0], sizes = [256, 64], strides = [1, 1]} : vector<256x128xf32> to vector<256x64xf32>
    %sub3A_440 = arith.subf %slice3A_439, %get3A_3 : vector<256x64xf32>
    %convert_element_type3A_441 = arith.truncf %sub3A_440 : vector<256x64xf32> to vector<256x64xbf16>
    %concatenate3A_442 = tpu.concatenate %convert_element_type3A, %convert_element_type3A_441 in 1 : vector<256x64xbf16>, vector<256x64xbf16> -> vector<256x128xbf16>
    %dot_general3A_443 = arith.constant dense<0.000000e+00> : vector<256x64xf32>
    %dot_general3A_444 = tpu.matmul %concatenate3A_442, %convert_element_type3A_7, %dot_general3A_443 {dimension_numbers = #tpu.dot_dimension_numbers<[1], [0], [0], [1], [0, 0, 1, 1], [], []>, transpose_lhs_hint = false} : vector<256x128xbf16>, vector<128x64xbf16>, vector<256x64xf32> -> vector<256x64xf32>
    %get3A_445 = arith.constant 0 : index
    %get3A_446 = arith.constant 0 : index
    %get3A_447 = vector.load %arg6[%get3A_445, %get3A_446] : memref<1x64xf32, #tpu.memory_space<vmem>>, vector<1x64xf32>
    %get3A_448 = arith.constant 0 : index
    %get3A_449 = arith.constant 0 : index
    %get3A_450 = vector.load %arg5[%get3A_448, %get3A_449] : memref<1x64xf32, #tpu.memory_space<vmem>>, vector<1x64xf32>
    %add3A_451 = vector.broadcast %get3A_450 : vector<1x64xf32> to vector<256x64xf32>
    %add3A_452 = arith.addf %dot_general3A_444, %add3A_451 : vector<256x64xf32>
    %div3A_453 = arith.constant 1.00000501 : f32
    %div3A_454 = vector.broadcast %div3A_453 : f32 to vector<256x64xf32>
    %div3A_455 = arith.divf %add3A_452, %div3A_454 : vector<256x64xf32>
    %mul3A_456 = vector.broadcast %get3A_447 : vector<1x64xf32> to vector<256x64xf32>
    %mul3A_457 = arith.mulf %mul3A_456, %div3A_455 : vector<256x64xf32>
    %get3A_458 = arith.constant 0 : index
    %get3A_459 = arith.constant 0 : index
    %get3A_460 = vector.load %arg7[%get3A_458, %get3A_459] : memref<1x64xf32, #tpu.memory_space<vmem>>, vector<1x64xf32>
    %add3A_461 = vector.broadcast %get3A_460 : vector<1x64xf32> to vector<256x64xf32>
    %add3A_462 = arith.addf %mul3A_457, %add3A_461 : vector<256x64xf32>
    %max3A_463 = arith.maximumf %max3A_432, %add3A_462 : vector<256x64xf32>
    %get3A_464 = arith.constant 0 : index
    %get3A_465 = arith.constant 15 : index
    %get3A_466 = arith.constant 0 : index
    %get3A_467 = arith.constant 0 : index
    %get3A_468 = vector.load %arg3[%get3A_464, %get3A_465, %get3A_466, %get3A_467] : memref<1x16x256x128xf32, #tpu.memory_space<vmem>>, vector<1x1x256x128xf32>
    %get3A_469 = vector.shape_cast %get3A_468 : vector<1x1x256x128xf32> to vector<256x128xf32>
    %slice3A_470 = vector.extract_strided_slice %get3A_469 {offsets = [0, 0], sizes = [256, 64], strides = [1, 1]} : vector<256x128xf32> to vector<256x64xf32>
    %sub3A_471 = arith.subf %slice3A_470, %get3A_3 : vector<256x64xf32>
    %convert_element_type3A_472 = arith.truncf %sub3A_471 : vector<256x64xf32> to vector<256x64xbf16>
    %concatenate3A_473 = tpu.concatenate %convert_element_type3A, %convert_element_type3A_472 in 1 : vector<256x64xbf16>, vector<256x64xbf16> -> vector<256x128xbf16>
    %dot_general3A_474 = arith.constant dense<0.000000e+00> : vector<256x64xf32>
    %dot_general3A_475 = tpu.matmul %concatenate3A_473, %convert_element_type3A_7, %dot_general3A_474 {dimension_numbers = #tpu.dot_dimension_numbers<[1], [0], [0], [1], [0, 0, 1, 1], [], []>, transpose_lhs_hint = false} : vector<256x128xbf16>, vector<128x64xbf16>, vector<256x64xf32> -> vector<256x64xf32>
    %get3A_476 = arith.constant 0 : index
    %get3A_477 = arith.constant 0 : index
    %get3A_478 = vector.load %arg6[%get3A_476, %get3A_477] : memref<1x64xf32, #tpu.memory_space<vmem>>, vector<1x64xf32>
    %get3A_479 = arith.constant 0 : index
    %get3A_480 = arith.constant 0 : index
    %get3A_481 = vector.load %arg5[%get3A_479, %get3A_480] : memref<1x64xf32, #tpu.memory_space<vmem>>, vector<1x64xf32>
    %add3A_482 = vector.broadcast %get3A_481 : vector<1x64xf32> to vector<256x64xf32>
    %add3A_483 = arith.addf %dot_general3A_475, %add3A_482 : vector<256x64xf32>
    %div3A_484 = arith.constant 1.00000501 : f32
    %div3A_485 = vector.broadcast %div3A_484 : f32 to vector<256x64xf32>
    %div3A_486 = arith.divf %add3A_483, %div3A_485 : vector<256x64xf32>
    %mul3A_487 = vector.broadcast %get3A_478 : vector<1x64xf32> to vector<256x64xf32>
    %mul3A_488 = arith.mulf %mul3A_487, %div3A_486 : vector<256x64xf32>
    %get3A_489 = arith.constant 0 : index
    %get3A_490 = arith.constant 0 : index
    %get3A_491 = vector.load %arg7[%get3A_489, %get3A_490] : memref<1x64xf32, #tpu.memory_space<vmem>>, vector<1x64xf32>
    %add3A_492 = vector.broadcast %get3A_491 : vector<1x64xf32> to vector<256x64xf32>
    %add3A_493 = arith.addf %mul3A_488, %add3A_492 : vector<256x64xf32>
    %max3A_494 = arith.maximumf %max3A_463, %add3A_493 : vector<256x64xf32>
    %max3A_495 = arith.constant 0.000000e+00 : f32
    %max3A_496 = vector.broadcast %max3A_495 : f32 to vector<256x64xf32>
    %max3A_497 = arith.maximumf %max3A_494, %max3A_496 : vector<256x64xf32>
    %swap3A = arith.constant 0 : index
    %swap3A_498 = arith.constant 0 : index
    %swap3A_499 = arith.constant 0 : index
    %swap3A_500 = vector.load %arg8[%swap3A, %swap3A_498, %swap3A_499] : memref<1x256x128xf32, #tpu.memory_space<vmem>>, vector<1x256x64xf32>
    %swap3A_501 = vector.shape_cast %swap3A_500 : vector<1x256x64xf32> to vector<256x64xf32>
    %swap3A_502 = vector.shape_cast %get3A_3 : vector<256x64xf32> to vector<1x256x64xf32>
    tpu.vector_store %arg8[%swap3A, %swap3A_498, %swap3A_499], %swap3A_502 {strides = array<i32>} : memref<1x256x128xf32, #tpu.memory_space<vmem>>, vector<1x256x64xf32>,
    %swap3A_503 = arith.constant 0 : index
    %swap3A_504 = arith.constant 0 : index
    %swap3A_505 = arith.constant 64 : index
    %swap3A_506 = vector.load %arg8[%swap3A_503, %swap3A_504, %swap3A_505] : memref<1x256x128xf32, #tpu.memory_space<vmem>>, vector<1x256x64xf32>
    %swap3A_507 = vector.shape_cast %swap3A_506 : vector<1x256x64xf32> to vector<256x64xf32>
    %swap3A_508 = vector.shape_cast %max3A_497 : vector<256x64xf32> to vector<1x256x64xf32>
    tpu.vector_store %arg8[%swap3A_503, %swap3A_504, %swap3A_505], %swap3A_508 {strides = array<i32>} : memref<1x256x128xf32, #tpu.memory_space<vmem>>, vector<1x256x64xf32>,
    return
  }
  func.func @transform_0(%arg0: i32, %arg1: i32) -> (i32, i32, i32) {
    %c0_i32 = arith.constant 0 : i32
    %c0_i32_0 = arith.constant 0 : i32
    return %arg0, %arg1, %c0_i32 : i32, i32, i32
  }
  func.func @transform_1(%arg0: i32, %arg1: i32) -> (i32, i32, i32, i32) {
    %c0_i32 = arith.constant 0 : i32
    %c0_i32_0 = arith.constant 0 : i32
    %c0_i32_1 = arith.constant 0 : i32
    return %arg0, %c0_i32, %arg1, %c0_i32_0 : i32, i32, i32, i32
  }
  func.func @transform_2(%arg0: i32, %arg1: i32) -> (i32, i32) {
    %c0_i32 = arith.constant 0 : i32
    %c0_i32_0 = arith.constant 0 : i32
    %c0_i32_1 = arith.constant 0 : i32
    return %c0_i32, %c0_i32_0 : i32, i32
  }
  func.func @transform_3(%arg0: i32, %arg1: i32) -> (i32, i32) {
    %c0_i32 = arith.constant 0 : i32
    %c0_i32_0 = arith.constant 0 : i32
    %c0_i32_1 = arith.constant 0 : i32
    return %c0_i32, %c0_i32_0 : i32, i32
  }
  func.func @transform_4(%arg0: i32, %arg1: i32) -> (i32, i32) {
    %c0_i32 = arith.constant 0 : i32
    %c0_i32_0 = arith.constant 0 : i32
    %c0_i32_1 = arith.constant 0 : i32
    return %c0_i32, %c0_i32_0 : i32, i32
  }
  func.func @transform_5(%arg0: i32, %arg1: i32) -> (i32, i32) {
    %c0_i32 = arith.constant 0 : i32
    %c0_i32_0 = arith.constant 0 : i32
    %c0_i32_1 = arith.constant 0 : i32
    return %c0_i32, %c0_i32_0 : i32, i32
  }
  func.func @transform_6(%arg0: i32, %arg1: i32) -> (i32, i32, i32) {
    %c0_i32 = arith.constant 0 : i32
    %c0_i32_0 = arith.constant 0 : i32
    return %arg0, %arg1, %c0_i32 : i32, i32, i32
  }
}

module attributes {stable_mosaic.version = 14 : i64} {
  func.func @body(%arg0: i32, %arg1: i32, %arg2: memref<1x2048x128xf32, #tpu.memory_space<vmem>>, %arg3: memref<1x16x256xi32, #tpu.memory_space<vmem>>) attributes {dimension_semantics = [#tpu.dimension_semantics<arbitrary>, #tpu.dimension_semantics<arbitrary>], iteration_bounds = array<i64: 4, 8>, scalar_prefetch = 0 : i64, scratch_operands = 0 : i64, tpu.core_type = #tpu.core_type<tc>, window_params = [{transform_indices = @transform_0, window_bounds = array<i64: 1, 2048, 128>}, {transform_indices = @transform_1, window_bounds = array<i64: 1, 16, 256>}]} {
    %mul3A = arith.constant 256 : i32
    %mul3A_0 = arith.muli %arg1, %mul3A : i32
    %multiple_of3A = tpu.assume_multiple %mul3A_0, 256 : i32
    %get3A = arith.constant 0 : index
    %get3A_1 = arith.constant 0 : index
    %get3A_2 = arith.constant 0 : index
    %get3A_3 = vector.load %arg2[%get3A, %get3A_1, %get3A_2] : memref<1x2048x128xf32, #tpu.memory_space<vmem>>, vector<1x2048x128xf32>
    %get3A_4 = vector.shape_cast %get3A_3 : vector<1x2048x128xf32> to vector<2048x128xf32>
    %get3A_5 = arith.constant 0 : index
    %get3A_6 = arith.index_cast %multiple_of3A : i32 to index
    %get3A_7 = arith.constant 0 : index
    %get3A_8 = vector.load %arg2[%get3A_5, %get3A_6, %get3A_7] : memref<1x2048x128xf32, #tpu.memory_space<vmem>>, vector<1x256x128xf32>
    %get3A_9 = vector.shape_cast %get3A_8 : vector<1x256x128xf32> to vector<256x128xf32>
    %convert_element_type3A = arith.truncf %get3A_9 : vector<256x128xf32> to vector<256x128xbf16>
    %convert_element_type3A_10 = arith.truncf %get3A_4 : vector<2048x128xf32> to vector<2048x128xbf16>
    %dot_general3A = arith.constant dense<0.000000e+00> : vector<256x2048xf32>
    %dot_general3A_11 = tpu.matmul %convert_element_type3A, %convert_element_type3A_10, %dot_general3A {dimension_numbers = #tpu.dot_dimension_numbers<[1], [1], [0], [0], [0, 0, 1, 0], [], []>, transpose_lhs_hint = false} : vector<256x128xbf16>, vector<2048x128xbf16>, vector<256x2048xf32> -> vector<256x2048xf32>
    %mul3A_12 = arith.mulf %get3A_9, %get3A_9 : vector<256x128xf32>
    %reduce_sum3A = arith.constant dense<0.000000e+00> : vector<256xf32>
    %reduce_sum3A_13 = vector.multi_reduction <add>, %mul3A_12, %reduce_sum3A [1] : vector<256x128xf32> to vector<256xf32>
    %broadcast_in_dim3A = vector.shape_cast %reduce_sum3A_13 : vector<256xf32> to vector<256x1xf32>
    %broadcast_in_dim3A_14 = arith.constant 1.000000e+00 : f32
    %broadcast_in_dim3A_15 = vector.broadcast %broadcast_in_dim3A_14 : f32 to vector<1x128xf32>
    %mul3A_16 = arith.mulf %get3A_4, %get3A_4 : vector<2048x128xf32>
    %dot_general3A_17 = arith.constant dense<0.000000e+00> : vector<1x2048xf32>
    %dot_general3A_18 = tpu.matmul %broadcast_in_dim3A_15, %mul3A_16, %dot_general3A_17 {dimension_numbers = #tpu.dot_dimension_numbers<[1], [1], [0], [0], [0, 0, 1, 0], [], []>, precision = #tpu.contract_precision<fp32>, transpose_lhs_hint = false} : vector<1x128xf32>, vector<2048x128xf32>, vector<1x2048xf32> -> vector<1x2048xf32>
    %mul3A_19 = arith.constant 2.000000e+00 : f32
    %mul3A_20 = vector.broadcast %mul3A_19 : f32 to vector<256x2048xf32>
    %mul3A_21 = arith.mulf %mul3A_20, %dot_general3A_11 : vector<256x2048xf32>
    %sub3A = vector.broadcast %broadcast_in_dim3A : vector<256x1xf32> to vector<256x2048xf32>
    %sub3A_22 = arith.subf %mul3A_21, %sub3A : vector<256x2048xf32>
    %sub3A_23 = vector.broadcast %dot_general3A_18 : vector<1x2048xf32> to vector<256x2048xf32>
    %sub3A_24 = arith.subf %sub3A_22, %sub3A_23 : vector<256x2048xf32>
    %mul3A_25 = arith.constant 2048 : i32
    %mul3A_26 = arith.muli %arg0, %mul3A_25 : i32
    %iota3A = tpu.iota {dimensions = array<i32: 1>} : vector<256x2048xi32>
    %argmax3A = tpu.reduce_index %sub3A_24 {axis = 1 : i32, kind = #tpu.reduction_kind<arg_max>} : vector<256x2048xf32> -> vector<256xi32>
    %broadcast_in_dim3A_27 = vector.shape_cast %argmax3A : vector<256xi32> to vector<1x256xi32>
    %add3A = vector.broadcast %mul3A_26 : i32 to vector<1x256xi32>
    %add3A_28 = arith.addi %broadcast_in_dim3A_27, %add3A : vector<1x256xi32>
    %broadcast_in_dim3A_29 = vector.shape_cast %argmax3A : vector<256xi32> to vector<256x1xi32>
    %eq3A = vector.broadcast %broadcast_in_dim3A_29 : vector<256x1xi32> to vector<256x2048xi32>
    %eq3A_30 = arith.cmpi eq, %iota3A, %eq3A : vector<256x2048xi32>
    %jit3A = arith.constant 0xFF800000 : f32
    %broadcast_in_dim3A_31 = vector.broadcast %jit3A : f32 to vector<256x2048xf32>
    %select_n3A = arith.select %eq3A_30, %broadcast_in_dim3A_31, %sub3A_24 : vector<256x2048xi1>, vector<256x2048xf32>
    %argmax3A_32 = tpu.reduce_index %select_n3A {axis = 1 : i32, kind = #tpu.reduction_kind<arg_max>} : vector<256x2048xf32> -> vector<256xi32>
    %broadcast_in_dim3A_33 = vector.shape_cast %argmax3A_32 : vector<256xi32> to vector<256x1xi32>
    %eq3A_34 = vector.broadcast %broadcast_in_dim3A_33 : vector<256x1xi32> to vector<256x2048xi32>
    %eq3A_35 = arith.cmpi eq, %iota3A, %eq3A_34 : vector<256x2048xi32>
    %jit3A_36 = arith.constant 0xFF800000 : f32
    %broadcast_in_dim3A_37 = vector.broadcast %jit3A_36 : f32 to vector<256x2048xf32>
    %select_n3A_38 = arith.select %eq3A_35, %broadcast_in_dim3A_37, %select_n3A : vector<256x2048xi1>, vector<256x2048xf32>
    %argmax3A_39 = tpu.reduce_index %select_n3A_38 {axis = 1 : i32, kind = #tpu.reduction_kind<arg_max>} : vector<256x2048xf32> -> vector<256xi32>
    %broadcast_in_dim3A_40 = vector.shape_cast %argmax3A_39 : vector<256xi32> to vector<1x256xi32>
    %add3A_41 = vector.broadcast %mul3A_26 : i32 to vector<1x256xi32>
    %add3A_42 = arith.addi %broadcast_in_dim3A_40, %add3A_41 : vector<1x256xi32>
    %broadcast_in_dim3A_43 = vector.shape_cast %argmax3A_39 : vector<256xi32> to vector<256x1xi32>
    %eq3A_44 = vector.broadcast %broadcast_in_dim3A_43 : vector<256x1xi32> to vector<256x2048xi32>
    %eq3A_45 = arith.cmpi eq, %iota3A, %eq3A_44 : vector<256x2048xi32>
    %jit3A_46 = arith.constant 0xFF800000 : f32
    %broadcast_in_dim3A_47 = vector.broadcast %jit3A_46 : f32 to vector<256x2048xf32>
    %select_n3A_48 = arith.select %eq3A_45, %broadcast_in_dim3A_47, %select_n3A_38 : vector<256x2048xi1>, vector<256x2048xf32>
    %argmax3A_49 = tpu.reduce_index %select_n3A_48 {axis = 1 : i32, kind = #tpu.reduction_kind<arg_max>} : vector<256x2048xf32> -> vector<256xi32>
    %broadcast_in_dim3A_50 = vector.shape_cast %argmax3A_49 : vector<256xi32> to vector<256x1xi32>
    %eq3A_51 = vector.broadcast %broadcast_in_dim3A_50 : vector<256x1xi32> to vector<256x2048xi32>
    %eq3A_52 = arith.cmpi eq, %iota3A, %eq3A_51 : vector<256x2048xi32>
    %jit3A_53 = arith.constant 0xFF800000 : f32
    %broadcast_in_dim3A_54 = vector.broadcast %jit3A_53 : f32 to vector<256x2048xf32>
    %select_n3A_55 = arith.select %eq3A_52, %broadcast_in_dim3A_54, %select_n3A_48 : vector<256x2048xi1>, vector<256x2048xf32>
    %argmax3A_56 = tpu.reduce_index %select_n3A_55 {axis = 1 : i32, kind = #tpu.reduction_kind<arg_max>} : vector<256x2048xf32> -> vector<256xi32>
    %broadcast_in_dim3A_57 = vector.shape_cast %argmax3A_56 : vector<256xi32> to vector<1x256xi32>
    %add3A_58 = vector.broadcast %mul3A_26 : i32 to vector<1x256xi32>
    %add3A_59 = arith.addi %broadcast_in_dim3A_57, %add3A_58 : vector<1x256xi32>
    %broadcast_in_dim3A_60 = vector.shape_cast %argmax3A_56 : vector<256xi32> to vector<256x1xi32>
    %eq3A_61 = vector.broadcast %broadcast_in_dim3A_60 : vector<256x1xi32> to vector<256x2048xi32>
    %eq3A_62 = arith.cmpi eq, %iota3A, %eq3A_61 : vector<256x2048xi32>
    %jit3A_63 = arith.constant 0xFF800000 : f32
    %broadcast_in_dim3A_64 = vector.broadcast %jit3A_63 : f32 to vector<256x2048xf32>
    %select_n3A_65 = arith.select %eq3A_62, %broadcast_in_dim3A_64, %select_n3A_55 : vector<256x2048xi1>, vector<256x2048xf32>
    %argmax3A_66 = tpu.reduce_index %select_n3A_65 {axis = 1 : i32, kind = #tpu.reduction_kind<arg_max>} : vector<256x2048xf32> -> vector<256xi32>
    %broadcast_in_dim3A_67 = vector.shape_cast %argmax3A_66 : vector<256xi32> to vector<256x1xi32>
    %eq3A_68 = vector.broadcast %broadcast_in_dim3A_67 : vector<256x1xi32> to vector<256x2048xi32>
    %eq3A_69 = arith.cmpi eq, %iota3A, %eq3A_68 : vector<256x2048xi32>
    %jit3A_70 = arith.constant 0xFF800000 : f32
    %broadcast_in_dim3A_71 = vector.broadcast %jit3A_70 : f32 to vector<256x2048xf32>
    %select_n3A_72 = arith.select %eq3A_69, %broadcast_in_dim3A_71, %select_n3A_65 : vector<256x2048xi1>, vector<256x2048xf32>
    %argmax3A_73 = tpu.reduce_index %select_n3A_72 {axis = 1 : i32, kind = #tpu.reduction_kind<arg_max>} : vector<256x2048xf32> -> vector<256xi32>
    %broadcast_in_dim3A_74 = vector.shape_cast %argmax3A_73 : vector<256xi32> to vector<1x256xi32>
    %add3A_75 = vector.broadcast %mul3A_26 : i32 to vector<1x256xi32>
    %add3A_76 = arith.addi %broadcast_in_dim3A_74, %add3A_75 : vector<1x256xi32>
    %broadcast_in_dim3A_77 = vector.shape_cast %argmax3A_73 : vector<256xi32> to vector<256x1xi32>
    %eq3A_78 = vector.broadcast %broadcast_in_dim3A_77 : vector<256x1xi32> to vector<256x2048xi32>
    %eq3A_79 = arith.cmpi eq, %iota3A, %eq3A_78 : vector<256x2048xi32>
    %jit3A_80 = arith.constant 0xFF800000 : f32
    %broadcast_in_dim3A_81 = vector.broadcast %jit3A_80 : f32 to vector<256x2048xf32>
    %select_n3A_82 = arith.select %eq3A_79, %broadcast_in_dim3A_81, %select_n3A_72 : vector<256x2048xi1>, vector<256x2048xf32>
    %argmax3A_83 = tpu.reduce_index %select_n3A_82 {axis = 1 : i32, kind = #tpu.reduction_kind<arg_max>} : vector<256x2048xf32> -> vector<256xi32>
    %broadcast_in_dim3A_84 = vector.shape_cast %argmax3A_83 : vector<256xi32> to vector<256x1xi32>
    %eq3A_85 = vector.broadcast %broadcast_in_dim3A_84 : vector<256x1xi32> to vector<256x2048xi32>
    %eq3A_86 = arith.cmpi eq, %iota3A, %eq3A_85 : vector<256x2048xi32>
    %jit3A_87 = arith.constant 0xFF800000 : f32
    %broadcast_in_dim3A_88 = vector.broadcast %jit3A_87 : f32 to vector<256x2048xf32>
    %select_n3A_89 = arith.select %eq3A_86, %broadcast_in_dim3A_88, %select_n3A_82 : vector<256x2048xi1>, vector<256x2048xf32>
    %argmax3A_90 = tpu.reduce_index %select_n3A_89 {axis = 1 : i32, kind = #tpu.reduction_kind<arg_max>} : vector<256x2048xf32> -> vector<256xi32>
    %broadcast_in_dim3A_91 = vector.shape_cast %argmax3A_90 : vector<256xi32> to vector<1x256xi32>
    %add3A_92 = vector.broadcast %mul3A_26 : i32 to vector<1x256xi32>
    %add3A_93 = arith.addi %broadcast_in_dim3A_91, %add3A_92 : vector<1x256xi32>
    %broadcast_in_dim3A_94 = vector.shape_cast %argmax3A_90 : vector<256xi32> to vector<256x1xi32>
    %eq3A_95 = vector.broadcast %broadcast_in_dim3A_94 : vector<256x1xi32> to vector<256x2048xi32>
    %eq3A_96 = arith.cmpi eq, %iota3A, %eq3A_95 : vector<256x2048xi32>
    %jit3A_97 = arith.constant 0xFF800000 : f32
    %broadcast_in_dim3A_98 = vector.broadcast %jit3A_97 : f32 to vector<256x2048xf32>
    %select_n3A_99 = arith.select %eq3A_96, %broadcast_in_dim3A_98, %select_n3A_89 : vector<256x2048xi1>, vector<256x2048xf32>
    %argmax3A_100 = tpu.reduce_index %select_n3A_99 {axis = 1 : i32, kind = #tpu.reduction_kind<arg_max>} : vector<256x2048xf32> -> vector<256xi32>
    %broadcast_in_dim3A_101 = vector.shape_cast %argmax3A_100 : vector<256xi32> to vector<256x1xi32>
    %eq3A_102 = vector.broadcast %broadcast_in_dim3A_101 : vector<256x1xi32> to vector<256x2048xi32>
    %eq3A_103 = arith.cmpi eq, %iota3A, %eq3A_102 : vector<256x2048xi32>
    %jit3A_104 = arith.constant 0xFF800000 : f32
    %broadcast_in_dim3A_105 = vector.broadcast %jit3A_104 : f32 to vector<256x2048xf32>
    %select_n3A_106 = arith.select %eq3A_103, %broadcast_in_dim3A_105, %select_n3A_99 : vector<256x2048xi1>, vector<256x2048xf32>
    %argmax3A_107 = tpu.reduce_index %select_n3A_106 {axis = 1 : i32, kind = #tpu.reduction_kind<arg_max>} : vector<256x2048xf32> -> vector<256xi32>
    %broadcast_in_dim3A_108 = vector.shape_cast %argmax3A_107 : vector<256xi32> to vector<1x256xi32>
    %add3A_109 = vector.broadcast %mul3A_26 : i32 to vector<1x256xi32>
    %add3A_110 = arith.addi %broadcast_in_dim3A_108, %add3A_109 : vector<1x256xi32>
    %broadcast_in_dim3A_111 = vector.shape_cast %argmax3A_107 : vector<256xi32> to vector<256x1xi32>
    %eq3A_112 = vector.broadcast %broadcast_in_dim3A_111 : vector<256x1xi32> to vector<256x2048xi32>
    %eq3A_113 = arith.cmpi eq, %iota3A, %eq3A_112 : vector<256x2048xi32>
    %jit3A_114 = arith.constant 0xFF800000 : f32
    %broadcast_in_dim3A_115 = vector.broadcast %jit3A_114 : f32 to vector<256x2048xf32>
    %select_n3A_116 = arith.select %eq3A_113, %broadcast_in_dim3A_115, %select_n3A_106 : vector<256x2048xi1>, vector<256x2048xf32>
    %argmax3A_117 = tpu.reduce_index %select_n3A_116 {axis = 1 : i32, kind = #tpu.reduction_kind<arg_max>} : vector<256x2048xf32> -> vector<256xi32>
    %broadcast_in_dim3A_118 = vector.shape_cast %argmax3A_117 : vector<256xi32> to vector<256x1xi32>
    %eq3A_119 = vector.broadcast %broadcast_in_dim3A_118 : vector<256x1xi32> to vector<256x2048xi32>
    %eq3A_120 = arith.cmpi eq, %iota3A, %eq3A_119 : vector<256x2048xi32>
    %jit3A_121 = arith.constant 0xFF800000 : f32
    %broadcast_in_dim3A_122 = vector.broadcast %jit3A_121 : f32 to vector<256x2048xf32>
    %select_n3A_123 = arith.select %eq3A_120, %broadcast_in_dim3A_122, %select_n3A_116 : vector<256x2048xi1>, vector<256x2048xf32>
    %argmax3A_124 = tpu.reduce_index %select_n3A_123 {axis = 1 : i32, kind = #tpu.reduction_kind<arg_max>} : vector<256x2048xf32> -> vector<256xi32>
    %broadcast_in_dim3A_125 = vector.shape_cast %argmax3A_124 : vector<256xi32> to vector<1x256xi32>
    %add3A_126 = vector.broadcast %mul3A_26 : i32 to vector<1x256xi32>
    %add3A_127 = arith.addi %broadcast_in_dim3A_125, %add3A_126 : vector<1x256xi32>
    %broadcast_in_dim3A_128 = vector.shape_cast %argmax3A_124 : vector<256xi32> to vector<256x1xi32>
    %eq3A_129 = vector.broadcast %broadcast_in_dim3A_128 : vector<256x1xi32> to vector<256x2048xi32>
    %eq3A_130 = arith.cmpi eq, %iota3A, %eq3A_129 : vector<256x2048xi32>
    %jit3A_131 = arith.constant 0xFF800000 : f32
    %broadcast_in_dim3A_132 = vector.broadcast %jit3A_131 : f32 to vector<256x2048xf32>
    %select_n3A_133 = arith.select %eq3A_130, %broadcast_in_dim3A_132, %select_n3A_123 : vector<256x2048xi1>, vector<256x2048xf32>
    %argmax3A_134 = tpu.reduce_index %select_n3A_133 {axis = 1 : i32, kind = #tpu.reduction_kind<arg_max>} : vector<256x2048xf32> -> vector<256xi32>
    %broadcast_in_dim3A_135 = vector.shape_cast %argmax3A_134 : vector<256xi32> to vector<256x1xi32>
    %eq3A_136 = vector.broadcast %broadcast_in_dim3A_135 : vector<256x1xi32> to vector<256x2048xi32>
    %eq3A_137 = arith.cmpi eq, %iota3A, %eq3A_136 : vector<256x2048xi32>
    %jit3A_138 = arith.constant 0xFF800000 : f32
    %broadcast_in_dim3A_139 = vector.broadcast %jit3A_138 : f32 to vector<256x2048xf32>
    %select_n3A_140 = arith.select %eq3A_137, %broadcast_in_dim3A_139, %select_n3A_133 : vector<256x2048xi1>, vector<256x2048xf32>
    %argmax3A_141 = tpu.reduce_index %select_n3A_140 {axis = 1 : i32, kind = #tpu.reduction_kind<arg_max>} : vector<256x2048xf32> -> vector<256xi32>
    %broadcast_in_dim3A_142 = vector.shape_cast %argmax3A_141 : vector<256xi32> to vector<1x256xi32>
    %add3A_143 = vector.broadcast %mul3A_26 : i32 to vector<1x256xi32>
    %add3A_144 = arith.addi %broadcast_in_dim3A_142, %add3A_143 : vector<1x256xi32>
    %broadcast_in_dim3A_145 = vector.shape_cast %argmax3A_141 : vector<256xi32> to vector<256x1xi32>
    %eq3A_146 = vector.broadcast %broadcast_in_dim3A_145 : vector<256x1xi32> to vector<256x2048xi32>
    %eq3A_147 = arith.cmpi eq, %iota3A, %eq3A_146 : vector<256x2048xi32>
    %jit3A_148 = arith.constant 0xFF800000 : f32
    %broadcast_in_dim3A_149 = vector.broadcast %jit3A_148 : f32 to vector<256x2048xf32>
    %select_n3A_150 = arith.select %eq3A_147, %broadcast_in_dim3A_149, %select_n3A_140 : vector<256x2048xi1>, vector<256x2048xf32>
    %argmax3A_151 = tpu.reduce_index %select_n3A_150 {axis = 1 : i32, kind = #tpu.reduction_kind<arg_max>} : vector<256x2048xf32> -> vector<256xi32>
    %broadcast_in_dim3A_152 = vector.shape_cast %argmax3A_151 : vector<256xi32> to vector<256x1xi32>
    %eq3A_153 = vector.broadcast %broadcast_in_dim3A_152 : vector<256x1xi32> to vector<256x2048xi32>
    %eq3A_154 = arith.cmpi eq, %iota3A, %eq3A_153 : vector<256x2048xi32>
    %jit3A_155 = arith.constant 0xFF800000 : f32
    %broadcast_in_dim3A_156 = vector.broadcast %jit3A_155 : f32 to vector<256x2048xf32>
    %select_n3A_157 = arith.select %eq3A_154, %broadcast_in_dim3A_156, %select_n3A_150 : vector<256x2048xi1>, vector<256x2048xf32>
    %argmax3A_158 = tpu.reduce_index %select_n3A_157 {axis = 1 : i32, kind = #tpu.reduction_kind<arg_max>} : vector<256x2048xf32> -> vector<256xi32>
    %broadcast_in_dim3A_159 = vector.shape_cast %argmax3A_158 : vector<256xi32> to vector<1x256xi32>
    %add3A_160 = vector.broadcast %mul3A_26 : i32 to vector<1x256xi32>
    %add3A_161 = arith.addi %broadcast_in_dim3A_159, %add3A_160 : vector<1x256xi32>
    %broadcast_in_dim3A_162 = vector.shape_cast %argmax3A_158 : vector<256xi32> to vector<256x1xi32>
    %eq3A_163 = vector.broadcast %broadcast_in_dim3A_162 : vector<256x1xi32> to vector<256x2048xi32>
    %eq3A_164 = arith.cmpi eq, %iota3A, %eq3A_163 : vector<256x2048xi32>
    %jit3A_165 = arith.constant 0xFF800000 : f32
    %broadcast_in_dim3A_166 = vector.broadcast %jit3A_165 : f32 to vector<256x2048xf32>
    %select_n3A_167 = arith.select %eq3A_164, %broadcast_in_dim3A_166, %select_n3A_157 : vector<256x2048xi1>, vector<256x2048xf32>
    %argmax3A_168 = tpu.reduce_index %select_n3A_167 {axis = 1 : i32, kind = #tpu.reduction_kind<arg_max>} : vector<256x2048xf32> -> vector<256xi32>
    %broadcast_in_dim3A_169 = vector.shape_cast %argmax3A_168 : vector<256xi32> to vector<256x1xi32>
    %eq3A_170 = vector.broadcast %broadcast_in_dim3A_169 : vector<256x1xi32> to vector<256x2048xi32>
    %eq3A_171 = arith.cmpi eq, %iota3A, %eq3A_170 : vector<256x2048xi32>
    %jit3A_172 = arith.constant 0xFF800000 : f32
    %broadcast_in_dim3A_173 = vector.broadcast %jit3A_172 : f32 to vector<256x2048xf32>
    %select_n3A_174 = arith.select %eq3A_171, %broadcast_in_dim3A_173, %select_n3A_167 : vector<256x2048xi1>, vector<256x2048xf32>
    %argmax3A_175 = tpu.reduce_index %select_n3A_174 {axis = 1 : i32, kind = #tpu.reduction_kind<arg_max>} : vector<256x2048xf32> -> vector<256xi32>
    %broadcast_in_dim3A_176 = vector.shape_cast %argmax3A_175 : vector<256xi32> to vector<1x256xi32>
    %add3A_177 = vector.broadcast %mul3A_26 : i32 to vector<1x256xi32>
    %add3A_178 = arith.addi %broadcast_in_dim3A_176, %add3A_177 : vector<1x256xi32>
    %broadcast_in_dim3A_179 = vector.shape_cast %argmax3A_175 : vector<256xi32> to vector<256x1xi32>
    %eq3A_180 = vector.broadcast %broadcast_in_dim3A_179 : vector<256x1xi32> to vector<256x2048xi32>
    %eq3A_181 = arith.cmpi eq, %iota3A, %eq3A_180 : vector<256x2048xi32>
    %jit3A_182 = arith.constant 0xFF800000 : f32
    %broadcast_in_dim3A_183 = vector.broadcast %jit3A_182 : f32 to vector<256x2048xf32>
    %select_n3A_184 = arith.select %eq3A_181, %broadcast_in_dim3A_183, %select_n3A_174 : vector<256x2048xi1>, vector<256x2048xf32>
    %argmax3A_185 = tpu.reduce_index %select_n3A_184 {axis = 1 : i32, kind = #tpu.reduction_kind<arg_max>} : vector<256x2048xf32> -> vector<256xi32>
    %broadcast_in_dim3A_186 = vector.shape_cast %argmax3A_185 : vector<256xi32> to vector<256x1xi32>
    %eq3A_187 = vector.broadcast %broadcast_in_dim3A_186 : vector<256x1xi32> to vector<256x2048xi32>
    %eq3A_188 = arith.cmpi eq, %iota3A, %eq3A_187 : vector<256x2048xi32>
    %jit3A_189 = arith.constant 0xFF800000 : f32
    %broadcast_in_dim3A_190 = vector.broadcast %jit3A_189 : f32 to vector<256x2048xf32>
    %select_n3A_191 = arith.select %eq3A_188, %broadcast_in_dim3A_190, %select_n3A_184 : vector<256x2048xi1>, vector<256x2048xf32>
    %argmax3A_192 = tpu.reduce_index %select_n3A_191 {axis = 1 : i32, kind = #tpu.reduction_kind<arg_max>} : vector<256x2048xf32> -> vector<256xi32>
    %broadcast_in_dim3A_193 = vector.shape_cast %argmax3A_192 : vector<256xi32> to vector<1x256xi32>
    %add3A_194 = vector.broadcast %mul3A_26 : i32 to vector<1x256xi32>
    %add3A_195 = arith.addi %broadcast_in_dim3A_193, %add3A_194 : vector<1x256xi32>
    %broadcast_in_dim3A_196 = vector.shape_cast %argmax3A_192 : vector<256xi32> to vector<256x1xi32>
    %eq3A_197 = vector.broadcast %broadcast_in_dim3A_196 : vector<256x1xi32> to vector<256x2048xi32>
    %eq3A_198 = arith.cmpi eq, %iota3A, %eq3A_197 : vector<256x2048xi32>
    %jit3A_199 = arith.constant 0xFF800000 : f32
    %broadcast_in_dim3A_200 = vector.broadcast %jit3A_199 : f32 to vector<256x2048xf32>
    %select_n3A_201 = arith.select %eq3A_198, %broadcast_in_dim3A_200, %select_n3A_191 : vector<256x2048xi1>, vector<256x2048xf32>
    %argmax3A_202 = tpu.reduce_index %select_n3A_201 {axis = 1 : i32, kind = #tpu.reduction_kind<arg_max>} : vector<256x2048xf32> -> vector<256xi32>
    %broadcast_in_dim3A_203 = vector.shape_cast %argmax3A_202 : vector<256xi32> to vector<256x1xi32>
    %eq3A_204 = vector.broadcast %broadcast_in_dim3A_203 : vector<256x1xi32> to vector<256x2048xi32>
    %eq3A_205 = arith.cmpi eq, %iota3A, %eq3A_204 : vector<256x2048xi32>
    %jit3A_206 = arith.constant 0xFF800000 : f32
    %broadcast_in_dim3A_207 = vector.broadcast %jit3A_206 : f32 to vector<256x2048xf32>
    %select_n3A_208 = arith.select %eq3A_205, %broadcast_in_dim3A_207, %select_n3A_201 : vector<256x2048xi1>, vector<256x2048xf32>
    %argmax3A_209 = tpu.reduce_index %select_n3A_208 {axis = 1 : i32, kind = #tpu.reduction_kind<arg_max>} : vector<256x2048xf32> -> vector<256xi32>
    %broadcast_in_dim3A_210 = vector.shape_cast %argmax3A_209 : vector<256xi32> to vector<1x256xi32>
    %add3A_211 = vector.broadcast %mul3A_26 : i32 to vector<1x256xi32>
    %add3A_212 = arith.addi %broadcast_in_dim3A_210, %add3A_211 : vector<1x256xi32>
    %broadcast_in_dim3A_213 = vector.shape_cast %argmax3A_209 : vector<256xi32> to vector<256x1xi32>
    %eq3A_214 = vector.broadcast %broadcast_in_dim3A_213 : vector<256x1xi32> to vector<256x2048xi32>
    %eq3A_215 = arith.cmpi eq, %iota3A, %eq3A_214 : vector<256x2048xi32>
    %jit3A_216 = arith.constant 0xFF800000 : f32
    %broadcast_in_dim3A_217 = vector.broadcast %jit3A_216 : f32 to vector<256x2048xf32>
    %select_n3A_218 = arith.select %eq3A_215, %broadcast_in_dim3A_217, %select_n3A_208 : vector<256x2048xi1>, vector<256x2048xf32>
    %argmax3A_219 = tpu.reduce_index %select_n3A_218 {axis = 1 : i32, kind = #tpu.reduction_kind<arg_max>} : vector<256x2048xf32> -> vector<256xi32>
    %broadcast_in_dim3A_220 = vector.shape_cast %argmax3A_219 : vector<256xi32> to vector<256x1xi32>
    %eq3A_221 = vector.broadcast %broadcast_in_dim3A_220 : vector<256x1xi32> to vector<256x2048xi32>
    %eq3A_222 = arith.cmpi eq, %iota3A, %eq3A_221 : vector<256x2048xi32>
    %jit3A_223 = arith.constant 0xFF800000 : f32
    %broadcast_in_dim3A_224 = vector.broadcast %jit3A_223 : f32 to vector<256x2048xf32>
    %select_n3A_225 = arith.select %eq3A_222, %broadcast_in_dim3A_224, %select_n3A_218 : vector<256x2048xi1>, vector<256x2048xf32>
    %argmax3A_226 = tpu.reduce_index %select_n3A_225 {axis = 1 : i32, kind = #tpu.reduction_kind<arg_max>} : vector<256x2048xf32> -> vector<256xi32>
    %broadcast_in_dim3A_227 = vector.shape_cast %argmax3A_226 : vector<256xi32> to vector<1x256xi32>
    %add3A_228 = vector.broadcast %mul3A_26 : i32 to vector<1x256xi32>
    %add3A_229 = arith.addi %broadcast_in_dim3A_227, %add3A_228 : vector<1x256xi32>
    %broadcast_in_dim3A_230 = vector.shape_cast %argmax3A_226 : vector<256xi32> to vector<256x1xi32>
    %eq3A_231 = vector.broadcast %broadcast_in_dim3A_230 : vector<256x1xi32> to vector<256x2048xi32>
    %eq3A_232 = arith.cmpi eq, %iota3A, %eq3A_231 : vector<256x2048xi32>
    %jit3A_233 = arith.constant 0xFF800000 : f32
    %broadcast_in_dim3A_234 = vector.broadcast %jit3A_233 : f32 to vector<256x2048xf32>
    %select_n3A_235 = arith.select %eq3A_232, %broadcast_in_dim3A_234, %select_n3A_225 : vector<256x2048xi1>, vector<256x2048xf32>
    %argmax3A_236 = tpu.reduce_index %select_n3A_235 {axis = 1 : i32, kind = #tpu.reduction_kind<arg_max>} : vector<256x2048xf32> -> vector<256xi32>
    %broadcast_in_dim3A_237 = vector.shape_cast %argmax3A_236 : vector<256xi32> to vector<256x1xi32>
    %eq3A_238 = vector.broadcast %broadcast_in_dim3A_237 : vector<256x1xi32> to vector<256x2048xi32>
    %eq3A_239 = arith.cmpi eq, %iota3A, %eq3A_238 : vector<256x2048xi32>
    %jit3A_240 = arith.constant 0xFF800000 : f32
    %broadcast_in_dim3A_241 = vector.broadcast %jit3A_240 : f32 to vector<256x2048xf32>
    %select_n3A_242 = arith.select %eq3A_239, %broadcast_in_dim3A_241, %select_n3A_235 : vector<256x2048xi1>, vector<256x2048xf32>
    %argmax3A_243 = tpu.reduce_index %select_n3A_242 {axis = 1 : i32, kind = #tpu.reduction_kind<arg_max>} : vector<256x2048xf32> -> vector<256xi32>
    %broadcast_in_dim3A_244 = vector.shape_cast %argmax3A_243 : vector<256xi32> to vector<1x256xi32>
    %add3A_245 = vector.broadcast %mul3A_26 : i32 to vector<1x256xi32>
    %add3A_246 = arith.addi %broadcast_in_dim3A_244, %add3A_245 : vector<1x256xi32>
    %broadcast_in_dim3A_247 = vector.shape_cast %argmax3A_243 : vector<256xi32> to vector<256x1xi32>
    %eq3A_248 = vector.broadcast %broadcast_in_dim3A_247 : vector<256x1xi32> to vector<256x2048xi32>
    %eq3A_249 = arith.cmpi eq, %iota3A, %eq3A_248 : vector<256x2048xi32>
    %jit3A_250 = arith.constant 0xFF800000 : f32
    %broadcast_in_dim3A_251 = vector.broadcast %jit3A_250 : f32 to vector<256x2048xf32>
    %select_n3A_252 = arith.select %eq3A_249, %broadcast_in_dim3A_251, %select_n3A_242 : vector<256x2048xi1>, vector<256x2048xf32>
    %argmax3A_253 = tpu.reduce_index %select_n3A_252 {axis = 1 : i32, kind = #tpu.reduction_kind<arg_max>} : vector<256x2048xf32> -> vector<256xi32>
    %broadcast_in_dim3A_254 = vector.shape_cast %argmax3A_253 : vector<256xi32> to vector<256x1xi32>
    %eq3A_255 = vector.broadcast %broadcast_in_dim3A_254 : vector<256x1xi32> to vector<256x2048xi32>
    %eq3A_256 = arith.cmpi eq, %iota3A, %eq3A_255 : vector<256x2048xi32>
    %jit3A_257 = arith.constant 0xFF800000 : f32
    %broadcast_in_dim3A_258 = vector.broadcast %jit3A_257 : f32 to vector<256x2048xf32>
    %select_n3A_259 = arith.select %eq3A_256, %broadcast_in_dim3A_258, %select_n3A_252 : vector<256x2048xi1>, vector<256x2048xf32>
    %argmax3A_260 = tpu.reduce_index %select_n3A_259 {axis = 1 : i32, kind = #tpu.reduction_kind<arg_max>} : vector<256x2048xf32> -> vector<256xi32>
    %broadcast_in_dim3A_261 = vector.shape_cast %argmax3A_260 : vector<256xi32> to vector<1x256xi32>
    %add3A_262 = vector.broadcast %mul3A_26 : i32 to vector<1x256xi32>
    %add3A_263 = arith.addi %broadcast_in_dim3A_261, %add3A_262 : vector<1x256xi32>
    %broadcast_in_dim3A_264 = vector.shape_cast %argmax3A_260 : vector<256xi32> to vector<256x1xi32>
    %eq3A_265 = vector.broadcast %broadcast_in_dim3A_264 : vector<256x1xi32> to vector<256x2048xi32>
    %eq3A_266 = arith.cmpi eq, %iota3A, %eq3A_265 : vector<256x2048xi32>
    %jit3A_267 = arith.constant 0xFF800000 : f32
    %broadcast_in_dim3A_268 = vector.broadcast %jit3A_267 : f32 to vector<256x2048xf32>
    %select_n3A_269 = arith.select %eq3A_266, %broadcast_in_dim3A_268, %select_n3A_259 : vector<256x2048xi1>, vector<256x2048xf32>
    %argmax3A_270 = tpu.reduce_index %select_n3A_269 {axis = 1 : i32, kind = #tpu.reduction_kind<arg_max>} : vector<256x2048xf32> -> vector<256xi32>
    %broadcast_in_dim3A_271 = vector.shape_cast %argmax3A_270 : vector<256xi32> to vector<256x1xi32>
    %eq3A_272 = vector.broadcast %broadcast_in_dim3A_271 : vector<256x1xi32> to vector<256x2048xi32>
    %eq3A_273 = arith.cmpi eq, %iota3A, %eq3A_272 : vector<256x2048xi32>
    %jit3A_274 = arith.constant 0xFF800000 : f32
    %broadcast_in_dim3A_275 = vector.broadcast %jit3A_274 : f32 to vector<256x2048xf32>
    %select_n3A_276 = arith.select %eq3A_273, %broadcast_in_dim3A_275, %select_n3A_269 : vector<256x2048xi1>, vector<256x2048xf32>
    %argmax3A_277 = tpu.reduce_index %select_n3A_276 {axis = 1 : i32, kind = #tpu.reduction_kind<arg_max>} : vector<256x2048xf32> -> vector<256xi32>
    %broadcast_in_dim3A_278 = vector.shape_cast %argmax3A_277 : vector<256xi32> to vector<1x256xi32>
    %add3A_279 = vector.broadcast %mul3A_26 : i32 to vector<1x256xi32>
    %add3A_280 = arith.addi %broadcast_in_dim3A_278, %add3A_279 : vector<1x256xi32>
    %concatenate3A = tpu.concatenate %add3A_28, %add3A_42, %add3A_59, %add3A_76, %add3A_93, %add3A_110, %add3A_127, %add3A_144, %add3A_161, %add3A_178, %add3A_195, %add3A_212, %add3A_229, %add3A_246, %add3A_263, %add3A_280 in 0 : vector<1x256xi32>, vector<1x256xi32>, vector<1x256xi32>, vector<1x256xi32>, vector<1x256xi32>, vector<1x256xi32>, vector<1x256xi32>, vector<1x256xi32>, vector<1x256xi32>, vector<1x256xi32>, vector<1x256xi32>, vector<1x256xi32>, vector<1x256xi32>, vector<1x256xi32>, vector<1x256xi32>, vector<1x256xi32> -> vector<16x256xi32>
    %swap3A = arith.constant 0 : index
    %swap3A_281 = arith.constant 0 : index
    %swap3A_282 = arith.constant 0 : index
    %swap3A_283 = vector.load %arg3[%swap3A, %swap3A_281, %swap3A_282] : memref<1x16x256xi32, #tpu.memory_space<vmem>>, vector<1x16x256xi32>
    %swap3A_284 = vector.shape_cast %swap3A_283 : vector<1x16x256xi32> to vector<16x256xi32>
    %swap3A_285 = vector.shape_cast %concatenate3A : vector<16x256xi32> to vector<1x16x256xi32>
    tpu.vector_store %arg3[%swap3A, %swap3A_281, %swap3A_282], %swap3A_285 {strides = array<i32>} : memref<1x16x256xi32, #tpu.memory_space<vmem>>, vector<1x16x256xi32>,
    return
  }
  func.func @transform_0(%arg0: i32, %arg1: i32) -> (i32, i32, i32) {
    %c0_i32 = arith.constant 0 : i32
    %c0_i32_0 = arith.constant 0 : i32
    %c0_i32_1 = arith.constant 0 : i32
    return %arg0, %c0_i32, %c0_i32_0 : i32, i32, i32
  }
  func.func @transform_1(%arg0: i32, %arg1: i32) -> (i32, i32, i32) {
    %c0_i32 = arith.constant 0 : i32
    %c0_i32_0 = arith.constant 0 : i32
    return %arg0, %c0_i32, %arg1 : i32, i32, i32
  }
}

module attributes {stable_mosaic.version = 14 : i64} {
  func.func @body(%arg0: i32, %arg1: i32, %arg2: memref<1x256x128xf32, #tpu.memory_space<vmem>>, %arg3: memref<1x16x256x128xf32, #tpu.memory_space<vmem>>, %arg4: memref<256x64xf32, #tpu.memory_space<vmem>>, %arg5: memref<1x64xf32, #tpu.memory_space<vmem>>, %arg6: memref<1x64xf32, #tpu.memory_space<vmem>>, %arg7: memref<1x64xf32, #tpu.memory_space<vmem>>, %arg8: memref<1x256x128xf32, #tpu.memory_space<vmem>>) attributes {dimension_semantics = [#tpu.dimension_semantics<arbitrary>, #tpu.dimension_semantics<arbitrary>], iteration_bounds = array<i64: 4, 8>, scalar_prefetch = 0 : i64, scratch_operands = 0 : i64, tpu.core_type = #tpu.core_type<tc>, window_params = [{transform_indices = @transform_0, window_bounds = array<i64: 1, 256, 128>}, {transform_indices = @transform_1, window_bounds = array<i64: 1, 16, 256, 128>}, {pipeline_mode = #tpu.pipeline_mode<synchronous>, transform_indices = @transform_2, window_bounds = array<i64: 256, 64>}, {pipeline_mode = #tpu.pipeline_mode<synchronous>, transform_indices = @transform_3, window_bounds = array<i64: 1, 64>}, {pipeline_mode = #tpu.pipeline_mode<synchronous>, transform_indices = @transform_4, window_bounds = array<i64: 1, 64>}, {pipeline_mode = #tpu.pipeline_mode<synchronous>, transform_indices = @transform_5, window_bounds = array<i64: 1, 64>}, {transform_indices = @transform_6, window_bounds = array<i64: 1, 256, 128>}]} {
    %get3A = arith.constant 0 : index
    %get3A_0 = arith.constant 0 : index
    %get3A_1 = arith.constant 0 : index
    %get3A_2 = vector.load %arg2[%get3A, %get3A_0, %get3A_1] : memref<1x256x128xf32, #tpu.memory_space<vmem>>, vector<1x256x128xf32>
    %get3A_3 = vector.shape_cast %get3A_2 : vector<1x256x128xf32> to vector<256x128xf32>
    %convert_element_type3A = arith.truncf %get3A_3 : vector<256x128xf32> to vector<256x128xbf16>
    %get3A_4 = arith.constant 0 : index
    %get3A_5 = arith.constant 0 : index
    %get3A_6 = vector.load %arg4[%get3A_4, %get3A_5] : memref<256x64xf32, #tpu.memory_space<vmem>>, vector<256x64xf32>
    %convert_element_type3A_7 = arith.truncf %get3A_6 : vector<256x64xf32> to vector<256x64xbf16>
    %get3A_8 = arith.constant 0 : index
    %get3A_9 = arith.constant 0 : index
    %get3A_10 = arith.constant 0 : index
    %get3A_11 = arith.constant 0 : index
    %get3A_12 = vector.load %arg3[%get3A_8, %get3A_9, %get3A_10, %get3A_11] : memref<1x16x256x128xf32, #tpu.memory_space<vmem>>, vector<1x1x256x128xf32>
    %get3A_13 = vector.shape_cast %get3A_12 : vector<1x1x256x128xf32> to vector<256x128xf32>
    %sub3A = arith.subf %get3A_13, %get3A_3 : vector<256x128xf32>
    %convert_element_type3A_14 = arith.truncf %sub3A : vector<256x128xf32> to vector<256x128xbf16>
    %concatenate3A = tpu.concatenate %convert_element_type3A, %convert_element_type3A_14 in 1 : vector<256x128xbf16>, vector<256x128xbf16> -> vector<256x256xbf16>
    %dot_general3A = arith.constant dense<0.000000e+00> : vector<256x64xf32>
    %dot_general3A_15 = tpu.matmul %concatenate3A, %convert_element_type3A_7, %dot_general3A {dimension_numbers = #tpu.dot_dimension_numbers<[1], [0], [0], [1], [0, 0, 1, 1], [], []>, transpose_lhs_hint = false} : vector<256x256xbf16>, vector<256x64xbf16>, vector<256x64xf32> -> vector<256x64xf32>
    %get3A_16 = arith.constant 0 : index
    %get3A_17 = arith.constant 0 : index
    %get3A_18 = vector.load %arg6[%get3A_16, %get3A_17] : memref<1x64xf32, #tpu.memory_space<vmem>>, vector<1x64xf32>
    %get3A_19 = arith.constant 0 : index
    %get3A_20 = arith.constant 0 : index
    %get3A_21 = vector.load %arg5[%get3A_19, %get3A_20] : memref<1x64xf32, #tpu.memory_space<vmem>>, vector<1x64xf32>
    %add3A = vector.broadcast %get3A_21 : vector<1x64xf32> to vector<256x64xf32>
    %add3A_22 = arith.addf %dot_general3A_15, %add3A : vector<256x64xf32>
    %div3A = arith.constant 1.00000501 : f32
    %div3A_23 = vector.broadcast %div3A : f32 to vector<256x64xf32>
    %div3A_24 = arith.divf %add3A_22, %div3A_23 : vector<256x64xf32>
    %mul3A = vector.broadcast %get3A_18 : vector<1x64xf32> to vector<256x64xf32>
    %mul3A_25 = arith.mulf %mul3A, %div3A_24 : vector<256x64xf32>
    %get3A_26 = arith.constant 0 : index
    %get3A_27 = arith.constant 0 : index
    %get3A_28 = vector.load %arg7[%get3A_26, %get3A_27] : memref<1x64xf32, #tpu.memory_space<vmem>>, vector<1x64xf32>
    %add3A_29 = vector.broadcast %get3A_28 : vector<1x64xf32> to vector<256x64xf32>
    %add3A_30 = arith.addf %mul3A_25, %add3A_29 : vector<256x64xf32>
    %get3A_31 = arith.constant 0 : index
    %get3A_32 = arith.constant 1 : index
    %get3A_33 = arith.constant 0 : index
    %get3A_34 = arith.constant 0 : index
    %get3A_35 = vector.load %arg3[%get3A_31, %get3A_32, %get3A_33, %get3A_34] : memref<1x16x256x128xf32, #tpu.memory_space<vmem>>, vector<1x1x256x128xf32>
    %get3A_36 = vector.shape_cast %get3A_35 : vector<1x1x256x128xf32> to vector<256x128xf32>
    %sub3A_37 = arith.subf %get3A_36, %get3A_3 : vector<256x128xf32>
    %convert_element_type3A_38 = arith.truncf %sub3A_37 : vector<256x128xf32> to vector<256x128xbf16>
    %concatenate3A_39 = tpu.concatenate %convert_element_type3A, %convert_element_type3A_38 in 1 : vector<256x128xbf16>, vector<256x128xbf16> -> vector<256x256xbf16>
    %dot_general3A_40 = arith.constant dense<0.000000e+00> : vector<256x64xf32>
    %dot_general3A_41 = tpu.matmul %concatenate3A_39, %convert_element_type3A_7, %dot_general3A_40 {dimension_numbers = #tpu.dot_dimension_numbers<[1], [0], [0], [1], [0, 0, 1, 1], [], []>, transpose_lhs_hint = false} : vector<256x256xbf16>, vector<256x64xbf16>, vector<256x64xf32> -> vector<256x64xf32>
    %get3A_42 = arith.constant 0 : index
    %get3A_43 = arith.constant 0 : index
    %get3A_44 = vector.load %arg6[%get3A_42, %get3A_43] : memref<1x64xf32, #tpu.memory_space<vmem>>, vector<1x64xf32>
    %get3A_45 = arith.constant 0 : index
    %get3A_46 = arith.constant 0 : index
    %get3A_47 = vector.load %arg5[%get3A_45, %get3A_46] : memref<1x64xf32, #tpu.memory_space<vmem>>, vector<1x64xf32>
    %add3A_48 = vector.broadcast %get3A_47 : vector<1x64xf32> to vector<256x64xf32>
    %add3A_49 = arith.addf %dot_general3A_41, %add3A_48 : vector<256x64xf32>
    %div3A_50 = arith.constant 1.00000501 : f32
    %div3A_51 = vector.broadcast %div3A_50 : f32 to vector<256x64xf32>
    %div3A_52 = arith.divf %add3A_49, %div3A_51 : vector<256x64xf32>
    %mul3A_53 = vector.broadcast %get3A_44 : vector<1x64xf32> to vector<256x64xf32>
    %mul3A_54 = arith.mulf %mul3A_53, %div3A_52 : vector<256x64xf32>
    %get3A_55 = arith.constant 0 : index
    %get3A_56 = arith.constant 0 : index
    %get3A_57 = vector.load %arg7[%get3A_55, %get3A_56] : memref<1x64xf32, #tpu.memory_space<vmem>>, vector<1x64xf32>
    %add3A_58 = vector.broadcast %get3A_57 : vector<1x64xf32> to vector<256x64xf32>
    %add3A_59 = arith.addf %mul3A_54, %add3A_58 : vector<256x64xf32>
    %max3A = arith.maximumf %add3A_30, %add3A_59 : vector<256x64xf32>
    %get3A_60 = arith.constant 0 : index
    %get3A_61 = arith.constant 2 : index
    %get3A_62 = arith.constant 0 : index
    %get3A_63 = arith.constant 0 : index
    %get3A_64 = vector.load %arg3[%get3A_60, %get3A_61, %get3A_62, %get3A_63] : memref<1x16x256x128xf32, #tpu.memory_space<vmem>>, vector<1x1x256x128xf32>
    %get3A_65 = vector.shape_cast %get3A_64 : vector<1x1x256x128xf32> to vector<256x128xf32>
    %sub3A_66 = arith.subf %get3A_65, %get3A_3 : vector<256x128xf32>
    %convert_element_type3A_67 = arith.truncf %sub3A_66 : vector<256x128xf32> to vector<256x128xbf16>
    %concatenate3A_68 = tpu.concatenate %convert_element_type3A, %convert_element_type3A_67 in 1 : vector<256x128xbf16>, vector<256x128xbf16> -> vector<256x256xbf16>
    %dot_general3A_69 = arith.constant dense<0.000000e+00> : vector<256x64xf32>
    %dot_general3A_70 = tpu.matmul %concatenate3A_68, %convert_element_type3A_7, %dot_general3A_69 {dimension_numbers = #tpu.dot_dimension_numbers<[1], [0], [0], [1], [0, 0, 1, 1], [], []>, transpose_lhs_hint = false} : vector<256x256xbf16>, vector<256x64xbf16>, vector<256x64xf32> -> vector<256x64xf32>
    %get3A_71 = arith.constant 0 : index
    %get3A_72 = arith.constant 0 : index
    %get3A_73 = vector.load %arg6[%get3A_71, %get3A_72] : memref<1x64xf32, #tpu.memory_space<vmem>>, vector<1x64xf32>
    %get3A_74 = arith.constant 0 : index
    %get3A_75 = arith.constant 0 : index
    %get3A_76 = vector.load %arg5[%get3A_74, %get3A_75] : memref<1x64xf32, #tpu.memory_space<vmem>>, vector<1x64xf32>
    %add3A_77 = vector.broadcast %get3A_76 : vector<1x64xf32> to vector<256x64xf32>
    %add3A_78 = arith.addf %dot_general3A_70, %add3A_77 : vector<256x64xf32>
    %div3A_79 = arith.constant 1.00000501 : f32
    %div3A_80 = vector.broadcast %div3A_79 : f32 to vector<256x64xf32>
    %div3A_81 = arith.divf %add3A_78, %div3A_80 : vector<256x64xf32>
    %mul3A_82 = vector.broadcast %get3A_73 : vector<1x64xf32> to vector<256x64xf32>
    %mul3A_83 = arith.mulf %mul3A_82, %div3A_81 : vector<256x64xf32>
    %get3A_84 = arith.constant 0 : index
    %get3A_85 = arith.constant 0 : index
    %get3A_86 = vector.load %arg7[%get3A_84, %get3A_85] : memref<1x64xf32, #tpu.memory_space<vmem>>, vector<1x64xf32>
    %add3A_87 = vector.broadcast %get3A_86 : vector<1x64xf32> to vector<256x64xf32>
    %add3A_88 = arith.addf %mul3A_83, %add3A_87 : vector<256x64xf32>
    %max3A_89 = arith.maximumf %max3A, %add3A_88 : vector<256x64xf32>
    %get3A_90 = arith.constant 0 : index
    %get3A_91 = arith.constant 3 : index
    %get3A_92 = arith.constant 0 : index
    %get3A_93 = arith.constant 0 : index
    %get3A_94 = vector.load %arg3[%get3A_90, %get3A_91, %get3A_92, %get3A_93] : memref<1x16x256x128xf32, #tpu.memory_space<vmem>>, vector<1x1x256x128xf32>
    %get3A_95 = vector.shape_cast %get3A_94 : vector<1x1x256x128xf32> to vector<256x128xf32>
    %sub3A_96 = arith.subf %get3A_95, %get3A_3 : vector<256x128xf32>
    %convert_element_type3A_97 = arith.truncf %sub3A_96 : vector<256x128xf32> to vector<256x128xbf16>
    %concatenate3A_98 = tpu.concatenate %convert_element_type3A, %convert_element_type3A_97 in 1 : vector<256x128xbf16>, vector<256x128xbf16> -> vector<256x256xbf16>
    %dot_general3A_99 = arith.constant dense<0.000000e+00> : vector<256x64xf32>
    %dot_general3A_100 = tpu.matmul %concatenate3A_98, %convert_element_type3A_7, %dot_general3A_99 {dimension_numbers = #tpu.dot_dimension_numbers<[1], [0], [0], [1], [0, 0, 1, 1], [], []>, transpose_lhs_hint = false} : vector<256x256xbf16>, vector<256x64xbf16>, vector<256x64xf32> -> vector<256x64xf32>
    %get3A_101 = arith.constant 0 : index
    %get3A_102 = arith.constant 0 : index
    %get3A_103 = vector.load %arg6[%get3A_101, %get3A_102] : memref<1x64xf32, #tpu.memory_space<vmem>>, vector<1x64xf32>
    %get3A_104 = arith.constant 0 : index
    %get3A_105 = arith.constant 0 : index
    %get3A_106 = vector.load %arg5[%get3A_104, %get3A_105] : memref<1x64xf32, #tpu.memory_space<vmem>>, vector<1x64xf32>
    %add3A_107 = vector.broadcast %get3A_106 : vector<1x64xf32> to vector<256x64xf32>
    %add3A_108 = arith.addf %dot_general3A_100, %add3A_107 : vector<256x64xf32>
    %div3A_109 = arith.constant 1.00000501 : f32
    %div3A_110 = vector.broadcast %div3A_109 : f32 to vector<256x64xf32>
    %div3A_111 = arith.divf %add3A_108, %div3A_110 : vector<256x64xf32>
    %mul3A_112 = vector.broadcast %get3A_103 : vector<1x64xf32> to vector<256x64xf32>
    %mul3A_113 = arith.mulf %mul3A_112, %div3A_111 : vector<256x64xf32>
    %get3A_114 = arith.constant 0 : index
    %get3A_115 = arith.constant 0 : index
    %get3A_116 = vector.load %arg7[%get3A_114, %get3A_115] : memref<1x64xf32, #tpu.memory_space<vmem>>, vector<1x64xf32>
    %add3A_117 = vector.broadcast %get3A_116 : vector<1x64xf32> to vector<256x64xf32>
    %add3A_118 = arith.addf %mul3A_113, %add3A_117 : vector<256x64xf32>
    %max3A_119 = arith.maximumf %max3A_89, %add3A_118 : vector<256x64xf32>
    %get3A_120 = arith.constant 0 : index
    %get3A_121 = arith.constant 4 : index
    %get3A_122 = arith.constant 0 : index
    %get3A_123 = arith.constant 0 : index
    %get3A_124 = vector.load %arg3[%get3A_120, %get3A_121, %get3A_122, %get3A_123] : memref<1x16x256x128xf32, #tpu.memory_space<vmem>>, vector<1x1x256x128xf32>
    %get3A_125 = vector.shape_cast %get3A_124 : vector<1x1x256x128xf32> to vector<256x128xf32>
    %sub3A_126 = arith.subf %get3A_125, %get3A_3 : vector<256x128xf32>
    %convert_element_type3A_127 = arith.truncf %sub3A_126 : vector<256x128xf32> to vector<256x128xbf16>
    %concatenate3A_128 = tpu.concatenate %convert_element_type3A, %convert_element_type3A_127 in 1 : vector<256x128xbf16>, vector<256x128xbf16> -> vector<256x256xbf16>
    %dot_general3A_129 = arith.constant dense<0.000000e+00> : vector<256x64xf32>
    %dot_general3A_130 = tpu.matmul %concatenate3A_128, %convert_element_type3A_7, %dot_general3A_129 {dimension_numbers = #tpu.dot_dimension_numbers<[1], [0], [0], [1], [0, 0, 1, 1], [], []>, transpose_lhs_hint = false} : vector<256x256xbf16>, vector<256x64xbf16>, vector<256x64xf32> -> vector<256x64xf32>
    %get3A_131 = arith.constant 0 : index
    %get3A_132 = arith.constant 0 : index
    %get3A_133 = vector.load %arg6[%get3A_131, %get3A_132] : memref<1x64xf32, #tpu.memory_space<vmem>>, vector<1x64xf32>
    %get3A_134 = arith.constant 0 : index
    %get3A_135 = arith.constant 0 : index
    %get3A_136 = vector.load %arg5[%get3A_134, %get3A_135] : memref<1x64xf32, #tpu.memory_space<vmem>>, vector<1x64xf32>
    %add3A_137 = vector.broadcast %get3A_136 : vector<1x64xf32> to vector<256x64xf32>
    %add3A_138 = arith.addf %dot_general3A_130, %add3A_137 : vector<256x64xf32>
    %div3A_139 = arith.constant 1.00000501 : f32
    %div3A_140 = vector.broadcast %div3A_139 : f32 to vector<256x64xf32>
    %div3A_141 = arith.divf %add3A_138, %div3A_140 : vector<256x64xf32>
    %mul3A_142 = vector.broadcast %get3A_133 : vector<1x64xf32> to vector<256x64xf32>
    %mul3A_143 = arith.mulf %mul3A_142, %div3A_141 : vector<256x64xf32>
    %get3A_144 = arith.constant 0 : index
    %get3A_145 = arith.constant 0 : index
    %get3A_146 = vector.load %arg7[%get3A_144, %get3A_145] : memref<1x64xf32, #tpu.memory_space<vmem>>, vector<1x64xf32>
    %add3A_147 = vector.broadcast %get3A_146 : vector<1x64xf32> to vector<256x64xf32>
    %add3A_148 = arith.addf %mul3A_143, %add3A_147 : vector<256x64xf32>
    %max3A_149 = arith.maximumf %max3A_119, %add3A_148 : vector<256x64xf32>
    %get3A_150 = arith.constant 0 : index
    %get3A_151 = arith.constant 5 : index
    %get3A_152 = arith.constant 0 : index
    %get3A_153 = arith.constant 0 : index
    %get3A_154 = vector.load %arg3[%get3A_150, %get3A_151, %get3A_152, %get3A_153] : memref<1x16x256x128xf32, #tpu.memory_space<vmem>>, vector<1x1x256x128xf32>
    %get3A_155 = vector.shape_cast %get3A_154 : vector<1x1x256x128xf32> to vector<256x128xf32>
    %sub3A_156 = arith.subf %get3A_155, %get3A_3 : vector<256x128xf32>
    %convert_element_type3A_157 = arith.truncf %sub3A_156 : vector<256x128xf32> to vector<256x128xbf16>
    %concatenate3A_158 = tpu.concatenate %convert_element_type3A, %convert_element_type3A_157 in 1 : vector<256x128xbf16>, vector<256x128xbf16> -> vector<256x256xbf16>
    %dot_general3A_159 = arith.constant dense<0.000000e+00> : vector<256x64xf32>
    %dot_general3A_160 = tpu.matmul %concatenate3A_158, %convert_element_type3A_7, %dot_general3A_159 {dimension_numbers = #tpu.dot_dimension_numbers<[1], [0], [0], [1], [0, 0, 1, 1], [], []>, transpose_lhs_hint = false} : vector<256x256xbf16>, vector<256x64xbf16>, vector<256x64xf32> -> vector<256x64xf32>
    %get3A_161 = arith.constant 0 : index
    %get3A_162 = arith.constant 0 : index
    %get3A_163 = vector.load %arg6[%get3A_161, %get3A_162] : memref<1x64xf32, #tpu.memory_space<vmem>>, vector<1x64xf32>
    %get3A_164 = arith.constant 0 : index
    %get3A_165 = arith.constant 0 : index
    %get3A_166 = vector.load %arg5[%get3A_164, %get3A_165] : memref<1x64xf32, #tpu.memory_space<vmem>>, vector<1x64xf32>
    %add3A_167 = vector.broadcast %get3A_166 : vector<1x64xf32> to vector<256x64xf32>
    %add3A_168 = arith.addf %dot_general3A_160, %add3A_167 : vector<256x64xf32>
    %div3A_169 = arith.constant 1.00000501 : f32
    %div3A_170 = vector.broadcast %div3A_169 : f32 to vector<256x64xf32>
    %div3A_171 = arith.divf %add3A_168, %div3A_170 : vector<256x64xf32>
    %mul3A_172 = vector.broadcast %get3A_163 : vector<1x64xf32> to vector<256x64xf32>
    %mul3A_173 = arith.mulf %mul3A_172, %div3A_171 : vector<256x64xf32>
    %get3A_174 = arith.constant 0 : index
    %get3A_175 = arith.constant 0 : index
    %get3A_176 = vector.load %arg7[%get3A_174, %get3A_175] : memref<1x64xf32, #tpu.memory_space<vmem>>, vector<1x64xf32>
    %add3A_177 = vector.broadcast %get3A_176 : vector<1x64xf32> to vector<256x64xf32>
    %add3A_178 = arith.addf %mul3A_173, %add3A_177 : vector<256x64xf32>
    %max3A_179 = arith.maximumf %max3A_149, %add3A_178 : vector<256x64xf32>
    %get3A_180 = arith.constant 0 : index
    %get3A_181 = arith.constant 6 : index
    %get3A_182 = arith.constant 0 : index
    %get3A_183 = arith.constant 0 : index
    %get3A_184 = vector.load %arg3[%get3A_180, %get3A_181, %get3A_182, %get3A_183] : memref<1x16x256x128xf32, #tpu.memory_space<vmem>>, vector<1x1x256x128xf32>
    %get3A_185 = vector.shape_cast %get3A_184 : vector<1x1x256x128xf32> to vector<256x128xf32>
    %sub3A_186 = arith.subf %get3A_185, %get3A_3 : vector<256x128xf32>
    %convert_element_type3A_187 = arith.truncf %sub3A_186 : vector<256x128xf32> to vector<256x128xbf16>
    %concatenate3A_188 = tpu.concatenate %convert_element_type3A, %convert_element_type3A_187 in 1 : vector<256x128xbf16>, vector<256x128xbf16> -> vector<256x256xbf16>
    %dot_general3A_189 = arith.constant dense<0.000000e+00> : vector<256x64xf32>
    %dot_general3A_190 = tpu.matmul %concatenate3A_188, %convert_element_type3A_7, %dot_general3A_189 {dimension_numbers = #tpu.dot_dimension_numbers<[1], [0], [0], [1], [0, 0, 1, 1], [], []>, transpose_lhs_hint = false} : vector<256x256xbf16>, vector<256x64xbf16>, vector<256x64xf32> -> vector<256x64xf32>
    %get3A_191 = arith.constant 0 : index
    %get3A_192 = arith.constant 0 : index
    %get3A_193 = vector.load %arg6[%get3A_191, %get3A_192] : memref<1x64xf32, #tpu.memory_space<vmem>>, vector<1x64xf32>
    %get3A_194 = arith.constant 0 : index
    %get3A_195 = arith.constant 0 : index
    %get3A_196 = vector.load %arg5[%get3A_194, %get3A_195] : memref<1x64xf32, #tpu.memory_space<vmem>>, vector<1x64xf32>
    %add3A_197 = vector.broadcast %get3A_196 : vector<1x64xf32> to vector<256x64xf32>
    %add3A_198 = arith.addf %dot_general3A_190, %add3A_197 : vector<256x64xf32>
    %div3A_199 = arith.constant 1.00000501 : f32
    %div3A_200 = vector.broadcast %div3A_199 : f32 to vector<256x64xf32>
    %div3A_201 = arith.divf %add3A_198, %div3A_200 : vector<256x64xf32>
    %mul3A_202 = vector.broadcast %get3A_193 : vector<1x64xf32> to vector<256x64xf32>
    %mul3A_203 = arith.mulf %mul3A_202, %div3A_201 : vector<256x64xf32>
    %get3A_204 = arith.constant 0 : index
    %get3A_205 = arith.constant 0 : index
    %get3A_206 = vector.load %arg7[%get3A_204, %get3A_205] : memref<1x64xf32, #tpu.memory_space<vmem>>, vector<1x64xf32>
    %add3A_207 = vector.broadcast %get3A_206 : vector<1x64xf32> to vector<256x64xf32>
    %add3A_208 = arith.addf %mul3A_203, %add3A_207 : vector<256x64xf32>
    %max3A_209 = arith.maximumf %max3A_179, %add3A_208 : vector<256x64xf32>
    %get3A_210 = arith.constant 0 : index
    %get3A_211 = arith.constant 7 : index
    %get3A_212 = arith.constant 0 : index
    %get3A_213 = arith.constant 0 : index
    %get3A_214 = vector.load %arg3[%get3A_210, %get3A_211, %get3A_212, %get3A_213] : memref<1x16x256x128xf32, #tpu.memory_space<vmem>>, vector<1x1x256x128xf32>
    %get3A_215 = vector.shape_cast %get3A_214 : vector<1x1x256x128xf32> to vector<256x128xf32>
    %sub3A_216 = arith.subf %get3A_215, %get3A_3 : vector<256x128xf32>
    %convert_element_type3A_217 = arith.truncf %sub3A_216 : vector<256x128xf32> to vector<256x128xbf16>
    %concatenate3A_218 = tpu.concatenate %convert_element_type3A, %convert_element_type3A_217 in 1 : vector<256x128xbf16>, vector<256x128xbf16> -> vector<256x256xbf16>
    %dot_general3A_219 = arith.constant dense<0.000000e+00> : vector<256x64xf32>
    %dot_general3A_220 = tpu.matmul %concatenate3A_218, %convert_element_type3A_7, %dot_general3A_219 {dimension_numbers = #tpu.dot_dimension_numbers<[1], [0], [0], [1], [0, 0, 1, 1], [], []>, transpose_lhs_hint = false} : vector<256x256xbf16>, vector<256x64xbf16>, vector<256x64xf32> -> vector<256x64xf32>
    %get3A_221 = arith.constant 0 : index
    %get3A_222 = arith.constant 0 : index
    %get3A_223 = vector.load %arg6[%get3A_221, %get3A_222] : memref<1x64xf32, #tpu.memory_space<vmem>>, vector<1x64xf32>
    %get3A_224 = arith.constant 0 : index
    %get3A_225 = arith.constant 0 : index
    %get3A_226 = vector.load %arg5[%get3A_224, %get3A_225] : memref<1x64xf32, #tpu.memory_space<vmem>>, vector<1x64xf32>
    %add3A_227 = vector.broadcast %get3A_226 : vector<1x64xf32> to vector<256x64xf32>
    %add3A_228 = arith.addf %dot_general3A_220, %add3A_227 : vector<256x64xf32>
    %div3A_229 = arith.constant 1.00000501 : f32
    %div3A_230 = vector.broadcast %div3A_229 : f32 to vector<256x64xf32>
    %div3A_231 = arith.divf %add3A_228, %div3A_230 : vector<256x64xf32>
    %mul3A_232 = vector.broadcast %get3A_223 : vector<1x64xf32> to vector<256x64xf32>
    %mul3A_233 = arith.mulf %mul3A_232, %div3A_231 : vector<256x64xf32>
    %get3A_234 = arith.constant 0 : index
    %get3A_235 = arith.constant 0 : index
    %get3A_236 = vector.load %arg7[%get3A_234, %get3A_235] : memref<1x64xf32, #tpu.memory_space<vmem>>, vector<1x64xf32>
    %add3A_237 = vector.broadcast %get3A_236 : vector<1x64xf32> to vector<256x64xf32>
    %add3A_238 = arith.addf %mul3A_233, %add3A_237 : vector<256x64xf32>
    %max3A_239 = arith.maximumf %max3A_209, %add3A_238 : vector<256x64xf32>
    %get3A_240 = arith.constant 0 : index
    %get3A_241 = arith.constant 8 : index
    %get3A_242 = arith.constant 0 : index
    %get3A_243 = arith.constant 0 : index
    %get3A_244 = vector.load %arg3[%get3A_240, %get3A_241, %get3A_242, %get3A_243] : memref<1x16x256x128xf32, #tpu.memory_space<vmem>>, vector<1x1x256x128xf32>
    %get3A_245 = vector.shape_cast %get3A_244 : vector<1x1x256x128xf32> to vector<256x128xf32>
    %sub3A_246 = arith.subf %get3A_245, %get3A_3 : vector<256x128xf32>
    %convert_element_type3A_247 = arith.truncf %sub3A_246 : vector<256x128xf32> to vector<256x128xbf16>
    %concatenate3A_248 = tpu.concatenate %convert_element_type3A, %convert_element_type3A_247 in 1 : vector<256x128xbf16>, vector<256x128xbf16> -> vector<256x256xbf16>
    %dot_general3A_249 = arith.constant dense<0.000000e+00> : vector<256x64xf32>
    %dot_general3A_250 = tpu.matmul %concatenate3A_248, %convert_element_type3A_7, %dot_general3A_249 {dimension_numbers = #tpu.dot_dimension_numbers<[1], [0], [0], [1], [0, 0, 1, 1], [], []>, transpose_lhs_hint = false} : vector<256x256xbf16>, vector<256x64xbf16>, vector<256x64xf32> -> vector<256x64xf32>
    %get3A_251 = arith.constant 0 : index
    %get3A_252 = arith.constant 0 : index
    %get3A_253 = vector.load %arg6[%get3A_251, %get3A_252] : memref<1x64xf32, #tpu.memory_space<vmem>>, vector<1x64xf32>
    %get3A_254 = arith.constant 0 : index
    %get3A_255 = arith.constant 0 : index
    %get3A_256 = vector.load %arg5[%get3A_254, %get3A_255] : memref<1x64xf32, #tpu.memory_space<vmem>>, vector<1x64xf32>
    %add3A_257 = vector.broadcast %get3A_256 : vector<1x64xf32> to vector<256x64xf32>
    %add3A_258 = arith.addf %dot_general3A_250, %add3A_257 : vector<256x64xf32>
    %div3A_259 = arith.constant 1.00000501 : f32
    %div3A_260 = vector.broadcast %div3A_259 : f32 to vector<256x64xf32>
    %div3A_261 = arith.divf %add3A_258, %div3A_260 : vector<256x64xf32>
    %mul3A_262 = vector.broadcast %get3A_253 : vector<1x64xf32> to vector<256x64xf32>
    %mul3A_263 = arith.mulf %mul3A_262, %div3A_261 : vector<256x64xf32>
    %get3A_264 = arith.constant 0 : index
    %get3A_265 = arith.constant 0 : index
    %get3A_266 = vector.load %arg7[%get3A_264, %get3A_265] : memref<1x64xf32, #tpu.memory_space<vmem>>, vector<1x64xf32>
    %add3A_267 = vector.broadcast %get3A_266 : vector<1x64xf32> to vector<256x64xf32>
    %add3A_268 = arith.addf %mul3A_263, %add3A_267 : vector<256x64xf32>
    %max3A_269 = arith.maximumf %max3A_239, %add3A_268 : vector<256x64xf32>
    %get3A_270 = arith.constant 0 : index
    %get3A_271 = arith.constant 9 : index
    %get3A_272 = arith.constant 0 : index
    %get3A_273 = arith.constant 0 : index
    %get3A_274 = vector.load %arg3[%get3A_270, %get3A_271, %get3A_272, %get3A_273] : memref<1x16x256x128xf32, #tpu.memory_space<vmem>>, vector<1x1x256x128xf32>
    %get3A_275 = vector.shape_cast %get3A_274 : vector<1x1x256x128xf32> to vector<256x128xf32>
    %sub3A_276 = arith.subf %get3A_275, %get3A_3 : vector<256x128xf32>
    %convert_element_type3A_277 = arith.truncf %sub3A_276 : vector<256x128xf32> to vector<256x128xbf16>
    %concatenate3A_278 = tpu.concatenate %convert_element_type3A, %convert_element_type3A_277 in 1 : vector<256x128xbf16>, vector<256x128xbf16> -> vector<256x256xbf16>
    %dot_general3A_279 = arith.constant dense<0.000000e+00> : vector<256x64xf32>
    %dot_general3A_280 = tpu.matmul %concatenate3A_278, %convert_element_type3A_7, %dot_general3A_279 {dimension_numbers = #tpu.dot_dimension_numbers<[1], [0], [0], [1], [0, 0, 1, 1], [], []>, transpose_lhs_hint = false} : vector<256x256xbf16>, vector<256x64xbf16>, vector<256x64xf32> -> vector<256x64xf32>
    %get3A_281 = arith.constant 0 : index
    %get3A_282 = arith.constant 0 : index
    %get3A_283 = vector.load %arg6[%get3A_281, %get3A_282] : memref<1x64xf32, #tpu.memory_space<vmem>>, vector<1x64xf32>
    %get3A_284 = arith.constant 0 : index
    %get3A_285 = arith.constant 0 : index
    %get3A_286 = vector.load %arg5[%get3A_284, %get3A_285] : memref<1x64xf32, #tpu.memory_space<vmem>>, vector<1x64xf32>
    %add3A_287 = vector.broadcast %get3A_286 : vector<1x64xf32> to vector<256x64xf32>
    %add3A_288 = arith.addf %dot_general3A_280, %add3A_287 : vector<256x64xf32>
    %div3A_289 = arith.constant 1.00000501 : f32
    %div3A_290 = vector.broadcast %div3A_289 : f32 to vector<256x64xf32>
    %div3A_291 = arith.divf %add3A_288, %div3A_290 : vector<256x64xf32>
    %mul3A_292 = vector.broadcast %get3A_283 : vector<1x64xf32> to vector<256x64xf32>
    %mul3A_293 = arith.mulf %mul3A_292, %div3A_291 : vector<256x64xf32>
    %get3A_294 = arith.constant 0 : index
    %get3A_295 = arith.constant 0 : index
    %get3A_296 = vector.load %arg7[%get3A_294, %get3A_295] : memref<1x64xf32, #tpu.memory_space<vmem>>, vector<1x64xf32>
    %add3A_297 = vector.broadcast %get3A_296 : vector<1x64xf32> to vector<256x64xf32>
    %add3A_298 = arith.addf %mul3A_293, %add3A_297 : vector<256x64xf32>
    %max3A_299 = arith.maximumf %max3A_269, %add3A_298 : vector<256x64xf32>
    %get3A_300 = arith.constant 0 : index
    %get3A_301 = arith.constant 10 : index
    %get3A_302 = arith.constant 0 : index
    %get3A_303 = arith.constant 0 : index
    %get3A_304 = vector.load %arg3[%get3A_300, %get3A_301, %get3A_302, %get3A_303] : memref<1x16x256x128xf32, #tpu.memory_space<vmem>>, vector<1x1x256x128xf32>
    %get3A_305 = vector.shape_cast %get3A_304 : vector<1x1x256x128xf32> to vector<256x128xf32>
    %sub3A_306 = arith.subf %get3A_305, %get3A_3 : vector<256x128xf32>
    %convert_element_type3A_307 = arith.truncf %sub3A_306 : vector<256x128xf32> to vector<256x128xbf16>
    %concatenate3A_308 = tpu.concatenate %convert_element_type3A, %convert_element_type3A_307 in 1 : vector<256x128xbf16>, vector<256x128xbf16> -> vector<256x256xbf16>
    %dot_general3A_309 = arith.constant dense<0.000000e+00> : vector<256x64xf32>
    %dot_general3A_310 = tpu.matmul %concatenate3A_308, %convert_element_type3A_7, %dot_general3A_309 {dimension_numbers = #tpu.dot_dimension_numbers<[1], [0], [0], [1], [0, 0, 1, 1], [], []>, transpose_lhs_hint = false} : vector<256x256xbf16>, vector<256x64xbf16>, vector<256x64xf32> -> vector<256x64xf32>
    %get3A_311 = arith.constant 0 : index
    %get3A_312 = arith.constant 0 : index
    %get3A_313 = vector.load %arg6[%get3A_311, %get3A_312] : memref<1x64xf32, #tpu.memory_space<vmem>>, vector<1x64xf32>
    %get3A_314 = arith.constant 0 : index
    %get3A_315 = arith.constant 0 : index
    %get3A_316 = vector.load %arg5[%get3A_314, %get3A_315] : memref<1x64xf32, #tpu.memory_space<vmem>>, vector<1x64xf32>
    %add3A_317 = vector.broadcast %get3A_316 : vector<1x64xf32> to vector<256x64xf32>
    %add3A_318 = arith.addf %dot_general3A_310, %add3A_317 : vector<256x64xf32>
    %div3A_319 = arith.constant 1.00000501 : f32
    %div3A_320 = vector.broadcast %div3A_319 : f32 to vector<256x64xf32>
    %div3A_321 = arith.divf %add3A_318, %div3A_320 : vector<256x64xf32>
    %mul3A_322 = vector.broadcast %get3A_313 : vector<1x64xf32> to vector<256x64xf32>
    %mul3A_323 = arith.mulf %mul3A_322, %div3A_321 : vector<256x64xf32>
    %get3A_324 = arith.constant 0 : index
    %get3A_325 = arith.constant 0 : index
    %get3A_326 = vector.load %arg7[%get3A_324, %get3A_325] : memref<1x64xf32, #tpu.memory_space<vmem>>, vector<1x64xf32>
    %add3A_327 = vector.broadcast %get3A_326 : vector<1x64xf32> to vector<256x64xf32>
    %add3A_328 = arith.addf %mul3A_323, %add3A_327 : vector<256x64xf32>
    %max3A_329 = arith.maximumf %max3A_299, %add3A_328 : vector<256x64xf32>
    %get3A_330 = arith.constant 0 : index
    %get3A_331 = arith.constant 11 : index
    %get3A_332 = arith.constant 0 : index
    %get3A_333 = arith.constant 0 : index
    %get3A_334 = vector.load %arg3[%get3A_330, %get3A_331, %get3A_332, %get3A_333] : memref<1x16x256x128xf32, #tpu.memory_space<vmem>>, vector<1x1x256x128xf32>
    %get3A_335 = vector.shape_cast %get3A_334 : vector<1x1x256x128xf32> to vector<256x128xf32>
    %sub3A_336 = arith.subf %get3A_335, %get3A_3 : vector<256x128xf32>
    %convert_element_type3A_337 = arith.truncf %sub3A_336 : vector<256x128xf32> to vector<256x128xbf16>
    %concatenate3A_338 = tpu.concatenate %convert_element_type3A, %convert_element_type3A_337 in 1 : vector<256x128xbf16>, vector<256x128xbf16> -> vector<256x256xbf16>
    %dot_general3A_339 = arith.constant dense<0.000000e+00> : vector<256x64xf32>
    %dot_general3A_340 = tpu.matmul %concatenate3A_338, %convert_element_type3A_7, %dot_general3A_339 {dimension_numbers = #tpu.dot_dimension_numbers<[1], [0], [0], [1], [0, 0, 1, 1], [], []>, transpose_lhs_hint = false} : vector<256x256xbf16>, vector<256x64xbf16>, vector<256x64xf32> -> vector<256x64xf32>
    %get3A_341 = arith.constant 0 : index
    %get3A_342 = arith.constant 0 : index
    %get3A_343 = vector.load %arg6[%get3A_341, %get3A_342] : memref<1x64xf32, #tpu.memory_space<vmem>>, vector<1x64xf32>
    %get3A_344 = arith.constant 0 : index
    %get3A_345 = arith.constant 0 : index
    %get3A_346 = vector.load %arg5[%get3A_344, %get3A_345] : memref<1x64xf32, #tpu.memory_space<vmem>>, vector<1x64xf32>
    %add3A_347 = vector.broadcast %get3A_346 : vector<1x64xf32> to vector<256x64xf32>
    %add3A_348 = arith.addf %dot_general3A_340, %add3A_347 : vector<256x64xf32>
    %div3A_349 = arith.constant 1.00000501 : f32
    %div3A_350 = vector.broadcast %div3A_349 : f32 to vector<256x64xf32>
    %div3A_351 = arith.divf %add3A_348, %div3A_350 : vector<256x64xf32>
    %mul3A_352 = vector.broadcast %get3A_343 : vector<1x64xf32> to vector<256x64xf32>
    %mul3A_353 = arith.mulf %mul3A_352, %div3A_351 : vector<256x64xf32>
    %get3A_354 = arith.constant 0 : index
    %get3A_355 = arith.constant 0 : index
    %get3A_356 = vector.load %arg7[%get3A_354, %get3A_355] : memref<1x64xf32, #tpu.memory_space<vmem>>, vector<1x64xf32>
    %add3A_357 = vector.broadcast %get3A_356 : vector<1x64xf32> to vector<256x64xf32>
    %add3A_358 = arith.addf %mul3A_353, %add3A_357 : vector<256x64xf32>
    %max3A_359 = arith.maximumf %max3A_329, %add3A_358 : vector<256x64xf32>
    %get3A_360 = arith.constant 0 : index
    %get3A_361 = arith.constant 12 : index
    %get3A_362 = arith.constant 0 : index
    %get3A_363 = arith.constant 0 : index
    %get3A_364 = vector.load %arg3[%get3A_360, %get3A_361, %get3A_362, %get3A_363] : memref<1x16x256x128xf32, #tpu.memory_space<vmem>>, vector<1x1x256x128xf32>
    %get3A_365 = vector.shape_cast %get3A_364 : vector<1x1x256x128xf32> to vector<256x128xf32>
    %sub3A_366 = arith.subf %get3A_365, %get3A_3 : vector<256x128xf32>
    %convert_element_type3A_367 = arith.truncf %sub3A_366 : vector<256x128xf32> to vector<256x128xbf16>
    %concatenate3A_368 = tpu.concatenate %convert_element_type3A, %convert_element_type3A_367 in 1 : vector<256x128xbf16>, vector<256x128xbf16> -> vector<256x256xbf16>
    %dot_general3A_369 = arith.constant dense<0.000000e+00> : vector<256x64xf32>
    %dot_general3A_370 = tpu.matmul %concatenate3A_368, %convert_element_type3A_7, %dot_general3A_369 {dimension_numbers = #tpu.dot_dimension_numbers<[1], [0], [0], [1], [0, 0, 1, 1], [], []>, transpose_lhs_hint = false} : vector<256x256xbf16>, vector<256x64xbf16>, vector<256x64xf32> -> vector<256x64xf32>
    %get3A_371 = arith.constant 0 : index
    %get3A_372 = arith.constant 0 : index
    %get3A_373 = vector.load %arg6[%get3A_371, %get3A_372] : memref<1x64xf32, #tpu.memory_space<vmem>>, vector<1x64xf32>
    %get3A_374 = arith.constant 0 : index
    %get3A_375 = arith.constant 0 : index
    %get3A_376 = vector.load %arg5[%get3A_374, %get3A_375] : memref<1x64xf32, #tpu.memory_space<vmem>>, vector<1x64xf32>
    %add3A_377 = vector.broadcast %get3A_376 : vector<1x64xf32> to vector<256x64xf32>
    %add3A_378 = arith.addf %dot_general3A_370, %add3A_377 : vector<256x64xf32>
    %div3A_379 = arith.constant 1.00000501 : f32
    %div3A_380 = vector.broadcast %div3A_379 : f32 to vector<256x64xf32>
    %div3A_381 = arith.divf %add3A_378, %div3A_380 : vector<256x64xf32>
    %mul3A_382 = vector.broadcast %get3A_373 : vector<1x64xf32> to vector<256x64xf32>
    %mul3A_383 = arith.mulf %mul3A_382, %div3A_381 : vector<256x64xf32>
    %get3A_384 = arith.constant 0 : index
    %get3A_385 = arith.constant 0 : index
    %get3A_386 = vector.load %arg7[%get3A_384, %get3A_385] : memref<1x64xf32, #tpu.memory_space<vmem>>, vector<1x64xf32>
    %add3A_387 = vector.broadcast %get3A_386 : vector<1x64xf32> to vector<256x64xf32>
    %add3A_388 = arith.addf %mul3A_383, %add3A_387 : vector<256x64xf32>
    %max3A_389 = arith.maximumf %max3A_359, %add3A_388 : vector<256x64xf32>
    %get3A_390 = arith.constant 0 : index
    %get3A_391 = arith.constant 13 : index
    %get3A_392 = arith.constant 0 : index
    %get3A_393 = arith.constant 0 : index
    %get3A_394 = vector.load %arg3[%get3A_390, %get3A_391, %get3A_392, %get3A_393] : memref<1x16x256x128xf32, #tpu.memory_space<vmem>>, vector<1x1x256x128xf32>
    %get3A_395 = vector.shape_cast %get3A_394 : vector<1x1x256x128xf32> to vector<256x128xf32>
    %sub3A_396 = arith.subf %get3A_395, %get3A_3 : vector<256x128xf32>
    %convert_element_type3A_397 = arith.truncf %sub3A_396 : vector<256x128xf32> to vector<256x128xbf16>
    %concatenate3A_398 = tpu.concatenate %convert_element_type3A, %convert_element_type3A_397 in 1 : vector<256x128xbf16>, vector<256x128xbf16> -> vector<256x256xbf16>
    %dot_general3A_399 = arith.constant dense<0.000000e+00> : vector<256x64xf32>
    %dot_general3A_400 = tpu.matmul %concatenate3A_398, %convert_element_type3A_7, %dot_general3A_399 {dimension_numbers = #tpu.dot_dimension_numbers<[1], [0], [0], [1], [0, 0, 1, 1], [], []>, transpose_lhs_hint = false} : vector<256x256xbf16>, vector<256x64xbf16>, vector<256x64xf32> -> vector<256x64xf32>
    %get3A_401 = arith.constant 0 : index
    %get3A_402 = arith.constant 0 : index
    %get3A_403 = vector.load %arg6[%get3A_401, %get3A_402] : memref<1x64xf32, #tpu.memory_space<vmem>>, vector<1x64xf32>
    %get3A_404 = arith.constant 0 : index
    %get3A_405 = arith.constant 0 : index
    %get3A_406 = vector.load %arg5[%get3A_404, %get3A_405] : memref<1x64xf32, #tpu.memory_space<vmem>>, vector<1x64xf32>
    %add3A_407 = vector.broadcast %get3A_406 : vector<1x64xf32> to vector<256x64xf32>
    %add3A_408 = arith.addf %dot_general3A_400, %add3A_407 : vector<256x64xf32>
    %div3A_409 = arith.constant 1.00000501 : f32
    %div3A_410 = vector.broadcast %div3A_409 : f32 to vector<256x64xf32>
    %div3A_411 = arith.divf %add3A_408, %div3A_410 : vector<256x64xf32>
    %mul3A_412 = vector.broadcast %get3A_403 : vector<1x64xf32> to vector<256x64xf32>
    %mul3A_413 = arith.mulf %mul3A_412, %div3A_411 : vector<256x64xf32>
    %get3A_414 = arith.constant 0 : index
    %get3A_415 = arith.constant 0 : index
    %get3A_416 = vector.load %arg7[%get3A_414, %get3A_415] : memref<1x64xf32, #tpu.memory_space<vmem>>, vector<1x64xf32>
    %add3A_417 = vector.broadcast %get3A_416 : vector<1x64xf32> to vector<256x64xf32>
    %add3A_418 = arith.addf %mul3A_413, %add3A_417 : vector<256x64xf32>
    %max3A_419 = arith.maximumf %max3A_389, %add3A_418 : vector<256x64xf32>
    %get3A_420 = arith.constant 0 : index
    %get3A_421 = arith.constant 14 : index
    %get3A_422 = arith.constant 0 : index
    %get3A_423 = arith.constant 0 : index
    %get3A_424 = vector.load %arg3[%get3A_420, %get3A_421, %get3A_422, %get3A_423] : memref<1x16x256x128xf32, #tpu.memory_space<vmem>>, vector<1x1x256x128xf32>
    %get3A_425 = vector.shape_cast %get3A_424 : vector<1x1x256x128xf32> to vector<256x128xf32>
    %sub3A_426 = arith.subf %get3A_425, %get3A_3 : vector<256x128xf32>
    %convert_element_type3A_427 = arith.truncf %sub3A_426 : vector<256x128xf32> to vector<256x128xbf16>
    %concatenate3A_428 = tpu.concatenate %convert_element_type3A, %convert_element_type3A_427 in 1 : vector<256x128xbf16>, vector<256x128xbf16> -> vector<256x256xbf16>
    %dot_general3A_429 = arith.constant dense<0.000000e+00> : vector<256x64xf32>
    %dot_general3A_430 = tpu.matmul %concatenate3A_428, %convert_element_type3A_7, %dot_general3A_429 {dimension_numbers = #tpu.dot_dimension_numbers<[1], [0], [0], [1], [0, 0, 1, 1], [], []>, transpose_lhs_hint = false} : vector<256x256xbf16>, vector<256x64xbf16>, vector<256x64xf32> -> vector<256x64xf32>
    %get3A_431 = arith.constant 0 : index
    %get3A_432 = arith.constant 0 : index
    %get3A_433 = vector.load %arg6[%get3A_431, %get3A_432] : memref<1x64xf32, #tpu.memory_space<vmem>>, vector<1x64xf32>
    %get3A_434 = arith.constant 0 : index
    %get3A_435 = arith.constant 0 : index
    %get3A_436 = vector.load %arg5[%get3A_434, %get3A_435] : memref<1x64xf32, #tpu.memory_space<vmem>>, vector<1x64xf32>
    %add3A_437 = vector.broadcast %get3A_436 : vector<1x64xf32> to vector<256x64xf32>
    %add3A_438 = arith.addf %dot_general3A_430, %add3A_437 : vector<256x64xf32>
    %div3A_439 = arith.constant 1.00000501 : f32
    %div3A_440 = vector.broadcast %div3A_439 : f32 to vector<256x64xf32>
    %div3A_441 = arith.divf %add3A_438, %div3A_440 : vector<256x64xf32>
    %mul3A_442 = vector.broadcast %get3A_433 : vector<1x64xf32> to vector<256x64xf32>
    %mul3A_443 = arith.mulf %mul3A_442, %div3A_441 : vector<256x64xf32>
    %get3A_444 = arith.constant 0 : index
    %get3A_445 = arith.constant 0 : index
    %get3A_446 = vector.load %arg7[%get3A_444, %get3A_445] : memref<1x64xf32, #tpu.memory_space<vmem>>, vector<1x64xf32>
    %add3A_447 = vector.broadcast %get3A_446 : vector<1x64xf32> to vector<256x64xf32>
    %add3A_448 = arith.addf %mul3A_443, %add3A_447 : vector<256x64xf32>
    %max3A_449 = arith.maximumf %max3A_419, %add3A_448 : vector<256x64xf32>
    %get3A_450 = arith.constant 0 : index
    %get3A_451 = arith.constant 15 : index
    %get3A_452 = arith.constant 0 : index
    %get3A_453 = arith.constant 0 : index
    %get3A_454 = vector.load %arg3[%get3A_450, %get3A_451, %get3A_452, %get3A_453] : memref<1x16x256x128xf32, #tpu.memory_space<vmem>>, vector<1x1x256x128xf32>
    %get3A_455 = vector.shape_cast %get3A_454 : vector<1x1x256x128xf32> to vector<256x128xf32>
    %sub3A_456 = arith.subf %get3A_455, %get3A_3 : vector<256x128xf32>
    %convert_element_type3A_457 = arith.truncf %sub3A_456 : vector<256x128xf32> to vector<256x128xbf16>
    %concatenate3A_458 = tpu.concatenate %convert_element_type3A, %convert_element_type3A_457 in 1 : vector<256x128xbf16>, vector<256x128xbf16> -> vector<256x256xbf16>
    %dot_general3A_459 = arith.constant dense<0.000000e+00> : vector<256x64xf32>
    %dot_general3A_460 = tpu.matmul %concatenate3A_458, %convert_element_type3A_7, %dot_general3A_459 {dimension_numbers = #tpu.dot_dimension_numbers<[1], [0], [0], [1], [0, 0, 1, 1], [], []>, transpose_lhs_hint = false} : vector<256x256xbf16>, vector<256x64xbf16>, vector<256x64xf32> -> vector<256x64xf32>
    %get3A_461 = arith.constant 0 : index
    %get3A_462 = arith.constant 0 : index
    %get3A_463 = vector.load %arg6[%get3A_461, %get3A_462] : memref<1x64xf32, #tpu.memory_space<vmem>>, vector<1x64xf32>
    %get3A_464 = arith.constant 0 : index
    %get3A_465 = arith.constant 0 : index
    %get3A_466 = vector.load %arg5[%get3A_464, %get3A_465] : memref<1x64xf32, #tpu.memory_space<vmem>>, vector<1x64xf32>
    %add3A_467 = vector.broadcast %get3A_466 : vector<1x64xf32> to vector<256x64xf32>
    %add3A_468 = arith.addf %dot_general3A_460, %add3A_467 : vector<256x64xf32>
    %div3A_469 = arith.constant 1.00000501 : f32
    %div3A_470 = vector.broadcast %div3A_469 : f32 to vector<256x64xf32>
    %div3A_471 = arith.divf %add3A_468, %div3A_470 : vector<256x64xf32>
    %mul3A_472 = vector.broadcast %get3A_463 : vector<1x64xf32> to vector<256x64xf32>
    %mul3A_473 = arith.mulf %mul3A_472, %div3A_471 : vector<256x64xf32>
    %get3A_474 = arith.constant 0 : index
    %get3A_475 = arith.constant 0 : index
    %get3A_476 = vector.load %arg7[%get3A_474, %get3A_475] : memref<1x64xf32, #tpu.memory_space<vmem>>, vector<1x64xf32>
    %add3A_477 = vector.broadcast %get3A_476 : vector<1x64xf32> to vector<256x64xf32>
    %add3A_478 = arith.addf %mul3A_473, %add3A_477 : vector<256x64xf32>
    %max3A_479 = arith.maximumf %max3A_449, %add3A_478 : vector<256x64xf32>
    %max3A_480 = arith.constant 0.000000e+00 : f32
    %max3A_481 = vector.broadcast %max3A_480 : f32 to vector<256x64xf32>
    %max3A_482 = arith.maximumf %max3A_479, %max3A_481 : vector<256x64xf32>
    %swap3A = arith.constant 0 : index
    %swap3A_483 = arith.constant 0 : index
    %swap3A_484 = arith.constant 0 : index
    %swap3A_485 = vector.load %arg8[%swap3A, %swap3A_483, %swap3A_484] : memref<1x256x128xf32, #tpu.memory_space<vmem>>, vector<1x256x64xf32>
    %swap3A_486 = vector.shape_cast %swap3A_485 : vector<1x256x64xf32> to vector<256x64xf32>
    %swap3A_487 = vector.shape_cast %max3A_482 : vector<256x64xf32> to vector<1x256x64xf32>
    tpu.vector_store %arg8[%swap3A, %swap3A_483, %swap3A_484], %swap3A_487 {strides = array<i32>} : memref<1x256x128xf32, #tpu.memory_space<vmem>>, vector<1x256x64xf32>,
    return
  }
  func.func @transform_0(%arg0: i32, %arg1: i32) -> (i32, i32, i32) {
    %c0_i32 = arith.constant 0 : i32
    %c0_i32_0 = arith.constant 0 : i32
    return %arg0, %arg1, %c0_i32 : i32, i32, i32
  }
  func.func @transform_1(%arg0: i32, %arg1: i32) -> (i32, i32, i32, i32) {
    %c0_i32 = arith.constant 0 : i32
    %c0_i32_0 = arith.constant 0 : i32
    %c0_i32_1 = arith.constant 0 : i32
    return %arg0, %c0_i32, %arg1, %c0_i32_0 : i32, i32, i32, i32
  }
  func.func @transform_2(%arg0: i32, %arg1: i32) -> (i32, i32) {
    %c0_i32 = arith.constant 0 : i32
    %c0_i32_0 = arith.constant 0 : i32
    %c0_i32_1 = arith.constant 0 : i32
    return %c0_i32, %c0_i32_0 : i32, i32
  }
  func.func @transform_3(%arg0: i32, %arg1: i32) -> (i32, i32) {
    %c0_i32 = arith.constant 0 : i32
    %c0_i32_0 = arith.constant 0 : i32
    %c0_i32_1 = arith.constant 0 : i32
    return %c0_i32, %c0_i32_0 : i32, i32
  }
  func.func @transform_4(%arg0: i32, %arg1: i32) -> (i32, i32) {
    %c0_i32 = arith.constant 0 : i32
    %c0_i32_0 = arith.constant 0 : i32
    %c0_i32_1 = arith.constant 0 : i32
    return %c0_i32, %c0_i32_0 : i32, i32
  }
  func.func @transform_5(%arg0: i32, %arg1: i32) -> (i32, i32) {
    %c0_i32 = arith.constant 0 : i32
    %c0_i32_0 = arith.constant 0 : i32
    %c0_i32_1 = arith.constant 0 : i32
    return %c0_i32, %c0_i32_0 : i32, i32
  }
  func.func @transform_6(%arg0: i32, %arg1: i32) -> (i32, i32, i32) {
    %c0_i32 = arith.constant 0 : i32
    %c0_i32_0 = arith.constant 0 : i32
    return %arg0, %arg1, %c0_i32 : i32, i32, i32
  }
}

module attributes {stable_mosaic.version = 14 : i64} {
  func.func @_tail_body(%arg0: i32, %arg1: memref<1x2048x128xf32, #tpu.memory_space<vmem>>, %arg2: memref<1x2048x128xf32, #tpu.memory_space<vmem>>, %arg3: memref<384x1024xf32, #tpu.memory_space<vmem>>, %arg4: memref<1x1024xf32, #tpu.memory_space<vmem>>, %arg5: memref<1x1024xf32, #tpu.memory_space<vmem>>, %arg6: memref<1x1024xf32, #tpu.memory_space<vmem>>, %arg7: memref<1024x512xf32, #tpu.memory_space<vmem>>, %arg8: memref<384x512xf32, #tpu.memory_space<vmem>>, %arg9: memref<1x512xf32, #tpu.memory_space<vmem>>, %arg10: memref<1x512xf32, #tpu.memory_space<vmem>>, %arg11: memref<1x512xf32, #tpu.memory_space<vmem>>, %arg12: memref<512x256xf32, #tpu.memory_space<vmem>>, %arg13: memref<1x256xf32, #tpu.memory_space<vmem>>, %arg14: memref<1x256xf32, #tpu.memory_space<vmem>>, %arg15: memref<1x256xf32, #tpu.memory_space<vmem>>, %arg16: memref<256x128xf32, #tpu.memory_space<vmem>>, %arg17: memref<1x128xf32, #tpu.memory_space<vmem>>, %arg18: memref<1x2048x128xf32, #tpu.memory_space<vmem>>) attributes {dimension_semantics = [#tpu.dimension_semantics<arbitrary>], iteration_bounds = array<i64: 4>, scalar_prefetch = 0 : i64, scratch_operands = 0 : i64, tpu.core_type = #tpu.core_type<tc>, window_params = [{transform_indices = @transform_0, window_bounds = array<i64: 1, 2048, 128>}, {transform_indices = @transform_1, window_bounds = array<i64: 1, 2048, 128>}, {pipeline_mode = #tpu.pipeline_mode<synchronous>, transform_indices = @transform_2, window_bounds = array<i64: 384, 1024>}, {pipeline_mode = #tpu.pipeline_mode<synchronous>, transform_indices = @transform_3, window_bounds = array<i64: 1, 1024>}, {pipeline_mode = #tpu.pipeline_mode<synchronous>, transform_indices = @transform_4, window_bounds = array<i64: 1, 1024>}, {pipeline_mode = #tpu.pipeline_mode<synchronous>, transform_indices = @transform_5, window_bounds = array<i64: 1, 1024>}, {pipeline_mode = #tpu.pipeline_mode<synchronous>, transform_indices = @transform_6, window_bounds = array<i64: 1024, 512>}, {pipeline_mode = #tpu.pipeline_mode<synchronous>, transform_indices = @transform_7, window_bounds = array<i64: 384, 512>}, {pipeline_mode = #tpu.pipeline_mode<synchronous>, transform_indices = @transform_8, window_bounds = array<i64: 1, 512>}, {pipeline_mode = #tpu.pipeline_mode<synchronous>, transform_indices = @transform_9, window_bounds = array<i64: 1, 512>}, {pipeline_mode = #tpu.pipeline_mode<synchronous>, transform_indices = @transform_10, window_bounds = array<i64: 1, 512>}, {pipeline_mode = #tpu.pipeline_mode<synchronous>, transform_indices = @transform_11, window_bounds = array<i64: 512, 256>}, {pipeline_mode = #tpu.pipeline_mode<synchronous>, transform_indices = @transform_12, window_bounds = array<i64: 1, 256>}, {pipeline_mode = #tpu.pipeline_mode<synchronous>, transform_indices = @transform_13, window_bounds = array<i64: 1, 256>}, {pipeline_mode = #tpu.pipeline_mode<synchronous>, transform_indices = @transform_14, window_bounds = array<i64: 1, 256>}, {pipeline_mode = #tpu.pipeline_mode<synchronous>, transform_indices = @transform_15, window_bounds = array<i64: 256, 128>}, {pipeline_mode = #tpu.pipeline_mode<synchronous>, transform_indices = @transform_16, window_bounds = array<i64: 1, 128>}, {transform_indices = @transform_17, window_bounds = array<i64: 1, 2048, 128>}]} {
    %get3A = arith.constant 0 : index
    %get3A_0 = arith.constant 0 : index
    %get3A_1 = arith.constant 0 : index
    %get3A_2 = vector.load %arg1[%get3A, %get3A_0, %get3A_1] : memref<1x2048x128xf32, #tpu.memory_space<vmem>>, vector<1x2048x128xf32>
    %get3A_3 = vector.shape_cast %get3A_2 : vector<1x2048x128xf32> to vector<2048x128xf32>
    %get3A_4 = arith.constant 0 : index
    %get3A_5 = arith.constant 0 : index
    %get3A_6 = arith.constant 0 : index
    %get3A_7 = vector.load %arg2[%get3A_4, %get3A_5, %get3A_6] : memref<1x2048x128xf32, #tpu.memory_space<vmem>>, vector<1x2048x128xf32>
    %get3A_8 = vector.shape_cast %get3A_7 : vector<1x2048x128xf32> to vector<2048x128xf32>
    %slice3A = vector.extract_strided_slice %get3A_8 {offsets = [0, 0], sizes = [2048, 64], strides = [1, 1]} : vector<2048x128xf32> to vector<2048x64xf32>
    %slice3A_9 = vector.extract_strided_slice %get3A_3 {offsets = [0, 0], sizes = [2048, 64], strides = [1, 1]} : vector<2048x128xf32> to vector<2048x64xf32>
    %concatenate3A = tpu.concatenate %slice3A_9, %get3A_3, %get3A_3, %slice3A in 1 : vector<2048x64xf32>, vector<2048x128xf32>, vector<2048x128xf32>, vector<2048x64xf32> -> vector<2048x384xf32>
    %broadcast_in_dim3A = arith.constant 0.000000e+00 : f32
    %broadcast_in_dim3A_10 = vector.broadcast %broadcast_in_dim3A : f32 to vector<1x1024xf32>
    %slice3A_11 = vector.extract_strided_slice %concatenate3A {offsets = [0, 0], sizes = [256, 384], strides = [1, 1]} : vector<2048x384xf32> to vector<256x384xf32>
    %get3A_12 = arith.constant 0 : index
    %get3A_13 = arith.constant 0 : index
    %get3A_14 = vector.load %arg3[%get3A_12, %get3A_13] : memref<384x1024xf32, #tpu.memory_space<vmem>>, vector<384x1024xf32>
    %convert_element_type3A = arith.truncf %slice3A_11 : vector<256x384xf32> to vector<256x384xbf16>
    %convert_element_type3A_15 = arith.truncf %get3A_14 : vector<384x1024xf32> to vector<384x1024xbf16>
    %dot_general3A = arith.constant dense<0.000000e+00> : vector<256x1024xf32>
    %dot_general3A_16 = tpu.matmul %convert_element_type3A, %convert_element_type3A_15, %dot_general3A {dimension_numbers = #tpu.dot_dimension_numbers<[1], [0], [0], [1], [0, 0, 1, 1], [], []>, transpose_lhs_hint = false} : vector<256x384xbf16>, vector<384x1024xbf16>, vector<256x1024xf32> -> vector<256x1024xf32>
    %get3A_17 = arith.constant 0 : index
    %get3A_18 = arith.constant 0 : index
    %get3A_19 = vector.load %arg4[%get3A_17, %get3A_18] : memref<1x1024xf32, #tpu.memory_space<vmem>>, vector<1x1024xf32>
    %add3A = vector.broadcast %get3A_19 : vector<1x1024xf32> to vector<256x1024xf32>
    %add3A_20 = arith.addf %dot_general3A_16, %add3A : vector<256x1024xf32>
    %get3A_21 = arith.constant 0 : index
    %get3A_22 = arith.constant 0 : index
    %get3A_23 = vector.load %arg5[%get3A_21, %get3A_22] : memref<1x1024xf32, #tpu.memory_space<vmem>>, vector<1x1024xf32>
    %div3A = arith.constant 1.00000501 : f32
    %div3A_24 = vector.broadcast %div3A : f32 to vector<256x1024xf32>
    %div3A_25 = arith.divf %add3A_20, %div3A_24 : vector<256x1024xf32>
    %mul3A = vector.broadcast %get3A_23 : vector<1x1024xf32> to vector<256x1024xf32>
    %mul3A_26 = arith.mulf %mul3A, %div3A_25 : vector<256x1024xf32>
    %get3A_27 = arith.constant 0 : index
    %get3A_28 = arith.constant 0 : index
    %get3A_29 = vector.load %arg6[%get3A_27, %get3A_28] : memref<1x1024xf32, #tpu.memory_space<vmem>>, vector<1x1024xf32>
    %add3A_30 = vector.broadcast %get3A_29 : vector<1x1024xf32> to vector<256x1024xf32>
    %add3A_31 = arith.addf %mul3A_26, %add3A_30 : vector<256x1024xf32>
    %max3A = arith.constant 0.000000e+00 : f32
    %max3A_32 = vector.broadcast %max3A : f32 to vector<256x1024xf32>
    %max3A_33 = arith.maximumf %add3A_31, %max3A_32 : vector<256x1024xf32>
    %reduce_max3A = arith.constant dense<0xFF800000> : vector<1024xf32>
    %reduce_max3A_34 = vector.multi_reduction <maximumf>, %max3A_33, %reduce_max3A [0] : vector<256x1024xf32> to vector<1024xf32>
    %broadcast_in_dim3A_35 = vector.shape_cast %reduce_max3A_34 : vector<1024xf32> to vector<1x1024xf32>
    %max3A_36 = arith.maximumf %broadcast_in_dim3A_10, %broadcast_in_dim3A_35 : vector<1x1024xf32>
    %slice3A_37 = vector.extract_strided_slice %concatenate3A {offsets = [256, 0], sizes = [256, 384], strides = [1, 1]} : vector<2048x384xf32> to vector<256x384xf32>
    %get3A_38 = arith.constant 0 : index
    %get3A_39 = arith.constant 0 : index
    %get3A_40 = vector.load %arg3[%get3A_38, %get3A_39] : memref<384x1024xf32, #tpu.memory_space<vmem>>, vector<384x1024xf32>
    %convert_element_type3A_41 = arith.truncf %slice3A_37 : vector<256x384xf32> to vector<256x384xbf16>
    %convert_element_type3A_42 = arith.truncf %get3A_40 : vector<384x1024xf32> to vector<384x1024xbf16>
    %dot_general3A_43 = arith.constant dense<0.000000e+00> : vector<256x1024xf32>
    %dot_general3A_44 = tpu.matmul %convert_element_type3A_41, %convert_element_type3A_42, %dot_general3A_43 {dimension_numbers = #tpu.dot_dimension_numbers<[1], [0], [0], [1], [0, 0, 1, 1], [], []>, transpose_lhs_hint = false} : vector<256x384xbf16>, vector<384x1024xbf16>, vector<256x1024xf32> -> vector<256x1024xf32>
    %get3A_45 = arith.constant 0 : index
    %get3A_46 = arith.constant 0 : index
    %get3A_47 = vector.load %arg4[%get3A_45, %get3A_46] : memref<1x1024xf32, #tpu.memory_space<vmem>>, vector<1x1024xf32>
    %add3A_48 = vector.broadcast %get3A_47 : vector<1x1024xf32> to vector<256x1024xf32>
    %add3A_49 = arith.addf %dot_general3A_44, %add3A_48 : vector<256x1024xf32>
    %get3A_50 = arith.constant 0 : index
    %get3A_51 = arith.constant 0 : index
    %get3A_52 = vector.load %arg5[%get3A_50, %get3A_51] : memref<1x1024xf32, #tpu.memory_space<vmem>>, vector<1x1024xf32>
    %div3A_53 = arith.constant 1.00000501 : f32
    %div3A_54 = vector.broadcast %div3A_53 : f32 to vector<256x1024xf32>
    %div3A_55 = arith.divf %add3A_49, %div3A_54 : vector<256x1024xf32>
    %mul3A_56 = vector.broadcast %get3A_52 : vector<1x1024xf32> to vector<256x1024xf32>
    %mul3A_57 = arith.mulf %mul3A_56, %div3A_55 : vector<256x1024xf32>
    %get3A_58 = arith.constant 0 : index
    %get3A_59 = arith.constant 0 : index
    %get3A_60 = vector.load %arg6[%get3A_58, %get3A_59] : memref<1x1024xf32, #tpu.memory_space<vmem>>, vector<1x1024xf32>
    %add3A_61 = vector.broadcast %get3A_60 : vector<1x1024xf32> to vector<256x1024xf32>
    %add3A_62 = arith.addf %mul3A_57, %add3A_61 : vector<256x1024xf32>
    %max3A_63 = arith.constant 0.000000e+00 : f32
    %max3A_64 = vector.broadcast %max3A_63 : f32 to vector<256x1024xf32>
    %max3A_65 = arith.maximumf %add3A_62, %max3A_64 : vector<256x1024xf32>
    %reduce_max3A_66 = arith.constant dense<0xFF800000> : vector<1024xf32>
    %reduce_max3A_67 = vector.multi_reduction <maximumf>, %max3A_65, %reduce_max3A_66 [0] : vector<256x1024xf32> to vector<1024xf32>
    %broadcast_in_dim3A_68 = vector.shape_cast %reduce_max3A_67 : vector<1024xf32> to vector<1x1024xf32>
    %max3A_69 = arith.maximumf %max3A_36, %broadcast_in_dim3A_68 : vector<1x1024xf32>
    %slice3A_70 = vector.extract_strided_slice %concatenate3A {offsets = [512, 0], sizes = [256, 384], strides = [1, 1]} : vector<2048x384xf32> to vector<256x384xf32>
    %get3A_71 = arith.constant 0 : index
    %get3A_72 = arith.constant 0 : index
    %get3A_73 = vector.load %arg3[%get3A_71, %get3A_72] : memref<384x1024xf32, #tpu.memory_space<vmem>>, vector<384x1024xf32>
    %convert_element_type3A_74 = arith.truncf %slice3A_70 : vector<256x384xf32> to vector<256x384xbf16>
    %convert_element_type3A_75 = arith.truncf %get3A_73 : vector<384x1024xf32> to vector<384x1024xbf16>
    %dot_general3A_76 = arith.constant dense<0.000000e+00> : vector<256x1024xf32>
    %dot_general3A_77 = tpu.matmul %convert_element_type3A_74, %convert_element_type3A_75, %dot_general3A_76 {dimension_numbers = #tpu.dot_dimension_numbers<[1], [0], [0], [1], [0, 0, 1, 1], [], []>, transpose_lhs_hint = false} : vector<256x384xbf16>, vector<384x1024xbf16>, vector<256x1024xf32> -> vector<256x1024xf32>
    %get3A_78 = arith.constant 0 : index
    %get3A_79 = arith.constant 0 : index
    %get3A_80 = vector.load %arg4[%get3A_78, %get3A_79] : memref<1x1024xf32, #tpu.memory_space<vmem>>, vector<1x1024xf32>
    %add3A_81 = vector.broadcast %get3A_80 : vector<1x1024xf32> to vector<256x1024xf32>
    %add3A_82 = arith.addf %dot_general3A_77, %add3A_81 : vector<256x1024xf32>
    %get3A_83 = arith.constant 0 : index
    %get3A_84 = arith.constant 0 : index
    %get3A_85 = vector.load %arg5[%get3A_83, %get3A_84] : memref<1x1024xf32, #tpu.memory_space<vmem>>, vector<1x1024xf32>
    %div3A_86 = arith.constant 1.00000501 : f32
    %div3A_87 = vector.broadcast %div3A_86 : f32 to vector<256x1024xf32>
    %div3A_88 = arith.divf %add3A_82, %div3A_87 : vector<256x1024xf32>
    %mul3A_89 = vector.broadcast %get3A_85 : vector<1x1024xf32> to vector<256x1024xf32>
    %mul3A_90 = arith.mulf %mul3A_89, %div3A_88 : vector<256x1024xf32>
    %get3A_91 = arith.constant 0 : index
    %get3A_92 = arith.constant 0 : index
    %get3A_93 = vector.load %arg6[%get3A_91, %get3A_92] : memref<1x1024xf32, #tpu.memory_space<vmem>>, vector<1x1024xf32>
    %add3A_94 = vector.broadcast %get3A_93 : vector<1x1024xf32> to vector<256x1024xf32>
    %add3A_95 = arith.addf %mul3A_90, %add3A_94 : vector<256x1024xf32>
    %max3A_96 = arith.constant 0.000000e+00 : f32
    %max3A_97 = vector.broadcast %max3A_96 : f32 to vector<256x1024xf32>
    %max3A_98 = arith.maximumf %add3A_95, %max3A_97 : vector<256x1024xf32>
    %reduce_max3A_99 = arith.constant dense<0xFF800000> : vector<1024xf32>
    %reduce_max3A_100 = vector.multi_reduction <maximumf>, %max3A_98, %reduce_max3A_99 [0] : vector<256x1024xf32> to vector<1024xf32>
    %broadcast_in_dim3A_101 = vector.shape_cast %reduce_max3A_100 : vector<1024xf32> to vector<1x1024xf32>
    %max3A_102 = arith.maximumf %max3A_69, %broadcast_in_dim3A_101 : vector<1x1024xf32>
    %slice3A_103 = vector.extract_strided_slice %concatenate3A {offsets = [768, 0], sizes = [256, 384], strides = [1, 1]} : vector<2048x384xf32> to vector<256x384xf32>
    %get3A_104 = arith.constant 0 : index
    %get3A_105 = arith.constant 0 : index
    %get3A_106 = vector.load %arg3[%get3A_104, %get3A_105] : memref<384x1024xf32, #tpu.memory_space<vmem>>, vector<384x1024xf32>
    %convert_element_type3A_107 = arith.truncf %slice3A_103 : vector<256x384xf32> to vector<256x384xbf16>
    %convert_element_type3A_108 = arith.truncf %get3A_106 : vector<384x1024xf32> to vector<384x1024xbf16>
    %dot_general3A_109 = arith.constant dense<0.000000e+00> : vector<256x1024xf32>
    %dot_general3A_110 = tpu.matmul %convert_element_type3A_107, %convert_element_type3A_108, %dot_general3A_109 {dimension_numbers = #tpu.dot_dimension_numbers<[1], [0], [0], [1], [0, 0, 1, 1], [], []>, transpose_lhs_hint = false} : vector<256x384xbf16>, vector<384x1024xbf16>, vector<256x1024xf32> -> vector<256x1024xf32>
    %get3A_111 = arith.constant 0 : index
    %get3A_112 = arith.constant 0 : index
    %get3A_113 = vector.load %arg4[%get3A_111, %get3A_112] : memref<1x1024xf32, #tpu.memory_space<vmem>>, vector<1x1024xf32>
    %add3A_114 = vector.broadcast %get3A_113 : vector<1x1024xf32> to vector<256x1024xf32>
    %add3A_115 = arith.addf %dot_general3A_110, %add3A_114 : vector<256x1024xf32>
    %get3A_116 = arith.constant 0 : index
    %get3A_117 = arith.constant 0 : index
    %get3A_118 = vector.load %arg5[%get3A_116, %get3A_117] : memref<1x1024xf32, #tpu.memory_space<vmem>>, vector<1x1024xf32>
    %div3A_119 = arith.constant 1.00000501 : f32
    %div3A_120 = vector.broadcast %div3A_119 : f32 to vector<256x1024xf32>
    %div3A_121 = arith.divf %add3A_115, %div3A_120 : vector<256x1024xf32>
    %mul3A_122 = vector.broadcast %get3A_118 : vector<1x1024xf32> to vector<256x1024xf32>
    %mul3A_123 = arith.mulf %mul3A_122, %div3A_121 : vector<256x1024xf32>
    %get3A_124 = arith.constant 0 : index
    %get3A_125 = arith.constant 0 : index
    %get3A_126 = vector.load %arg6[%get3A_124, %get3A_125] : memref<1x1024xf32, #tpu.memory_space<vmem>>, vector<1x1024xf32>
    %add3A_127 = vector.broadcast %get3A_126 : vector<1x1024xf32> to vector<256x1024xf32>
    %add3A_128 = arith.addf %mul3A_123, %add3A_127 : vector<256x1024xf32>
    %max3A_129 = arith.constant 0.000000e+00 : f32
    %max3A_130 = vector.broadcast %max3A_129 : f32 to vector<256x1024xf32>
    %max3A_131 = arith.maximumf %add3A_128, %max3A_130 : vector<256x1024xf32>
    %reduce_max3A_132 = arith.constant dense<0xFF800000> : vector<1024xf32>
    %reduce_max3A_133 = vector.multi_reduction <maximumf>, %max3A_131, %reduce_max3A_132 [0] : vector<256x1024xf32> to vector<1024xf32>
    %broadcast_in_dim3A_134 = vector.shape_cast %reduce_max3A_133 : vector<1024xf32> to vector<1x1024xf32>
    %max3A_135 = arith.maximumf %max3A_102, %broadcast_in_dim3A_134 : vector<1x1024xf32>
    %slice3A_136 = vector.extract_strided_slice %concatenate3A {offsets = [1024, 0], sizes = [256, 384], strides = [1, 1]} : vector<2048x384xf32> to vector<256x384xf32>
    %get3A_137 = arith.constant 0 : index
    %get3A_138 = arith.constant 0 : index
    %get3A_139 = vector.load %arg3[%get3A_137, %get3A_138] : memref<384x1024xf32, #tpu.memory_space<vmem>>, vector<384x1024xf32>
    %convert_element_type3A_140 = arith.truncf %slice3A_136 : vector<256x384xf32> to vector<256x384xbf16>
    %convert_element_type3A_141 = arith.truncf %get3A_139 : vector<384x1024xf32> to vector<384x1024xbf16>
    %dot_general3A_142 = arith.constant dense<0.000000e+00> : vector<256x1024xf32>
    %dot_general3A_143 = tpu.matmul %convert_element_type3A_140, %convert_element_type3A_141, %dot_general3A_142 {dimension_numbers = #tpu.dot_dimension_numbers<[1], [0], [0], [1], [0, 0, 1, 1], [], []>, transpose_lhs_hint = false} : vector<256x384xbf16>, vector<384x1024xbf16>, vector<256x1024xf32> -> vector<256x1024xf32>
    %get3A_144 = arith.constant 0 : index
    %get3A_145 = arith.constant 0 : index
    %get3A_146 = vector.load %arg4[%get3A_144, %get3A_145] : memref<1x1024xf32, #tpu.memory_space<vmem>>, vector<1x1024xf32>
    %add3A_147 = vector.broadcast %get3A_146 : vector<1x1024xf32> to vector<256x1024xf32>
    %add3A_148 = arith.addf %dot_general3A_143, %add3A_147 : vector<256x1024xf32>
    %get3A_149 = arith.constant 0 : index
    %get3A_150 = arith.constant 0 : index
    %get3A_151 = vector.load %arg5[%get3A_149, %get3A_150] : memref<1x1024xf32, #tpu.memory_space<vmem>>, vector<1x1024xf32>
    %div3A_152 = arith.constant 1.00000501 : f32
    %div3A_153 = vector.broadcast %div3A_152 : f32 to vector<256x1024xf32>
    %div3A_154 = arith.divf %add3A_148, %div3A_153 : vector<256x1024xf32>
    %mul3A_155 = vector.broadcast %get3A_151 : vector<1x1024xf32> to vector<256x1024xf32>
    %mul3A_156 = arith.mulf %mul3A_155, %div3A_154 : vector<256x1024xf32>
    %get3A_157 = arith.constant 0 : index
    %get3A_158 = arith.constant 0 : index
    %get3A_159 = vector.load %arg6[%get3A_157, %get3A_158] : memref<1x1024xf32, #tpu.memory_space<vmem>>, vector<1x1024xf32>
    %add3A_160 = vector.broadcast %get3A_159 : vector<1x1024xf32> to vector<256x1024xf32>
    %add3A_161 = arith.addf %mul3A_156, %add3A_160 : vector<256x1024xf32>
    %max3A_162 = arith.constant 0.000000e+00 : f32
    %max3A_163 = vector.broadcast %max3A_162 : f32 to vector<256x1024xf32>
    %max3A_164 = arith.maximumf %add3A_161, %max3A_163 : vector<256x1024xf32>
    %reduce_max3A_165 = arith.constant dense<0xFF800000> : vector<1024xf32>
    %reduce_max3A_166 = vector.multi_reduction <maximumf>, %max3A_164, %reduce_max3A_165 [0] : vector<256x1024xf32> to vector<1024xf32>
    %broadcast_in_dim3A_167 = vector.shape_cast %reduce_max3A_166 : vector<1024xf32> to vector<1x1024xf32>
    %max3A_168 = arith.maximumf %max3A_135, %broadcast_in_dim3A_167 : vector<1x1024xf32>
    %slice3A_169 = vector.extract_strided_slice %concatenate3A {offsets = [1280, 0], sizes = [256, 384], strides = [1, 1]} : vector<2048x384xf32> to vector<256x384xf32>
    %get3A_170 = arith.constant 0 : index
    %get3A_171 = arith.constant 0 : index
    %get3A_172 = vector.load %arg3[%get3A_170, %get3A_171] : memref<384x1024xf32, #tpu.memory_space<vmem>>, vector<384x1024xf32>
    %convert_element_type3A_173 = arith.truncf %slice3A_169 : vector<256x384xf32> to vector<256x384xbf16>
    %convert_element_type3A_174 = arith.truncf %get3A_172 : vector<384x1024xf32> to vector<384x1024xbf16>
    %dot_general3A_175 = arith.constant dense<0.000000e+00> : vector<256x1024xf32>
    %dot_general3A_176 = tpu.matmul %convert_element_type3A_173, %convert_element_type3A_174, %dot_general3A_175 {dimension_numbers = #tpu.dot_dimension_numbers<[1], [0], [0], [1], [0, 0, 1, 1], [], []>, transpose_lhs_hint = false} : vector<256x384xbf16>, vector<384x1024xbf16>, vector<256x1024xf32> -> vector<256x1024xf32>
    %get3A_177 = arith.constant 0 : index
    %get3A_178 = arith.constant 0 : index
    %get3A_179 = vector.load %arg4[%get3A_177, %get3A_178] : memref<1x1024xf32, #tpu.memory_space<vmem>>, vector<1x1024xf32>
    %add3A_180 = vector.broadcast %get3A_179 : vector<1x1024xf32> to vector<256x1024xf32>
    %add3A_181 = arith.addf %dot_general3A_176, %add3A_180 : vector<256x1024xf32>
    %get3A_182 = arith.constant 0 : index
    %get3A_183 = arith.constant 0 : index
    %get3A_184 = vector.load %arg5[%get3A_182, %get3A_183] : memref<1x1024xf32, #tpu.memory_space<vmem>>, vector<1x1024xf32>
    %div3A_185 = arith.constant 1.00000501 : f32
    %div3A_186 = vector.broadcast %div3A_185 : f32 to vector<256x1024xf32>
    %div3A_187 = arith.divf %add3A_181, %div3A_186 : vector<256x1024xf32>
    %mul3A_188 = vector.broadcast %get3A_184 : vector<1x1024xf32> to vector<256x1024xf32>
    %mul3A_189 = arith.mulf %mul3A_188, %div3A_187 : vector<256x1024xf32>
    %get3A_190 = arith.constant 0 : index
    %get3A_191 = arith.constant 0 : index
    %get3A_192 = vector.load %arg6[%get3A_190, %get3A_191] : memref<1x1024xf32, #tpu.memory_space<vmem>>, vector<1x1024xf32>
    %add3A_193 = vector.broadcast %get3A_192 : vector<1x1024xf32> to vector<256x1024xf32>
    %add3A_194 = arith.addf %mul3A_189, %add3A_193 : vector<256x1024xf32>
    %max3A_195 = arith.constant 0.000000e+00 : f32
    %max3A_196 = vector.broadcast %max3A_195 : f32 to vector<256x1024xf32>
    %max3A_197 = arith.maximumf %add3A_194, %max3A_196 : vector<256x1024xf32>
    %reduce_max3A_198 = arith.constant dense<0xFF800000> : vector<1024xf32>
    %reduce_max3A_199 = vector.multi_reduction <maximumf>, %max3A_197, %reduce_max3A_198 [0] : vector<256x1024xf32> to vector<1024xf32>
    %broadcast_in_dim3A_200 = vector.shape_cast %reduce_max3A_199 : vector<1024xf32> to vector<1x1024xf32>
    %max3A_201 = arith.maximumf %max3A_168, %broadcast_in_dim3A_200 : vector<1x1024xf32>
    %slice3A_202 = vector.extract_strided_slice %concatenate3A {offsets = [1536, 0], sizes = [256, 384], strides = [1, 1]} : vector<2048x384xf32> to vector<256x384xf32>
    %get3A_203 = arith.constant 0 : index
    %get3A_204 = arith.constant 0 : index
    %get3A_205 = vector.load %arg3[%get3A_203, %get3A_204] : memref<384x1024xf32, #tpu.memory_space<vmem>>, vector<384x1024xf32>
    %convert_element_type3A_206 = arith.truncf %slice3A_202 : vector<256x384xf32> to vector<256x384xbf16>
    %convert_element_type3A_207 = arith.truncf %get3A_205 : vector<384x1024xf32> to vector<384x1024xbf16>
    %dot_general3A_208 = arith.constant dense<0.000000e+00> : vector<256x1024xf32>
    %dot_general3A_209 = tpu.matmul %convert_element_type3A_206, %convert_element_type3A_207, %dot_general3A_208 {dimension_numbers = #tpu.dot_dimension_numbers<[1], [0], [0], [1], [0, 0, 1, 1], [], []>, transpose_lhs_hint = false} : vector<256x384xbf16>, vector<384x1024xbf16>, vector<256x1024xf32> -> vector<256x1024xf32>
    %get3A_210 = arith.constant 0 : index
    %get3A_211 = arith.constant 0 : index
    %get3A_212 = vector.load %arg4[%get3A_210, %get3A_211] : memref<1x1024xf32, #tpu.memory_space<vmem>>, vector<1x1024xf32>
    %add3A_213 = vector.broadcast %get3A_212 : vector<1x1024xf32> to vector<256x1024xf32>
    %add3A_214 = arith.addf %dot_general3A_209, %add3A_213 : vector<256x1024xf32>
    %get3A_215 = arith.constant 0 : index
    %get3A_216 = arith.constant 0 : index
    %get3A_217 = vector.load %arg5[%get3A_215, %get3A_216] : memref<1x1024xf32, #tpu.memory_space<vmem>>, vector<1x1024xf32>
    %div3A_218 = arith.constant 1.00000501 : f32
    %div3A_219 = vector.broadcast %div3A_218 : f32 to vector<256x1024xf32>
    %div3A_220 = arith.divf %add3A_214, %div3A_219 : vector<256x1024xf32>
    %mul3A_221 = vector.broadcast %get3A_217 : vector<1x1024xf32> to vector<256x1024xf32>
    %mul3A_222 = arith.mulf %mul3A_221, %div3A_220 : vector<256x1024xf32>
    %get3A_223 = arith.constant 0 : index
    %get3A_224 = arith.constant 0 : index
    %get3A_225 = vector.load %arg6[%get3A_223, %get3A_224] : memref<1x1024xf32, #tpu.memory_space<vmem>>, vector<1x1024xf32>
    %add3A_226 = vector.broadcast %get3A_225 : vector<1x1024xf32> to vector<256x1024xf32>
    %add3A_227 = arith.addf %mul3A_222, %add3A_226 : vector<256x1024xf32>
    %max3A_228 = arith.constant 0.000000e+00 : f32
    %max3A_229 = vector.broadcast %max3A_228 : f32 to vector<256x1024xf32>
    %max3A_230 = arith.maximumf %add3A_227, %max3A_229 : vector<256x1024xf32>
    %reduce_max3A_231 = arith.constant dense<0xFF800000> : vector<1024xf32>
    %reduce_max3A_232 = vector.multi_reduction <maximumf>, %max3A_230, %reduce_max3A_231 [0] : vector<256x1024xf32> to vector<1024xf32>
    %broadcast_in_dim3A_233 = vector.shape_cast %reduce_max3A_232 : vector<1024xf32> to vector<1x1024xf32>
    %max3A_234 = arith.maximumf %max3A_201, %broadcast_in_dim3A_233 : vector<1x1024xf32>
    %slice3A_235 = vector.extract_strided_slice %concatenate3A {offsets = [1792, 0], sizes = [256, 384], strides = [1, 1]} : vector<2048x384xf32> to vector<256x384xf32>
    %get3A_236 = arith.constant 0 : index
    %get3A_237 = arith.constant 0 : index
    %get3A_238 = vector.load %arg3[%get3A_236, %get3A_237] : memref<384x1024xf32, #tpu.memory_space<vmem>>, vector<384x1024xf32>
    %convert_element_type3A_239 = arith.truncf %slice3A_235 : vector<256x384xf32> to vector<256x384xbf16>
    %convert_element_type3A_240 = arith.truncf %get3A_238 : vector<384x1024xf32> to vector<384x1024xbf16>
    %dot_general3A_241 = arith.constant dense<0.000000e+00> : vector<256x1024xf32>
    %dot_general3A_242 = tpu.matmul %convert_element_type3A_239, %convert_element_type3A_240, %dot_general3A_241 {dimension_numbers = #tpu.dot_dimension_numbers<[1], [0], [0], [1], [0, 0, 1, 1], [], []>, transpose_lhs_hint = false} : vector<256x384xbf16>, vector<384x1024xbf16>, vector<256x1024xf32> -> vector<256x1024xf32>
    %get3A_243 = arith.constant 0 : index
    %get3A_244 = arith.constant 0 : index
    %get3A_245 = vector.load %arg4[%get3A_243, %get3A_244] : memref<1x1024xf32, #tpu.memory_space<vmem>>, vector<1x1024xf32>
    %add3A_246 = vector.broadcast %get3A_245 : vector<1x1024xf32> to vector<256x1024xf32>
    %add3A_247 = arith.addf %dot_general3A_242, %add3A_246 : vector<256x1024xf32>
    %get3A_248 = arith.constant 0 : index
    %get3A_249 = arith.constant 0 : index
    %get3A_250 = vector.load %arg5[%get3A_248, %get3A_249] : memref<1x1024xf32, #tpu.memory_space<vmem>>, vector<1x1024xf32>
    %div3A_251 = arith.constant 1.00000501 : f32
    %div3A_252 = vector.broadcast %div3A_251 : f32 to vector<256x1024xf32>
    %div3A_253 = arith.divf %add3A_247, %div3A_252 : vector<256x1024xf32>
    %mul3A_254 = vector.broadcast %get3A_250 : vector<1x1024xf32> to vector<256x1024xf32>
    %mul3A_255 = arith.mulf %mul3A_254, %div3A_253 : vector<256x1024xf32>
    %get3A_256 = arith.constant 0 : index
    %get3A_257 = arith.constant 0 : index
    %get3A_258 = vector.load %arg6[%get3A_256, %get3A_257] : memref<1x1024xf32, #tpu.memory_space<vmem>>, vector<1x1024xf32>
    %add3A_259 = vector.broadcast %get3A_258 : vector<1x1024xf32> to vector<256x1024xf32>
    %add3A_260 = arith.addf %mul3A_255, %add3A_259 : vector<256x1024xf32>
    %max3A_261 = arith.constant 0.000000e+00 : f32
    %max3A_262 = vector.broadcast %max3A_261 : f32 to vector<256x1024xf32>
    %max3A_263 = arith.maximumf %add3A_260, %max3A_262 : vector<256x1024xf32>
    %reduce_max3A_264 = arith.constant dense<0xFF800000> : vector<1024xf32>
    %reduce_max3A_265 = vector.multi_reduction <maximumf>, %max3A_263, %reduce_max3A_264 [0] : vector<256x1024xf32> to vector<1024xf32>
    %broadcast_in_dim3A_266 = vector.shape_cast %reduce_max3A_265 : vector<1024xf32> to vector<1x1024xf32>
    %max3A_267 = arith.maximumf %max3A_234, %broadcast_in_dim3A_266 : vector<1x1024xf32>
    %get3A_268 = arith.constant 0 : index
    %get3A_269 = arith.constant 0 : index
    %get3A_270 = vector.load %arg7[%get3A_268, %get3A_269] : memref<1024x512xf32, #tpu.memory_space<vmem>>, vector<1024x512xf32>
    %convert_element_type3A_271 = arith.truncf %max3A_267 : vector<1x1024xf32> to vector<1x1024xbf16>
    %convert_element_type3A_272 = arith.truncf %get3A_270 : vector<1024x512xf32> to vector<1024x512xbf16>
    %dot_general3A_273 = arith.constant dense<0.000000e+00> : vector<1x512xf32>
    %dot_general3A_274 = tpu.matmul %convert_element_type3A_271, %convert_element_type3A_272, %dot_general3A_273 {dimension_numbers = #tpu.dot_dimension_numbers<[1], [0], [0], [1], [0, 0, 1, 1], [], []>, transpose_lhs_hint = false} : vector<1x1024xbf16>, vector<1024x512xbf16>, vector<1x512xf32> -> vector<1x512xf32>
    %slice3A_275 = vector.extract_strided_slice %concatenate3A {offsets = [0, 0], sizes = [256, 384], strides = [1, 1]} : vector<2048x384xf32> to vector<256x384xf32>
    %get3A_276 = arith.constant 0 : index
    %get3A_277 = arith.constant 0 : index
    %get3A_278 = vector.load %arg8[%get3A_276, %get3A_277] : memref<384x512xf32, #tpu.memory_space<vmem>>, vector<384x512xf32>
    %convert_element_type3A_279 = arith.truncf %slice3A_275 : vector<256x384xf32> to vector<256x384xbf16>
    %convert_element_type3A_280 = arith.truncf %get3A_278 : vector<384x512xf32> to vector<384x512xbf16>
    %dot_general3A_281 = arith.constant dense<0.000000e+00> : vector<256x512xf32>
    %dot_general3A_282 = tpu.matmul %convert_element_type3A_279, %convert_element_type3A_280, %dot_general3A_281 {dimension_numbers = #tpu.dot_dimension_numbers<[1], [0], [0], [1], [0, 0, 1, 1], [], []>, transpose_lhs_hint = false} : vector<256x384xbf16>, vector<384x512xbf16>, vector<256x512xf32> -> vector<256x512xf32>
    %add3A_283 = vector.broadcast %dot_general3A_274 : vector<1x512xf32> to vector<256x512xf32>
    %add3A_284 = arith.addf %dot_general3A_282, %add3A_283 : vector<256x512xf32>
    %get3A_285 = arith.constant 0 : index
    %get3A_286 = arith.constant 0 : index
    %get3A_287 = vector.load %arg9[%get3A_285, %get3A_286] : memref<1x512xf32, #tpu.memory_space<vmem>>, vector<1x512xf32>
    %add3A_288 = vector.broadcast %get3A_287 : vector<1x512xf32> to vector<256x512xf32>
    %add3A_289 = arith.addf %add3A_284, %add3A_288 : vector<256x512xf32>
    %get3A_290 = arith.constant 0 : index
    %get3A_291 = arith.constant 0 : index
    %get3A_292 = vector.load %arg10[%get3A_290, %get3A_291] : memref<1x512xf32, #tpu.memory_space<vmem>>, vector<1x512xf32>
    %div3A_293 = arith.constant 1.00000501 : f32
    %div3A_294 = vector.broadcast %div3A_293 : f32 to vector<256x512xf32>
    %div3A_295 = arith.divf %add3A_289, %div3A_294 : vector<256x512xf32>
    %mul3A_296 = vector.broadcast %get3A_292 : vector<1x512xf32> to vector<256x512xf32>
    %mul3A_297 = arith.mulf %mul3A_296, %div3A_295 : vector<256x512xf32>
    %get3A_298 = arith.constant 0 : index
    %get3A_299 = arith.constant 0 : index
    %get3A_300 = vector.load %arg11[%get3A_298, %get3A_299] : memref<1x512xf32, #tpu.memory_space<vmem>>, vector<1x512xf32>
    %add3A_301 = vector.broadcast %get3A_300 : vector<1x512xf32> to vector<256x512xf32>
    %add3A_302 = arith.addf %mul3A_297, %add3A_301 : vector<256x512xf32>
    %max3A_303 = arith.constant 0.000000e+00 : f32
    %max3A_304 = vector.broadcast %max3A_303 : f32 to vector<256x512xf32>
    %max3A_305 = arith.maximumf %add3A_302, %max3A_304 : vector<256x512xf32>
    %get3A_306 = arith.constant 0 : index
    %get3A_307 = arith.constant 0 : index
    %get3A_308 = vector.load %arg12[%get3A_306, %get3A_307] : memref<512x256xf32, #tpu.memory_space<vmem>>, vector<512x256xf32>
    %convert_element_type3A_309 = arith.truncf %max3A_305 : vector<256x512xf32> to vector<256x512xbf16>
    %convert_element_type3A_310 = arith.truncf %get3A_308 : vector<512x256xf32> to vector<512x256xbf16>
    %dot_general3A_311 = arith.constant dense<0.000000e+00> : vector<256x256xf32>
    %dot_general3A_312 = tpu.matmul %convert_element_type3A_309, %convert_element_type3A_310, %dot_general3A_311 {dimension_numbers = #tpu.dot_dimension_numbers<[1], [0], [0], [1], [0, 0, 1, 1], [], []>, transpose_lhs_hint = false} : vector<256x512xbf16>, vector<512x256xbf16>, vector<256x256xf32> -> vector<256x256xf32>
    %get3A_313 = arith.constant 0 : index
    %get3A_314 = arith.constant 0 : index
    %get3A_315 = vector.load %arg13[%get3A_313, %get3A_314] : memref<1x256xf32, #tpu.memory_space<vmem>>, vector<1x256xf32>
    %add3A_316 = vector.broadcast %get3A_315 : vector<1x256xf32> to vector<256x256xf32>
    %add3A_317 = arith.addf %dot_general3A_312, %add3A_316 : vector<256x256xf32>
    %get3A_318 = arith.constant 0 : index
    %get3A_319 = arith.constant 0 : index
    %get3A_320 = vector.load %arg14[%get3A_318, %get3A_319] : memref<1x256xf32, #tpu.memory_space<vmem>>, vector<1x256xf32>
    %div3A_321 = arith.constant 1.00000501 : f32
    %div3A_322 = vector.broadcast %div3A_321 : f32 to vector<256x256xf32>
    %div3A_323 = arith.divf %add3A_317, %div3A_322 : vector<256x256xf32>
    %mul3A_324 = vector.broadcast %get3A_320 : vector<1x256xf32> to vector<256x256xf32>
    %mul3A_325 = arith.mulf %mul3A_324, %div3A_323 : vector<256x256xf32>
    %get3A_326 = arith.constant 0 : index
    %get3A_327 = arith.constant 0 : index
    %get3A_328 = vector.load %arg15[%get3A_326, %get3A_327] : memref<1x256xf32, #tpu.memory_space<vmem>>, vector<1x256xf32>
    %add3A_329 = vector.broadcast %get3A_328 : vector<1x256xf32> to vector<256x256xf32>
    %add3A_330 = arith.addf %mul3A_325, %add3A_329 : vector<256x256xf32>
    %max3A_331 = arith.constant 0.000000e+00 : f32
    %max3A_332 = vector.broadcast %max3A_331 : f32 to vector<256x256xf32>
    %max3A_333 = arith.maximumf %add3A_330, %max3A_332 : vector<256x256xf32>
    %get3A_334 = arith.constant 0 : index
    %get3A_335 = arith.constant 0 : index
    %get3A_336 = vector.load %arg16[%get3A_334, %get3A_335] : memref<256x128xf32, #tpu.memory_space<vmem>>, vector<256x128xf32>
    %convert_element_type3A_337 = arith.truncf %max3A_333 : vector<256x256xf32> to vector<256x256xbf16>
    %convert_element_type3A_338 = arith.truncf %get3A_336 : vector<256x128xf32> to vector<256x128xbf16>
    %dot_general3A_339 = arith.constant dense<0.000000e+00> : vector<256x128xf32>
    %dot_general3A_340 = tpu.matmul %convert_element_type3A_337, %convert_element_type3A_338, %dot_general3A_339 {dimension_numbers = #tpu.dot_dimension_numbers<[1], [0], [0], [1], [0, 0, 1, 1], [], []>, transpose_lhs_hint = false} : vector<256x256xbf16>, vector<256x128xbf16>, vector<256x128xf32> -> vector<256x128xf32>
    %get3A_341 = arith.constant 0 : index
    %get3A_342 = arith.constant 0 : index
    %get3A_343 = vector.load %arg17[%get3A_341, %get3A_342] : memref<1x128xf32, #tpu.memory_space<vmem>>, vector<1x128xf32>
    %add3A_344 = vector.broadcast %get3A_343 : vector<1x128xf32> to vector<256x128xf32>
    %add3A_345 = arith.addf %dot_general3A_340, %add3A_344 : vector<256x128xf32>
    %swap3A = arith.constant 0 : index
    %swap3A_346 = arith.constant 0 : index
    %swap3A_347 = arith.constant 0 : index
    %swap3A_348 = vector.load %arg18[%swap3A, %swap3A_346, %swap3A_347] : memref<1x2048x128xf32, #tpu.memory_space<vmem>>, vector<1x256x128xf32>
    %swap3A_349 = vector.shape_cast %swap3A_348 : vector<1x256x128xf32> to vector<256x128xf32>
    %swap3A_350 = vector.shape_cast %add3A_345 : vector<256x128xf32> to vector<1x256x128xf32>
    tpu.vector_store %arg18[%swap3A, %swap3A_346, %swap3A_347], %swap3A_350 {strides = array<i32>} : memref<1x2048x128xf32, #tpu.memory_space<vmem>>, vector<1x256x128xf32>,
    %slice3A_351 = vector.extract_strided_slice %concatenate3A {offsets = [256, 0], sizes = [256, 384], strides = [1, 1]} : vector<2048x384xf32> to vector<256x384xf32>
    %get3A_352 = arith.constant 0 : index
    %get3A_353 = arith.constant 0 : index
    %get3A_354 = vector.load %arg8[%get3A_352, %get3A_353] : memref<384x512xf32, #tpu.memory_space<vmem>>, vector<384x512xf32>
    %convert_element_type3A_355 = arith.truncf %slice3A_351 : vector<256x384xf32> to vector<256x384xbf16>
    %convert_element_type3A_356 = arith.truncf %get3A_354 : vector<384x512xf32> to vector<384x512xbf16>
    %dot_general3A_357 = arith.constant dense<0.000000e+00> : vector<256x512xf32>
    %dot_general3A_358 = tpu.matmul %convert_element_type3A_355, %convert_element_type3A_356, %dot_general3A_357 {dimension_numbers = #tpu.dot_dimension_numbers<[1], [0], [0], [1], [0, 0, 1, 1], [], []>, transpose_lhs_hint = false} : vector<256x384xbf16>, vector<384x512xbf16>, vector<256x512xf32> -> vector<256x512xf32>
    %add3A_359 = vector.broadcast %dot_general3A_274 : vector<1x512xf32> to vector<256x512xf32>
    %add3A_360 = arith.addf %dot_general3A_358, %add3A_359 : vector<256x512xf32>
    %get3A_361 = arith.constant 0 : index
    %get3A_362 = arith.constant 0 : index
    %get3A_363 = vector.load %arg9[%get3A_361, %get3A_362] : memref<1x512xf32, #tpu.memory_space<vmem>>, vector<1x512xf32>
    %add3A_364 = vector.broadcast %get3A_363 : vector<1x512xf32> to vector<256x512xf32>
    %add3A_365 = arith.addf %add3A_360, %add3A_364 : vector<256x512xf32>
    %get3A_366 = arith.constant 0 : index
    %get3A_367 = arith.constant 0 : index
    %get3A_368 = vector.load %arg10[%get3A_366, %get3A_367] : memref<1x512xf32, #tpu.memory_space<vmem>>, vector<1x512xf32>
    %div3A_369 = arith.constant 1.00000501 : f32
    %div3A_370 = vector.broadcast %div3A_369 : f32 to vector<256x512xf32>
    %div3A_371 = arith.divf %add3A_365, %div3A_370 : vector<256x512xf32>
    %mul3A_372 = vector.broadcast %get3A_368 : vector<1x512xf32> to vector<256x512xf32>
    %mul3A_373 = arith.mulf %mul3A_372, %div3A_371 : vector<256x512xf32>
    %get3A_374 = arith.constant 0 : index
    %get3A_375 = arith.constant 0 : index
    %get3A_376 = vector.load %arg11[%get3A_374, %get3A_375] : memref<1x512xf32, #tpu.memory_space<vmem>>, vector<1x512xf32>
    %add3A_377 = vector.broadcast %get3A_376 : vector<1x512xf32> to vector<256x512xf32>
    %add3A_378 = arith.addf %mul3A_373, %add3A_377 : vector<256x512xf32>
    %max3A_379 = arith.constant 0.000000e+00 : f32
    %max3A_380 = vector.broadcast %max3A_379 : f32 to vector<256x512xf32>
    %max3A_381 = arith.maximumf %add3A_378, %max3A_380 : vector<256x512xf32>
    %get3A_382 = arith.constant 0 : index
    %get3A_383 = arith.constant 0 : index
    %get3A_384 = vector.load %arg12[%get3A_382, %get3A_383] : memref<512x256xf32, #tpu.memory_space<vmem>>, vector<512x256xf32>
    %convert_element_type3A_385 = arith.truncf %max3A_381 : vector<256x512xf32> to vector<256x512xbf16>
    %convert_element_type3A_386 = arith.truncf %get3A_384 : vector<512x256xf32> to vector<512x256xbf16>
    %dot_general3A_387 = arith.constant dense<0.000000e+00> : vector<256x256xf32>
    %dot_general3A_388 = tpu.matmul %convert_element_type3A_385, %convert_element_type3A_386, %dot_general3A_387 {dimension_numbers = #tpu.dot_dimension_numbers<[1], [0], [0], [1], [0, 0, 1, 1], [], []>, transpose_lhs_hint = false} : vector<256x512xbf16>, vector<512x256xbf16>, vector<256x256xf32> -> vector<256x256xf32>
    %get3A_389 = arith.constant 0 : index
    %get3A_390 = arith.constant 0 : index
    %get3A_391 = vector.load %arg13[%get3A_389, %get3A_390] : memref<1x256xf32, #tpu.memory_space<vmem>>, vector<1x256xf32>
    %add3A_392 = vector.broadcast %get3A_391 : vector<1x256xf32> to vector<256x256xf32>
    %add3A_393 = arith.addf %dot_general3A_388, %add3A_392 : vector<256x256xf32>
    %get3A_394 = arith.constant 0 : index
    %get3A_395 = arith.constant 0 : index
    %get3A_396 = vector.load %arg14[%get3A_394, %get3A_395] : memref<1x256xf32, #tpu.memory_space<vmem>>, vector<1x256xf32>
    %div3A_397 = arith.constant 1.00000501 : f32
    %div3A_398 = vector.broadcast %div3A_397 : f32 to vector<256x256xf32>
    %div3A_399 = arith.divf %add3A_393, %div3A_398 : vector<256x256xf32>
    %mul3A_400 = vector.broadcast %get3A_396 : vector<1x256xf32> to vector<256x256xf32>
    %mul3A_401 = arith.mulf %mul3A_400, %div3A_399 : vector<256x256xf32>
    %get3A_402 = arith.constant 0 : index
    %get3A_403 = arith.constant 0 : index
    %get3A_404 = vector.load %arg15[%get3A_402, %get3A_403] : memref<1x256xf32, #tpu.memory_space<vmem>>, vector<1x256xf32>
    %add3A_405 = vector.broadcast %get3A_404 : vector<1x256xf32> to vector<256x256xf32>
    %add3A_406 = arith.addf %mul3A_401, %add3A_405 : vector<256x256xf32>
    %max3A_407 = arith.constant 0.000000e+00 : f32
    %max3A_408 = vector.broadcast %max3A_407 : f32 to vector<256x256xf32>
    %max3A_409 = arith.maximumf %add3A_406, %max3A_408 : vector<256x256xf32>
    %get3A_410 = arith.constant 0 : index
    %get3A_411 = arith.constant 0 : index
    %get3A_412 = vector.load %arg16[%get3A_410, %get3A_411] : memref<256x128xf32, #tpu.memory_space<vmem>>, vector<256x128xf32>
    %convert_element_type3A_413 = arith.truncf %max3A_409 : vector<256x256xf32> to vector<256x256xbf16>
    %convert_element_type3A_414 = arith.truncf %get3A_412 : vector<256x128xf32> to vector<256x128xbf16>
    %dot_general3A_415 = arith.constant dense<0.000000e+00> : vector<256x128xf32>
    %dot_general3A_416 = tpu.matmul %convert_element_type3A_413, %convert_element_type3A_414, %dot_general3A_415 {dimension_numbers = #tpu.dot_dimension_numbers<[1], [0], [0], [1], [0, 0, 1, 1], [], []>, transpose_lhs_hint = false} : vector<256x256xbf16>, vector<256x128xbf16>, vector<256x128xf32> -> vector<256x128xf32>
    %get3A_417 = arith.constant 0 : index
    %get3A_418 = arith.constant 0 : index
    %get3A_419 = vector.load %arg17[%get3A_417, %get3A_418] : memref<1x128xf32, #tpu.memory_space<vmem>>, vector<1x128xf32>
    %add3A_420 = vector.broadcast %get3A_419 : vector<1x128xf32> to vector<256x128xf32>
    %add3A_421 = arith.addf %dot_general3A_416, %add3A_420 : vector<256x128xf32>
    %swap3A_422 = arith.constant 0 : index
    %swap3A_423 = arith.constant 256 : index
    %swap3A_424 = arith.constant 0 : index
    %swap3A_425 = vector.load %arg18[%swap3A_422, %swap3A_423, %swap3A_424] : memref<1x2048x128xf32, #tpu.memory_space<vmem>>, vector<1x256x128xf32>
    %swap3A_426 = vector.shape_cast %swap3A_425 : vector<1x256x128xf32> to vector<256x128xf32>
    %swap3A_427 = vector.shape_cast %add3A_421 : vector<256x128xf32> to vector<1x256x128xf32>
    tpu.vector_store %arg18[%swap3A_422, %swap3A_423, %swap3A_424], %swap3A_427 {strides = array<i32>} : memref<1x2048x128xf32, #tpu.memory_space<vmem>>, vector<1x256x128xf32>,
    %slice3A_428 = vector.extract_strided_slice %concatenate3A {offsets = [512, 0], sizes = [256, 384], strides = [1, 1]} : vector<2048x384xf32> to vector<256x384xf32>
    %get3A_429 = arith.constant 0 : index
    %get3A_430 = arith.constant 0 : index
    %get3A_431 = vector.load %arg8[%get3A_429, %get3A_430] : memref<384x512xf32, #tpu.memory_space<vmem>>, vector<384x512xf32>
    %convert_element_type3A_432 = arith.truncf %slice3A_428 : vector<256x384xf32> to vector<256x384xbf16>
    %convert_element_type3A_433 = arith.truncf %get3A_431 : vector<384x512xf32> to vector<384x512xbf16>
    %dot_general3A_434 = arith.constant dense<0.000000e+00> : vector<256x512xf32>
    %dot_general3A_435 = tpu.matmul %convert_element_type3A_432, %convert_element_type3A_433, %dot_general3A_434 {dimension_numbers = #tpu.dot_dimension_numbers<[1], [0], [0], [1], [0, 0, 1, 1], [], []>, transpose_lhs_hint = false} : vector<256x384xbf16>, vector<384x512xbf16>, vector<256x512xf32> -> vector<256x512xf32>
    %add3A_436 = vector.broadcast %dot_general3A_274 : vector<1x512xf32> to vector<256x512xf32>
    %add3A_437 = arith.addf %dot_general3A_435, %add3A_436 : vector<256x512xf32>
    %get3A_438 = arith.constant 0 : index
    %get3A_439 = arith.constant 0 : index
    %get3A_440 = vector.load %arg9[%get3A_438, %get3A_439] : memref<1x512xf32, #tpu.memory_space<vmem>>, vector<1x512xf32>
    %add3A_441 = vector.broadcast %get3A_440 : vector<1x512xf32> to vector<256x512xf32>
    %add3A_442 = arith.addf %add3A_437, %add3A_441 : vector<256x512xf32>
    %get3A_443 = arith.constant 0 : index
    %get3A_444 = arith.constant 0 : index
    %get3A_445 = vector.load %arg10[%get3A_443, %get3A_444] : memref<1x512xf32, #tpu.memory_space<vmem>>, vector<1x512xf32>
    %div3A_446 = arith.constant 1.00000501 : f32
    %div3A_447 = vector.broadcast %div3A_446 : f32 to vector<256x512xf32>
    %div3A_448 = arith.divf %add3A_442, %div3A_447 : vector<256x512xf32>
    %mul3A_449 = vector.broadcast %get3A_445 : vector<1x512xf32> to vector<256x512xf32>
    %mul3A_450 = arith.mulf %mul3A_449, %div3A_448 : vector<256x512xf32>
    %get3A_451 = arith.constant 0 : index
    %get3A_452 = arith.constant 0 : index
    %get3A_453 = vector.load %arg11[%get3A_451, %get3A_452] : memref<1x512xf32, #tpu.memory_space<vmem>>, vector<1x512xf32>
    %add3A_454 = vector.broadcast %get3A_453 : vector<1x512xf32> to vector<256x512xf32>
    %add3A_455 = arith.addf %mul3A_450, %add3A_454 : vector<256x512xf32>
    %max3A_456 = arith.constant 0.000000e+00 : f32
    %max3A_457 = vector.broadcast %max3A_456 : f32 to vector<256x512xf32>
    %max3A_458 = arith.maximumf %add3A_455, %max3A_457 : vector<256x512xf32>
    %get3A_459 = arith.constant 0 : index
    %get3A_460 = arith.constant 0 : index
    %get3A_461 = vector.load %arg12[%get3A_459, %get3A_460] : memref<512x256xf32, #tpu.memory_space<vmem>>, vector<512x256xf32>
    %convert_element_type3A_462 = arith.truncf %max3A_458 : vector<256x512xf32> to vector<256x512xbf16>
    %convert_element_type3A_463 = arith.truncf %get3A_461 : vector<512x256xf32> to vector<512x256xbf16>
    %dot_general3A_464 = arith.constant dense<0.000000e+00> : vector<256x256xf32>
    %dot_general3A_465 = tpu.matmul %convert_element_type3A_462, %convert_element_type3A_463, %dot_general3A_464 {dimension_numbers = #tpu.dot_dimension_numbers<[1], [0], [0], [1], [0, 0, 1, 1], [], []>, transpose_lhs_hint = false} : vector<256x512xbf16>, vector<512x256xbf16>, vector<256x256xf32> -> vector<256x256xf32>
    %get3A_466 = arith.constant 0 : index
    %get3A_467 = arith.constant 0 : index
    %get3A_468 = vector.load %arg13[%get3A_466, %get3A_467] : memref<1x256xf32, #tpu.memory_space<vmem>>, vector<1x256xf32>
    %add3A_469 = vector.broadcast %get3A_468 : vector<1x256xf32> to vector<256x256xf32>
    %add3A_470 = arith.addf %dot_general3A_465, %add3A_469 : vector<256x256xf32>
    %get3A_471 = arith.constant 0 : index
    %get3A_472 = arith.constant 0 : index
    %get3A_473 = vector.load %arg14[%get3A_471, %get3A_472] : memref<1x256xf32, #tpu.memory_space<vmem>>, vector<1x256xf32>
    %div3A_474 = arith.constant 1.00000501 : f32
    %div3A_475 = vector.broadcast %div3A_474 : f32 to vector<256x256xf32>
    %div3A_476 = arith.divf %add3A_470, %div3A_475 : vector<256x256xf32>
    %mul3A_477 = vector.broadcast %get3A_473 : vector<1x256xf32> to vector<256x256xf32>
    %mul3A_478 = arith.mulf %mul3A_477, %div3A_476 : vector<256x256xf32>
    %get3A_479 = arith.constant 0 : index
    %get3A_480 = arith.constant 0 : index
    %get3A_481 = vector.load %arg15[%get3A_479, %get3A_480] : memref<1x256xf32, #tpu.memory_space<vmem>>, vector<1x256xf32>
    %add3A_482 = vector.broadcast %get3A_481 : vector<1x256xf32> to vector<256x256xf32>
    %add3A_483 = arith.addf %mul3A_478, %add3A_482 : vector<256x256xf32>
    %max3A_484 = arith.constant 0.000000e+00 : f32
    %max3A_485 = vector.broadcast %max3A_484 : f32 to vector<256x256xf32>
    %max3A_486 = arith.maximumf %add3A_483, %max3A_485 : vector<256x256xf32>
    %get3A_487 = arith.constant 0 : index
    %get3A_488 = arith.constant 0 : index
    %get3A_489 = vector.load %arg16[%get3A_487, %get3A_488] : memref<256x128xf32, #tpu.memory_space<vmem>>, vector<256x128xf32>
    %convert_element_type3A_490 = arith.truncf %max3A_486 : vector<256x256xf32> to vector<256x256xbf16>
    %convert_element_type3A_491 = arith.truncf %get3A_489 : vector<256x128xf32> to vector<256x128xbf16>
    %dot_general3A_492 = arith.constant dense<0.000000e+00> : vector<256x128xf32>
    %dot_general3A_493 = tpu.matmul %convert_element_type3A_490, %convert_element_type3A_491, %dot_general3A_492 {dimension_numbers = #tpu.dot_dimension_numbers<[1], [0], [0], [1], [0, 0, 1, 1], [], []>, transpose_lhs_hint = false} : vector<256x256xbf16>, vector<256x128xbf16>, vector<256x128xf32> -> vector<256x128xf32>
    %get3A_494 = arith.constant 0 : index
    %get3A_495 = arith.constant 0 : index
    %get3A_496 = vector.load %arg17[%get3A_494, %get3A_495] : memref<1x128xf32, #tpu.memory_space<vmem>>, vector<1x128xf32>
    %add3A_497 = vector.broadcast %get3A_496 : vector<1x128xf32> to vector<256x128xf32>
    %add3A_498 = arith.addf %dot_general3A_493, %add3A_497 : vector<256x128xf32>
    %swap3A_499 = arith.constant 0 : index
    %swap3A_500 = arith.constant 512 : index
    %swap3A_501 = arith.constant 0 : index
    %swap3A_502 = vector.load %arg18[%swap3A_499, %swap3A_500, %swap3A_501] : memref<1x2048x128xf32, #tpu.memory_space<vmem>>, vector<1x256x128xf32>
    %swap3A_503 = vector.shape_cast %swap3A_502 : vector<1x256x128xf32> to vector<256x128xf32>
    %swap3A_504 = vector.shape_cast %add3A_498 : vector<256x128xf32> to vector<1x256x128xf32>
    tpu.vector_store %arg18[%swap3A_499, %swap3A_500, %swap3A_501], %swap3A_504 {strides = array<i32>} : memref<1x2048x128xf32, #tpu.memory_space<vmem>>, vector<1x256x128xf32>,
    %slice3A_505 = vector.extract_strided_slice %concatenate3A {offsets = [768, 0], sizes = [256, 384], strides = [1, 1]} : vector<2048x384xf32> to vector<256x384xf32>
    %get3A_506 = arith.constant 0 : index
    %get3A_507 = arith.constant 0 : index
    %get3A_508 = vector.load %arg8[%get3A_506, %get3A_507] : memref<384x512xf32, #tpu.memory_space<vmem>>, vector<384x512xf32>
    %convert_element_type3A_509 = arith.truncf %slice3A_505 : vector<256x384xf32> to vector<256x384xbf16>
    %convert_element_type3A_510 = arith.truncf %get3A_508 : vector<384x512xf32> to vector<384x512xbf16>
    %dot_general3A_511 = arith.constant dense<0.000000e+00> : vector<256x512xf32>
    %dot_general3A_512 = tpu.matmul %convert_element_type3A_509, %convert_element_type3A_510, %dot_general3A_511 {dimension_numbers = #tpu.dot_dimension_numbers<[1], [0], [0], [1], [0, 0, 1, 1], [], []>, transpose_lhs_hint = false} : vector<256x384xbf16>, vector<384x512xbf16>, vector<256x512xf32> -> vector<256x512xf32>
    %add3A_513 = vector.broadcast %dot_general3A_274 : vector<1x512xf32> to vector<256x512xf32>
    %add3A_514 = arith.addf %dot_general3A_512, %add3A_513 : vector<256x512xf32>
    %get3A_515 = arith.constant 0 : index
    %get3A_516 = arith.constant 0 : index
    %get3A_517 = vector.load %arg9[%get3A_515, %get3A_516] : memref<1x512xf32, #tpu.memory_space<vmem>>, vector<1x512xf32>
    %add3A_518 = vector.broadcast %get3A_517 : vector<1x512xf32> to vector<256x512xf32>
    %add3A_519 = arith.addf %add3A_514, %add3A_518 : vector<256x512xf32>
    %get3A_520 = arith.constant 0 : index
    %get3A_521 = arith.constant 0 : index
    %get3A_522 = vector.load %arg10[%get3A_520, %get3A_521] : memref<1x512xf32, #tpu.memory_space<vmem>>, vector<1x512xf32>
    %div3A_523 = arith.constant 1.00000501 : f32
    %div3A_524 = vector.broadcast %div3A_523 : f32 to vector<256x512xf32>
    %div3A_525 = arith.divf %add3A_519, %div3A_524 : vector<256x512xf32>
    %mul3A_526 = vector.broadcast %get3A_522 : vector<1x512xf32> to vector<256x512xf32>
    %mul3A_527 = arith.mulf %mul3A_526, %div3A_525 : vector<256x512xf32>
    %get3A_528 = arith.constant 0 : index
    %get3A_529 = arith.constant 0 : index
    %get3A_530 = vector.load %arg11[%get3A_528, %get3A_529] : memref<1x512xf32, #tpu.memory_space<vmem>>, vector<1x512xf32>
    %add3A_531 = vector.broadcast %get3A_530 : vector<1x512xf32> to vector<256x512xf32>
    %add3A_532 = arith.addf %mul3A_527, %add3A_531 : vector<256x512xf32>
    %max3A_533 = arith.constant 0.000000e+00 : f32
    %max3A_534 = vector.broadcast %max3A_533 : f32 to vector<256x512xf32>
    %max3A_535 = arith.maximumf %add3A_532, %max3A_534 : vector<256x512xf32>
    %get3A_536 = arith.constant 0 : index
    %get3A_537 = arith.constant 0 : index
    %get3A_538 = vector.load %arg12[%get3A_536, %get3A_537] : memref<512x256xf32, #tpu.memory_space<vmem>>, vector<512x256xf32>
    %convert_element_type3A_539 = arith.truncf %max3A_535 : vector<256x512xf32> to vector<256x512xbf16>
    %convert_element_type3A_540 = arith.truncf %get3A_538 : vector<512x256xf32> to vector<512x256xbf16>
    %dot_general3A_541 = arith.constant dense<0.000000e+00> : vector<256x256xf32>
    %dot_general3A_542 = tpu.matmul %convert_element_type3A_539, %convert_element_type3A_540, %dot_general3A_541 {dimension_numbers = #tpu.dot_dimension_numbers<[1], [0], [0], [1], [0, 0, 1, 1], [], []>, transpose_lhs_hint = false} : vector<256x512xbf16>, vector<512x256xbf16>, vector<256x256xf32> -> vector<256x256xf32>
    %get3A_543 = arith.constant 0 : index
    %get3A_544 = arith.constant 0 : index
    %get3A_545 = vector.load %arg13[%get3A_543, %get3A_544] : memref<1x256xf32, #tpu.memory_space<vmem>>, vector<1x256xf32>
    %add3A_546 = vector.broadcast %get3A_545 : vector<1x256xf32> to vector<256x256xf32>
    %add3A_547 = arith.addf %dot_general3A_542, %add3A_546 : vector<256x256xf32>
    %get3A_548 = arith.constant 0 : index
    %get3A_549 = arith.constant 0 : index
    %get3A_550 = vector.load %arg14[%get3A_548, %get3A_549] : memref<1x256xf32, #tpu.memory_space<vmem>>, vector<1x256xf32>
    %div3A_551 = arith.constant 1.00000501 : f32
    %div3A_552 = vector.broadcast %div3A_551 : f32 to vector<256x256xf32>
    %div3A_553 = arith.divf %add3A_547, %div3A_552 : vector<256x256xf32>
    %mul3A_554 = vector.broadcast %get3A_550 : vector<1x256xf32> to vector<256x256xf32>
    %mul3A_555 = arith.mulf %mul3A_554, %div3A_553 : vector<256x256xf32>
    %get3A_556 = arith.constant 0 : index
    %get3A_557 = arith.constant 0 : index
    %get3A_558 = vector.load %arg15[%get3A_556, %get3A_557] : memref<1x256xf32, #tpu.memory_space<vmem>>, vector<1x256xf32>
    %add3A_559 = vector.broadcast %get3A_558 : vector<1x256xf32> to vector<256x256xf32>
    %add3A_560 = arith.addf %mul3A_555, %add3A_559 : vector<256x256xf32>
    %max3A_561 = arith.constant 0.000000e+00 : f32
    %max3A_562 = vector.broadcast %max3A_561 : f32 to vector<256x256xf32>
    %max3A_563 = arith.maximumf %add3A_560, %max3A_562 : vector<256x256xf32>
    %get3A_564 = arith.constant 0 : index
    %get3A_565 = arith.constant 0 : index
    %get3A_566 = vector.load %arg16[%get3A_564, %get3A_565] : memref<256x128xf32, #tpu.memory_space<vmem>>, vector<256x128xf32>
    %convert_element_type3A_567 = arith.truncf %max3A_563 : vector<256x256xf32> to vector<256x256xbf16>
    %convert_element_type3A_568 = arith.truncf %get3A_566 : vector<256x128xf32> to vector<256x128xbf16>
    %dot_general3A_569 = arith.constant dense<0.000000e+00> : vector<256x128xf32>
    %dot_general3A_570 = tpu.matmul %convert_element_type3A_567, %convert_element_type3A_568, %dot_general3A_569 {dimension_numbers = #tpu.dot_dimension_numbers<[1], [0], [0], [1], [0, 0, 1, 1], [], []>, transpose_lhs_hint = false} : vector<256x256xbf16>, vector<256x128xbf16>, vector<256x128xf32> -> vector<256x128xf32>
    %get3A_571 = arith.constant 0 : index
    %get3A_572 = arith.constant 0 : index
    %get3A_573 = vector.load %arg17[%get3A_571, %get3A_572] : memref<1x128xf32, #tpu.memory_space<vmem>>, vector<1x128xf32>
    %add3A_574 = vector.broadcast %get3A_573 : vector<1x128xf32> to vector<256x128xf32>
    %add3A_575 = arith.addf %dot_general3A_570, %add3A_574 : vector<256x128xf32>
    %swap3A_576 = arith.constant 0 : index
    %swap3A_577 = arith.constant 768 : index
    %swap3A_578 = arith.constant 0 : index
    %swap3A_579 = vector.load %arg18[%swap3A_576, %swap3A_577, %swap3A_578] : memref<1x2048x128xf32, #tpu.memory_space<vmem>>, vector<1x256x128xf32>
    %swap3A_580 = vector.shape_cast %swap3A_579 : vector<1x256x128xf32> to vector<256x128xf32>
    %swap3A_581 = vector.shape_cast %add3A_575 : vector<256x128xf32> to vector<1x256x128xf32>
    tpu.vector_store %arg18[%swap3A_576, %swap3A_577, %swap3A_578], %swap3A_581 {strides = array<i32>} : memref<1x2048x128xf32, #tpu.memory_space<vmem>>, vector<1x256x128xf32>,
    %slice3A_582 = vector.extract_strided_slice %concatenate3A {offsets = [1024, 0], sizes = [256, 384], strides = [1, 1]} : vector<2048x384xf32> to vector<256x384xf32>
    %get3A_583 = arith.constant 0 : index
    %get3A_584 = arith.constant 0 : index
    %get3A_585 = vector.load %arg8[%get3A_583, %get3A_584] : memref<384x512xf32, #tpu.memory_space<vmem>>, vector<384x512xf32>
    %convert_element_type3A_586 = arith.truncf %slice3A_582 : vector<256x384xf32> to vector<256x384xbf16>
    %convert_element_type3A_587 = arith.truncf %get3A_585 : vector<384x512xf32> to vector<384x512xbf16>
    %dot_general3A_588 = arith.constant dense<0.000000e+00> : vector<256x512xf32>
    %dot_general3A_589 = tpu.matmul %convert_element_type3A_586, %convert_element_type3A_587, %dot_general3A_588 {dimension_numbers = #tpu.dot_dimension_numbers<[1], [0], [0], [1], [0, 0, 1, 1], [], []>, transpose_lhs_hint = false} : vector<256x384xbf16>, vector<384x512xbf16>, vector<256x512xf32> -> vector<256x512xf32>
    %add3A_590 = vector.broadcast %dot_general3A_274 : vector<1x512xf32> to vector<256x512xf32>
    %add3A_591 = arith.addf %dot_general3A_589, %add3A_590 : vector<256x512xf32>
    %get3A_592 = arith.constant 0 : index
    %get3A_593 = arith.constant 0 : index
    %get3A_594 = vector.load %arg9[%get3A_592, %get3A_593] : memref<1x512xf32, #tpu.memory_space<vmem>>, vector<1x512xf32>
    %add3A_595 = vector.broadcast %get3A_594 : vector<1x512xf32> to vector<256x512xf32>
    %add3A_596 = arith.addf %add3A_591, %add3A_595 : vector<256x512xf32>
    %get3A_597 = arith.constant 0 : index
    %get3A_598 = arith.constant 0 : index
    %get3A_599 = vector.load %arg10[%get3A_597, %get3A_598] : memref<1x512xf32, #tpu.memory_space<vmem>>, vector<1x512xf32>
    %div3A_600 = arith.constant 1.00000501 : f32
    %div3A_601 = vector.broadcast %div3A_600 : f32 to vector<256x512xf32>
    %div3A_602 = arith.divf %add3A_596, %div3A_601 : vector<256x512xf32>
    %mul3A_603 = vector.broadcast %get3A_599 : vector<1x512xf32> to vector<256x512xf32>
    %mul3A_604 = arith.mulf %mul3A_603, %div3A_602 : vector<256x512xf32>
    %get3A_605 = arith.constant 0 : index
    %get3A_606 = arith.constant 0 : index
    %get3A_607 = vector.load %arg11[%get3A_605, %get3A_606] : memref<1x512xf32, #tpu.memory_space<vmem>>, vector<1x512xf32>
    %add3A_608 = vector.broadcast %get3A_607 : vector<1x512xf32> to vector<256x512xf32>
    %add3A_609 = arith.addf %mul3A_604, %add3A_608 : vector<256x512xf32>
    %max3A_610 = arith.constant 0.000000e+00 : f32
    %max3A_611 = vector.broadcast %max3A_610 : f32 to vector<256x512xf32>
    %max3A_612 = arith.maximumf %add3A_609, %max3A_611 : vector<256x512xf32>
    %get3A_613 = arith.constant 0 : index
    %get3A_614 = arith.constant 0 : index
    %get3A_615 = vector.load %arg12[%get3A_613, %get3A_614] : memref<512x256xf32, #tpu.memory_space<vmem>>, vector<512x256xf32>
    %convert_element_type3A_616 = arith.truncf %max3A_612 : vector<256x512xf32> to vector<256x512xbf16>
    %convert_element_type3A_617 = arith.truncf %get3A_615 : vector<512x256xf32> to vector<512x256xbf16>
    %dot_general3A_618 = arith.constant dense<0.000000e+00> : vector<256x256xf32>
    %dot_general3A_619 = tpu.matmul %convert_element_type3A_616, %convert_element_type3A_617, %dot_general3A_618 {dimension_numbers = #tpu.dot_dimension_numbers<[1], [0], [0], [1], [0, 0, 1, 1], [], []>, transpose_lhs_hint = false} : vector<256x512xbf16>, vector<512x256xbf16>, vector<256x256xf32> -> vector<256x256xf32>
    %get3A_620 = arith.constant 0 : index
    %get3A_621 = arith.constant 0 : index
    %get3A_622 = vector.load %arg13[%get3A_620, %get3A_621] : memref<1x256xf32, #tpu.memory_space<vmem>>, vector<1x256xf32>
    %add3A_623 = vector.broadcast %get3A_622 : vector<1x256xf32> to vector<256x256xf32>
    %add3A_624 = arith.addf %dot_general3A_619, %add3A_623 : vector<256x256xf32>
    %get3A_625 = arith.constant 0 : index
    %get3A_626 = arith.constant 0 : index
    %get3A_627 = vector.load %arg14[%get3A_625, %get3A_626] : memref<1x256xf32, #tpu.memory_space<vmem>>, vector<1x256xf32>
    %div3A_628 = arith.constant 1.00000501 : f32
    %div3A_629 = vector.broadcast %div3A_628 : f32 to vector<256x256xf32>
    %div3A_630 = arith.divf %add3A_624, %div3A_629 : vector<256x256xf32>
    %mul3A_631 = vector.broadcast %get3A_627 : vector<1x256xf32> to vector<256x256xf32>
    %mul3A_632 = arith.mulf %mul3A_631, %div3A_630 : vector<256x256xf32>
    %get3A_633 = arith.constant 0 : index
    %get3A_634 = arith.constant 0 : index
    %get3A_635 = vector.load %arg15[%get3A_633, %get3A_634] : memref<1x256xf32, #tpu.memory_space<vmem>>, vector<1x256xf32>
    %add3A_636 = vector.broadcast %get3A_635 : vector<1x256xf32> to vector<256x256xf32>
    %add3A_637 = arith.addf %mul3A_632, %add3A_636 : vector<256x256xf32>
    %max3A_638 = arith.constant 0.000000e+00 : f32
    %max3A_639 = vector.broadcast %max3A_638 : f32 to vector<256x256xf32>
    %max3A_640 = arith.maximumf %add3A_637, %max3A_639 : vector<256x256xf32>
    %get3A_641 = arith.constant 0 : index
    %get3A_642 = arith.constant 0 : index
    %get3A_643 = vector.load %arg16[%get3A_641, %get3A_642] : memref<256x128xf32, #tpu.memory_space<vmem>>, vector<256x128xf32>
    %convert_element_type3A_644 = arith.truncf %max3A_640 : vector<256x256xf32> to vector<256x256xbf16>
    %convert_element_type3A_645 = arith.truncf %get3A_643 : vector<256x128xf32> to vector<256x128xbf16>
    %dot_general3A_646 = arith.constant dense<0.000000e+00> : vector<256x128xf32>
    %dot_general3A_647 = tpu.matmul %convert_element_type3A_644, %convert_element_type3A_645, %dot_general3A_646 {dimension_numbers = #tpu.dot_dimension_numbers<[1], [0], [0], [1], [0, 0, 1, 1], [], []>, transpose_lhs_hint = false} : vector<256x256xbf16>, vector<256x128xbf16>, vector<256x128xf32> -> vector<256x128xf32>
    %get3A_648 = arith.constant 0 : index
    %get3A_649 = arith.constant 0 : index
    %get3A_650 = vector.load %arg17[%get3A_648, %get3A_649] : memref<1x128xf32, #tpu.memory_space<vmem>>, vector<1x128xf32>
    %add3A_651 = vector.broadcast %get3A_650 : vector<1x128xf32> to vector<256x128xf32>
    %add3A_652 = arith.addf %dot_general3A_647, %add3A_651 : vector<256x128xf32>
    %swap3A_653 = arith.constant 0 : index
    %swap3A_654 = arith.constant 1024 : index
    %swap3A_655 = arith.constant 0 : index
    %swap3A_656 = vector.load %arg18[%swap3A_653, %swap3A_654, %swap3A_655] : memref<1x2048x128xf32, #tpu.memory_space<vmem>>, vector<1x256x128xf32>
    %swap3A_657 = vector.shape_cast %swap3A_656 : vector<1x256x128xf32> to vector<256x128xf32>
    %swap3A_658 = vector.shape_cast %add3A_652 : vector<256x128xf32> to vector<1x256x128xf32>
    tpu.vector_store %arg18[%swap3A_653, %swap3A_654, %swap3A_655], %swap3A_658 {strides = array<i32>} : memref<1x2048x128xf32, #tpu.memory_space<vmem>>, vector<1x256x128xf32>,
    %slice3A_659 = vector.extract_strided_slice %concatenate3A {offsets = [1280, 0], sizes = [256, 384], strides = [1, 1]} : vector<2048x384xf32> to vector<256x384xf32>
    %get3A_660 = arith.constant 0 : index
    %get3A_661 = arith.constant 0 : index
    %get3A_662 = vector.load %arg8[%get3A_660, %get3A_661] : memref<384x512xf32, #tpu.memory_space<vmem>>, vector<384x512xf32>
    %convert_element_type3A_663 = arith.truncf %slice3A_659 : vector<256x384xf32> to vector<256x384xbf16>
    %convert_element_type3A_664 = arith.truncf %get3A_662 : vector<384x512xf32> to vector<384x512xbf16>
    %dot_general3A_665 = arith.constant dense<0.000000e+00> : vector<256x512xf32>
    %dot_general3A_666 = tpu.matmul %convert_element_type3A_663, %convert_element_type3A_664, %dot_general3A_665 {dimension_numbers = #tpu.dot_dimension_numbers<[1], [0], [0], [1], [0, 0, 1, 1], [], []>, transpose_lhs_hint = false} : vector<256x384xbf16>, vector<384x512xbf16>, vector<256x512xf32> -> vector<256x512xf32>
    %add3A_667 = vector.broadcast %dot_general3A_274 : vector<1x512xf32> to vector<256x512xf32>
    %add3A_668 = arith.addf %dot_general3A_666, %add3A_667 : vector<256x512xf32>
    %get3A_669 = arith.constant 0 : index
    %get3A_670 = arith.constant 0 : index
    %get3A_671 = vector.load %arg9[%get3A_669, %get3A_670] : memref<1x512xf32, #tpu.memory_space<vmem>>, vector<1x512xf32>
    %add3A_672 = vector.broadcast %get3A_671 : vector<1x512xf32> to vector<256x512xf32>
    %add3A_673 = arith.addf %add3A_668, %add3A_672 : vector<256x512xf32>
    %get3A_674 = arith.constant 0 : index
    %get3A_675 = arith.constant 0 : index
    %get3A_676 = vector.load %arg10[%get3A_674, %get3A_675] : memref<1x512xf32, #tpu.memory_space<vmem>>, vector<1x512xf32>
    %div3A_677 = arith.constant 1.00000501 : f32
    %div3A_678 = vector.broadcast %div3A_677 : f32 to vector<256x512xf32>
    %div3A_679 = arith.divf %add3A_673, %div3A_678 : vector<256x512xf32>
    %mul3A_680 = vector.broadcast %get3A_676 : vector<1x512xf32> to vector<256x512xf32>
    %mul3A_681 = arith.mulf %mul3A_680, %div3A_679 : vector<256x512xf32>
    %get3A_682 = arith.constant 0 : index
    %get3A_683 = arith.constant 0 : index
    %get3A_684 = vector.load %arg11[%get3A_682, %get3A_683] : memref<1x512xf32, #tpu.memory_space<vmem>>, vector<1x512xf32>
    %add3A_685 = vector.broadcast %get3A_684 : vector<1x512xf32> to vector<256x512xf32>
    %add3A_686 = arith.addf %mul3A_681, %add3A_685 : vector<256x512xf32>
    %max3A_687 = arith.constant 0.000000e+00 : f32
    %max3A_688 = vector.broadcast %max3A_687 : f32 to vector<256x512xf32>
    %max3A_689 = arith.maximumf %add3A_686, %max3A_688 : vector<256x512xf32>
    %get3A_690 = arith.constant 0 : index
    %get3A_691 = arith.constant 0 : index
    %get3A_692 = vector.load %arg12[%get3A_690, %get3A_691] : memref<512x256xf32, #tpu.memory_space<vmem>>, vector<512x256xf32>
    %convert_element_type3A_693 = arith.truncf %max3A_689 : vector<256x512xf32> to vector<256x512xbf16>
    %convert_element_type3A_694 = arith.truncf %get3A_692 : vector<512x256xf32> to vector<512x256xbf16>
    %dot_general3A_695 = arith.constant dense<0.000000e+00> : vector<256x256xf32>
    %dot_general3A_696 = tpu.matmul %convert_element_type3A_693, %convert_element_type3A_694, %dot_general3A_695 {dimension_numbers = #tpu.dot_dimension_numbers<[1], [0], [0], [1], [0, 0, 1, 1], [], []>, transpose_lhs_hint = false} : vector<256x512xbf16>, vector<512x256xbf16>, vector<256x256xf32> -> vector<256x256xf32>
    %get3A_697 = arith.constant 0 : index
    %get3A_698 = arith.constant 0 : index
    %get3A_699 = vector.load %arg13[%get3A_697, %get3A_698] : memref<1x256xf32, #tpu.memory_space<vmem>>, vector<1x256xf32>
    %add3A_700 = vector.broadcast %get3A_699 : vector<1x256xf32> to vector<256x256xf32>
    %add3A_701 = arith.addf %dot_general3A_696, %add3A_700 : vector<256x256xf32>
    %get3A_702 = arith.constant 0 : index
    %get3A_703 = arith.constant 0 : index
    %get3A_704 = vector.load %arg14[%get3A_702, %get3A_703] : memref<1x256xf32, #tpu.memory_space<vmem>>, vector<1x256xf32>
    %div3A_705 = arith.constant 1.00000501 : f32
    %div3A_706 = vector.broadcast %div3A_705 : f32 to vector<256x256xf32>
    %div3A_707 = arith.divf %add3A_701, %div3A_706 : vector<256x256xf32>
    %mul3A_708 = vector.broadcast %get3A_704 : vector<1x256xf32> to vector<256x256xf32>
    %mul3A_709 = arith.mulf %mul3A_708, %div3A_707 : vector<256x256xf32>
    %get3A_710 = arith.constant 0 : index
    %get3A_711 = arith.constant 0 : index
    %get3A_712 = vector.load %arg15[%get3A_710, %get3A_711] : memref<1x256xf32, #tpu.memory_space<vmem>>, vector<1x256xf32>
    %add3A_713 = vector.broadcast %get3A_712 : vector<1x256xf32> to vector<256x256xf32>
    %add3A_714 = arith.addf %mul3A_709, %add3A_713 : vector<256x256xf32>
    %max3A_715 = arith.constant 0.000000e+00 : f32
    %max3A_716 = vector.broadcast %max3A_715 : f32 to vector<256x256xf32>
    %max3A_717 = arith.maximumf %add3A_714, %max3A_716 : vector<256x256xf32>
    %get3A_718 = arith.constant 0 : index
    %get3A_719 = arith.constant 0 : index
    %get3A_720 = vector.load %arg16[%get3A_718, %get3A_719] : memref<256x128xf32, #tpu.memory_space<vmem>>, vector<256x128xf32>
    %convert_element_type3A_721 = arith.truncf %max3A_717 : vector<256x256xf32> to vector<256x256xbf16>
    %convert_element_type3A_722 = arith.truncf %get3A_720 : vector<256x128xf32> to vector<256x128xbf16>
    %dot_general3A_723 = arith.constant dense<0.000000e+00> : vector<256x128xf32>
    %dot_general3A_724 = tpu.matmul %convert_element_type3A_721, %convert_element_type3A_722, %dot_general3A_723 {dimension_numbers = #tpu.dot_dimension_numbers<[1], [0], [0], [1], [0, 0, 1, 1], [], []>, transpose_lhs_hint = false} : vector<256x256xbf16>, vector<256x128xbf16>, vector<256x128xf32> -> vector<256x128xf32>
    %get3A_725 = arith.constant 0 : index
    %get3A_726 = arith.constant 0 : index
    %get3A_727 = vector.load %arg17[%get3A_725, %get3A_726] : memref<1x128xf32, #tpu.memory_space<vmem>>, vector<1x128xf32>
    %add3A_728 = vector.broadcast %get3A_727 : vector<1x128xf32> to vector<256x128xf32>
    %add3A_729 = arith.addf %dot_general3A_724, %add3A_728 : vector<256x128xf32>
    %swap3A_730 = arith.constant 0 : index
    %swap3A_731 = arith.constant 1280 : index
    %swap3A_732 = arith.constant 0 : index
    %swap3A_733 = vector.load %arg18[%swap3A_730, %swap3A_731, %swap3A_732] : memref<1x2048x128xf32, #tpu.memory_space<vmem>>, vector<1x256x128xf32>
    %swap3A_734 = vector.shape_cast %swap3A_733 : vector<1x256x128xf32> to vector<256x128xf32>
    %swap3A_735 = vector.shape_cast %add3A_729 : vector<256x128xf32> to vector<1x256x128xf32>
    tpu.vector_store %arg18[%swap3A_730, %swap3A_731, %swap3A_732], %swap3A_735 {strides = array<i32>} : memref<1x2048x128xf32, #tpu.memory_space<vmem>>, vector<1x256x128xf32>,
    %slice3A_736 = vector.extract_strided_slice %concatenate3A {offsets = [1536, 0], sizes = [256, 384], strides = [1, 1]} : vector<2048x384xf32> to vector<256x384xf32>
    %get3A_737 = arith.constant 0 : index
    %get3A_738 = arith.constant 0 : index
    %get3A_739 = vector.load %arg8[%get3A_737, %get3A_738] : memref<384x512xf32, #tpu.memory_space<vmem>>, vector<384x512xf32>
    %convert_element_type3A_740 = arith.truncf %slice3A_736 : vector<256x384xf32> to vector<256x384xbf16>
    %convert_element_type3A_741 = arith.truncf %get3A_739 : vector<384x512xf32> to vector<384x512xbf16>
    %dot_general3A_742 = arith.constant dense<0.000000e+00> : vector<256x512xf32>
    %dot_general3A_743 = tpu.matmul %convert_element_type3A_740, %convert_element_type3A_741, %dot_general3A_742 {dimension_numbers = #tpu.dot_dimension_numbers<[1], [0], [0], [1], [0, 0, 1, 1], [], []>, transpose_lhs_hint = false} : vector<256x384xbf16>, vector<384x512xbf16>, vector<256x512xf32> -> vector<256x512xf32>
    %add3A_744 = vector.broadcast %dot_general3A_274 : vector<1x512xf32> to vector<256x512xf32>
    %add3A_745 = arith.addf %dot_general3A_743, %add3A_744 : vector<256x512xf32>
    %get3A_746 = arith.constant 0 : index
    %get3A_747 = arith.constant 0 : index
    %get3A_748 = vector.load %arg9[%get3A_746, %get3A_747] : memref<1x512xf32, #tpu.memory_space<vmem>>, vector<1x512xf32>
    %add3A_749 = vector.broadcast %get3A_748 : vector<1x512xf32> to vector<256x512xf32>
    %add3A_750 = arith.addf %add3A_745, %add3A_749 : vector<256x512xf32>
    %get3A_751 = arith.constant 0 : index
    %get3A_752 = arith.constant 0 : index
    %get3A_753 = vector.load %arg10[%get3A_751, %get3A_752] : memref<1x512xf32, #tpu.memory_space<vmem>>, vector<1x512xf32>
    %div3A_754 = arith.constant 1.00000501 : f32
    %div3A_755 = vector.broadcast %div3A_754 : f32 to vector<256x512xf32>
    %div3A_756 = arith.divf %add3A_750, %div3A_755 : vector<256x512xf32>
    %mul3A_757 = vector.broadcast %get3A_753 : vector<1x512xf32> to vector<256x512xf32>
    %mul3A_758 = arith.mulf %mul3A_757, %div3A_756 : vector<256x512xf32>
    %get3A_759 = arith.constant 0 : index
    %get3A_760 = arith.constant 0 : index
    %get3A_761 = vector.load %arg11[%get3A_759, %get3A_760] : memref<1x512xf32, #tpu.memory_space<vmem>>, vector<1x512xf32>
    %add3A_762 = vector.broadcast %get3A_761 : vector<1x512xf32> to vector<256x512xf32>
    %add3A_763 = arith.addf %mul3A_758, %add3A_762 : vector<256x512xf32>
    %max3A_764 = arith.constant 0.000000e+00 : f32
    %max3A_765 = vector.broadcast %max3A_764 : f32 to vector<256x512xf32>
    %max3A_766 = arith.maximumf %add3A_763, %max3A_765 : vector<256x512xf32>
    %get3A_767 = arith.constant 0 : index
    %get3A_768 = arith.constant 0 : index
    %get3A_769 = vector.load %arg12[%get3A_767, %get3A_768] : memref<512x256xf32, #tpu.memory_space<vmem>>, vector<512x256xf32>
    %convert_element_type3A_770 = arith.truncf %max3A_766 : vector<256x512xf32> to vector<256x512xbf16>
    %convert_element_type3A_771 = arith.truncf %get3A_769 : vector<512x256xf32> to vector<512x256xbf16>
    %dot_general3A_772 = arith.constant dense<0.000000e+00> : vector<256x256xf32>
    %dot_general3A_773 = tpu.matmul %convert_element_type3A_770, %convert_element_type3A_771, %dot_general3A_772 {dimension_numbers = #tpu.dot_dimension_numbers<[1], [0], [0], [1], [0, 0, 1, 1], [], []>, transpose_lhs_hint = false} : vector<256x512xbf16>, vector<512x256xbf16>, vector<256x256xf32> -> vector<256x256xf32>
    %get3A_774 = arith.constant 0 : index
    %get3A_775 = arith.constant 0 : index
    %get3A_776 = vector.load %arg13[%get3A_774, %get3A_775] : memref<1x256xf32, #tpu.memory_space<vmem>>, vector<1x256xf32>
    %add3A_777 = vector.broadcast %get3A_776 : vector<1x256xf32> to vector<256x256xf32>
    %add3A_778 = arith.addf %dot_general3A_773, %add3A_777 : vector<256x256xf32>
    %get3A_779 = arith.constant 0 : index
    %get3A_780 = arith.constant 0 : index
    %get3A_781 = vector.load %arg14[%get3A_779, %get3A_780] : memref<1x256xf32, #tpu.memory_space<vmem>>, vector<1x256xf32>
    %div3A_782 = arith.constant 1.00000501 : f32
    %div3A_783 = vector.broadcast %div3A_782 : f32 to vector<256x256xf32>
    %div3A_784 = arith.divf %add3A_778, %div3A_783 : vector<256x256xf32>
    %mul3A_785 = vector.broadcast %get3A_781 : vector<1x256xf32> to vector<256x256xf32>
    %mul3A_786 = arith.mulf %mul3A_785, %div3A_784 : vector<256x256xf32>
    %get3A_787 = arith.constant 0 : index
    %get3A_788 = arith.constant 0 : index
    %get3A_789 = vector.load %arg15[%get3A_787, %get3A_788] : memref<1x256xf32, #tpu.memory_space<vmem>>, vector<1x256xf32>
    %add3A_790 = vector.broadcast %get3A_789 : vector<1x256xf32> to vector<256x256xf32>
    %add3A_791 = arith.addf %mul3A_786, %add3A_790 : vector<256x256xf32>
    %max3A_792 = arith.constant 0.000000e+00 : f32
    %max3A_793 = vector.broadcast %max3A_792 : f32 to vector<256x256xf32>
    %max3A_794 = arith.maximumf %add3A_791, %max3A_793 : vector<256x256xf32>
    %get3A_795 = arith.constant 0 : index
    %get3A_796 = arith.constant 0 : index
    %get3A_797 = vector.load %arg16[%get3A_795, %get3A_796] : memref<256x128xf32, #tpu.memory_space<vmem>>, vector<256x128xf32>
    %convert_element_type3A_798 = arith.truncf %max3A_794 : vector<256x256xf32> to vector<256x256xbf16>
    %convert_element_type3A_799 = arith.truncf %get3A_797 : vector<256x128xf32> to vector<256x128xbf16>
    %dot_general3A_800 = arith.constant dense<0.000000e+00> : vector<256x128xf32>
    %dot_general3A_801 = tpu.matmul %convert_element_type3A_798, %convert_element_type3A_799, %dot_general3A_800 {dimension_numbers = #tpu.dot_dimension_numbers<[1], [0], [0], [1], [0, 0, 1, 1], [], []>, transpose_lhs_hint = false} : vector<256x256xbf16>, vector<256x128xbf16>, vector<256x128xf32> -> vector<256x128xf32>
    %get3A_802 = arith.constant 0 : index
    %get3A_803 = arith.constant 0 : index
    %get3A_804 = vector.load %arg17[%get3A_802, %get3A_803] : memref<1x128xf32, #tpu.memory_space<vmem>>, vector<1x128xf32>
    %add3A_805 = vector.broadcast %get3A_804 : vector<1x128xf32> to vector<256x128xf32>
    %add3A_806 = arith.addf %dot_general3A_801, %add3A_805 : vector<256x128xf32>
    %swap3A_807 = arith.constant 0 : index
    %swap3A_808 = arith.constant 1536 : index
    %swap3A_809 = arith.constant 0 : index
    %swap3A_810 = vector.load %arg18[%swap3A_807, %swap3A_808, %swap3A_809] : memref<1x2048x128xf32, #tpu.memory_space<vmem>>, vector<1x256x128xf32>
    %swap3A_811 = vector.shape_cast %swap3A_810 : vector<1x256x128xf32> to vector<256x128xf32>
    %swap3A_812 = vector.shape_cast %add3A_806 : vector<256x128xf32> to vector<1x256x128xf32>
    tpu.vector_store %arg18[%swap3A_807, %swap3A_808, %swap3A_809], %swap3A_812 {strides = array<i32>} : memref<1x2048x128xf32, #tpu.memory_space<vmem>>, vector<1x256x128xf32>,
    %slice3A_813 = vector.extract_strided_slice %concatenate3A {offsets = [1792, 0], sizes = [256, 384], strides = [1, 1]} : vector<2048x384xf32> to vector<256x384xf32>
    %get3A_814 = arith.constant 0 : index
    %get3A_815 = arith.constant 0 : index
    %get3A_816 = vector.load %arg8[%get3A_814, %get3A_815] : memref<384x512xf32, #tpu.memory_space<vmem>>, vector<384x512xf32>
    %convert_element_type3A_817 = arith.truncf %slice3A_813 : vector<256x384xf32> to vector<256x384xbf16>
    %convert_element_type3A_818 = arith.truncf %get3A_816 : vector<384x512xf32> to vector<384x512xbf16>
    %dot_general3A_819 = arith.constant dense<0.000000e+00> : vector<256x512xf32>
    %dot_general3A_820 = tpu.matmul %convert_element_type3A_817, %convert_element_type3A_818, %dot_general3A_819 {dimension_numbers = #tpu.dot_dimension_numbers<[1], [0], [0], [1], [0, 0, 1, 1], [], []>, transpose_lhs_hint = false} : vector<256x384xbf16>, vector<384x512xbf16>, vector<256x512xf32> -> vector<256x512xf32>
    %add3A_821 = vector.broadcast %dot_general3A_274 : vector<1x512xf32> to vector<256x512xf32>
    %add3A_822 = arith.addf %dot_general3A_820, %add3A_821 : vector<256x512xf32>
    %get3A_823 = arith.constant 0 : index
    %get3A_824 = arith.constant 0 : index
    %get3A_825 = vector.load %arg9[%get3A_823, %get3A_824] : memref<1x512xf32, #tpu.memory_space<vmem>>, vector<1x512xf32>
    %add3A_826 = vector.broadcast %get3A_825 : vector<1x512xf32> to vector<256x512xf32>
    %add3A_827 = arith.addf %add3A_822, %add3A_826 : vector<256x512xf32>
    %get3A_828 = arith.constant 0 : index
    %get3A_829 = arith.constant 0 : index
    %get3A_830 = vector.load %arg10[%get3A_828, %get3A_829] : memref<1x512xf32, #tpu.memory_space<vmem>>, vector<1x512xf32>
    %div3A_831 = arith.constant 1.00000501 : f32
    %div3A_832 = vector.broadcast %div3A_831 : f32 to vector<256x512xf32>
    %div3A_833 = arith.divf %add3A_827, %div3A_832 : vector<256x512xf32>
    %mul3A_834 = vector.broadcast %get3A_830 : vector<1x512xf32> to vector<256x512xf32>
    %mul3A_835 = arith.mulf %mul3A_834, %div3A_833 : vector<256x512xf32>
    %get3A_836 = arith.constant 0 : index
    %get3A_837 = arith.constant 0 : index
    %get3A_838 = vector.load %arg11[%get3A_836, %get3A_837] : memref<1x512xf32, #tpu.memory_space<vmem>>, vector<1x512xf32>
    %add3A_839 = vector.broadcast %get3A_838 : vector<1x512xf32> to vector<256x512xf32>
    %add3A_840 = arith.addf %mul3A_835, %add3A_839 : vector<256x512xf32>
    %max3A_841 = arith.constant 0.000000e+00 : f32
    %max3A_842 = vector.broadcast %max3A_841 : f32 to vector<256x512xf32>
    %max3A_843 = arith.maximumf %add3A_840, %max3A_842 : vector<256x512xf32>
    %get3A_844 = arith.constant 0 : index
    %get3A_845 = arith.constant 0 : index
    %get3A_846 = vector.load %arg12[%get3A_844, %get3A_845] : memref<512x256xf32, #tpu.memory_space<vmem>>, vector<512x256xf32>
    %convert_element_type3A_847 = arith.truncf %max3A_843 : vector<256x512xf32> to vector<256x512xbf16>
    %convert_element_type3A_848 = arith.truncf %get3A_846 : vector<512x256xf32> to vector<512x256xbf16>
    %dot_general3A_849 = arith.constant dense<0.000000e+00> : vector<256x256xf32>
    %dot_general3A_850 = tpu.matmul %convert_element_type3A_847, %convert_element_type3A_848, %dot_general3A_849 {dimension_numbers = #tpu.dot_dimension_numbers<[1], [0], [0], [1], [0, 0, 1, 1], [], []>, transpose_lhs_hint = false} : vector<256x512xbf16>, vector<512x256xbf16>, vector<256x256xf32> -> vector<256x256xf32>
    %get3A_851 = arith.constant 0 : index
    %get3A_852 = arith.constant 0 : index
    %get3A_853 = vector.load %arg13[%get3A_851, %get3A_852] : memref<1x256xf32, #tpu.memory_space<vmem>>, vector<1x256xf32>
    %add3A_854 = vector.broadcast %get3A_853 : vector<1x256xf32> to vector<256x256xf32>
    %add3A_855 = arith.addf %dot_general3A_850, %add3A_854 : vector<256x256xf32>
    %get3A_856 = arith.constant 0 : index
    %get3A_857 = arith.constant 0 : index
    %get3A_858 = vector.load %arg14[%get3A_856, %get3A_857] : memref<1x256xf32, #tpu.memory_space<vmem>>, vector<1x256xf32>
    %div3A_859 = arith.constant 1.00000501 : f32
    %div3A_860 = vector.broadcast %div3A_859 : f32 to vector<256x256xf32>
    %div3A_861 = arith.divf %add3A_855, %div3A_860 : vector<256x256xf32>
    %mul3A_862 = vector.broadcast %get3A_858 : vector<1x256xf32> to vector<256x256xf32>
    %mul3A_863 = arith.mulf %mul3A_862, %div3A_861 : vector<256x256xf32>
    %get3A_864 = arith.constant 0 : index
    %get3A_865 = arith.constant 0 : index
    %get3A_866 = vector.load %arg15[%get3A_864, %get3A_865] : memref<1x256xf32, #tpu.memory_space<vmem>>, vector<1x256xf32>
    %add3A_867 = vector.broadcast %get3A_866 : vector<1x256xf32> to vector<256x256xf32>
    %add3A_868 = arith.addf %mul3A_863, %add3A_867 : vector<256x256xf32>
    %max3A_869 = arith.constant 0.000000e+00 : f32
    %max3A_870 = vector.broadcast %max3A_869 : f32 to vector<256x256xf32>
    %max3A_871 = arith.maximumf %add3A_868, %max3A_870 : vector<256x256xf32>
    %get3A_872 = arith.constant 0 : index
    %get3A_873 = arith.constant 0 : index
    %get3A_874 = vector.load %arg16[%get3A_872, %get3A_873] : memref<256x128xf32, #tpu.memory_space<vmem>>, vector<256x128xf32>
    %convert_element_type3A_875 = arith.truncf %max3A_871 : vector<256x256xf32> to vector<256x256xbf16>
    %convert_element_type3A_876 = arith.truncf %get3A_874 : vector<256x128xf32> to vector<256x128xbf16>
    %dot_general3A_877 = arith.constant dense<0.000000e+00> : vector<256x128xf32>
    %dot_general3A_878 = tpu.matmul %convert_element_type3A_875, %convert_element_type3A_876, %dot_general3A_877 {dimension_numbers = #tpu.dot_dimension_numbers<[1], [0], [0], [1], [0, 0, 1, 1], [], []>, transpose_lhs_hint = false} : vector<256x256xbf16>, vector<256x128xbf16>, vector<256x128xf32> -> vector<256x128xf32>
    %get3A_879 = arith.constant 0 : index
    %get3A_880 = arith.constant 0 : index
    %get3A_881 = vector.load %arg17[%get3A_879, %get3A_880] : memref<1x128xf32, #tpu.memory_space<vmem>>, vector<1x128xf32>
    %add3A_882 = vector.broadcast %get3A_881 : vector<1x128xf32> to vector<256x128xf32>
    %add3A_883 = arith.addf %dot_general3A_878, %add3A_882 : vector<256x128xf32>
    %swap3A_884 = arith.constant 0 : index
    %swap3A_885 = arith.constant 1792 : index
    %swap3A_886 = arith.constant 0 : index
    %swap3A_887 = vector.load %arg18[%swap3A_884, %swap3A_885, %swap3A_886] : memref<1x2048x128xf32, #tpu.memory_space<vmem>>, vector<1x256x128xf32>
    %swap3A_888 = vector.shape_cast %swap3A_887 : vector<1x256x128xf32> to vector<256x128xf32>
    %swap3A_889 = vector.shape_cast %add3A_883 : vector<256x128xf32> to vector<1x256x128xf32>
    tpu.vector_store %arg18[%swap3A_884, %swap3A_885, %swap3A_886], %swap3A_889 {strides = array<i32>} : memref<1x2048x128xf32, #tpu.memory_space<vmem>>, vector<1x256x128xf32>,
    return
  }
  func.func @transform_0(%arg0: i32) -> (i32, i32, i32) {
    %c0_i32 = arith.constant 0 : i32
    %c0_i32_0 = arith.constant 0 : i32
    %c0_i32_1 = arith.constant 0 : i32
    return %arg0, %c0_i32, %c0_i32_0 : i32, i32, i32
  }
  func.func @transform_1(%arg0: i32) -> (i32, i32, i32) {
    %c0_i32 = arith.constant 0 : i32
    %c0_i32_0 = arith.constant 0 : i32
    %c0_i32_1 = arith.constant 0 : i32
    return %arg0, %c0_i32, %c0_i32_0 : i32, i32, i32
  }
  func.func @transform_2(%arg0: i32) -> (i32, i32) {
    %c0_i32 = arith.constant 0 : i32
    %c0_i32_0 = arith.constant 0 : i32
    %c0_i32_1 = arith.constant 0 : i32
    return %c0_i32, %c0_i32_0 : i32, i32
  }
  func.func @transform_3(%arg0: i32) -> (i32, i32) {
    %c0_i32 = arith.constant 0 : i32
    %c0_i32_0 = arith.constant 0 : i32
    %c0_i32_1 = arith.constant 0 : i32
    return %c0_i32, %c0_i32_0 : i32, i32
  }
  func.func @transform_4(%arg0: i32) -> (i32, i32) {
    %c0_i32 = arith.constant 0 : i32
    %c0_i32_0 = arith.constant 0 : i32
    %c0_i32_1 = arith.constant 0 : i32
    return %c0_i32, %c0_i32_0 : i32, i32
  }
  func.func @transform_5(%arg0: i32) -> (i32, i32) {
    %c0_i32 = arith.constant 0 : i32
    %c0_i32_0 = arith.constant 0 : i32
    %c0_i32_1 = arith.constant 0 : i32
    return %c0_i32, %c0_i32_0 : i32, i32
  }
  func.func @transform_6(%arg0: i32) -> (i32, i32) {
    %c0_i32 = arith.constant 0 : i32
    %c0_i32_0 = arith.constant 0 : i32
    %c0_i32_1 = arith.constant 0 : i32
    return %c0_i32, %c0_i32_0 : i32, i32
  }
  func.func @transform_7(%arg0: i32) -> (i32, i32) {
    %c0_i32 = arith.constant 0 : i32
    %c0_i32_0 = arith.constant 0 : i32
    %c0_i32_1 = arith.constant 0 : i32
    return %c0_i32, %c0_i32_0 : i32, i32
  }
  func.func @transform_8(%arg0: i32) -> (i32, i32) {
    %c0_i32 = arith.constant 0 : i32
    %c0_i32_0 = arith.constant 0 : i32
    %c0_i32_1 = arith.constant 0 : i32
    return %c0_i32, %c0_i32_0 : i32, i32
  }
  func.func @transform_9(%arg0: i32) -> (i32, i32) {
    %c0_i32 = arith.constant 0 : i32
    %c0_i32_0 = arith.constant 0 : i32
    %c0_i32_1 = arith.constant 0 : i32
    return %c0_i32, %c0_i32_0 : i32, i32
  }
  func.func @transform_10(%arg0: i32) -> (i32, i32) {
    %c0_i32 = arith.constant 0 : i32
    %c0_i32_0 = arith.constant 0 : i32
    %c0_i32_1 = arith.constant 0 : i32
    return %c0_i32, %c0_i32_0 : i32, i32
  }
  func.func @transform_11(%arg0: i32) -> (i32, i32) {
    %c0_i32 = arith.constant 0 : i32
    %c0_i32_0 = arith.constant 0 : i32
    %c0_i32_1 = arith.constant 0 : i32
    return %c0_i32, %c0_i32_0 : i32, i32
  }
  func.func @transform_12(%arg0: i32) -> (i32, i32) {
    %c0_i32 = arith.constant 0 : i32
    %c0_i32_0 = arith.constant 0 : i32
    %c0_i32_1 = arith.constant 0 : i32
    return %c0_i32, %c0_i32_0 : i32, i32
  }
  func.func @transform_13(%arg0: i32) -> (i32, i32) {
    %c0_i32 = arith.constant 0 : i32
    %c0_i32_0 = arith.constant 0 : i32
    %c0_i32_1 = arith.constant 0 : i32
    return %c0_i32, %c0_i32_0 : i32, i32
  }
  func.func @transform_14(%arg0: i32) -> (i32, i32) {
    %c0_i32 = arith.constant 0 : i32
    %c0_i32_0 = arith.constant 0 : i32
    %c0_i32_1 = arith.constant 0 : i32
    return %c0_i32, %c0_i32_0 : i32, i32
  }
  func.func @transform_15(%arg0: i32) -> (i32, i32) {
    %c0_i32 = arith.constant 0 : i32
    %c0_i32_0 = arith.constant 0 : i32
    %c0_i32_1 = arith.constant 0 : i32
    return %c0_i32, %c0_i32_0 : i32, i32
  }
  func.func @transform_16(%arg0: i32) -> (i32, i32) {
    %c0_i32 = arith.constant 0 : i32
    %c0_i32_0 = arith.constant 0 : i32
    %c0_i32_1 = arith.constant 0 : i32
    return %c0_i32, %c0_i32_0 : i32, i32
  }
  func.func @transform_17(%arg0: i32) -> (i32, i32, i32) {
    %c0_i32 = arith.constant 0 : i32
    %c0_i32_0 = arith.constant 0 : i32
    %c0_i32_1 = arith.constant 0 : i32
    return %arg0, %c0_i32, %c0_i32_0 : i32, i32, i32
  }
}

</mosaic_0001>

<sc_bundles>
// kernel: kernel.12.cloned.1.call-start
scs
__scs_entry_jumppad:
0x0: {  	(pc) =	sbr.rel $0x88, $3  }
0x1: {  	(tag) =	ssettag $0x0;
	lr =	simm.s32 $0x1  }
0x2: {  	[smem:$0x3F86] =	sst lr;
	_ =	strace $0xD0000000  }
0x3: {  	_ = 	snop  }
0x4: {  	_ = 	snop  }
0x5: {  	_ = 	snop  }
0x6: {  	_ = 	snop  }
0x7: {  	_ = 	snop  }
__scs_overlays_trampoline_lowered:
0x8: {  	[smem:$0x3F95] =	sst s0  }
0x9: {  	[smem:$0x3F96] =	sst s1  }
0xa: {  	[smem:$0x3F97] =	sst s2  }
0xb: {  	[smem:$0x3F98] =	sst s3  }
0xc: {  	[smem:$0x3F99] =	sst s4  }
0xd: {  	[smem:$0x3F9A] =	sst s5  }
0xe: {  	[smem:$0x3F9B] =	sst s6  }
0xf: {  	[smem:$0x3F9C] =	sst s7  }
0x10: {  	[smem:$0x3F9D] =	sst s8  }
0x11: {  	[smem:$0x3F9E] =	sst s9;
	s0 =	simm.s32 @!p0 $0x0  }
0x12: {  	s1 =	sld [smem:$0x3F84];
	s0 =	simm.s32 @p0 $0x1  }
0x13: {  	[smem:$0x3F9F] =	sst s0;
	s0 =	simm.s32 @!p1 $0x0  }
0x14: {  	s2 =	sld [smem:$0x3F83];
	s0 =	simm.s32 @p1 $0x1  }
0x15: {  	[smem:$0x3FA0] =	sst s0;
	s0 =	simm.s32 @!p2 $0x0  }
0x16: {  	s3 =	sld [smem:$0x3FDB];
	s0 =	simm.s32 @p2 $0x1  }
0x17: {  	s4 =	simm.s32 $0x1BF5;
	[smem:$0x3FA2] =	sst s0  }
0x18: {  	s0 =	sld [smem:$0x3F85];
	_ =	swait.ge [sflag:s4], $0x0  }
0x19: {  	s7 =	sld [smem:$0x3F86]  }
0x1a: {  	s8 =	sadd.s32 $0xFFFFE003, lr  }
0x1b: {  	s9 =	sadd.s32 $0xFFFFFEF7, lr;
	s5 =	simm.s32 $0xFFFFFFFF;
	p2 =	slt.u32 s8, $0xFFFFF086  }
0x1c: {  	p1 =	slt.u32 s9, $0xF7A;
	s5 =	simm.s32 @!p2 $0x0  }
0x1d: {  	s5 =	simm.s32 @p1 $0x1;
	p0 =	seq.s32 s7, s2  }
0x1e: {  	s7 =	smul.u32 @!p0 $0xF7A, s2;
	p2 =	seq.s32 @!p0 s5, $0x0  }
0x1f: {  	s9 =	smul.u32 $0xF7A, s1;
	s8 =	simm.s32 @!p0 $0x1BF5;
	p2 =	por !p2, p0  }
0x20: {  	[sflag:s8] =	ssyncset.s32 @!p0 $0xFFFFF086;
	s6 =	sadd.s32 @!p0 s3, s7;
	s7 =	simm.s32 @!p0 $0x108  }
0x21: {  	s3 =	sadd.s32 s3, s9;
	s6 =	sadd.s32 @!p0 $0x88, s6;
	s7 =	simm.s32 @p2 $0x1082  }
0x22: {  	[simem:s7], [sflag:s8] =	dma.local @!p0 [hbm:s6], $0xF7A  }
0x23: {  	s9 =	sor.u32 $0xD0000000, s2;
	s6 =	simm.s32 $0x108;
	_ =	swait.ge @!p0 [sflag:s8], $0x0  }
0x24: {  	s3 =	sadd.s32 $0x88, s3;
	s6 =	simm.s32 @!p1 $0x1082;
	[sflag:s4] =	ssyncset.s32 $0xFFFFF086  }
0x25: {  	[simem:s6], [sflag:s4] =	dma.local [hbm:s3], $0xF7A  }
0x26: {  	[smem:$0x3F86] =	sst s1;
	(tag) =	ssettag s2;
	_ =	strace s9  }
0x27: {  	s1 =	sld [smem:$0x3F96]  }
0x28: {  	s2 =	sld [smem:$0x3F97]  }
0x29: {  	s4 =	sld [smem:$0x3F99]  }
0x2a: {  	p0 =	seq.s32 s5, $0x0;
	s5 =	sld [smem:$0x3F9A]  }
0x2b: {  	s6 =	sld [smem:$0x3F9B]  }
0x2c: {  	s7 =	sld [smem:$0x3F9C]  }
0x2d: {  	s3 =	simm.s32 $0x108;
	s8 =	sld [smem:$0x3F9D]  }
0x2e: {  	s3 =	simm.s32 @!p0 $0x1082;
	s9 =	sld [smem:$0x3F9E]  }
0x2f: {  	lr =	sadd.s32 s0, s3;
	s0 =	sld [smem:$0x3F95]  }
0x30: {  	s3 =	sld [smem:$0x3F98]  }
0x31: {  	[smem:$0x3FA1] =	sst s10  }
0x32: {  	s10 =	sld [smem:$0x3F9F];
	_ =	sdelay $0x3  }
0x33: {  	p0 =	seq.s32 s10, $0x1;
	s10 =	sld [smem:$0x3FA1];
	_ =	sdelay $0x3  }
0x34: {  	[smem:$0x3FA1] =	sst s10  }
0x35: {  	s10 =	sld [smem:$0x3FA0];
	_ =	sdelay $0x3  }
0x36: {  	p1 =	seq.s32 s10, $0x1;
	s10 =	sld [smem:$0x3FA1];
	_ =	sdelay $0x3  }
0x37: {  	[smem:$0x3FA1] =	sst s10  }
0x38: {  	s10 =	sld [smem:$0x3FA2]  }
0x39: {  	_ = 	snop;
	(pc) =	sbr.ind lr, $3  }
0x3a: {  	_ = 	snop  }
0x3b: {  	_ = 	snop  }
0x3c: {  	p2 =	seq.s32 s10, $0x1;
	s10 =	sld [smem:$0x3FA1]  }
0x3d: {  	_ =	shalt  }
0x3e: {  	_ =	shalt  }
0x3f: {  	_ =	shalt  }
0x40: {  	_ =	shalt  }
0x41: {  	_ =	shalt  }
0x42: {  	_ =	shalt  }
0x43: {  	_ =	shalt  }
0x44: {  	_ =	shalt  }
0x45: {  	_ =	shalt  }
0x46: {  	_ =	shalt  }
0x47: {  	_ =	shalt  }
0x48: {  	_ =	shalt  }
0x49: {  	_ =	shalt  }
0x4a: {  	_ =	shalt  }
0x4b: {  	_ =	shalt  }
0x4c: {  	_ =	shalt  }
0x4d: {  	_ =	shalt  }
0x4e: {  	_ =	shalt  }
0x4f: {  	_ =	shalt  }
0x50: {  	_ =	shalt  }
0x51: {  	_ =	shalt  }
0x52: {  	_ =	shalt  }
0x53: {  	_ =	shalt  }
0x54: {  	_ =	shalt  }
0x55: {  	_ =	shalt  }
0x56: {  	_ =	shalt  }
0x57: {  	_ =	shalt  }
0x58: {  	_ =	shalt  }
0x59: {  	_ =	shalt  }
0x5a: {  	_ =	shalt  }
0x5b: {  	_ =	shalt  }
0x5c: {  	_ =	shalt  }
0x5d: {  	_ =	shalt  }
0x5e: {  	_ =	shalt  }
0x5f: {  	_ =	shalt  }
0x60: {  	_ =	shalt  }
0x61: {  	_ =	shalt  }
0x62: {  	_ =	shalt  }
0x63: {  	_ =	shalt  }
0x64: {  	_ =	shalt  }
0x65: {  	_ =	shalt  }
0x66: {  	_ =	shalt  }
0x67: {  	_ =	shalt  }
0x68: {  	_ =	shalt  }
0x69: {  	_ =	shalt  }
0x6a: {  	_ =	shalt  }
0x6b: {  	_ =	shalt  }
0x6c: {  	_ =	shalt  }
0x6d: {  	_ =	shalt  }
0x6e: {  	_ =	shalt  }
0x6f: {  	_ =	shalt  }
0x70: {  	_ =	shalt  }
0x71: {  	_ =	shalt  }
0x72: {  	_ =	shalt  }
0x73: {  	_ =	shalt  }
0x74: {  	_ =	shalt  }
0x75: {  	_ =	shalt  }
0x76: {  	_ =	shalt  }
0x77: {  	_ =	shalt  }
0x78: {  	_ =	shalt  }
0x79: {  	_ =	shalt  }
0x7a: {  	_ =	shalt  }
0x7b: {  	_ =	shalt  }
0x7c: {  	_ =	shalt  }
0x7d: {  	_ =	shalt  }
0x7e: {  	_ =	shalt  }
0x7f: {  	_ =	shalt  }
0x80: {  	_ =	shalt  }
0x81: {  	_ =	shalt  }
0x82: {  	_ =	shalt  }
0x83: {  	_ =	shalt  }
0x84: {  	_ =	shalt  }
0x85: {  	_ =	shalt  }
0x86: {  	_ =	shalt  }
0x87: {  	_ =	shalt  }
.Lfunc_end0:
.L_simem_size_0:
called_computation_lowered:
.L_overlay_start_0:
0x88: {  	s2 =	sld [smem:$0x3FD9]  }
0x89: {  	s3 =	sld [smem:$0x3FFE];
	_ =	sdelay $0x1  }
0x8a: {  	s1 =	srdreg.scid  }
0x8b: {  	s0 =	sand.u32 $0x1, s1  }
0x8c: {  	s16 =	sshll.u32 s0, $0xA;
	s2 =	sadd.s32 s3, s2  }
0x8d: {  	s2 =	sadd.s32 s2, s16  }
0x8e: {  	[smem:$0x3FAD] =	sst s2  }
0x8f: {  	_ = 	snop  }
0x90: {  	(tm) =	ssettm $0x1  }
0x91: {  	s17 =	sld [smem:$0x3FFB];
	_ =	sdelay $0x3  }
0x92: {  	_ =	strace s17  }
0x93: {  	s2 =	sld [smem:$0x3FFC];
	_ =	sdelay $0x3  }
0x94: {  	_ =	strace s2  }
0x95: {  	s2 =	sld [smem:$0x3FFD];
	_ =	sdelay $0x3  }
0x96: {  	_ =	strace s2  }
0x97: {  	_ =	strace $0x8FFFFFFF  }
0x98: {  	s18 =	sld [smem:$0x3FDB];
	_ =	sdelay $0x1  }
0x99: {  	s19 =	simm.s32 $_scs_section_size  }
0x9a: {  	s4 =	simm.s32 $_size__tile_overlayer_lowered;
	s5 =	simm.s32 $_tile_overlayer_lowered  }
0x9b: {  	s22 =	simm.s32 $0x1BFF;
	s21 =	sshll.u32 s5, $0x1;
	s2 =	sadd.s32 s19, s18  }
0x9c: {  	s6 =	simm.s32 $0x0;
	s20 =	sshll.u32 s4, $0x1;
	s4 =	sadd.s32 s21, s2  }
0x9d: {  	[timem:s6], [sflag:s22] =	dma.local [hbm:s4], s20  }
0x9e: {  	_ =	swait.ge [sflag:s22], s20  }
0x9f: {  	s3 =	ssub.s32 $0x0, s20;
	[sflag:s22] =	ssyncset.done $0x0  }
0xa0: {  	[sflag:s22] =	ssyncadd.s32 s3;
	_ =	sdelay $0x1  }
0xa1: {  	s23 =	simm.s32 $0x1B8B  }
0xa2: {  	_ =	swait.ge [sflag:s23], $0x1  }
0xa3: {  	[sflag:s23] =	ssyncset.done $0x0  }
0xa4: {  	s25 =	simm.s32 $0x1B8E;
	s24 =	sld [smem:$0x3FFE];
	[sflag:s23] =	ssyncadd.s32 $0xFFFFFFFF  }
0xa5: {  	s26 =	simm.s32 $execute0_lowered;
	[smem:$0x3FD2] =	sst s25  }
0xa6: {  	s4 =	sshll.u32 s26, $0x1;
	_ =	strace $0x80000046;
	[dreg:$0x1] =	wrdreg $0xFFFFFFFF  }
0xa7: {  	s28 =	simm.s32 $_size_execute0_lowered;
	s2 =	sadd.s32 s2, s4;
	[dreg:$0x0] =	wrdreg $0x0  }
0xa8: {  	s4 =	sshll.u32 s28, $0x1;
	[dreg:$0x2] =	wrdreg s2  }
0xa9: {  	[dreg:$0x3] =	wrdreg s4  }
0xaa: {  	[dreg:$0x4] =	wrdreg $0xC0  }
0xab: {  	_ =	task [dreg:s6], $0x5FFFF  }
0xac: {  	[dreg:$0x1] =	wrdreg $0xFFFFFFFF  }
0xad: {  	[dreg:$0x0] =	wrdreg $0x60  }
0xae: {  	[dreg:$0x2] =	wrdreg s24  }
0xaf: {  	[dreg:$0x3] =	wrdreg $0x9  }
0xb0: {  	_ =	task.clear_ibuf [dreg:s6], $0x4FFFF;
	_ =	strace $0x90000046  }
0xb1: {  	s29 =	simm.s32 $0x9;
	_ =	strace $0x80000048  }
0xb2: {  	_ =	swait.ge [sflag:s29], $0x1  }
0xb3: {  	[sflag:s29] =	ssyncadd.s32 $0xFFFFFFFF  }
0xb4: {  	_ =	strace $0x90000048  }
0xb5: {  	_ =	sfence  }
0xb6: {  	s30 =	sld [smem:$0x0];
	_ =	sdelay $0x2  }
0xb7: {  	s31 =	sshll.u32 s1, $0xD;
	s1 =	sshrl.u32 s1, $0x2  }
0xb8: {  	s3 =	sand.u32 $0x4000, s31;
	s1 =	sadd.s32 s1, s30  }
0xb9: {  	s0 =	sor.u32 s3, s0;
	s1 =	sshll.u32 s1, $0x11  }
0xba: {  	s0 =	sor.u32 s1, s0  }
0xbb: {  	s0 =	sadd.s32 $0x8F2B, s0  }
0xbc: {  	[sflag:s0] =	ssyncadd.remote.s32 $0x1  }
0xbd: {  	_ =	sfence.sel $0xFFFF  }
0xbe: {  	[dreg:$0x0] =	wrdreg $0xFFFFFFFF;
	(pc) =	sbr.abs _section_cstart, $3  }
0xbf: {  	[dreg:$0x1] =	wrdreg $0xFFFFFFFF  }
0xc0: {  	_ =	task.clear_ibuf [dreg:s6], $0x2FFFF;
	_ =	strace $0x9FFFFFFF  }
0xc1: {  	(tm) =	ssettm $0x7FFFFFFF  }
tec
execute0_lowered:
.L_overlay_start_1:
0x0: {  	(tag) =	ssettag $0x1  }
0x1: {  	s4 =	rddreg [dreg:$0x0]  }
0x2: {  	s0 =	rddreg [dreg:$0x1];
	s1 =	simm.s32 $0x0  }
0x3: {  	s5 =	srdreg.scid;
	s2 =	stileid.u32;
	s14 =	simm.s32 $0x4080  }
0x4: {  	s15 =	simm.s32 $0x4100;
	s16 =	simm.s32 $0x1;
	s17 =	simm.s32 $0x2  }
0x5: {  	s18 =	simm.s32 $0x0;
	[smem:$0x7FF] =	sst s1;
	s3 =	sadd.s32 $0x4A00, s4  }
0x6: {  	s7 =	sand.u32 $0x1, s5;
	s8 =	sshll.u32 s2, $0xC;
	s11 =	sadd.s32 $0x24A00, s4  }
0x7: {  	s12 =	sadd.s32 $0x28A00, s4;
	s28 =	sshll.u32 s2, $0x10;
	_ =	strace $0x80000047  }
0x8: {  	s5 =	ssub.s32 $0x2, s7;
	s6 =	sshll.u32 s7, $0x10;
	s13 =	sshll.u32 s7, $0x14  }
0x9: {  	s9 =	sshrl.u32 s5, $0x1;
	s10 =	sor.u32 s8, s6;
	s26 =	sadd.s32 s13, s12  }
0xa: {  	s13 =	simm.s32 $0x80;
	s5 =	ssub.s32 s5, s9;
	s23 =	sshrl.u32 s10, $0x3  }
0xb: {  	s6 =	sshll.u32 s10, $0x4;
	s8 =	sor.u32 $0xF80, s10;
	s29 =	sor.u32 $0x80, s10  }
0xc: {  	s10 =	sor.u32 $0x100, s10;
	s9 =	sadd.s32 s28, s26;
	s4 =	sadd.s32 s11, s23  }
0xd: {  	s24 =	sadd.s32 s12, s6;
	s5 =	smax.u32 s5, $0x1;
	s25 =	sshrl.u32 s8, $0x3  }
0xe: {  	s8 =	sshll.u32 s8, $0x4;
	s30 =	sshrl.u32 s29, $0x3;
	s31 =	sshrl.u32 s10, $0x3  }
0xf: {  	s6 =	sadd.s32 s11, s25;
	s7 =	sadd.s32 $0xF000, s24;
	s8 =	sadd.s32 s12, s8  }
0x10: {  	s10 =	sadd.s32 s30, s11;
	s11 =	sadd.s32 s31, s11;
	s12 =	simm.s32 $0x3  }
.LBB2_1:
0x11: {  	[tilespmem:s1], [sflag:$0x3] =	stream.linear.gather [hbm4b:s4+s1], $0x80, $0x38;
	[tilespmem:$0x8100] =	vst v63  }
0x12: {  	_ =	swait.ge [sflag:s12], $0x80  }
0x13: {  	[sflag:s12] =	ssyncset.done $0x0  }
0x14: {  	[sflag:s12] =	ssyncadd.s32 $0xFFFFFF80  }
0x15: {  	[tilespmem:s13], [sflag:$0x1] =	stream.indirect.gather [hbm4b:s3+s13], $0x80, s1, s13, $0xb8;
	[tilespmem:$0x8100] =	vst v63  }
0x16: {  	s19 =	sadd.s32 $0x0, s10  }
0x17: {  	[tilespmem:s14], [sflag:$0x3] =	stream.linear.gather [hbm4b:s19+s1], $0x80, $0x38;
	[tilespmem:$0x8100] =	vst v63  }
0x18: {  	_ =	swait.ge [sflag:s12], $0x80  }
0x19: {  	[sflag:s12] =	ssyncset.done $0x0  }
0x1a: {  	[sflag:s12] =	ssyncadd.s32 $0xFFFFFF80  }
0x1b: {  	[tilespmem:s15], [sflag:$0x2] =	stream.indirect.gather [hbm4b:s3+s13], $0x80, s14, s13, $0xb8;
	[tilespmem:$0x8100] =	vst v63  }
0x1c: {  	_ =	swait.ge [sflag:s16], $0x4000  }
0x1d: {  	[sflag:s16] =	ssyncset.done $0x0  }
0x1e: {  	[sflag:s16] =	ssyncadd.s32 $0xFFFFC000  }
0x1f: {  	[hbm4b:s9+s1] =	stream.linear.scatter [tilespmem:s13], [sflag:$0x3], $0x4000, $0x38;
	[tilespmem:$0x8100] =	vst v63  }
0x20: {  	_ =	swait.ge [sflag:s12], $0x4000  }
0x21: {  	[sflag:s12] =	ssyncset.done $0x0  }
0x22: {  	s30 =	sadd.s32 $0x0, s11;
	[sflag:s12] =	ssyncadd.s32 $0xFFFFC000  }
0x23: {  	[tilespmem:s1], [sflag:$0x3] =	stream.linear.gather [hbm4b:s30+s1], $0x80, $0x38;
	[tilespmem:$0x8100] =	vst v63  }
0x24: {  	_ =	swait.ge [sflag:s12], $0x80  }
0x25: {  	[sflag:s12] =	ssyncset.done $0x0  }
0x26: {  	[sflag:s12] =	ssyncadd.s32 $0xFFFFFF80  }
0x27: {  	[tilespmem:s13], [sflag:$0x1] =	stream.indirect.gather [hbm4b:s3+s13], $0x80, s1, s13, $0xb8;
	[tilespmem:$0x8100] =	vst v63  }
0x28: {  	_ =	swait.ge [sflag:s17], $0x4000  }
0x29: {  	[sflag:s17] =	ssyncset.done $0x0  }
0x2a: {  	s31 =	sadd.s32 $0x800, s9;
	[sflag:s17] =	ssyncadd.s32 $0xFFFFC000  }
0x2b: {  	[hbm4b:s31+s1] =	stream.linear.scatter [tilespmem:s15], [sflag:$0x3], $0x4000, $0x38;
	[tilespmem:$0x8100] =	vst v63  }
0x2c: {  	s20 =	simm.s32 $0x20;
	_ =	swait.ge [sflag:s12], $0x4000  }
0x2d: {  	s21 =	simm.s32 $0x40;
	s19 =	sadd.s32 $0x1000, s9;
	[sflag:s12] =	ssyncset.done $0x0  }
.LBB2_2:
0x2e: {  	s22 =	sadd.s32 s20, s10  }
0x2f: {  	[sflag:s12] =	ssyncadd.s32 $0xFFFFC000;
	s23 =	smov.u32 s21;
	s24 =	sadd.s32 $0x20, s21  }
0x30: {  	[tilespmem:s14], [sflag:$0x3] =	stream.linear.gather [hbm4b:s22+s1], $0x80, $0x38;
	[tilespmem:$0x8100] =	vst v63  }
0x31: {  	p0 =	sne.s32 s21, $0x1C0;
	_ =	swait.ge [sflag:s12], $0x80  }
0x32: {  	[sflag:s12] =	ssyncset.done $0x0  }
0x33: {  	[sflag:s12] =	ssyncadd.s32 $0xFFFFFF80  }
0x34: {  	[tilespmem:s15], [sflag:$0x2] =	stream.indirect.gather [hbm4b:s3+s13], $0x80, s14, s13, $0xb8;
	[tilespmem:$0x8100] =	vst v63  }
0x35: {  	_ =	swait.ge [sflag:s16], $0x4000  }
0x36: {  	[sflag:s16] =	ssyncset.done $0x0  }
0x37: {  	[sflag:s16] =	ssyncadd.s32 $0xFFFFC000  }
0x38: {  	[hbm4b:s19+s1] =	stream.linear.scatter [tilespmem:s13], [sflag:$0x3], $0x4000, $0x38;
	[tilespmem:$0x8100] =	vst v63  }
0x39: {  	_ =	swait.ge [sflag:s12], $0x4000  }
0x3a: {  	[sflag:s12] =	ssyncset.done $0x0  }
0x3b: {  	s21 =	sadd.s32 s20, s11;
	s20 =	smov.u32 s23;
	[sflag:s12] =	ssyncadd.s32 $0xFFFFC000  }
0x3c: {  	[tilespmem:s1], [sflag:$0x3] =	stream.linear.gather [hbm4b:s21+s1], $0x80, $0x38;
	[tilespmem:$0x8100] =	vst v63  }
0x3d: {  	_ =	swait.ge [sflag:s12], $0x80  }
0x3e: {  	[sflag:s12] =	ssyncset.done $0x0  }
0x3f: {  	[sflag:s12] =	ssyncadd.s32 $0xFFFFFF80  }
0x40: {  	[tilespmem:s13], [sflag:$0x1] =	stream.indirect.gather [hbm4b:s3+s13], $0x80, s1, s13, $0xb8;
	[tilespmem:$0x8100] =	vst v63  }
0x41: {  	_ =	swait.ge [sflag:s17], $0x4000  }
.Ltmp0:
0x42: {  	[sflag:s17] =	ssyncset.done $0x0;
	(pc) =	sbr.rel @p0 .LBB2_2-.Ltmp0, $4  }
0x43: {  	s21 =	sadd.s32 $0x800, s19;
	[sflag:s17] =	ssyncadd.s32 $0xFFFFC000  }
0x44: {  	[hbm4b:s21+s1] =	stream.linear.scatter [tilespmem:s15], [sflag:$0x3], $0x4000, $0x38;
	[tilespmem:$0x8100] =	vst v63  }
0x45: {  	_ =	swait.ge [sflag:s12], $0x4000  }
0x46: {  	s19 =	sadd.s32 $0x1000, s19;
	s21 =	smov.u32 s24;
	[sflag:s12] =	ssyncset.done $0x0  }
0x47: {  	s21 =	sadd.s32 s20, s10;
	[sflag:s12] =	ssyncadd.s32 $0xFFFFC000  }
0x48: {  	[tilespmem:s14], [sflag:$0x3] =	stream.linear.gather [hbm4b:s21+s1], $0x80, $0x38;
	[tilespmem:$0x8100] =	vst v63  }
0x49: {  	_ =	swait.ge [sflag:s12], $0x80  }
0x4a: {  	[sflag:s12] =	ssyncset.done $0x0  }
0x4b: {  	[sflag:s12] =	ssyncadd.s32 $0xFFFFFF80  }
0x4c: {  	[tilespmem:s15], [sflag:$0x2] =	stream.indirect.gather [hbm4b:s3+s13], $0x80, s14, s13, $0xb8;
	[tilespmem:$0x8100] =	vst v63  }
0x4d: {  	_ =	swait.ge [sflag:s16], $0x4000  }
0x4e: {  	[sflag:s16] =	ssyncset.done $0x0  }
0x4f: {  	[sflag:s16] =	ssyncadd.s32 $0xFFFFC000  }
0x50: {  	[hbm4b:s19+s1] =	stream.linear.scatter [tilespmem:s13], [sflag:$0x3], $0x4000, $0x38;
	[tilespmem:$0x8100] =	vst v63  }
0x51: {  	_ =	swait.ge [sflag:s12], $0x4000  }
0x52: {  	[sflag:s12] =	ssyncset.done $0x0  }
0x53: {  	s30 =	sadd.s32 s20, s11;
	[sflag:s12] =	ssyncadd.s32 $0xFFFFC000  }
0x54: {  	[tilespmem:s1], [sflag:$0x3] =	stream.linear.gather [hbm4b:s30+s1], $0x80, $0x38;
	[tilespmem:$0x8100] =	vst v63  }
0x55: {  	_ =	swait.ge [sflag:s12], $0x80  }
0x56: {  	[sflag:s12] =	ssyncset.done $0x0  }
0x57: {  	[sflag:s12] =	ssyncadd.s32 $0xFFFFFF80  }
0x58: {  	[tilespmem:s13], [sflag:$0x1] =	stream.indirect.gather [hbm4b:s3+s13], $0x80, s1, s13, $0xb8;
	[tilespmem:$0x8100] =	vst v63  }
0x59: {  	_ =	swait.ge [sflag:s17], $0x4000  }
0x5a: {  	[sflag:s17] =	ssyncset.done $0x0  }
0x5b: {  	s31 =	sadd.s32 $0x800, s19;
	[sflag:s17] =	ssyncadd.s32 $0xFFFFC000  }
0x5c: {  	[hbm4b:s31+s1] =	stream.linear.scatter [tilespmem:s15], [sflag:$0x3], $0x4000, $0x38;
	[tilespmem:$0x8100] =	vst v63  }
0x5d: {  	_ =	swait.ge [sflag:s12], $0x4000  }
0x5e: {  	[sflag:s12] =	ssyncset.done $0x0  }
0x5f: {  	[sflag:s12] =	ssyncadd.s32 $0xFFFFC000  }
0x60: {  	[tilespmem:s14], [sflag:$0x3] =	stream.linear.gather [hbm4b:s6+s1], $0x80, $0x38;
	[tilespmem:$0x8100] =	vst v63  }
0x61: {  	_ =	swait.ge [sflag:s12], $0x80  }
0x62: {  	[sflag:s12] =	ssyncset.done $0x0  }
0x63: {  	[sflag:s12] =	ssyncadd.s32 $0xFFFFFF80  }
0x64: {  	[tilespmem:s15], [sflag:$0x2] =	stream.indirect.gather [hbm4b:s3+s13], $0x80, s14, s13, $0xb8;
	[tilespmem:$0x8100] =	vst v63  }
0x65: {  	_ =	swait.ge [sflag:s16], $0x4000  }
0x66: {  	[sflag:s16] =	ssyncset.done $0x0  }
0x67: {  	[sflag:s16] =	ssyncadd.s32 $0xFFFFC000  }
0x68: {  	[hbm4b:s7+s1] =	stream.linear.scatter [tilespmem:s13], [sflag:$0x3], $0x4000, $0x38;
	[tilespmem:$0x8100] =	vst v63  }
0x69: {  	_ =	swait.ge [sflag:s12], $0x4000  }
0x6a: {  	[sflag:s12] =	ssyncset.done $0x0  }
0x6b: {  	[sflag:s12] =	ssyncadd.s32 $0xFFFFC000  }
0x6c: {  	s18 =	sadd.s32 $0x1, s18;
	_ =	swait.ge [sflag:s17], $0x4000  }
0x6d: {  	p0 =	sne.s32 s18, s5;
	[sflag:s17] =	ssyncset.done $0x0  }
.Ltmp1:
0x6e: {  	[sflag:s17] =	ssyncadd.s32 $0xFFFFC000;
	(pc) =	sbr.rel @p0 .LBB2_1-.Ltmp1, $4  }
0x6f: {  	[hbm4b:s8+s1] =	stream.linear.scatter [tilespmem:s15], [sflag:$0x3], $0x4000, $0x38;
	[tilespmem:$0x8100] =	vst v63  }
0x70: {  	_ =	swait.ge [sflag:s12], $0x4000  }
0x71: {  	[sflag:s12] =	ssyncset.done $0x0  }
0x72: {  	[sflag:s12] =	ssyncadd.s32 $0xFFFFC000  }
0x73: {  	_ =	sfence.sel $0x180000  }
0x74: {  	[bflag:$0x0] =	sbarrier.arrive $0xFFFF  }
0x75: {  	p0 =	sne.s32 s2, $0x0;
	_ =	strace $0x90000047  }
0x76: {  	s0 =	sadd.s32 @!p0 $0x100000, s0;
	[bflag:$0x2] =	sbarrier.arrive $0xFFFF  }
0x77: {  	[sflag:s0] =	ssyncadd.tile.s32 @!p0 $0x1;
	_ =	shalt  }
.Lfunc_end2:
_tile_overlayer_lowered:
.L_overlay_start_2:
0x78: {  	(tag) =	ssettag $0x2  }
0x79: {  	s0 =	rddreg [dreg:$0x0];
	s2 =	stileid.u32  }
0x7a: {  	s1 =	rddreg [dreg:$0x1];
	p0 =	sne.s32 s2, $0x0  }
0x7b: {  	s3 =	rddreg [dreg:$0x2];
	[bflag:$0x3] =	sbarrier.arrive $0xFFFF;
	s2 =	simm.s32 @!p0 $0x1C03  }
0x7c: {  	[timem:s3], [sflag:s2] =	dma.local @!p0 [hbm:s0], s1  }
0x7d: {  	s0 =	simm.s32 @!p0 $0x3  }
0x7e: {  	_ =	swait.ge @!p0 [sflag:s0], s1  }
0x7f: {  	s1 =	ssub.s32 @!p0 $0x0, s1;
	[sflag:s0] =	ssyncset.done @!p0 $0x0  }
0x80: {  	[sflag:s0] =	ssyncadd.s32 @!p0 s1  }
0x81: {  	[bflag:$0x3] =	sbarrier.arrive $0xFFFF  }
0x82: {  	_ =	shalt  }

// kernel: kernel.15.cloned.1.call-start
scs
__scs_entry_jumppad:
0x0: {  	(pc) =	sbr.rel $0x88, $3  }
0x1: {  	(tag) =	ssettag $0x0;
	lr =	simm.s32 $0x1  }
0x2: {  	[smem:$0x3F86] =	sst lr;
	_ =	strace $0xD0000000  }
0x3: {  	_ = 	snop  }
0x4: {  	_ = 	snop  }
0x5: {  	_ = 	snop  }
0x6: {  	_ = 	snop  }
0x7: {  	_ = 	snop  }
__scs_overlays_trampoline_lowered:
0x8: {  	[smem:$0x3F95] =	sst s0  }
0x9: {  	[smem:$0x3F96] =	sst s1  }
0xa: {  	[smem:$0x3F97] =	sst s2  }
0xb: {  	[smem:$0x3F98] =	sst s3  }
0xc: {  	[smem:$0x3F99] =	sst s4  }
0xd: {  	[smem:$0x3F9A] =	sst s5  }
0xe: {  	[smem:$0x3F9B] =	sst s6  }
0xf: {  	[smem:$0x3F9C] =	sst s7  }
0x10: {  	[smem:$0x3F9D] =	sst s8  }
0x11: {  	[smem:$0x3F9E] =	sst s9;
	s0 =	simm.s32 @!p0 $0x0  }
0x12: {  	s1 =	sld [smem:$0x3F84];
	s0 =	simm.s32 @p0 $0x1  }
0x13: {  	[smem:$0x3F9F] =	sst s0;
	s0 =	simm.s32 @!p1 $0x0  }
0x14: {  	s2 =	sld [smem:$0x3F83];
	s0 =	simm.s32 @p1 $0x1  }
0x15: {  	[smem:$0x3FA0] =	sst s0;
	s0 =	simm.s32 @!p2 $0x0  }
0x16: {  	s3 =	sld [smem:$0x3FDB];
	s0 =	simm.s32 @p2 $0x1  }
0x17: {  	s4 =	simm.s32 $0x1BF5;
	[smem:$0x3FA2] =	sst s0  }
0x18: {  	s0 =	sld [smem:$0x3F85];
	_ =	swait.ge [sflag:s4], $0x0  }
0x19: {  	s7 =	sld [smem:$0x3F86]  }
0x1a: {  	s8 =	sadd.s32 $0xFFFFE003, lr  }
0x1b: {  	s9 =	sadd.s32 $0xFFFFFEF7, lr;
	s5 =	simm.s32 $0xFFFFFFFF;
	p2 =	slt.u32 s8, $0xFFFFF086  }
0x1c: {  	p1 =	slt.u32 s9, $0xF7A;
	s5 =	simm.s32 @!p2 $0x0  }
0x1d: {  	s5 =	simm.s32 @p1 $0x1;
	p0 =	seq.s32 s7, s2  }
0x1e: {  	s7 =	smul.u32 @!p0 $0xF7A, s2;
	p2 =	seq.s32 @!p0 s5, $0x0  }
0x1f: {  	s9 =	smul.u32 $0xF7A, s1;
	s8 =	simm.s32 @!p0 $0x1BF5;
	p2 =	por !p2, p0  }
0x20: {  	[sflag:s8] =	ssyncset.s32 @!p0 $0xFFFFF086;
	s6 =	sadd.s32 @!p0 s3, s7;
	s7 =	simm.s32 @!p0 $0x108  }
0x21: {  	s3 =	sadd.s32 s3, s9;
	s6 =	sadd.s32 @!p0 $0x88, s6;
	s7 =	simm.s32 @p2 $0x1082  }
0x22: {  	[simem:s7], [sflag:s8] =	dma.local @!p0 [hbm:s6], $0xF7A  }
0x23: {  	s9 =	sor.u32 $0xD0000000, s2;
	s6 =	simm.s32 $0x108;
	_ =	swait.ge @!p0 [sflag:s8], $0x0  }
0x24: {  	s3 =	sadd.s32 $0x88, s3;
	s6 =	simm.s32 @!p1 $0x1082;
	[sflag:s4] =	ssyncset.s32 $0xFFFFF086  }
0x25: {  	[simem:s6], [sflag:s4] =	dma.local [hbm:s3], $0xF7A  }
0x26: {  	[smem:$0x3F86] =	sst s1;
	(tag) =	ssettag s2;
	_ =	strace s9  }
0x27: {  	s1 =	sld [smem:$0x3F96]  }
0x28: {  	s2 =	sld [smem:$0x3F97]  }
0x29: {  	s4 =	sld [smem:$0x3F99]  }
0x2a: {  	p0 =	seq.s32 s5, $0x0;
	s5 =	sld [smem:$0x3F9A]  }
0x2b: {  	s6 =	sld [smem:$0x3F9B]  }
0x2c: {  	s7 =	sld [smem:$0x3F9C]  }
0x2d: {  	s3 =	simm.s32 $0x108;
	s8 =	sld [smem:$0x3F9D]  }
0x2e: {  	s3 =	simm.s32 @!p0 $0x1082;
	s9 =	sld [smem:$0x3F9E]  }
0x2f: {  	lr =	sadd.s32 s0, s3;
	s0 =	sld [smem:$0x3F95]  }
0x30: {  	s3 =	sld [smem:$0x3F98]  }
0x31: {  	[smem:$0x3FA1] =	sst s10  }
0x32: {  	s10 =	sld [smem:$0x3F9F];
	_ =	sdelay $0x3  }
0x33: {  	p0 =	seq.s32 s10, $0x1;
	s10 =	sld [smem:$0x3FA1];
	_ =	sdelay $0x3  }
0x34: {  	[smem:$0x3FA1] =	sst s10  }
0x35: {  	s10 =	sld [smem:$0x3FA0];
	_ =	sdelay $0x3  }
0x36: {  	p1 =	seq.s32 s10, $0x1;
	s10 =	sld [smem:$0x3FA1];
	_ =	sdelay $0x3  }
0x37: {  	[smem:$0x3FA1] =	sst s10  }
0x38: {  	s10 =	sld [smem:$0x3FA2]  }
0x39: {  	_ = 	snop;
	(pc) =	sbr.ind lr, $3  }
0x3a: {  	_ = 	snop  }
0x3b: {  	_ = 	snop  }
0x3c: {  	p2 =	seq.s32 s10, $0x1;
	s10 =	sld [smem:$0x3FA1]  }
0x3d: {  	_ =	shalt  }
0x3e: {  	_ =	shalt  }
0x3f: {  	_ =	shalt  }
0x40: {  	_ =	shalt  }
0x41: {  	_ =	shalt  }
0x42: {  	_ =	shalt  }
0x43: {  	_ =	shalt  }
0x44: {  	_ =	shalt  }
0x45: {  	_ =	shalt  }
0x46: {  	_ =	shalt  }
0x47: {  	_ =	shalt  }
0x48: {  	_ =	shalt  }
0x49: {  	_ =	shalt  }
0x4a: {  	_ =	shalt  }
0x4b: {  	_ =	shalt  }
0x4c: {  	_ =	shalt  }
0x4d: {  	_ =	shalt  }
0x4e: {  	_ =	shalt  }
0x4f: {  	_ =	shalt  }
0x50: {  	_ =	shalt  }
0x51: {  	_ =	shalt  }
0x52: {  	_ =	shalt  }
0x53: {  	_ =	shalt  }
0x54: {  	_ =	shalt  }
0x55: {  	_ =	shalt  }
0x56: {  	_ =	shalt  }
0x57: {  	_ =	shalt  }
0x58: {  	_ =	shalt  }
0x59: {  	_ =	shalt  }
0x5a: {  	_ =	shalt  }
0x5b: {  	_ =	shalt  }
0x5c: {  	_ =	shalt  }
0x5d: {  	_ =	shalt  }
0x5e: {  	_ =	shalt  }
0x5f: {  	_ =	shalt  }
0x60: {  	_ =	shalt  }
0x61: {  	_ =	shalt  }
0x62: {  	_ =	shalt  }
0x63: {  	_ =	shalt  }
0x64: {  	_ =	shalt  }
0x65: {  	_ =	shalt  }
0x66: {  	_ =	shalt  }
0x67: {  	_ =	shalt  }
0x68: {  	_ =	shalt  }
0x69: {  	_ =	shalt  }
0x6a: {  	_ =	shalt  }
0x6b: {  	_ =	shalt  }
0x6c: {  	_ =	shalt  }
0x6d: {  	_ =	shalt  }
0x6e: {  	_ =	shalt  }
0x6f: {  	_ =	shalt  }
0x70: {  	_ =	shalt  }
0x71: {  	_ =	shalt  }
0x72: {  	_ =	shalt  }
0x73: {  	_ =	shalt  }
0x74: {  	_ =	shalt  }
0x75: {  	_ =	shalt  }
0x76: {  	_ =	shalt  }
0x77: {  	_ =	shalt  }
0x78: {  	_ =	shalt  }
0x79: {  	_ =	shalt  }
0x7a: {  	_ =	shalt  }
0x7b: {  	_ =	shalt  }
0x7c: {  	_ =	shalt  }
0x7d: {  	_ =	shalt  }
0x7e: {  	_ =	shalt  }
0x7f: {  	_ =	shalt  }
0x80: {  	_ =	shalt  }
0x81: {  	_ =	shalt  }
0x82: {  	_ =	shalt  }
0x83: {  	_ =	shalt  }
0x84: {  	_ =	shalt  }
0x85: {  	_ =	shalt  }
0x86: {  	_ =	shalt  }
0x87: {  	_ =	shalt  }
.Lfunc_end0:
.L_simem_size_0:
called_computation.1_lowered:
.L_overlay_start_0:
0x88: {  	s2 =	sld [smem:$0x3FD9]  }
0x89: {  	s3 =	sld [smem:$0x3FFE];
	_ =	sdelay $0x1  }
0x8a: {  	s1 =	srdreg.scid  }
0x8b: {  	s0 =	sand.u32 $0x1, s1  }
0x8c: {  	s16 =	sshll.u32 s0, $0xA;
	s2 =	sadd.s32 s3, s2  }
0x8d: {  	s2 =	sadd.s32 s2, s16  }
0x8e: {  	[smem:$0x3FAD] =	sst s2  }
0x8f: {  	_ = 	snop  }
0x90: {  	(tm) =	ssettm $0x1  }
0x91: {  	s17 =	sld [smem:$0x3FFB];
	_ =	sdelay $0x3  }
0x92: {  	_ =	strace s17  }
0x93: {  	s2 =	sld [smem:$0x3FFC];
	_ =	sdelay $0x3  }
0x94: {  	_ =	strace s2  }
0x95: {  	s2 =	sld [smem:$0x3FFD];
	_ =	sdelay $0x3  }
0x96: {  	_ =	strace s2  }
0x97: {  	_ =	strace $0x8FFFFFFF  }
0x98: {  	s18 =	sld [smem:$0x3FDB];
	_ =	sdelay $0x1  }
0x99: {  	s19 =	simm.s32 $_scs_section_size  }
0x9a: {  	s4 =	simm.s32 $_size__tile_overlayer_lowered;
	s5 =	simm.s32 $_tile_overlayer_lowered  }
0x9b: {  	s22 =	simm.s32 $0x1BFF;
	s21 =	sshll.u32 s5, $0x1;
	s2 =	sadd.s32 s19, s18  }
0x9c: {  	s6 =	simm.s32 $0x0;
	s20 =	sshll.u32 s4, $0x1;
	s4 =	sadd.s32 s21, s2  }
0x9d: {  	[timem:s6], [sflag:s22] =	dma.local [hbm:s4], s20  }
0x9e: {  	_ =	swait.ge [sflag:s22], s20  }
0x9f: {  	s3 =	ssub.s32 $0x0, s20;
	[sflag:s22] =	ssyncset.done $0x0  }
0xa0: {  	[sflag:s22] =	ssyncadd.s32 s3;
	_ =	sdelay $0x1  }
0xa1: {  	s23 =	simm.s32 $0x1B8B  }
0xa2: {  	_ =	swait.ge [sflag:s23], $0x1  }
0xa3: {  	[sflag:s23] =	ssyncset.done $0x0  }
0xa4: {  	s25 =	simm.s32 $0x1B8E;
	s24 =	sld [smem:$0x3FFE];
	[sflag:s23] =	ssyncadd.s32 $0xFFFFFFFF  }
0xa5: {  	s26 =	simm.s32 $execute0_lowered;
	[smem:$0x3FD2] =	sst s25  }
0xa6: {  	s4 =	sshll.u32 s26, $0x1;
	_ =	strace $0x80000049;
	[dreg:$0x1] =	wrdreg $0xFFFFFFFF  }
0xa7: {  	s28 =	simm.s32 $_size_execute0_lowered;
	s2 =	sadd.s32 s2, s4;
	[dreg:$0x0] =	wrdreg $0x0  }
0xa8: {  	s4 =	sshll.u32 s28, $0x1;
	[dreg:$0x2] =	wrdreg s2  }
0xa9: {  	[dreg:$0x3] =	wrdreg s4  }
0xaa: {  	[dreg:$0x4] =	wrdreg $0xC0  }
0xab: {  	_ =	task [dreg:s6], $0x5FFFF  }
0xac: {  	[dreg:$0x1] =	wrdreg $0xFFFFFFFF  }
0xad: {  	[dreg:$0x0] =	wrdreg $0x60  }
0xae: {  	[dreg:$0x2] =	wrdreg s24  }
0xaf: {  	[dreg:$0x3] =	wrdreg $0x9  }
0xb0: {  	_ =	task.clear_ibuf [dreg:s6], $0x4FFFF;
	_ =	strace $0x90000049  }
0xb1: {  	s29 =	simm.s32 $0x9;
	_ =	strace $0x8000004B  }
0xb2: {  	_ =	swait.ge [sflag:s29], $0x1  }
0xb3: {  	[sflag:s29] =	ssyncadd.s32 $0xFFFFFFFF  }
0xb4: {  	_ =	strace $0x9000004B  }
0xb5: {  	_ =	sfence  }
0xb6: {  	s30 =	sld [smem:$0x0];
	_ =	sdelay $0x2  }
0xb7: {  	s31 =	sshll.u32 s1, $0xD;
	s1 =	sshrl.u32 s1, $0x2  }
0xb8: {  	s3 =	sand.u32 $0x4000, s31;
	s1 =	sadd.s32 s1, s30  }
0xb9: {  	s0 =	sor.u32 s3, s0;
	s1 =	sshll.u32 s1, $0x11  }
0xba: {  	s0 =	sor.u32 s1, s0  }
0xbb: {  	s0 =	sadd.s32 $0x8F2B, s0  }
0xbc: {  	[sflag:s0] =	ssyncadd.remote.s32 $0x1  }
0xbd: {  	_ =	sfence.sel $0xFFFF  }
0xbe: {  	[dreg:$0x0] =	wrdreg $0xFFFFFFFF;
	(pc) =	sbr.abs _section_cstart, $3  }
0xbf: {  	[dreg:$0x1] =	wrdreg $0xFFFFFFFF  }
0xc0: {  	_ =	task.clear_ibuf [dreg:s6], $0x2FFFF;
	_ =	strace $0x9FFFFFFF  }
0xc1: {  	(tm) =	ssettm $0x7FFFFFFF  }
tec
execute0_lowered:
.L_overlay_start_1:
0x0: {  	(tag) =	ssettag $0x1  }
0x1: {  	s4 =	rddreg [dreg:$0x0]  }
0x2: {  	s0 =	rddreg [dreg:$0x1];
	s1 =	simm.s32 $0x0  }
0x3: {  	s5 =	srdreg.scid;
	s2 =	stileid.u32;
	s14 =	simm.s32 $0x4080  }
0x4: {  	s15 =	simm.s32 $0x4100;
	s16 =	simm.s32 $0x1;
	s17 =	simm.s32 $0x2  }
0x5: {  	s18 =	simm.s32 $0x0;
	[smem:$0x7FF] =	sst s1;
	s3 =	sadd.s32 $0x4A00, s4  }
0x6: {  	s7 =	sand.u32 $0x1, s5;
	s8 =	sshll.u32 s2, $0xC;
	s11 =	sadd.s32 $0x24A00, s4  }
0x7: {  	s12 =	sadd.s32 $0x28A00, s4;
	s28 =	sshll.u32 s2, $0x10;
	_ =	strace $0x8000004A  }
0x8: {  	s5 =	ssub.s32 $0x2, s7;
	s6 =	sshll.u32 s7, $0x10;
	s13 =	sshll.u32 s7, $0x14  }
0x9: {  	s9 =	sshrl.u32 s5, $0x1;
	s10 =	sor.u32 s8, s6;
	s26 =	sadd.s32 s13, s12  }
0xa: {  	s13 =	simm.s32 $0x80;
	s5 =	ssub.s32 s5, s9;
	s23 =	sshrl.u32 s10, $0x3  }
0xb: {  	s6 =	sshll.u32 s10, $0x4;
	s8 =	sor.u32 $0xF80, s10;
	s29 =	sor.u32 $0x80, s10  }
0xc: {  	s10 =	sor.u32 $0x100, s10;
	s9 =	sadd.s32 s28, s26;
	s4 =	sadd.s32 s11, s23  }
0xd: {  	s24 =	sadd.s32 s12, s6;
	s5 =	smax.u32 s5, $0x1;
	s25 =	sshrl.u32 s8, $0x3  }
0xe: {  	s8 =	sshll.u32 s8, $0x4;
	s30 =	sshrl.u32 s29, $0x3;
	s31 =	sshrl.u32 s10, $0x3  }
0xf: {  	s6 =	sadd.s32 s11, s25;
	s7 =	sadd.s32 $0xF000, s24;
	s8 =	sadd.s32 s12, s8  }
0x10: {  	s10 =	sadd.s32 s30, s11;
	s11 =	sadd.s32 s31, s11;
	s12 =	simm.s32 $0x3  }
.LBB2_1:
0x11: {  	[tilespmem:s1], [sflag:$0x3] =	stream.linear.gather [hbm4b:s4+s1], $0x80, $0x38;
	[tilespmem:$0x8100] =	vst v63  }
0x12: {  	_ =	swait.ge [sflag:s12], $0x80  }
0x13: {  	[sflag:s12] =	ssyncset.done $0x0  }
0x14: {  	[sflag:s12] =	ssyncadd.s32 $0xFFFFFF80  }
0x15: {  	[tilespmem:s13], [sflag:$0x1] =	stream.indirect.gather [hbm4b:s3+s13], $0x80, s1, s13, $0xb8;
	[tilespmem:$0x8100] =	vst v63  }
0x16: {  	s19 =	sadd.s32 $0x0, s10  }
0x17: {  	[tilespmem:s14], [sflag:$0x3] =	stream.linear.gather [hbm4b:s19+s1], $0x80, $0x38;
	[tilespmem:$0x8100] =	vst v63  }
0x18: {  	_ =	swait.ge [sflag:s12], $0x80  }
0x19: {  	[sflag:s12] =	ssyncset.done $0x0  }
0x1a: {  	[sflag:s12] =	ssyncadd.s32 $0xFFFFFF80  }
0x1b: {  	[tilespmem:s15], [sflag:$0x2] =	stream.indirect.gather [hbm4b:s3+s13], $0x80, s14, s13, $0xb8;
	[tilespmem:$0x8100] =	vst v63  }
0x1c: {  	_ =	swait.ge [sflag:s16], $0x4000  }
0x1d: {  	[sflag:s16] =	ssyncset.done $0x0  }
0x1e: {  	[sflag:s16] =	ssyncadd.s32 $0xFFFFC000  }
0x1f: {  	[hbm4b:s9+s1] =	stream.linear.scatter [tilespmem:s13], [sflag:$0x3], $0x4000, $0x38;
	[tilespmem:$0x8100] =	vst v63  }
0x20: {  	_ =	swait.ge [sflag:s12], $0x4000  }
0x21: {  	[sflag:s12] =	ssyncset.done $0x0  }
0x22: {  	s30 =	sadd.s32 $0x0, s11;
	[sflag:s12] =	ssyncadd.s32 $0xFFFFC000  }
0x23: {  	[tilespmem:s1], [sflag:$0x3] =	stream.linear.gather [hbm4b:s30+s1], $0x80, $0x38;
	[tilespmem:$0x8100] =	vst v63  }
0x24: {  	_ =	swait.ge [sflag:s12], $0x80  }
0x25: {  	[sflag:s12] =	ssyncset.done $0x0  }
0x26: {  	[sflag:s12] =	ssyncadd.s32 $0xFFFFFF80  }
0x27: {  	[tilespmem:s13], [sflag:$0x1] =	stream.indirect.gather [hbm4b:s3+s13], $0x80, s1, s13, $0xb8;
	[tilespmem:$0x8100] =	vst v63  }
0x28: {  	_ =	swait.ge [sflag:s17], $0x4000  }
0x29: {  	[sflag:s17] =	ssyncset.done $0x0  }
0x2a: {  	s31 =	sadd.s32 $0x800, s9;
	[sflag:s17] =	ssyncadd.s32 $0xFFFFC000  }
0x2b: {  	[hbm4b:s31+s1] =	stream.linear.scatter [tilespmem:s15], [sflag:$0x3], $0x4000, $0x38;
	[tilespmem:$0x8100] =	vst v63  }
0x2c: {  	s20 =	simm.s32 $0x20;
	_ =	swait.ge [sflag:s12], $0x4000  }
0x2d: {  	s21 =	simm.s32 $0x40;
	s19 =	sadd.s32 $0x1000, s9;
	[sflag:s12] =	ssyncset.done $0x0  }
.LBB2_2:
0x2e: {  	s22 =	sadd.s32 s20, s10  }
0x2f: {  	[sflag:s12] =	ssyncadd.s32 $0xFFFFC000;
	s23 =	smov.u32 s21;
	s24 =	sadd.s32 $0x20, s21  }
0x30: {  	[tilespmem:s14], [sflag:$0x3] =	stream.linear.gather [hbm4b:s22+s1], $0x80, $0x38;
	[tilespmem:$0x8100] =	vst v63  }
0x31: {  	p0 =	sne.s32 s21, $0x1C0;
	_ =	swait.ge [sflag:s12], $0x80  }
0x32: {  	[sflag:s12] =	ssyncset.done $0x0  }
0x33: {  	[sflag:s12] =	ssyncadd.s32 $0xFFFFFF80  }
0x34: {  	[tilespmem:s15], [sflag:$0x2] =	stream.indirect.gather [hbm4b:s3+s13], $0x80, s14, s13, $0xb8;
	[tilespmem:$0x8100] =	vst v63  }
0x35: {  	_ =	swait.ge [sflag:s16], $0x4000  }
0x36: {  	[sflag:s16] =	ssyncset.done $0x0  }
0x37: {  	[sflag:s16] =	ssyncadd.s32 $0xFFFFC000  }
0x38: {  	[hbm4b:s19+s1] =	stream.linear.scatter [tilespmem:s13], [sflag:$0x3], $0x4000, $0x38;
	[tilespmem:$0x8100] =	vst v63  }
0x39: {  	_ =	swait.ge [sflag:s12], $0x4000  }
0x3a: {  	[sflag:s12] =	ssyncset.done $0x0  }
0x3b: {  	s21 =	sadd.s32 s20, s11;
	s20 =	smov.u32 s23;
	[sflag:s12] =	ssyncadd.s32 $0xFFFFC000  }
0x3c: {  	[tilespmem:s1], [sflag:$0x3] =	stream.linear.gather [hbm4b:s21+s1], $0x80, $0x38;
	[tilespmem:$0x8100] =	vst v63  }
0x3d: {  	_ =	swait.ge [sflag:s12], $0x80  }
0x3e: {  	[sflag:s12] =	ssyncset.done $0x0  }
0x3f: {  	[sflag:s12] =	ssyncadd.s32 $0xFFFFFF80  }
0x40: {  	[tilespmem:s13], [sflag:$0x1] =	stream.indirect.gather [hbm4b:s3+s13], $0x80, s1, s13, $0xb8;
	[tilespmem:$0x8100] =	vst v63  }
0x41: {  	_ =	swait.ge [sflag:s17], $0x4000  }
.Ltmp0:
0x42: {  	[sflag:s17] =	ssyncset.done $0x0;
	(pc) =	sbr.rel @p0 .LBB2_2-.Ltmp0, $4  }
0x43: {  	s21 =	sadd.s32 $0x800, s19;
	[sflag:s17] =	ssyncadd.s32 $0xFFFFC000  }
0x44: {  	[hbm4b:s21+s1] =	stream.linear.scatter [tilespmem:s15], [sflag:$0x3], $0x4000, $0x38;
	[tilespmem:$0x8100] =	vst v63  }
0x45: {  	_ =	swait.ge [sflag:s12], $0x4000  }
0x46: {  	s19 =	sadd.s32 $0x1000, s19;
	s21 =	smov.u32 s24;
	[sflag:s12] =	ssyncset.done $0x0  }
0x47: {  	s21 =	sadd.s32 s20, s10;
	[sflag:s12] =	ssyncadd.s32 $0xFFFFC000  }
0x48: {  	[tilespmem:s14], [sflag:$0x3] =	stream.linear.gather [hbm4b:s21+s1], $0x80, $0x38;
	[tilespmem:$0x8100] =	vst v63  }
0x49: {  	_ =	swait.ge [sflag:s12], $0x80  }
0x4a: {  	[sflag:s12] =	ssyncset.done $0x0  }
0x4b: {  	[sflag:s12] =	ssyncadd.s32 $0xFFFFFF80  }
0x4c: {  	[tilespmem:s15], [sflag:$0x2] =	stream.indirect.gather [hbm4b:s3+s13], $0x80, s14, s13, $0xb8;
	[tilespmem:$0x8100] =	vst v63  }
0x4d: {  	_ =	swait.ge [sflag:s16], $0x4000  }
0x4e: {  	[sflag:s16] =	ssyncset.done $0x0  }
0x4f: {  	[sflag:s16] =	ssyncadd.s32 $0xFFFFC000  }
0x50: {  	[hbm4b:s19+s1] =	stream.linear.scatter [tilespmem:s13], [sflag:$0x3], $0x4000, $0x38;
	[tilespmem:$0x8100] =	vst v63  }
0x51: {  	_ =	swait.ge [sflag:s12], $0x4000  }
0x52: {  	[sflag:s12] =	ssyncset.done $0x0  }
0x53: {  	s30 =	sadd.s32 s20, s11;
	[sflag:s12] =	ssyncadd.s32 $0xFFFFC000  }
0x54: {  	[tilespmem:s1], [sflag:$0x3] =	stream.linear.gather [hbm4b:s30+s1], $0x80, $0x38;
	[tilespmem:$0x8100] =	vst v63  }
0x55: {  	_ =	swait.ge [sflag:s12], $0x80  }
0x56: {  	[sflag:s12] =	ssyncset.done $0x0  }
0x57: {  	[sflag:s12] =	ssyncadd.s32 $0xFFFFFF80  }
0x58: {  	[tilespmem:s13], [sflag:$0x1] =	stream.indirect.gather [hbm4b:s3+s13], $0x80, s1, s13, $0xb8;
	[tilespmem:$0x8100] =	vst v63  }
0x59: {  	_ =	swait.ge [sflag:s17], $0x4000  }
0x5a: {  	[sflag:s17] =	ssyncset.done $0x0  }
0x5b: {  	s31 =	sadd.s32 $0x800, s19;
	[sflag:s17] =	ssyncadd.s32 $0xFFFFC000  }
0x5c: {  	[hbm4b:s31+s1] =	stream.linear.scatter [tilespmem:s15], [sflag:$0x3], $0x4000, $0x38;
	[tilespmem:$0x8100] =	vst v63  }
0x5d: {  	_ =	swait.ge [sflag:s12], $0x4000  }
0x5e: {  	[sflag:s12] =	ssyncset.done $0x0  }
0x5f: {  	[sflag:s12] =	ssyncadd.s32 $0xFFFFC000  }
0x60: {  	[tilespmem:s14], [sflag:$0x3] =	stream.linear.gather [hbm4b:s6+s1], $0x80, $0x38;
	[tilespmem:$0x8100] =	vst v63  }
0x61: {  	_ =	swait.ge [sflag:s12], $0x80  }
0x62: {  	[sflag:s12] =	ssyncset.done $0x0  }
0x63: {  	[sflag:s12] =	ssyncadd.s32 $0xFFFFFF80  }
0x64: {  	[tilespmem:s15], [sflag:$0x2] =	stream.indirect.gather [hbm4b:s3+s13], $0x80, s14, s13, $0xb8;
	[tilespmem:$0x8100] =	vst v63  }
0x65: {  	_ =	swait.ge [sflag:s16], $0x4000  }
0x66: {  	[sflag:s16] =	ssyncset.done $0x0  }
0x67: {  	[sflag:s16] =	ssyncadd.s32 $0xFFFFC000  }
0x68: {  	[hbm4b:s7+s1] =	stream.linear.scatter [tilespmem:s13], [sflag:$0x3], $0x4000, $0x38;
	[tilespmem:$0x8100] =	vst v63  }
0x69: {  	_ =	swait.ge [sflag:s12], $0x4000  }
0x6a: {  	[sflag:s12] =	ssyncset.done $0x0  }
0x6b: {  	[sflag:s12] =	ssyncadd.s32 $0xFFFFC000  }
0x6c: {  	s18 =	sadd.s32 $0x1, s18;
	_ =	swait.ge [sflag:s17], $0x4000  }
0x6d: {  	p0 =	sne.s32 s18, s5;
	[sflag:s17] =	ssyncset.done $0x0  }
.Ltmp1:
0x6e: {  	[sflag:s17] =	ssyncadd.s32 $0xFFFFC000;
	(pc) =	sbr.rel @p0 .LBB2_1-.Ltmp1, $4  }
0x6f: {  	[hbm4b:s8+s1] =	stream.linear.scatter [tilespmem:s15], [sflag:$0x3], $0x4000, $0x38;
	[tilespmem:$0x8100] =	vst v63  }
0x70: {  	_ =	swait.ge [sflag:s12], $0x4000  }
0x71: {  	[sflag:s12] =	ssyncset.done $0x0  }
0x72: {  	[sflag:s12] =	ssyncadd.s32 $0xFFFFC000  }
0x73: {  	_ =	sfence.sel $0x180000  }
0x74: {  	[bflag:$0x0] =	sbarrier.arrive $0xFFFF  }
0x75: {  	p0 =	sne.s32 s2, $0x0;
	_ =	strace $0x9000004A  }
0x76: {  	s0 =	sadd.s32 @!p0 $0x100000, s0;
	[bflag:$0x2] =	sbarrier.arrive $0xFFFF  }
0x77: {  	[sflag:s0] =	ssyncadd.tile.s32 @!p0 $0x1;
	_ =	shalt  }
.Lfunc_end2:
_tile_overlayer_lowered:
.L_overlay_start_2:
0x78: {  	(tag) =	ssettag $0x2  }
0x79: {  	s0 =	rddreg [dreg:$0x0];
	s2 =	stileid.u32  }
0x7a: {  	s1 =	rddreg [dreg:$0x1];
	p0 =	sne.s32 s2, $0x0  }
0x7b: {  	s3 =	rddreg [dreg:$0x2];
	[bflag:$0x3] =	sbarrier.arrive $0xFFFF;
	s2 =	simm.s32 @!p0 $0x1C03  }
0x7c: {  	[timem:s3], [sflag:s2] =	dma.local @!p0 [hbm:s0], s1  }
0x7d: {  	s0 =	simm.s32 @!p0 $0x3  }
0x7e: {  	_ =	swait.ge @!p0 [sflag:s0], s1  }
0x7f: {  	s1 =	ssub.s32 @!p0 $0x0, s1;
	[sflag:s0] =	ssyncset.done @!p0 $0x0  }
0x80: {  	[sflag:s0] =	ssyncadd.s32 @!p0 s1  }
0x81: {  	[bflag:$0x3] =	sbarrier.arrive $0xFFFF  }
0x82: {  	_ =	shalt  }

// kernel: kernel.18.cloned.1.call-start
scs
__scs_entry_jumppad:
0x0: {  	(pc) =	sbr.rel $0x88, $3  }
0x1: {  	(tag) =	ssettag $0x0;
	lr =	simm.s32 $0x1  }
0x2: {  	[smem:$0x3F86] =	sst lr;
	_ =	strace $0xD0000000  }
0x3: {  	_ = 	snop  }
0x4: {  	_ = 	snop  }
0x5: {  	_ = 	snop  }
0x6: {  	_ = 	snop  }
0x7: {  	_ = 	snop  }
__scs_overlays_trampoline_lowered:
0x8: {  	[smem:$0x3F95] =	sst s0  }
0x9: {  	[smem:$0x3F96] =	sst s1  }
0xa: {  	[smem:$0x3F97] =	sst s2  }
0xb: {  	[smem:$0x3F98] =	sst s3  }
0xc: {  	[smem:$0x3F99] =	sst s4  }
0xd: {  	[smem:$0x3F9A] =	sst s5  }
0xe: {  	[smem:$0x3F9B] =	sst s6  }
0xf: {  	[smem:$0x3F9C] =	sst s7  }
0x10: {  	[smem:$0x3F9D] =	sst s8  }
0x11: {  	[smem:$0x3F9E] =	sst s9;
	s0 =	simm.s32 @!p0 $0x0  }
0x12: {  	s1 =	sld [smem:$0x3F84];
	s0 =	simm.s32 @p0 $0x1  }
0x13: {  	[smem:$0x3F9F] =	sst s0;
	s0 =	simm.s32 @!p1 $0x0  }
0x14: {  	s2 =	sld [smem:$0x3F83];
	s0 =	simm.s32 @p1 $0x1  }
0x15: {  	[smem:$0x3FA0] =	sst s0;
	s0 =	simm.s32 @!p2 $0x0  }
0x16: {  	s3 =	sld [smem:$0x3FDB];
	s0 =	simm.s32 @p2 $0x1  }
0x17: {  	s4 =	simm.s32 $0x1BF5;
	[smem:$0x3FA2] =	sst s0  }
0x18: {  	s0 =	sld [smem:$0x3F85];
	_ =	swait.ge [sflag:s4], $0x0  }
0x19: {  	s7 =	sld [smem:$0x3F86]  }
0x1a: {  	s8 =	sadd.s32 $0xFFFFE003, lr  }
0x1b: {  	s9 =	sadd.s32 $0xFFFFFEF7, lr;
	s5 =	simm.s32 $0xFFFFFFFF;
	p2 =	slt.u32 s8, $0xFFFFF086  }
0x1c: {  	p1 =	slt.u32 s9, $0xF7A;
	s5 =	simm.s32 @!p2 $0x0  }
0x1d: {  	s5 =	simm.s32 @p1 $0x1;
	p0 =	seq.s32 s7, s2  }
0x1e: {  	s7 =	smul.u32 @!p0 $0xF7A, s2;
	p2 =	seq.s32 @!p0 s5, $0x0  }
0x1f: {  	s9 =	smul.u32 $0xF7A, s1;
	s8 =	simm.s32 @!p0 $0x1BF5;
	p2 =	por !p2, p0  }
0x20: {  	[sflag:s8] =	ssyncset.s32 @!p0 $0xFFFFF086;
	s6 =	sadd.s32 @!p0 s3, s7;
	s7 =	simm.s32 @!p0 $0x108  }
0x21: {  	s3 =	sadd.s32 s3, s9;
	s6 =	sadd.s32 @!p0 $0x88, s6;
	s7 =	simm.s32 @p2 $0x1082  }
0x22: {  	[simem:s7], [sflag:s8] =	dma.local @!p0 [hbm:s6], $0xF7A  }
0x23: {  	s9 =	sor.u32 $0xD0000000, s2;
	s6 =	simm.s32 $0x108;
	_ =	swait.ge @!p0 [sflag:s8], $0x0  }
0x24: {  	s3 =	sadd.s32 $0x88, s3;
	s6 =	simm.s32 @!p1 $0x1082;
	[sflag:s4] =	ssyncset.s32 $0xFFFFF086  }
0x25: {  	[simem:s6], [sflag:s4] =	dma.local [hbm:s3], $0xF7A  }
0x26: {  	[smem:$0x3F86] =	sst s1;
	(tag) =	ssettag s2;
	_ =	strace s9  }
0x27: {  	s1 =	sld [smem:$0x3F96]  }
0x28: {  	s2 =	sld [smem:$0x3F97]  }
0x29: {  	s4 =	sld [smem:$0x3F99]  }
0x2a: {  	p0 =	seq.s32 s5, $0x0;
	s5 =	sld [smem:$0x3F9A]  }
0x2b: {  	s6 =	sld [smem:$0x3F9B]  }
0x2c: {  	s7 =	sld [smem:$0x3F9C]  }
0x2d: {  	s3 =	simm.s32 $0x108;
	s8 =	sld [smem:$0x3F9D]  }
0x2e: {  	s3 =	simm.s32 @!p0 $0x1082;
	s9 =	sld [smem:$0x3F9E]  }
0x2f: {  	lr =	sadd.s32 s0, s3;
	s0 =	sld [smem:$0x3F95]  }
0x30: {  	s3 =	sld [smem:$0x3F98]  }
0x31: {  	[smem:$0x3FA1] =	sst s10  }
0x32: {  	s10 =	sld [smem:$0x3F9F];
	_ =	sdelay $0x3  }
0x33: {  	p0 =	seq.s32 s10, $0x1;
	s10 =	sld [smem:$0x3FA1];
	_ =	sdelay $0x3  }
0x34: {  	[smem:$0x3FA1] =	sst s10  }
0x35: {  	s10 =	sld [smem:$0x3FA0];
	_ =	sdelay $0x3  }
0x36: {  	p1 =	seq.s32 s10, $0x1;
	s10 =	sld [smem:$0x3FA1];
	_ =	sdelay $0x3  }
0x37: {  	[smem:$0x3FA1] =	sst s10  }
0x38: {  	s10 =	sld [smem:$0x3FA2]  }
0x39: {  	_ = 	snop;
	(pc) =	sbr.ind lr, $3  }
0x3a: {  	_ = 	snop  }
0x3b: {  	_ = 	snop  }
0x3c: {  	p2 =	seq.s32 s10, $0x1;
	s10 =	sld [smem:$0x3FA1]  }
0x3d: {  	_ =	shalt  }
0x3e: {  	_ =	shalt  }
0x3f: {  	_ =	shalt  }
0x40: {  	_ =	shalt  }
0x41: {  	_ =	shalt  }
0x42: {  	_ =	shalt  }
0x43: {  	_ =	shalt  }
0x44: {  	_ =	shalt  }
0x45: {  	_ =	shalt  }
0x46: {  	_ =	shalt  }
0x47: {  	_ =	shalt  }
0x48: {  	_ =	shalt  }
0x49: {  	_ =	shalt  }
0x4a: {  	_ =	shalt  }
0x4b: {  	_ =	shalt  }
0x4c: {  	_ =	shalt  }
0x4d: {  	_ =	shalt  }
0x4e: {  	_ =	shalt  }
0x4f: {  	_ =	shalt  }
0x50: {  	_ =	shalt  }
0x51: {  	_ =	shalt  }
0x52: {  	_ =	shalt  }
0x53: {  	_ =	shalt  }
0x54: {  	_ =	shalt  }
0x55: {  	_ =	shalt  }
0x56: {  	_ =	shalt  }
0x57: {  	_ =	shalt  }
0x58: {  	_ =	shalt  }
0x59: {  	_ =	shalt  }
0x5a: {  	_ =	shalt  }
0x5b: {  	_ =	shalt  }
0x5c: {  	_ =	shalt  }
0x5d: {  	_ =	shalt  }
0x5e: {  	_ =	shalt  }
0x5f: {  	_ =	shalt  }
0x60: {  	_ =	shalt  }
0x61: {  	_ =	shalt  }
0x62: {  	_ =	shalt  }
0x63: {  	_ =	shalt  }
0x64: {  	_ =	shalt  }
0x65: {  	_ =	shalt  }
0x66: {  	_ =	shalt  }
0x67: {  	_ =	shalt  }
0x68: {  	_ =	shalt  }
0x69: {  	_ =	shalt  }
0x6a: {  	_ =	shalt  }
0x6b: {  	_ =	shalt  }
0x6c: {  	_ =	shalt  }
0x6d: {  	_ =	shalt  }
0x6e: {  	_ =	shalt  }
0x6f: {  	_ =	shalt  }
0x70: {  	_ =	shalt  }
0x71: {  	_ =	shalt  }
0x72: {  	_ =	shalt  }
0x73: {  	_ =	shalt  }
0x74: {  	_ =	shalt  }
0x75: {  	_ =	shalt  }
0x76: {  	_ =	shalt  }
0x77: {  	_ =	shalt  }
0x78: {  	_ =	shalt  }
0x79: {  	_ =	shalt  }
0x7a: {  	_ =	shalt  }
0x7b: {  	_ =	shalt  }
0x7c: {  	_ =	shalt  }
0x7d: {  	_ =	shalt  }
0x7e: {  	_ =	shalt  }
0x7f: {  	_ =	shalt  }
0x80: {  	_ =	shalt  }
0x81: {  	_ =	shalt  }
0x82: {  	_ =	shalt  }
0x83: {  	_ =	shalt  }
0x84: {  	_ =	shalt  }
0x85: {  	_ =	shalt  }
0x86: {  	_ =	shalt  }
0x87: {  	_ =	shalt  }
.Lfunc_end0:
.L_simem_size_0:
called_computation.2_lowered:
.L_overlay_start_0:
0x88: {  	s2 =	sld [smem:$0x3FD9]  }
0x89: {  	s3 =	sld [smem:$0x3FFE];
	_ =	sdelay $0x1  }
0x8a: {  	s1 =	srdreg.scid  }
0x8b: {  	s0 =	sand.u32 $0x1, s1  }
0x8c: {  	s16 =	sshll.u32 s0, $0xA;
	s2 =	sadd.s32 s3, s2  }
0x8d: {  	s2 =	sadd.s32 s2, s16  }
0x8e: {  	[smem:$0x3FAD] =	sst s2  }
0x8f: {  	_ = 	snop  }
0x90: {  	(tm) =	ssettm $0x1  }
0x91: {  	s17 =	sld [smem:$0x3FFB];
	_ =	sdelay $0x3  }
0x92: {  	_ =	strace s17  }
0x93: {  	s2 =	sld [smem:$0x3FFC];
	_ =	sdelay $0x3  }
0x94: {  	_ =	strace s2  }
0x95: {  	s2 =	sld [smem:$0x3FFD];
	_ =	sdelay $0x3  }
0x96: {  	_ =	strace s2  }
0x97: {  	_ =	strace $0x8FFFFFFF  }
0x98: {  	s18 =	sld [smem:$0x3FDB];
	_ =	sdelay $0x1  }
0x99: {  	s19 =	simm.s32 $_scs_section_size  }
0x9a: {  	s4 =	simm.s32 $_size__tile_overlayer_lowered;
	s5 =	simm.s32 $_tile_overlayer_lowered  }
0x9b: {  	s22 =	simm.s32 $0x1BFF;
	s21 =	sshll.u32 s5, $0x1;
	s2 =	sadd.s32 s19, s18  }
0x9c: {  	s6 =	simm.s32 $0x0;
	s20 =	sshll.u32 s4, $0x1;
	s4 =	sadd.s32 s21, s2  }
0x9d: {  	[timem:s6], [sflag:s22] =	dma.local [hbm:s4], s20  }
0x9e: {  	_ =	swait.ge [sflag:s22], s20  }
0x9f: {  	s3 =	ssub.s32 $0x0, s20;
	[sflag:s22] =	ssyncset.done $0x0  }
0xa0: {  	[sflag:s22] =	ssyncadd.s32 s3;
	_ =	sdelay $0x1  }
0xa1: {  	s23 =	simm.s32 $0x1B8B  }
0xa2: {  	_ =	swait.ge [sflag:s23], $0x1  }
0xa3: {  	[sflag:s23] =	ssyncset.done $0x0  }
0xa4: {  	s25 =	simm.s32 $0x1B8E;
	s24 =	sld [smem:$0x3FFE];
	[sflag:s23] =	ssyncadd.s32 $0xFFFFFFFF  }
0xa5: {  	s26 =	simm.s32 $execute0_lowered;
	[smem:$0x3FD2] =	sst s25  }
0xa6: {  	s4 =	sshll.u32 s26, $0x1;
	_ =	strace $0x8000004C;
	[dreg:$0x1] =	wrdreg $0xFFFFFFFF  }
0xa7: {  	s28 =	simm.s32 $_size_execute0_lowered;
	s2 =	sadd.s32 s2, s4;
	[dreg:$0x0] =	wrdreg $0x0  }
0xa8: {  	s4 =	sshll.u32 s28, $0x1;
	[dreg:$0x2] =	wrdreg s2  }
0xa9: {  	[dreg:$0x3] =	wrdreg s4  }
0xaa: {  	[dreg:$0x4] =	wrdreg $0xC0  }
0xab: {  	_ =	task [dreg:s6], $0x5FFFF  }
0xac: {  	[dreg:$0x1] =	wrdreg $0xFFFFFFFF  }
0xad: {  	[dreg:$0x0] =	wrdreg $0x60  }
0xae: {  	[dreg:$0x2] =	wrdreg s24  }
0xaf: {  	[dreg:$0x3] =	wrdreg $0x9  }
0xb0: {  	_ =	task.clear_ibuf [dreg:s6], $0x4FFFF;
	_ =	strace $0x9000004C  }
0xb1: {  	s29 =	simm.s32 $0x9;
	_ =	strace $0x8000004E  }
0xb2: {  	_ =	swait.ge [sflag:s29], $0x1  }
0xb3: {  	[sflag:s29] =	ssyncadd.s32 $0xFFFFFFFF  }
0xb4: {  	_ =	strace $0x9000004E  }
0xb5: {  	_ =	sfence  }
0xb6: {  	s30 =	sld [smem:$0x0];
	_ =	sdelay $0x2  }
0xb7: {  	s31 =	sshll.u32 s1, $0xD;
	s1 =	sshrl.u32 s1, $0x2  }
0xb8: {  	s3 =	sand.u32 $0x4000, s31;
	s1 =	sadd.s32 s1, s30  }
0xb9: {  	s0 =	sor.u32 s3, s0;
	s1 =	sshll.u32 s1, $0x11  }
0xba: {  	s0 =	sor.u32 s1, s0  }
0xbb: {  	s0 =	sadd.s32 $0x8F2B, s0  }
0xbc: {  	[sflag:s0] =	ssyncadd.remote.s32 $0x1  }
0xbd: {  	_ =	sfence.sel $0xFFFF  }
0xbe: {  	[dreg:$0x0] =	wrdreg $0xFFFFFFFF;
	(pc) =	sbr.abs _section_cstart, $3  }
0xbf: {  	[dreg:$0x1] =	wrdreg $0xFFFFFFFF  }
0xc0: {  	_ =	task.clear_ibuf [dreg:s6], $0x2FFFF;
	_ =	strace $0x9FFFFFFF  }
0xc1: {  	(tm) =	ssettm $0x7FFFFFFF  }
tec
execute0_lowered:
.L_overlay_start_1:
0x0: {  	(tag) =	ssettag $0x1  }
0x1: {  	s4 =	rddreg [dreg:$0x0]  }
0x2: {  	s0 =	rddreg [dreg:$0x1];
	s1 =	simm.s32 $0x0  }
0x3: {  	s5 =	srdreg.scid;
	s2 =	stileid.u32;
	s14 =	simm.s32 $0x4080  }
0x4: {  	s15 =	simm.s32 $0x4100;
	s16 =	simm.s32 $0x1;
	s17 =	simm.s32 $0x2  }
0x5: {  	s18 =	simm.s32 $0x0;
	[smem:$0x7FF] =	sst s1;
	s3 =	sadd.s32 $0x4A00, s4  }
0x6: {  	s7 =	sand.u32 $0x1, s5;
	s8 =	sshll.u32 s2, $0xC;
	s11 =	sadd.s32 $0x24A00, s4  }
0x7: {  	s12 =	sadd.s32 $0x28A00, s4;
	s28 =	sshll.u32 s2, $0x10;
	_ =	strace $0x8000004D  }
0x8: {  	s5 =	ssub.s32 $0x2, s7;
	s6 =	sshll.u32 s7, $0x10;
	s13 =	sshll.u32 s7, $0x14  }
0x9: {  	s9 =	sshrl.u32 s5, $0x1;
	s10 =	sor.u32 s8, s6;
	s26 =	sadd.s32 s13, s12  }
0xa: {  	s13 =	simm.s32 $0x80;
	s5 =	ssub.s32 s5, s9;
	s23 =	sshrl.u32 s10, $0x3  }
0xb: {  	s6 =	sshll.u32 s10, $0x4;
	s8 =	sor.u32 $0xF80, s10;
	s29 =	sor.u32 $0x80, s10  }
0xc: {  	s10 =	sor.u32 $0x100, s10;
	s9 =	sadd.s32 s28, s26;
	s4 =	sadd.s32 s11, s23  }
0xd: {  	s24 =	sadd.s32 s12, s6;
	s5 =	smax.u32 s5, $0x1;
	s25 =	sshrl.u32 s8, $0x3  }
0xe: {  	s8 =	sshll.u32 s8, $0x4;
	s30 =	sshrl.u32 s29, $0x3;
	s31 =	sshrl.u32 s10, $0x3  }
0xf: {  	s6 =	sadd.s32 s11, s25;
	s7 =	sadd.s32 $0xF000, s24;
	s8 =	sadd.s32 s12, s8  }
0x10: {  	s10 =	sadd.s32 s30, s11;
	s11 =	sadd.s32 s31, s11;
	s12 =	simm.s32 $0x3  }
.LBB2_1:
0x11: {  	[tilespmem:s1], [sflag:$0x3] =	stream.linear.gather [hbm4b:s4+s1], $0x80, $0x38;
	[tilespmem:$0x8100] =	vst v63  }
0x12: {  	_ =	swait.ge [sflag:s12], $0x80  }
0x13: {  	[sflag:s12] =	ssyncset.done $0x0  }
0x14: {  	[sflag:s12] =	ssyncadd.s32 $0xFFFFFF80  }
0x15: {  	[tilespmem:s13], [sflag:$0x1] =	stream.indirect.gather [hbm4b:s3+s13], $0x80, s1, s13, $0xb8;
	[tilespmem:$0x8100] =	vst v63  }
0x16: {  	s19 =	sadd.s32 $0x0, s10  }
0x17: {  	[tilespmem:s14], [sflag:$0x3] =	stream.linear.gather [hbm4b:s19+s1], $0x80, $0x38;
	[tilespmem:$0x8100] =	vst v63  }
0x18: {  	_ =	swait.ge [sflag:s12], $0x80  }
0x19: {  	[sflag:s12] =	ssyncset.done $0x0  }
0x1a: {  	[sflag:s12] =	ssyncadd.s32 $0xFFFFFF80  }
0x1b: {  	[tilespmem:s15], [sflag:$0x2] =	stream.indirect.gather [hbm4b:s3+s13], $0x80, s14, s13, $0xb8;
	[tilespmem:$0x8100] =	vst v63  }
0x1c: {  	_ =	swait.ge [sflag:s16], $0x4000  }
0x1d: {  	[sflag:s16] =	ssyncset.done $0x0  }
0x1e: {  	[sflag:s16] =	ssyncadd.s32 $0xFFFFC000  }
0x1f: {  	[hbm4b:s9+s1] =	stream.linear.scatter [tilespmem:s13], [sflag:$0x3], $0x4000, $0x38;
	[tilespmem:$0x8100] =	vst v63  }
0x20: {  	_ =	swait.ge [sflag:s12], $0x4000  }
0x21: {  	[sflag:s12] =	ssyncset.done $0x0  }
0x22: {  	s30 =	sadd.s32 $0x0, s11;
	[sflag:s12] =	ssyncadd.s32 $0xFFFFC000  }
0x23: {  	[tilespmem:s1], [sflag:$0x3] =	stream.linear.gather [hbm4b:s30+s1], $0x80, $0x38;
	[tilespmem:$0x8100] =	vst v63  }
0x24: {  	_ =	swait.ge [sflag:s12], $0x80  }
0x25: {  	[sflag:s12] =	ssyncset.done $0x0  }
0x26: {  	[sflag:s12] =	ssyncadd.s32 $0xFFFFFF80  }
0x27: {  	[tilespmem:s13], [sflag:$0x1] =	stream.indirect.gather [hbm4b:s3+s13], $0x80, s1, s13, $0xb8;
	[tilespmem:$0x8100] =	vst v63  }
0x28: {  	_ =	swait.ge [sflag:s17], $0x4000  }
0x29: {  	[sflag:s17] =	ssyncset.done $0x0  }
0x2a: {  	s31 =	sadd.s32 $0x800, s9;
	[sflag:s17] =	ssyncadd.s32 $0xFFFFC000  }
0x2b: {  	[hbm4b:s31+s1] =	stream.linear.scatter [tilespmem:s15], [sflag:$0x3], $0x4000, $0x38;
	[tilespmem:$0x8100] =	vst v63  }
0x2c: {  	s20 =	simm.s32 $0x20;
	_ =	swait.ge [sflag:s12], $0x4000  }
0x2d: {  	s21 =	simm.s32 $0x40;
	s19 =	sadd.s32 $0x1000, s9;
	[sflag:s12] =	ssyncset.done $0x0  }
.LBB2_2:
0x2e: {  	s22 =	sadd.s32 s20, s10  }
0x2f: {  	[sflag:s12] =	ssyncadd.s32 $0xFFFFC000;
	s23 =	smov.u32 s21;
	s24 =	sadd.s32 $0x20, s21  }
0x30: {  	[tilespmem:s14], [sflag:$0x3] =	stream.linear.gather [hbm4b:s22+s1], $0x80, $0x38;
	[tilespmem:$0x8100] =	vst v63  }
0x31: {  	p0 =	sne.s32 s21, $0x1C0;
	_ =	swait.ge [sflag:s12], $0x80  }
0x32: {  	[sflag:s12] =	ssyncset.done $0x0  }
0x33: {  	[sflag:s12] =	ssyncadd.s32 $0xFFFFFF80  }
0x34: {  	[tilespmem:s15], [sflag:$0x2] =	stream.indirect.gather [hbm4b:s3+s13], $0x80, s14, s13, $0xb8;
	[tilespmem:$0x8100] =	vst v63  }
0x35: {  	_ =	swait.ge [sflag:s16], $0x4000  }
0x36: {  	[sflag:s16] =	ssyncset.done $0x0  }
0x37: {  	[sflag:s16] =	ssyncadd.s32 $0xFFFFC000  }
0x38: {  	[hbm4b:s19+s1] =	stream.linear.scatter [tilespmem:s13], [sflag:$0x3], $0x4000, $0x38;
	[tilespmem:$0x8100] =	vst v63  }
0x39: {  	_ =	swait.ge [sflag:s12], $0x4000  }
0x3a: {  	[sflag:s12] =	ssyncset.done $0x0  }
0x3b: {  	s21 =	sadd.s32 s20, s11;
	s20 =	smov.u32 s23;
	[sflag:s12] =	ssyncadd.s32 $0xFFFFC000  }
0x3c: {  	[tilespmem:s1], [sflag:$0x3] =	stream.linear.gather [hbm4b:s21+s1], $0x80, $0x38;
	[tilespmem:$0x8100] =	vst v63  }
0x3d: {  	_ =	swait.ge [sflag:s12], $0x80  }
0x3e: {  	[sflag:s12] =	ssyncset.done $0x0  }
0x3f: {  	[sflag:s12] =	ssyncadd.s32 $0xFFFFFF80  }
0x40: {  	[tilespmem:s13], [sflag:$0x1] =	stream.indirect.gather [hbm4b:s3+s13], $0x80, s1, s13, $0xb8;
	[tilespmem:$0x8100] =	vst v63  }
0x41: {  	_ =	swait.ge [sflag:s17], $0x4000  }
.Ltmp0:
0x42: {  	[sflag:s17] =	ssyncset.done $0x0;
	(pc) =	sbr.rel @p0 .LBB2_2-.Ltmp0, $4  }
0x43: {  	s21 =	sadd.s32 $0x800, s19;
	[sflag:s17] =	ssyncadd.s32 $0xFFFFC000  }
0x44: {  	[hbm4b:s21+s1] =	stream.linear.scatter [tilespmem:s15], [sflag:$0x3], $0x4000, $0x38;
	[tilespmem:$0x8100] =	vst v63  }
0x45: {  	_ =	swait.ge [sflag:s12], $0x4000  }
0x46: {  	s19 =	sadd.s32 $0x1000, s19;
	s21 =	smov.u32 s24;
	[sflag:s12] =	ssyncset.done $0x0  }
0x47: {  	s21 =	sadd.s32 s20, s10;
	[sflag:s12] =	ssyncadd.s32 $0xFFFFC000  }
0x48: {  	[tilespmem:s14], [sflag:$0x3] =	stream.linear.gather [hbm4b:s21+s1], $0x80, $0x38;
	[tilespmem:$0x8100] =	vst v63  }
0x49: {  	_ =	swait.ge [sflag:s12], $0x80  }
0x4a: {  	[sflag:s12] =	ssyncset.done $0x0  }
0x4b: {  	[sflag:s12] =	ssyncadd.s32 $0xFFFFFF80  }
0x4c: {  	[tilespmem:s15], [sflag:$0x2] =	stream.indirect.gather [hbm4b:s3+s13], $0x80, s14, s13, $0xb8;
	[tilespmem:$0x8100] =	vst v63  }
0x4d: {  	_ =	swait.ge [sflag:s16], $0x4000  }
0x4e: {  	[sflag:s16] =	ssyncset.done $0x0  }
0x4f: {  	[sflag:s16] =	ssyncadd.s32 $0xFFFFC000  }
0x50: {  	[hbm4b:s19+s1] =	stream.linear.scatter [tilespmem:s13], [sflag:$0x3], $0x4000, $0x38;
	[tilespmem:$0x8100] =	vst v63  }
0x51: {  	_ =	swait.ge [sflag:s12], $0x4000  }
0x52: {  	[sflag:s12] =	ssyncset.done $0x0  }
0x53: {  	s30 =	sadd.s32 s20, s11;
	[sflag:s12] =	ssyncadd.s32 $0xFFFFC000  }
0x54: {  	[tilespmem:s1], [sflag:$0x3] =	stream.linear.gather [hbm4b:s30+s1], $0x80, $0x38;
	[tilespmem:$0x8100] =	vst v63  }
0x55: {  	_ =	swait.ge [sflag:s12], $0x80  }
0x56: {  	[sflag:s12] =	ssyncset.done $0x0  }
0x57: {  	[sflag:s12] =	ssyncadd.s32 $0xFFFFFF80  }
0x58: {  	[tilespmem:s13], [sflag:$0x1] =	stream.indirect.gather [hbm4b:s3+s13], $0x80, s1, s13, $0xb8;
	[tilespmem:$0x8100] =	vst v63  }
0x59: {  	_ =	swait.ge [sflag:s17], $0x4000  }
0x5a: {  	[sflag:s17] =	ssyncset.done $0x0  }
0x5b: {  	s31 =	sadd.s32 $0x800, s19;
	[sflag:s17] =	ssyncadd.s32 $0xFFFFC000  }
0x5c: {  	[hbm4b:s31+s1] =	stream.linear.scatter [tilespmem:s15], [sflag:$0x3], $0x4000, $0x38;
	[tilespmem:$0x8100] =	vst v63  }
0x5d: {  	_ =	swait.ge [sflag:s12], $0x4000  }
0x5e: {  	[sflag:s12] =	ssyncset.done $0x0  }
0x5f: {  	[sflag:s12] =	ssyncadd.s32 $0xFFFFC000  }
0x60: {  	[tilespmem:s14], [sflag:$0x3] =	stream.linear.gather [hbm4b:s6+s1], $0x80, $0x38;
	[tilespmem:$0x8100] =	vst v63  }
0x61: {  	_ =	swait.ge [sflag:s12], $0x80  }
0x62: {  	[sflag:s12] =	ssyncset.done $0x0  }
0x63: {  	[sflag:s12] =	ssyncadd.s32 $0xFFFFFF80  }
0x64: {  	[tilespmem:s15], [sflag:$0x2] =	stream.indirect.gather [hbm4b:s3+s13], $0x80, s14, s13, $0xb8;
	[tilespmem:$0x8100] =	vst v63  }
0x65: {  	_ =	swait.ge [sflag:s16], $0x4000  }
0x66: {  	[sflag:s16] =	ssyncset.done $0x0  }
0x67: {  	[sflag:s16] =	ssyncadd.s32 $0xFFFFC000  }
0x68: {  	[hbm4b:s7+s1] =	stream.linear.scatter [tilespmem:s13], [sflag:$0x3], $0x4000, $0x38;
	[tilespmem:$0x8100] =	vst v63  }
0x69: {  	_ =	swait.ge [sflag:s12], $0x4000  }
0x6a: {  	[sflag:s12] =	ssyncset.done $0x0  }
0x6b: {  	[sflag:s12] =	ssyncadd.s32 $0xFFFFC000  }
0x6c: {  	s18 =	sadd.s32 $0x1, s18;
	_ =	swait.ge [sflag:s17], $0x4000  }
0x6d: {  	p0 =	sne.s32 s18, s5;
	[sflag:s17] =	ssyncset.done $0x0  }
.Ltmp1:
0x6e: {  	[sflag:s17] =	ssyncadd.s32 $0xFFFFC000;
	(pc) =	sbr.rel @p0 .LBB2_1-.Ltmp1, $4  }
0x6f: {  	[hbm4b:s8+s1] =	stream.linear.scatter [tilespmem:s15], [sflag:$0x3], $0x4000, $0x38;
	[tilespmem:$0x8100] =	vst v63  }
0x70: {  	_ =	swait.ge [sflag:s12], $0x4000  }
0x71: {  	[sflag:s12] =	ssyncset.done $0x0  }
0x72: {  	[sflag:s12] =	ssyncadd.s32 $0xFFFFC000  }
0x73: {  	_ =	sfence.sel $0x180000  }
0x74: {  	[bflag:$0x0] =	sbarrier.arrive $0xFFFF  }
0x75: {  	p0 =	sne.s32 s2, $0x0;
	_ =	strace $0x9000004D  }
0x76: {  	s0 =	sadd.s32 @!p0 $0x100000, s0;
	[bflag:$0x2] =	sbarrier.arrive $0xFFFF  }
0x77: {  	[sflag:s0] =	ssyncadd.tile.s32 @!p0 $0x1;
	_ =	shalt  }
.Lfunc_end2:
_tile_overlayer_lowered:
.L_overlay_start_2:
0x78: {  	(tag) =	ssettag $0x2  }
0x79: {  	s0 =	rddreg [dreg:$0x0];
	s2 =	stileid.u32  }
0x7a: {  	s1 =	rddreg [dreg:$0x1];
	p0 =	sne.s32 s2, $0x0  }
0x7b: {  	s3 =	rddreg [dreg:$0x2];
	[bflag:$0x3] =	sbarrier.arrive $0xFFFF;
	s2 =	simm.s32 @!p0 $0x1C03  }
0x7c: {  	[timem:s3], [sflag:s2] =	dma.local @!p0 [hbm:s0], s1  }
0x7d: {  	s0 =	simm.s32 @!p0 $0x3  }
0x7e: {  	_ =	swait.ge @!p0 [sflag:s0], s1  }
0x7f: {  	s1 =	ssub.s32 @!p0 $0x0, s1;
	[sflag:s0] =	ssyncset.done @!p0 $0x0  }
0x80: {  	[sflag:s0] =	ssyncadd.s32 @!p0 s1  }
0x81: {  	[bflag:$0x3] =	sbarrier.arrive $0xFFFF  }
0x82: {  	_ =	shalt  }

</sc_bundles>
